<compile_context>
chip_gen: v7x
topology: tpu7x:2x2x1
jax: 0.10.2.dev20260603
libtpu: 0.0.44.dev20260713+nightly
codegen_flags: <defaults>
</compile_context>

<pallas_src>
import functools
import math

import jax
import jax.numpy as jnp
from jax import lax
from jax.experimental import pallas as pl
from jax.experimental.pallas import tpu as pltpu
from jax.experimental.pallas import tpu_sc as plsc

_BATCH = 4096
_SEQ = 50
_B = _BATCH * _SEQ
_D = 128
_SCALE = math.sqrt(float(_D))

_NC, _NS = 2, 16
_NW = _NC * _NS
_BPW = _B // _NW
_G = 128
_NCH = _BPW // _G
_NBUF = 2

_mesh = plsc.VectorSubcoreMesh(core_axis_name="c", subcore_axis_name="s")


def _scale_chunk(src, dst):
    @pl.loop(0, _G, unroll=4)
    def _(r):
        for j in range(_D // 16):
            sl = pl.ds(j * 16, 16)
            dst[r, sl] = src[r, sl] * _SCALE


@functools.partial(
    pl.kernel,
    out_type=jax.ShapeDtypeStruct((_B, _D), jnp.float32),
    mesh=_mesh,
    scratch_types=[
        pltpu.VMEM((_BPW,), jnp.int32),
        pltpu.VMEM((_NBUF, _G, _D), jnp.float32),
        pltpu.VMEM((_NBUF, _G, _D), jnp.float32),
        pltpu.SemaphoreType.DMA,
        [pltpu.SemaphoreType.DMA] * _NBUF,
        [pltpu.SemaphoreType.DMA] * _NBUF,
    ],
)
def _emb_lookup(idx_hbm, table_hbm, out_hbm, idx_v, gbuf, sbuf,
                sem_i, sems_g, sems_s):
    wid = lax.axis_index("s") * _NC + lax.axis_index("c")
    base = wid * _BPW

    pltpu.async_copy(idx_hbm.at[pl.ds(base, _BPW)], idx_v, sem_i).wait()

    def issue_gather(g, b):
        pltpu.async_copy(table_hbm.at[idx_v.at[pl.ds(g * _G, _G)]],
                         gbuf.at[b], sems_g[b])

    def wait_gather(b):
        pltpu.make_async_copy(table_hbm.at[idx_v.at[pl.ds(0, _G)]],
                              gbuf.at[b], sems_g[b]).wait()

    def issue_scatter(g, b):
        pltpu.async_copy(sbuf.at[b], out_hbm.at[pl.ds(base + g * _G, _G)],
                         sems_s[b])

    def wait_scatter(b):
        pltpu.make_async_copy(sbuf.at[b], out_hbm.at[pl.ds(base, _G)],
                              sems_s[b]).wait()

    for b in range(_NBUF):
        issue_gather(b, b)

    @pl.loop(0, _NCH - _NBUF, step=_NBUF)
    def _(g0):
        for b in range(_NBUF):
            g = g0 + b
            wait_gather(b)
            @pl.when(g0 > 0)
            def _():
                wait_scatter(b)
            _scale_chunk(gbuf.at[b], sbuf.at[b])
            issue_gather(g + _NBUF, b)
            issue_scatter(g, b)

    for b in range(_NBUF):
        g = _NCH - _NBUF + b
        wait_gather(b)
        wait_scatter(b)
        _scale_chunk(gbuf.at[b], sbuf.at[b])
        issue_scatter(g, b)

    for b in range(_NBUF):
        wait_scatter(b)


def kernel(tokens, table):
    idx = tokens.astype(jnp.int32).reshape(_B)
    out = _emb_lookup(idx, table)
    return out.reshape(_BATCH, _SEQ, _D)

# --- scband reference (transcript-rebuilt; emitter-appended) ---
"""Pipeline reference for scband-token-embedding-7327214207504 (READ-ONLY COPY).

The authoritative reference and input builder live on the scoring server;
editing this copy changes nothing except your own understanding.
"""

import jax, jax.numpy as jnp
import numpy as np
import math

CHARSET_SIZE = 100000
EMBED_DIM = 128
BATCH = 4096
SEQ = 50

def setup_inputs(seed: int = 0) -> dict:
    key = jax.random.key(seed)
    k_tok, k_tab = jax.random.split(key)
    tokens = jax.random.randint(k_tok, (BATCH, SEQ), 0, CHARSET_SIZE, dtype=jnp.int64 if jax.config.jax_enable_x64 else jnp.int32)
    table = jax.random.normal(k_tab, (CHARSET_SIZE, EMBED_DIM), dtype=jnp.float32)
    return {"tokens": tokens, "table": table}

def reference(tokens, table):
    # TokenEmbedding.forward: sqrt(embed_dim) * embedding(tokens)
    emb = jnp.take(table, tokens, axis=0)
    return math.sqrt(EMBED_DIM) * emb

if __name__ == "__main__":
    import jax
    _d = setup_inputs()
    print(jax.jit(kernel)(*tuple(_d.values())))

</pallas_src>

<mosaic_0001>
#map = affine_map<(d0, d1) -> (0)>
#map1 = affine_map<(d0, d1) -> (0, 0)>
module attributes {stable_mosaic.version = 14 : i64} {
  func.func @_emb_lookup(%arg0: i32, %arg1: i32, %arg2: memref<204800xi32, #tpu.memory_space<hbm>>, %arg3: memref<100000x128xf32, #tpu.memory_space<hbm>>, %arg4: memref<204800x128xf32, #tpu.memory_space<hbm>>, %arg5: memref<6400xi32, #tpu.memory_space<vmem>>, %arg6: memref<2x128x128xf32, #tpu.memory_space<vmem>>, %arg7: memref<2x128x128xf32, #tpu.memory_space<vmem>>, %arg8: memref<!tpu.dma_semaphore, #tpu.memory_space<semaphore_mem>>, %arg9: memref<!tpu.dma_semaphore, #tpu.memory_space<semaphore_mem>>, %arg10: memref<!tpu.dma_semaphore, #tpu.memory_space<semaphore_mem>>, %arg11: memref<!tpu.dma_semaphore, #tpu.memory_space<semaphore_mem>>, %arg12: memref<!tpu.dma_semaphore, #tpu.memory_space<semaphore_mem>>) attributes {dimension_semantics = [#tpu.dimension_semantics<core_parallel>, #tpu.dimension_semantics<subcore_parallel>], iteration_bounds = array<i64: 2, 16>, scalar_prefetch = 0 : i64, scratch_operands = 8 : i64, tpu.core_type = #tpu.core_type<sc_vector_subcore>, window_params = [{transform_indices = #map}, {transform_indices = #map1}, {transform_indices = #map1}]} {
    %mul3A = arith.constant 2 : i32
    %mul3A_0 = arith.muli %arg1, %mul3A : i32
    %add3A = arith.addi %mul3A_0, %arg0 : i32
    %mul3A_1 = arith.constant 6400 : i32
    %mul3A_2 = arith.muli %add3A, %mul3A_1 : i32
    %dma_start3A = tpu.memref_slice %arg2[%mul3A_2] : memref<204800xi32, #tpu.memory_space<hbm>> -> memref<6400xi32, #tpu.memory_space<hbm>>
    %dma_start3A_3 = tpu.memref_slice %arg2[%mul3A_2] : memref<204800xi32, #tpu.memory_space<hbm>> -> memref<6400xi32, #tpu.memory_space<hbm>>
    tpu.enqueue_dma source(%dma_start3A_3 : memref<6400xi32, #tpu.memory_space<hbm>>) target(%arg5 : memref<6400xi32, #tpu.memory_space<vmem>>) target_semaphore(%arg8 : memref<!tpu.dma_semaphore, #tpu.memory_space<semaphore_mem>>)
    %dma_wait3A = tpu.memref_slice %arg2[%mul3A_2] : memref<204800xi32, #tpu.memory_space<hbm>> -> memref<6400xi32, #tpu.memory_space<hbm>>
    %dma_wait3A_4 = tpu.memref_slice %arg2[%mul3A_2] : memref<204800xi32, #tpu.memory_space<hbm>> -> memref<6400xi32, #tpu.memory_space<hbm>>
    tpu.wait_dma2 semaphore(%arg8 : memref<!tpu.dma_semaphore, #tpu.memory_space<semaphore_mem>>) src(%dma_wait3A_4 : memref<6400xi32, #tpu.memory_space<hbm>>) dst(%arg5 : memref<6400xi32, #tpu.memory_space<vmem>>)
    %dma_start3A_5 = arith.constant 0 : i32
    %dma_start3A_6 = arith.constant 0 : i32
    %dma_start3A_7 = arith.constant 0 : i32
    %dma_start3A_8 = tpu.memref_slice %arg6[%dma_start3A_5, %dma_start3A_6, %dma_start3A_7] : memref<2x128x128xf32, #tpu.memory_space<vmem>> -> memref<1x128x128xf32, #tpu.memory_space<vmem>>
    %dma_start3A_9 = tpu.memref_squeeze %dma_start3A_8 : memref<1x128x128xf32, #tpu.memory_space<vmem>> -> memref<128x128xf32, #tpu.memory_space<vmem>>
    %dma_start3A_10 = arith.constant 0 : i32
    %dma_start3A_11 = tpu.memref_slice %arg5[%dma_start3A_10] : memref<6400xi32, #tpu.memory_space<vmem>> -> memref<128xi32, #tpu.memory_space<vmem>>
    %dma_start3A_12 = arith.constant 0 : i32
    %dma_start3A_13 = arith.constant 0 : i32
    %dma_start3A_14 = tpu.memref_slice %arg3[%dma_start3A_12, %dma_start3A_13] : memref<100000x128xf32, #tpu.memory_space<hbm>> -> memref<100000x128xf32, #tpu.memory_space<hbm>>
    tpu.enqueue_indirect_dma source(%dma_start3A_14 : memref<100000x128xf32, #tpu.memory_space<hbm>>) target(%dma_start3A_9 : memref<128x128xf32, #tpu.memory_space<vmem>>) offsets(%dma_start3A_11 : memref<128xi32, #tpu.memory_space<vmem>>) semaphore(%arg9 : memref<!tpu.dma_semaphore, #tpu.memory_space<semaphore_mem>>)
    %dma_start3A_15 = arith.constant 1 : i32
    %dma_start3A_16 = arith.constant 0 : i32
    %dma_start3A_17 = arith.constant 0 : i32
    %dma_start3A_18 = tpu.memref_slice %arg6[%dma_start3A_15, %dma_start3A_16, %dma_start3A_17] : memref<2x128x128xf32, #tpu.memory_space<vmem>> -> memref<1x128x128xf32, #tpu.memory_space<vmem>>
    %dma_start3A_19 = tpu.memref_squeeze %dma_start3A_18 : memref<1x128x128xf32, #tpu.memory_space<vmem>> -> memref<128x128xf32, #tpu.memory_space<vmem>>
    %dma_start3A_20 = arith.constant 128 : i32
    %dma_start3A_21 = tpu.memref_slice %arg5[%dma_start3A_20] : memref<6400xi32, #tpu.memory_space<vmem>> -> memref<128xi32, #tpu.memory_space<vmem>>
    %dma_start3A_22 = arith.constant 0 : i32
    %dma_start3A_23 = arith.constant 0 : i32
    %dma_start3A_24 = tpu.memref_slice %arg3[%dma_start3A_22, %dma_start3A_23] : memref<100000x128xf32, #tpu.memory_space<hbm>> -> memref<100000x128xf32, #tpu.memory_space<hbm>>
    tpu.enqueue_indirect_dma source(%dma_start3A_24 : memref<100000x128xf32, #tpu.memory_space<hbm>>) target(%dma_start3A_19 : memref<128x128xf32, #tpu.memory_space<vmem>>) offsets(%dma_start3A_21 : memref<128xi32, #tpu.memory_space<vmem>>) semaphore(%arg10 : memref<!tpu.dma_semaphore, #tpu.memory_space<semaphore_mem>>)
    %scan3A = arith.constant 0 : i32
    %scan3A_25 = arith.constant 24 : i32
    %scan3A_26 = arith.addi %scan3A, %scan3A_25 : i32
    %scan3A_27 = arith.constant 1 : i32
    scf.for %scan3A_145 = %scan3A to %scan3A_26 step %scan3A_27  : i32 {
      %mul3A_146 = arith.constant 2 : i32
      %mul3A_147 = arith.muli %scan3A_145, %mul3A_146 : i32
      %add3A_148 = arith.constant 0 : i32
      %add3A_149 = arith.addi %add3A_148, %mul3A_147 : i32
      %add3A_150 = arith.constant 0 : i32
      %add3A_151 = arith.addi %add3A_149, %add3A_150 : i32
      %dma_wait3A_152 = arith.constant 0 : i32
      %dma_wait3A_153 = arith.constant 0 : i32
      %dma_wait3A_154 = arith.constant 0 : i32
      %dma_wait3A_155 = tpu.memref_slice %arg6[%dma_wait3A_152, %dma_wait3A_153, %dma_wait3A_154] : memref<2x128x128xf32, #tpu.memory_space<vmem>> -> memref<1x128x128xf32, #tpu.memory_space<vmem>>
      %dma_wait3A_156 = tpu.memref_squeeze %dma_wait3A_155 : memref<1x128x128xf32, #tpu.memory_space<vmem>> -> memref<128x128xf32, #tpu.memory_space<vmem>>
      %dma_wait3A_157 = arith.constant 0 : i32
      %dma_wait3A_158 = tpu.memref_slice %arg5[%dma_wait3A_157] : memref<6400xi32, #tpu.memory_space<vmem>> -> memref<128xi32, #tpu.memory_space<vmem>>
      %dma_wait3A_159 = arith.constant 0 : i32
      %dma_wait3A_160 = arith.constant 0 : i32
      %dma_wait3A_161 = tpu.memref_slice %arg3[%dma_wait3A_159, %dma_wait3A_160] : memref<100000x128xf32, #tpu.memory_space<hbm>> -> memref<100000x128xf32, #tpu.memory_space<hbm>>
      tpu.wait_indirect_dma semaphore(%arg9 : memref<!tpu.dma_semaphore, #tpu.memory_space<semaphore_mem>>) src(%dma_wait3A_161 : memref<100000x128xf32, #tpu.memory_space<hbm>>) dst(%dma_wait3A_156 : memref<128x128xf32, #tpu.memory_space<vmem>>)
      %gt3A = arith.constant 0 : i32
      %gt3A_162 = arith.cmpi sgt, %add3A_149, %gt3A : i32
      %convert_element_type3A = arith.extui %gt3A_162 : i1 to i32
      %cond3A = arith.constant 0 : i32
      %cond3A_163 = arith.cmpi ne, %convert_element_type3A, %cond3A : i32
      scf.if %cond3A_163 {
        %dma_wait3A_253 = arith.constant 0 : i32
        %dma_wait3A_254 = arith.constant 0 : i32
        %dma_wait3A_255 = arith.constant 0 : i32
        %dma_wait3A_256 = tpu.memref_slice %arg7[%dma_wait3A_253, %dma_wait3A_254, %dma_wait3A_255] : memref<2x128x128xf32, #tpu.memory_space<vmem>> -> memref<1x128x128xf32, #tpu.memory_space<vmem>>
        %dma_wait3A_257 = tpu.memref_squeeze %dma_wait3A_256 : memref<1x128x128xf32, #tpu.memory_space<vmem>> -> memref<128x128xf32, #tpu.memory_space<vmem>>
        %dma_wait3A_258 = arith.constant 0 : i32
        %dma_wait3A_259 = tpu.memref_slice %arg4[%mul3A_2, %dma_wait3A_258] : memref<204800x128xf32, #tpu.memory_space<hbm>> -> memref<128x128xf32, #tpu.memory_space<hbm>>
        %dma_wait3A_260 = arith.constant 0 : i32
        %dma_wait3A_261 = tpu.memref_slice %arg4[%mul3A_2, %dma_wait3A_260] : memref<204800x128xf32, #tpu.memory_space<hbm>> -> memref<128x128xf32, #tpu.memory_space<hbm>>
        %dma_wait3A_262 = arith.constant 0 : i32
        %dma_wait3A_263 = arith.constant 0 : i32
        %dma_wait3A_264 = tpu.memref_slice %arg7[%dma_wait3A_253, %dma_wait3A_262, %dma_wait3A_263] : memref<2x128x128xf32, #tpu.memory_space<vmem>> -> memref<1x128x128xf32, #tpu.memory_space<vmem>>
        %dma_wait3A_265 = tpu.memref_squeeze %dma_wait3A_264 : memref<1x128x128xf32, #tpu.memory_space<vmem>> -> memref<128x128xf32, #tpu.memory_space<vmem>>
        tpu.wait_dma2 semaphore(%arg11 : memref<!tpu.dma_semaphore, #tpu.memory_space<semaphore_mem>>) src(%dma_wait3A_265 : memref<128x128xf32, #tpu.memory_space<vmem>>) dst(%dma_wait3A_261 : memref<128x128xf32, #tpu.memory_space<hbm>>)
      } else {
      }
      %scan3A_164 = arith.constant 0 : i32
      %scan3A_165 = arith.constant 0 : i32
      %scan3A_166 = arith.constant 0 : i32
      %scan3A_167 = arith.constant 128 : i32
      %scan3A_168 = arith.addi %scan3A_166, %scan3A_167 : i32
      %scan3A_169 = arith.constant 4 : i32
      scf.for %scan3A_253 = %scan3A_166 to %scan3A_168 step %scan3A_169  : i32 {
        %mul3A_254 = arith.constant 1 : i32
        %mul3A_255 = arith.muli %scan3A_253, %mul3A_254 : i32
        %add3A_256 = arith.constant 0 : i32
        %add3A_257 = arith.addi %add3A_256, %mul3A_255 : i32
        %get3A = arith.constant 0 : i32
        %get3A_258 = arith.constant 0 : i32
        %get3A_259 = tpu.memref_slice %arg6[%scan3A_164, %get3A, %get3A_258] : memref<2x128x128xf32, #tpu.memory_space<vmem>> -> memref<1x128x128xf32, #tpu.memory_space<vmem>>
        %get3A_260 = tpu.memref_squeeze %get3A_259 : memref<1x128x128xf32, #tpu.memory_space<vmem>> -> memref<128x128xf32, #tpu.memory_space<vmem>>
        %get3A_261 = arith.index_cast %add3A_257 : i32 to index
        %get3A_262 = arith.constant 0 : index
        %get3A_263 = tpu.vector_load %get3A_260[%get3A_261, %get3A_262] {strides = array<i32>} : memref<128x128xf32, #tpu.memory_space<vmem>>, vector<1x16xf32>,
        %get3A_264 = vector.shape_cast %get3A_263 : vector<1x16xf32> to vector<16xf32>
        %mul3A_265 = arith.constant 11.3137083 : f32
        %mul3A_266 = vector.broadcast %mul3A_265 : f32 to vector<16xf32>
        %mul3A_267 = arith.mulf %get3A_264, %mul3A_266 : vector<16xf32>
        %swap3A = arith.constant 0 : i32
        %swap3A_268 = arith.constant 0 : i32
        %swap3A_269 = tpu.memref_slice %arg7[%scan3A_165, %swap3A, %swap3A_268] : memref<2x128x128xf32, #tpu.memory_space<vmem>> -> memref<1x128x128xf32, #tpu.memory_space<vmem>>
        %swap3A_270 = tpu.memref_squeeze %swap3A_269 : memref<1x128x128xf32, #tpu.memory_space<vmem>> -> memref<128x128xf32, #tpu.memory_space<vmem>>
        %swap3A_271 = arith.index_cast %add3A_257 : i32 to index
        %swap3A_272 = arith.constant 0 : index
        %swap3A_273 = tpu.vector_load %swap3A_270[%swap3A_271, %swap3A_272] {strides = array<i32>} : memref<128x128xf32, #tpu.memory_space<vmem>>, vector<1x16xf32>,
        %swap3A_274 = vector.shape_cast %swap3A_273 : vector<1x16xf32> to vector<16xf32>
        %swap3A_275 = vector.shape_cast %mul3A_267 : vector<16xf32> to vector<1x16xf32>
        tpu.vector_store %swap3A_270[%swap3A_271, %swap3A_272], %swap3A_275 {strides = array<i32>} : memref<128x128xf32, #tpu.memory_space<vmem>>, vector<1x16xf32>,
        %get3A_276 = arith.constant 0 : i32
        %get3A_277 = arith.constant 0 : i32
        %get3A_278 = tpu.memref_slice %arg6[%scan3A_164, %get3A_276, %get3A_277] : memref<2x128x128xf32, #tpu.memory_space<vmem>> -> memref<1x128x128xf32, #tpu.memory_space<vmem>>
        %get3A_279 = tpu.memref_squeeze %get3A_278 : memref<1x128x128xf32, #tpu.memory_space<vmem>> -> memref<128x128xf32, #tpu.memory_space<vmem>>
        %get3A_280 = arith.index_cast %add3A_257 : i32 to index
        %get3A_281 = arith.constant 16 : index
        %get3A_282 = tpu.vector_load %get3A_279[%get3A_280, %get3A_281] {strides = array<i32>} : memref<128x128xf32, #tpu.memory_space<vmem>>, vector<1x16xf32>,
        %get3A_283 = vector.shape_cast %get3A_282 : vector<1x16xf32> to vector<16xf32>
        %mul3A_284 = arith.constant 11.3137083 : f32
        %mul3A_285 = vector.broadcast %mul3A_284 : f32 to vector<16xf32>
        %mul3A_286 = arith.mulf %get3A_283, %mul3A_285 : vector<16xf32>
        %swap3A_287 = arith.constant 0 : i32
        %swap3A_288 = arith.constant 0 : i32
        %swap3A_289 = tpu.memref_slice %arg7[%scan3A_165, %swap3A_287, %swap3A_288] : memref<2x128x128xf32, #tpu.memory_space<vmem>> -> memref<1x128x128xf32, #tpu.memory_space<vmem>>
        %swap3A_290 = tpu.memref_squeeze %swap3A_289 : memref<1x128x128xf32, #tpu.memory_space<vmem>> -> memref<128x128xf32, #tpu.memory_space<vmem>>
        %swap3A_291 = arith.index_cast %add3A_257 : i32 to index
        %swap3A_292 = arith.constant 16 : index
        %swap3A_293 = tpu.vector_load %swap3A_290[%swap3A_291, %swap3A_292] {strides = array<i32>} : memref<128x128xf32, #tpu.memory_space<vmem>>, vector<1x16xf32>,
        %swap3A_294 = vector.shape_cast %swap3A_293 : vector<1x16xf32> to vector<16xf32>
        %swap3A_295 = vector.shape_cast %mul3A_286 : vector<16xf32> to vector<1x16xf32>
        tpu.vector_store %swap3A_290[%swap3A_291, %swap3A_292], %swap3A_295 {strides = array<i32>} : memref<128x128xf32, #tpu.memory_space<vmem>>, vector<1x16xf32>,
        %get3A_296 = arith.constant 0 : i32
        %get3A_297 = arith.constant 0 : i32
        %get3A_298 = tpu.memref_slice %arg6[%scan3A_164, %get3A_296, %get3A_297] : memref<2x128x128xf32, #tpu.memory_space<vmem>> -> memref<1x128x128xf32, #tpu.memory_space<vmem>>
        %get3A_299 = tpu.memref_squeeze %get3A_298 : memref<1x128x128xf32, #tpu.memory_space<vmem>> -> memref<128x128xf32, #tpu.memory_space<vmem>>
        %get3A_300 = arith.index_cast %add3A_257 : i32 to index
        %get3A_301 = arith.constant 32 : index
        %get3A_302 = tpu.vector_load %get3A_299[%get3A_300, %get3A_301] {strides = array<i32>} : memref<128x128xf32, #tpu.memory_space<vmem>>, vector<1x16xf32>,
        %get3A_303 = vector.shape_cast %get3A_302 : vector<1x16xf32> to vector<16xf32>
        %mul3A_304 = arith.constant 11.3137083 : f32
        %mul3A_305 = vector.broadcast %mul3A_304 : f32 to vector<16xf32>
        %mul3A_306 = arith.mulf %get3A_303, %mul3A_305 : vector<16xf32>
        %swap3A_307 = arith.constant 0 : i32
        %swap3A_308 = arith.constant 0 : i32
        %swap3A_309 = tpu.memref_slice %arg7[%scan3A_165, %swap3A_307, %swap3A_308] : memref<2x128x128xf32, #tpu.memory_space<vmem>> -> memref<1x128x128xf32, #tpu.memory_space<vmem>>
        %swap3A_310 = tpu.memref_squeeze %swap3A_309 : memref<1x128x128xf32, #tpu.memory_space<vmem>> -> memref<128x128xf32, #tpu.memory_space<vmem>>
        %swap3A_311 = arith.index_cast %add3A_257 : i32 to index
        %swap3A_312 = arith.constant 32 : index
        %swap3A_313 = tpu.vector_load %swap3A_310[%swap3A_311, %swap3A_312] {strides = array<i32>} : memref<128x128xf32, #tpu.memory_space<vmem>>, vector<1x16xf32>,
        %swap3A_314 = vector.shape_cast %swap3A_313 : vector<1x16xf32> to vector<16xf32>
        %swap3A_315 = vector.shape_cast %mul3A_306 : vector<16xf32> to vector<1x16xf32>
        tpu.vector_store %swap3A_310[%swap3A_311, %swap3A_312], %swap3A_315 {strides = array<i32>} : memref<128x128xf32, #tpu.memory_space<vmem>>, vector<1x16xf32>,
        %get3A_316 = arith.constant 0 : i32
        %get3A_317 = arith.constant 0 : i32
        %get3A_318 = tpu.memref_slice %arg6[%scan3A_164, %get3A_316, %get3A_317] : memref<2x128x128xf32, #tpu.memory_space<vmem>> -> memref<1x128x128xf32, #tpu.memory_space<vmem>>
        %get3A_319 = tpu.memref_squeeze %get3A_318 : memref<1x128x128xf32, #tpu.memory_space<vmem>> -> memref<128x128xf32, #tpu.memory_space<vmem>>
        %get3A_320 = arith.index_cast %add3A_257 : i32 to index
        %get3A_321 = arith.constant 48 : index
        %get3A_322 = tpu.vector_load %get3A_319[%get3A_320, %get3A_321] {strides = array<i32>} : memref<128x128xf32, #tpu.memory_space<vmem>>, vector<1x16xf32>,
        %get3A_323 = vector.shape_cast %get3A_322 : vector<1x16xf32> to vector<16xf32>
        %mul3A_324 = arith.constant 11.3137083 : f32
        %mul3A_325 = vector.broadcast %mul3A_324 : f32 to vector<16xf32>
        %mul3A_326 = arith.mulf %get3A_323, %mul3A_325 : vector<16xf32>
        %swap3A_327 = arith.constant 0 : i32
        %swap3A_328 = arith.constant 0 : i32
        %swap3A_329 = tpu.memref_slice %arg7[%scan3A_165, %swap3A_327, %swap3A_328] : memref<2x128x128xf32, #tpu.memory_space<vmem>> -> memref<1x128x128xf32, #tpu.memory_space<vmem>>
        %swap3A_330 = tpu.memref_squeeze %swap3A_329 : memref<1x128x128xf32, #tpu.memory_space<vmem>> -> memref<128x128xf32, #tpu.memory_space<vmem>>
        %swap3A_331 = arith.index_cast %add3A_257 : i32 to index
        %swap3A_332 = arith.constant 48 : index
        %swap3A_333 = tpu.vector_load %swap3A_330[%swap3A_331, %swap3A_332] {strides = array<i32>} : memref<128x128xf32, #tpu.memory_space<vmem>>, vector<1x16xf32>,
        %swap3A_334 = vector.shape_cast %swap3A_333 : vector<1x16xf32> to vector<16xf32>
        %swap3A_335 = vector.shape_cast %mul3A_326 : vector<16xf32> to vector<1x16xf32>
        tpu.vector_store %swap3A_330[%swap3A_331, %swap3A_332], %swap3A_335 {strides = array<i32>} : memref<128x128xf32, #tpu.memory_space<vmem>>, vector<1x16xf32>,
        %get3A_336 = arith.constant 0 : i32
        %get3A_337 = arith.constant 0 : i32
        %get3A_338 = tpu.memref_slice %arg6[%scan3A_164, %get3A_336, %get3A_337] : memref<2x128x128xf32, #tpu.memory_space<vmem>> -> memref<1x128x128xf32, #tpu.memory_space<vmem>>
        %get3A_339 = tpu.memref_squeeze %get3A_338 : memref<1x128x128xf32, #tpu.memory_space<vmem>> -> memref<128x128xf32, #tpu.memory_space<vmem>>
        %get3A_340 = arith.index_cast %add3A_257 : i32 to index
        %get3A_341 = arith.constant 64 : index
        %get3A_342 = tpu.vector_load %get3A_339[%get3A_340, %get3A_341] {strides = array<i32>} : memref<128x128xf32, #tpu.memory_space<vmem>>, vector<1x16xf32>,
        %get3A_343 = vector.shape_cast %get3A_342 : vector<1x16xf32> to vector<16xf32>
        %mul3A_344 = arith.constant 11.3137083 : f32
        %mul3A_345 = vector.broadcast %mul3A_344 : f32 to vector<16xf32>
        %mul3A_346 = arith.mulf %get3A_343, %mul3A_345 : vector<16xf32>
        %swap3A_347 = arith.constant 0 : i32
        %swap3A_348 = arith.constant 0 : i32
        %swap3A_349 = tpu.memref_slice %arg7[%scan3A_165, %swap3A_347, %swap3A_348] : memref<2x128x128xf32, #tpu.memory_space<vmem>> -> memref<1x128x128xf32, #tpu.memory_space<vmem>>
        %swap3A_350 = tpu.memref_squeeze %swap3A_349 : memref<1x128x128xf32, #tpu.memory_space<vmem>> -> memref<128x128xf32, #tpu.memory_space<vmem>>
        %swap3A_351 = arith.index_cast %add3A_257 : i32 to index
        %swap3A_352 = arith.constant 64 : index
        %swap3A_353 = tpu.vector_load %swap3A_350[%swap3A_351, %swap3A_352] {strides = array<i32>} : memref<128x128xf32, #tpu.memory_space<vmem>>, vector<1x16xf32>,
        %swap3A_354 = vector.shape_cast %swap3A_353 : vector<1x16xf32> to vector<16xf32>
        %swap3A_355 = vector.shape_cast %mul3A_346 : vector<16xf32> to vector<1x16xf32>
        tpu.vector_store %swap3A_350[%swap3A_351, %swap3A_352], %swap3A_355 {strides = array<i32>} : memref<128x128xf32, #tpu.memory_space<vmem>>, vector<1x16xf32>,
        %get3A_356 = arith.constant 0 : i32
        %get3A_357 = arith.constant 0 : i32
        %get3A_358 = tpu.memref_slice %arg6[%scan3A_164, %get3A_356, %get3A_357] : memref<2x128x128xf32, #tpu.memory_space<vmem>> -> memref<1x128x128xf32, #tpu.memory_space<vmem>>
        %get3A_359 = tpu.memref_squeeze %get3A_358 : memref<1x128x128xf32, #tpu.memory_space<vmem>> -> memref<128x128xf32, #tpu.memory_space<vmem>>
        %get3A_360 = arith.index_cast %add3A_257 : i32 to index
        %get3A_361 = arith.constant 80 : index
        %get3A_362 = tpu.vector_load %get3A_359[%get3A_360, %get3A_361] {strides = array<i32>} : memref<128x128xf32, #tpu.memory_space<vmem>>, vector<1x16xf32>,
        %get3A_363 = vector.shape_cast %get3A_362 : vector<1x16xf32> to vector<16xf32>
        %mul3A_364 = arith.constant 11.3137083 : f32
        %mul3A_365 = vector.broadcast %mul3A_364 : f32 to vector<16xf32>
        %mul3A_366 = arith.mulf %get3A_363, %mul3A_365 : vector<16xf32>
        %swap3A_367 = arith.constant 0 : i32
        %swap3A_368 = arith.constant 0 : i32
        %swap3A_369 = tpu.memref_slice %arg7[%scan3A_165, %swap3A_367, %swap3A_368] : memref<2x128x128xf32, #tpu.memory_space<vmem>> -> memref<1x128x128xf32, #tpu.memory_space<vmem>>
        %swap3A_370 = tpu.memref_squeeze %swap3A_369 : memref<1x128x128xf32, #tpu.memory_space<vmem>> -> memref<128x128xf32, #tpu.memory_space<vmem>>
        %swap3A_371 = arith.index_cast %add3A_257 : i32 to index
        %swap3A_372 = arith.constant 80 : index
        %swap3A_373 = tpu.vector_load %swap3A_370[%swap3A_371, %swap3A_372] {strides = array<i32>} : memref<128x128xf32, #tpu.memory_space<vmem>>, vector<1x16xf32>,
        %swap3A_374 = vector.shape_cast %swap3A_373 : vector<1x16xf32> to vector<16xf32>
        %swap3A_375 = vector.shape_cast %mul3A_366 : vector<16xf32> to vector<1x16xf32>
        tpu.vector_store %swap3A_370[%swap3A_371, %swap3A_372], %swap3A_375 {strides = array<i32>} : memref<128x128xf32, #tpu.memory_space<vmem>>, vector<1x16xf32>,
        %get3A_376 = arith.constant 0 : i32
        %get3A_377 = arith.constant 0 : i32
        %get3A_378 = tpu.memref_slice %arg6[%scan3A_164, %get3A_376, %get3A_377] : memref<2x128x128xf32, #tpu.memory_space<vmem>> -> memref<1x128x128xf32, #tpu.memory_space<vmem>>
        %get3A_379 = tpu.memref_squeeze %get3A_378 : memref<1x128x128xf32, #tpu.memory_space<vmem>> -> memref<128x128xf32, #tpu.memory_space<vmem>>
        %get3A_380 = arith.index_cast %add3A_257 : i32 to index
        %get3A_381 = arith.constant 96 : index
        %get3A_382 = tpu.vector_load %get3A_379[%get3A_380, %get3A_381] {strides = array<i32>} : memref<128x128xf32, #tpu.memory_space<vmem>>, vector<1x16xf32>,
        %get3A_383 = vector.shape_cast %get3A_382 : vector<1x16xf32> to vector<16xf32>
        %mul3A_384 = arith.constant 11.3137083 : f32
        %mul3A_385 = vector.broadcast %mul3A_384 : f32 to vector<16xf32>
        %mul3A_386 = arith.mulf %get3A_383, %mul3A_385 : vector<16xf32>
        %swap3A_387 = arith.constant 0 : i32
        %swap3A_388 = arith.constant 0 : i32
        %swap3A_389 = tpu.memref_slice %arg7[%scan3A_165, %swap3A_387, %swap3A_388] : memref<2x128x128xf32, #tpu.memory_space<vmem>> -> memref<1x128x128xf32, #tpu.memory_space<vmem>>
        %swap3A_390 = tpu.memref_squeeze %swap3A_389 : memref<1x128x128xf32, #tpu.memory_space<vmem>> -> memref<128x128xf32, #tpu.memory_space<vmem>>
        %swap3A_391 = arith.index_cast %add3A_257 : i32 to index
        %swap3A_392 = arith.constant 96 : index
        %swap3A_393 = tpu.vector_load %swap3A_390[%swap3A_391, %swap3A_392] {strides = array<i32>} : memref<128x128xf32, #tpu.memory_space<vmem>>, vector<1x16xf32>,
        %swap3A_394 = vector.shape_cast %swap3A_393 : vector<1x16xf32> to vector<16xf32>
        %swap3A_395 = vector.shape_cast %mul3A_386 : vector<16xf32> to vector<1x16xf32>
        tpu.vector_store %swap3A_390[%swap3A_391, %swap3A_392], %swap3A_395 {strides = array<i32>} : memref<128x128xf32, #tpu.memory_space<vmem>>, vector<1x16xf32>,
        %get3A_396 = arith.constant 0 : i32
        %get3A_397 = arith.constant 0 : i32
        %get3A_398 = tpu.memref_slice %arg6[%scan3A_164, %get3A_396, %get3A_397] : memref<2x128x128xf32, #tpu.memory_space<vmem>> -> memref<1x128x128xf32, #tpu.memory_space<vmem>>
        %get3A_399 = tpu.memref_squeeze %get3A_398 : memref<1x128x128xf32, #tpu.memory_space<vmem>> -> memref<128x128xf32, #tpu.memory_space<vmem>>
        %get3A_400 = arith.index_cast %add3A_257 : i32 to index
        %get3A_401 = arith.constant 112 : index
        %get3A_402 = tpu.vector_load %get3A_399[%get3A_400, %get3A_401] {strides = array<i32>} : memref<128x128xf32, #tpu.memory_space<vmem>>, vector<1x16xf32>,
        %get3A_403 = vector.shape_cast %get3A_402 : vector<1x16xf32> to vector<16xf32>
        %mul3A_404 = arith.constant 11.3137083 : f32
        %mul3A_405 = vector.broadcast %mul3A_404 : f32 to vector<16xf32>
        %mul3A_406 = arith.mulf %get3A_403, %mul3A_405 : vector<16xf32>
        %swap3A_407 = arith.constant 0 : i32
        %swap3A_408 = arith.constant 0 : i32
        %swap3A_409 = tpu.memref_slice %arg7[%scan3A_165, %swap3A_407, %swap3A_408] : memref<2x128x128xf32, #tpu.memory_space<vmem>> -> memref<1x128x128xf32, #tpu.memory_space<vmem>>
        %swap3A_410 = tpu.memref_squeeze %swap3A_409 : memref<1x128x128xf32, #tpu.memory_space<vmem>> -> memref<128x128xf32, #tpu.memory_space<vmem>>
        %swap3A_411 = arith.index_cast %add3A_257 : i32 to index
        %swap3A_412 = arith.constant 112 : index
        %swap3A_413 = tpu.vector_load %swap3A_410[%swap3A_411, %swap3A_412] {strides = array<i32>} : memref<128x128xf32, #tpu.memory_space<vmem>>, vector<1x16xf32>,
        %swap3A_414 = vector.shape_cast %swap3A_413 : vector<1x16xf32> to vector<16xf32>
        %swap3A_415 = vector.shape_cast %mul3A_406 : vector<16xf32> to vector<1x16xf32>
        tpu.vector_store %swap3A_410[%swap3A_411, %swap3A_412], %swap3A_415 {strides = array<i32>} : memref<128x128xf32, #tpu.memory_space<vmem>>, vector<1x16xf32>,
        %scan3A_416 = arith.constant 1 : i32
        %scan3A_417 = arith.addi %scan3A_253, %scan3A_416 : i32
        %mul3A_418 = arith.constant 1 : i32
        %mul3A_419 = arith.muli %scan3A_417, %mul3A_418 : i32
        %add3A_420 = arith.constant 0 : i32
        %add3A_421 = arith.addi %add3A_420, %mul3A_419 : i32
        %get3A_422 = arith.constant 0 : i32
        %get3A_423 = arith.constant 0 : i32
        %get3A_424 = tpu.memref_slice %arg6[%scan3A_164, %get3A_422, %get3A_423] : memref<2x128x128xf32, #tpu.memory_space<vmem>> -> memref<1x128x128xf32, #tpu.memory_space<vmem>>
        %get3A_425 = tpu.memref_squeeze %get3A_424 : memref<1x128x128xf32, #tpu.memory_space<vmem>> -> memref<128x128xf32, #tpu.memory_space<vmem>>
        %get3A_426 = arith.index_cast %add3A_421 : i32 to index
        %get3A_427 = arith.constant 0 : index
        %get3A_428 = tpu.vector_load %get3A_425[%get3A_426, %get3A_427] {strides = array<i32>} : memref<128x128xf32, #tpu.memory_space<vmem>>, vector<1x16xf32>,
        %get3A_429 = vector.shape_cast %get3A_428 : vector<1x16xf32> to vector<16xf32>
        %mul3A_430 = arith.constant 11.3137083 : f32
        %mul3A_431 = vector.broadcast %mul3A_430 : f32 to vector<16xf32>
        %mul3A_432 = arith.mulf %get3A_429, %mul3A_431 : vector<16xf32>
        %swap3A_433 = arith.constant 0 : i32
        %swap3A_434 = arith.constant 0 : i32
        %swap3A_435 = tpu.memref_slice %arg7[%scan3A_165, %swap3A_433, %swap3A_434] : memref<2x128x128xf32, #tpu.memory_space<vmem>> -> memref<1x128x128xf32, #tpu.memory_space<vmem>>
        %swap3A_436 = tpu.memref_squeeze %swap3A_435 : memref<1x128x128xf32, #tpu.memory_space<vmem>> -> memref<128x128xf32, #tpu.memory_space<vmem>>
        %swap3A_437 = arith.index_cast %add3A_421 : i32 to index
        %swap3A_438 = arith.constant 0 : index
        %swap3A_439 = tpu.vector_load %swap3A_436[%swap3A_437, %swap3A_438] {strides = array<i32>} : memref<128x128xf32, #tpu.memory_space<vmem>>, vector<1x16xf32>,
        %swap3A_440 = vector.shape_cast %swap3A_439 : vector<1x16xf32> to vector<16xf32>
        %swap3A_441 = vector.shape_cast %mul3A_432 : vector<16xf32> to vector<1x16xf32>
        tpu.vector_store %swap3A_436[%swap3A_437, %swap3A_438], %swap3A_441 {strides = array<i32>} : memref<128x128xf32, #tpu.memory_space<vmem>>, vector<1x16xf32>,
        %get3A_442 = arith.constant 0 : i32
        %get3A_443 = arith.constant 0 : i32
        %get3A_444 = tpu.memref_slice %arg6[%scan3A_164, %get3A_442, %get3A_443] : memref<2x128x128xf32, #tpu.memory_space<vmem>> -> memref<1x128x128xf32, #tpu.memory_space<vmem>>
        %get3A_445 = tpu.memref_squeeze %get3A_444 : memref<1x128x128xf32, #tpu.memory_space<vmem>> -> memref<128x128xf32, #tpu.memory_space<vmem>>
        %get3A_446 = arith.index_cast %add3A_421 : i32 to index
        %get3A_447 = arith.constant 16 : index
        %get3A_448 = tpu.vector_load %get3A_445[%get3A_446, %get3A_447] {strides = array<i32>} : memref<128x128xf32, #tpu.memory_space<vmem>>, vector<1x16xf32>,
        %get3A_449 = vector.shape_cast %get3A_448 : vector<1x16xf32> to vector<16xf32>
        %mul3A_450 = arith.constant 11.3137083 : f32
        %mul3A_451 = vector.broadcast %mul3A_450 : f32 to vector<16xf32>
        %mul3A_452 = arith.mulf %get3A_449, %mul3A_451 : vector<16xf32>
        %swap3A_453 = arith.constant 0 : i32
        %swap3A_454 = arith.constant 0 : i32
        %swap3A_455 = tpu.memref_slice %arg7[%scan3A_165, %swap3A_453, %swap3A_454] : memref<2x128x128xf32, #tpu.memory_space<vmem>> -> memref<1x128x128xf32, #tpu.memory_space<vmem>>
        %swap3A_456 = tpu.memref_squeeze %swap3A_455 : memref<1x128x128xf32, #tpu.memory_space<vmem>> -> memref<128x128xf32, #tpu.memory_space<vmem>>
        %swap3A_457 = arith.index_cast %add3A_421 : i32 to index
        %swap3A_458 = arith.constant 16 : index
        %swap3A_459 = tpu.vector_load %swap3A_456[%swap3A_457, %swap3A_458] {strides = array<i32>} : memref<128x128xf32, #tpu.memory_space<vmem>>, vector<1x16xf32>,
        %swap3A_460 = vector.shape_cast %swap3A_459 : vector<1x16xf32> to vector<16xf32>
        %swap3A_461 = vector.shape_cast %mul3A_452 : vector<16xf32> to vector<1x16xf32>
        tpu.vector_store %swap3A_456[%swap3A_457, %swap3A_458], %swap3A_461 {strides = array<i32>} : memref<128x128xf32, #tpu.memory_space<vmem>>, vector<1x16xf32>,
        %get3A_462 = arith.constant 0 : i32
        %get3A_463 = arith.constant 0 : i32
        %get3A_464 = tpu.memref_slice %arg6[%scan3A_164, %get3A_462, %get3A_463] : memref<2x128x128xf32, #tpu.memory_space<vmem>> -> memref<1x128x128xf32, #tpu.memory_space<vmem>>
        %get3A_465 = tpu.memref_squeeze %get3A_464 : memref<1x128x128xf32, #tpu.memory_space<vmem>> -> memref<128x128xf32, #tpu.memory_space<vmem>>
        %get3A_466 = arith.index_cast %add3A_421 : i32 to index
        %get3A_467 = arith.constant 32 : index
        %get3A_468 = tpu.vector_load %get3A_465[%get3A_466, %get3A_467] {strides = array<i32>} : memref<128x128xf32, #tpu.memory_space<vmem>>, vector<1x16xf32>,
        %get3A_469 = vector.shape_cast %get3A_468 : vector<1x16xf32> to vector<16xf32>
        %mul3A_470 = arith.constant 11.3137083 : f32
        %mul3A_471 = vector.broadcast %mul3A_470 : f32 to vector<16xf32>
        %mul3A_472 = arith.mulf %get3A_469, %mul3A_471 : vector<16xf32>
        %swap3A_473 = arith.constant 0 : i32
        %swap3A_474 = arith.constant 0 : i32
        %swap3A_475 = tpu.memref_slice %arg7[%scan3A_165, %swap3A_473, %swap3A_474] : memref<2x128x128xf32, #tpu.memory_space<vmem>> -> memref<1x128x128xf32, #tpu.memory_space<vmem>>
        %swap3A_476 = tpu.memref_squeeze %swap3A_475 : memref<1x128x128xf32, #tpu.memory_space<vmem>> -> memref<128x128xf32, #tpu.memory_space<vmem>>
        %swap3A_477 = arith.index_cast %add3A_421 : i32 to index
        %swap3A_478 = arith.constant 32 : index
        %swap3A_479 = tpu.vector_load %swap3A_476[%swap3A_477, %swap3A_478] {strides = array<i32>} : memref<128x128xf32, #tpu.memory_space<vmem>>, vector<1x16xf32>,
        %swap3A_480 = vector.shape_cast %swap3A_479 : vector<1x16xf32> to vector<16xf32>
        %swap3A_481 = vector.shape_cast %mul3A_472 : vector<16xf32> to vector<1x16xf32>
        tpu.vector_store %swap3A_476[%swap3A_477, %swap3A_478], %swap3A_481 {strides = array<i32>} : memref<128x128xf32, #tpu.memory_space<vmem>>, vector<1x16xf32>,
        %get3A_482 = arith.constant 0 : i32
        %get3A_483 = arith.constant 0 : i32
        %get3A_484 = tpu.memref_slice %arg6[%scan3A_164, %get3A_482, %get3A_483] : memref<2x128x128xf32, #tpu.memory_space<vmem>> -> memref<1x128x128xf32, #tpu.memory_space<vmem>>
        %get3A_485 = tpu.memref_squeeze %get3A_484 : memref<1x128x128xf32, #tpu.memory_space<vmem>> -> memref<128x128xf32, #tpu.memory_space<vmem>>
        %get3A_486 = arith.index_cast %add3A_421 : i32 to index
        %get3A_487 = arith.constant 48 : index
        %get3A_488 = tpu.vector_load %get3A_485[%get3A_486, %get3A_487] {strides = array<i32>} : memref<128x128xf32, #tpu.memory_space<vmem>>, vector<1x16xf32>,
        %get3A_489 = vector.shape_cast %get3A_488 : vector<1x16xf32> to vector<16xf32>
        %mul3A_490 = arith.constant 11.3137083 : f32
        %mul3A_491 = vector.broadcast %mul3A_490 : f32 to vector<16xf32>
        %mul3A_492 = arith.mulf %get3A_489, %mul3A_491 : vector<16xf32>
        %swap3A_493 = arith.constant 0 : i32
        %swap3A_494 = arith.constant 0 : i32
        %swap3A_495 = tpu.memref_slice %arg7[%scan3A_165, %swap3A_493, %swap3A_494] : memref<2x128x128xf32, #tpu.memory_space<vmem>> -> memref<1x128x128xf32, #tpu.memory_space<vmem>>
        %swap3A_496 = tpu.memref_squeeze %swap3A_495 : memref<1x128x128xf32, #tpu.memory_space<vmem>> -> memref<128x128xf32, #tpu.memory_space<vmem>>
        %swap3A_497 = arith.index_cast %add3A_421 : i32 to index
        %swap3A_498 = arith.constant 48 : index
        %swap3A_499 = tpu.vector_load %swap3A_496[%swap3A_497, %swap3A_498] {strides = array<i32>} : memref<128x128xf32, #tpu.memory_space<vmem>>, vector<1x16xf32>,
        %swap3A_500 = vector.shape_cast %swap3A_499 : vector<1x16xf32> to vector<16xf32>
        %swap3A_501 = vector.shape_cast %mul3A_492 : vector<16xf32> to vector<1x16xf32>
        tpu.vector_store %swap3A_496[%swap3A_497, %swap3A_498], %swap3A_501 {strides = array<i32>} : memref<128x128xf32, #tpu.memory_space<vmem>>, vector<1x16xf32>,
        %get3A_502 = arith.constant 0 : i32
        %get3A_503 = arith.constant 0 : i32
        %get3A_504 = tpu.memref_slice %arg6[%scan3A_164, %get3A_502, %get3A_503] : memref<2x128x128xf32, #tpu.memory_space<vmem>> -> memref<1x128x128xf32, #tpu.memory_space<vmem>>
        %get3A_505 = tpu.memref_squeeze %get3A_504 : memref<1x128x128xf32, #tpu.memory_space<vmem>> -> memref<128x128xf32, #tpu.memory_space<vmem>>
        %get3A_506 = arith.index_cast %add3A_421 : i32 to index
        %get3A_507 = arith.constant 64 : index
        %get3A_508 = tpu.vector_load %get3A_505[%get3A_506, %get3A_507] {strides = array<i32>} : memref<128x128xf32, #tpu.memory_space<vmem>>, vector<1x16xf32>,
        %get3A_509 = vector.shape_cast %get3A_508 : vector<1x16xf32> to vector<16xf32>
        %mul3A_510 = arith.constant 11.3137083 : f32
        %mul3A_511 = vector.broadcast %mul3A_510 : f32 to vector<16xf32>
        %mul3A_512 = arith.mulf %get3A_509, %mul3A_511 : vector<16xf32>
        %swap3A_513 = arith.constant 0 : i32
        %swap3A_514 = arith.constant 0 : i32
        %swap3A_515 = tpu.memref_slice %arg7[%scan3A_165, %swap3A_513, %swap3A_514] : memref<2x128x128xf32, #tpu.memory_space<vmem>> -> memref<1x128x128xf32, #tpu.memory_space<vmem>>
        %swap3A_516 = tpu.memref_squeeze %swap3A_515 : memref<1x128x128xf32, #tpu.memory_space<vmem>> -> memref<128x128xf32, #tpu.memory_space<vmem>>
        %swap3A_517 = arith.index_cast %add3A_421 : i32 to index
        %swap3A_518 = arith.constant 64 : index
        %swap3A_519 = tpu.vector_load %swap3A_516[%swap3A_517, %swap3A_518] {strides = array<i32>} : memref<128x128xf32, #tpu.memory_space<vmem>>, vector<1x16xf32>,
        %swap3A_520 = vector.shape_cast %swap3A_519 : vector<1x16xf32> to vector<16xf32>
        %swap3A_521 = vector.shape_cast %mul3A_512 : vector<16xf32> to vector<1x16xf32>
        tpu.vector_store %swap3A_516[%swap3A_517, %swap3A_518], %swap3A_521 {strides = array<i32>} : memref<128x128xf32, #tpu.memory_space<vmem>>, vector<1x16xf32>,
        %get3A_522 = arith.constant 0 : i32
        %get3A_523 = arith.constant 0 : i32
        %get3A_524 = tpu.memref_slice %arg6[%scan3A_164, %get3A_522, %get3A_523] : memref<2x128x128xf32, #tpu.memory_space<vmem>> -> memref<1x128x128xf32, #tpu.memory_space<vmem>>
        %get3A_525 = tpu.memref_squeeze %get3A_524 : memref<1x128x128xf32, #tpu.memory_space<vmem>> -> memref<128x128xf32, #tpu.memory_space<vmem>>
        %get3A_526 = arith.index_cast %add3A_421 : i32 to index
        %get3A_527 = arith.constant 80 : index
        %get3A_528 = tpu.vector_load %get3A_525[%get3A_526, %get3A_527] {strides = array<i32>} : memref<128x128xf32, #tpu.memory_space<vmem>>, vector<1x16xf32>,
        %get3A_529 = vector.shape_cast %get3A_528 : vector<1x16xf32> to vector<16xf32>
        %mul3A_530 = arith.constant 11.3137083 : f32
        %mul3A_531 = vector.broadcast %mul3A_530 : f32 to vector<16xf32>
        %mul3A_532 = arith.mulf %get3A_529, %mul3A_531 : vector<16xf32>
        %swap3A_533 = arith.constant 0 : i32
        %swap3A_534 = arith.constant 0 : i32
        %swap3A_535 = tpu.memref_slice %arg7[%scan3A_165, %swap3A_533, %swap3A_534] : memref<2x128x128xf32, #tpu.memory_space<vmem>> -> memref<1x128x128xf32, #tpu.memory_space<vmem>>
        %swap3A_536 = tpu.memref_squeeze %swap3A_535 : memref<1x128x128xf32, #tpu.memory_space<vmem>> -> memref<128x128xf32, #tpu.memory_space<vmem>>
        %swap3A_537 = arith.index_cast %add3A_421 : i32 to index
        %swap3A_538 = arith.constant 80 : index
        %swap3A_539 = tpu.vector_load %swap3A_536[%swap3A_537, %swap3A_538] {strides = array<i32>} : memref<128x128xf32, #tpu.memory_space<vmem>>, vector<1x16xf32>,
        %swap3A_540 = vector.shape_cast %swap3A_539 : vector<1x16xf32> to vector<16xf32>
        %swap3A_541 = vector.shape_cast %mul3A_532 : vector<16xf32> to vector<1x16xf32>
        tpu.vector_store %swap3A_536[%swap3A_537, %swap3A_538], %swap3A_541 {strides = array<i32>} : memref<128x128xf32, #tpu.memory_space<vmem>>, vector<1x16xf32>,
        %get3A_542 = arith.constant 0 : i32
        %get3A_543 = arith.constant 0 : i32
        %get3A_544 = tpu.memref_slice %arg6[%scan3A_164, %get3A_542, %get3A_543] : memref<2x128x128xf32, #tpu.memory_space<vmem>> -> memref<1x128x128xf32, #tpu.memory_space<vmem>>
        %get3A_545 = tpu.memref_squeeze %get3A_544 : memref<1x128x128xf32, #tpu.memory_space<vmem>> -> memref<128x128xf32, #tpu.memory_space<vmem>>
        %get3A_546 = arith.index_cast %add3A_421 : i32 to index
        %get3A_547 = arith.constant 96 : index
        %get3A_548 = tpu.vector_load %get3A_545[%get3A_546, %get3A_547] {strides = array<i32>} : memref<128x128xf32, #tpu.memory_space<vmem>>, vector<1x16xf32>,
        %get3A_549 = vector.shape_cast %get3A_548 : vector<1x16xf32> to vector<16xf32>
        %mul3A_550 = arith.constant 11.3137083 : f32
        %mul3A_551 = vector.broadcast %mul3A_550 : f32 to vector<16xf32>
        %mul3A_552 = arith.mulf %get3A_549, %mul3A_551 : vector<16xf32>
        %swap3A_553 = arith.constant 0 : i32
        %swap3A_554 = arith.constant 0 : i32
        %swap3A_555 = tpu.memref_slice %arg7[%scan3A_165, %swap3A_553, %swap3A_554] : memref<2x128x128xf32, #tpu.memory_space<vmem>> -> memref<1x128x128xf32, #tpu.memory_space<vmem>>
        %swap3A_556 = tpu.memref_squeeze %swap3A_555 : memref<1x128x128xf32, #tpu.memory_space<vmem>> -> memref<128x128xf32, #tpu.memory_space<vmem>>
        %swap3A_557 = arith.index_cast %add3A_421 : i32 to index
        %swap3A_558 = arith.constant 96 : index
        %swap3A_559 = tpu.vector_load %swap3A_556[%swap3A_557, %swap3A_558] {strides = array<i32>} : memref<128x128xf32, #tpu.memory_space<vmem>>, vector<1x16xf32>,
        %swap3A_560 = vector.shape_cast %swap3A_559 : vector<1x16xf32> to vector<16xf32>
        %swap3A_561 = vector.shape_cast %mul3A_552 : vector<16xf32> to vector<1x16xf32>
        tpu.vector_store %swap3A_556[%swap3A_557, %swap3A_558], %swap3A_561 {strides = array<i32>} : memref<128x128xf32, #tpu.memory_space<vmem>>, vector<1x16xf32>,
        %get3A_562 = arith.constant 0 : i32
        %get3A_563 = arith.constant 0 : i32
        %get3A_564 = tpu.memref_slice %arg6[%scan3A_164, %get3A_562, %get3A_563] : memref<2x128x128xf32, #tpu.memory_space<vmem>> -> memref<1x128x128xf32, #tpu.memory_space<vmem>>
        %get3A_565 = tpu.memref_squeeze %get3A_564 : memref<1x128x128xf32, #tpu.memory_space<vmem>> -> memref<128x128xf32, #tpu.memory_space<vmem>>
        %get3A_566 = arith.index_cast %add3A_421 : i32 to index
        %get3A_567 = arith.constant 112 : index
        %get3A_568 = tpu.vector_load %get3A_565[%get3A_566, %get3A_567] {strides = array<i32>} : memref<128x128xf32, #tpu.memory_space<vmem>>, vector<1x16xf32>,
        %get3A_569 = vector.shape_cast %get3A_568 : vector<1x16xf32> to vector<16xf32>
        %mul3A_570 = arith.constant 11.3137083 : f32
        %mul3A_571 = vector.broadcast %mul3A_570 : f32 to vector<16xf32>
        %mul3A_572 = arith.mulf %get3A_569, %mul3A_571 : vector<16xf32>
        %swap3A_573 = arith.constant 0 : i32
        %swap3A_574 = arith.constant 0 : i32
        %swap3A_575 = tpu.memref_slice %arg7[%scan3A_165, %swap3A_573, %swap3A_574] : memref<2x128x128xf32, #tpu.memory_space<vmem>> -> memref<1x128x128xf32, #tpu.memory_space<vmem>>
        %swap3A_576 = tpu.memref_squeeze %swap3A_575 : memref<1x128x128xf32, #tpu.memory_space<vmem>> -> memref<128x128xf32, #tpu.memory_space<vmem>>
        %swap3A_577 = arith.index_cast %add3A_421 : i32 to index
        %swap3A_578 = arith.constant 112 : index
        %swap3A_579 = tpu.vector_load %swap3A_576[%swap3A_577, %swap3A_578] {strides = array<i32>} : memref<128x128xf32, #tpu.memory_space<vmem>>, vector<1x16xf32>,
        %swap3A_580 = vector.shape_cast %swap3A_579 : vector<1x16xf32> to vector<16xf32>
        %swap3A_581 = vector.shape_cast %mul3A_572 : vector<16xf32> to vector<1x16xf32>
        tpu.vector_store %swap3A_576[%swap3A_577, %swap3A_578], %swap3A_581 {strides = array<i32>} : memref<128x128xf32, #tpu.memory_space<vmem>>, vector<1x16xf32>,
        %scan3A_582 = arith.constant 2 : i32
        %scan3A_583 = arith.addi %scan3A_253, %scan3A_582 : i32
        %mul3A_584 = arith.constant 1 : i32
        %mul3A_585 = arith.muli %scan3A_583, %mul3A_584 : i32
        %add3A_586 = arith.constant 0 : i32
        %add3A_587 = arith.addi %add3A_586, %mul3A_585 : i32
        %get3A_588 = arith.constant 0 : i32
        %get3A_589 = arith.constant 0 : i32
        %get3A_590 = tpu.memref_slice %arg6[%scan3A_164, %get3A_588, %get3A_589] : memref<2x128x128xf32, #tpu.memory_space<vmem>> -> memref<1x128x128xf32, #tpu.memory_space<vmem>>
        %get3A_591 = tpu.memref_squeeze %get3A_590 : memref<1x128x128xf32, #tpu.memory_space<vmem>> -> memref<128x128xf32, #tpu.memory_space<vmem>>
        %get3A_592 = arith.index_cast %add3A_587 : i32 to index
        %get3A_593 = arith.constant 0 : index
        %get3A_594 = tpu.vector_load %get3A_591[%get3A_592, %get3A_593] {strides = array<i32>} : memref<128x128xf32, #tpu.memory_space<vmem>>, vector<1x16xf32>,
        %get3A_595 = vector.shape_cast %get3A_594 : vector<1x16xf32> to vector<16xf32>
        %mul3A_596 = arith.constant 11.3137083 : f32
        %mul3A_597 = vector.broadcast %mul3A_596 : f32 to vector<16xf32>
        %mul3A_598 = arith.mulf %get3A_595, %mul3A_597 : vector<16xf32>
        %swap3A_599 = arith.constant 0 : i32
        %swap3A_600 = arith.constant 0 : i32
        %swap3A_601 = tpu.memref_slice %arg7[%scan3A_165, %swap3A_599, %swap3A_600] : memref<2x128x128xf32, #tpu.memory_space<vmem>> -> memref<1x128x128xf32, #tpu.memory_space<vmem>>
        %swap3A_602 = tpu.memref_squeeze %swap3A_601 : memref<1x128x128xf32, #tpu.memory_space<vmem>> -> memref<128x128xf32, #tpu.memory_space<vmem>>
        %swap3A_603 = arith.index_cast %add3A_587 : i32 to index
        %swap3A_604 = arith.constant 0 : index
        %swap3A_605 = tpu.vector_load %swap3A_602[%swap3A_603, %swap3A_604] {strides = array<i32>} : memref<128x128xf32, #tpu.memory_space<vmem>>, vector<1x16xf32>,
        %swap3A_606 = vector.shape_cast %swap3A_605 : vector<1x16xf32> to vector<16xf32>
        %swap3A_607 = vector.shape_cast %mul3A_598 : vector<16xf32> to vector<1x16xf32>
        tpu.vector_store %swap3A_602[%swap3A_603, %swap3A_604], %swap3A_607 {strides = array<i32>} : memref<128x128xf32, #tpu.memory_space<vmem>>, vector<1x16xf32>,
        %get3A_608 = arith.constant 0 : i32
        %get3A_609 = arith.constant 0 : i32
        %get3A_610 = tpu.memref_slice %arg6[%scan3A_164, %get3A_608, %get3A_609] : memref<2x128x128xf32, #tpu.memory_space<vmem>> -> memref<1x128x128xf32, #tpu.memory_space<vmem>>
        %get3A_611 = tpu.memref_squeeze %get3A_610 : memref<1x128x128xf32, #tpu.memory_space<vmem>> -> memref<128x128xf32, #tpu.memory_space<vmem>>
        %get3A_612 = arith.index_cast %add3A_587 : i32 to index
        %get3A_613 = arith.constant 16 : index
        %get3A_614 = tpu.vector_load %get3A_611[%get3A_612, %get3A_613] {strides = array<i32>} : memref<128x128xf32, #tpu.memory_space<vmem>>, vector<1x16xf32>,
        %get3A_615 = vector.shape_cast %get3A_614 : vector<1x16xf32> to vector<16xf32>
        %mul3A_616 = arith.constant 11.3137083 : f32
        %mul3A_617 = vector.broadcast %mul3A_616 : f32 to vector<16xf32>
        %mul3A_618 = arith.mulf %get3A_615, %mul3A_617 : vector<16xf32>
        %swap3A_619 = arith.constant 0 : i32
        %swap3A_620 = arith.constant 0 : i32
        %swap3A_621 = tpu.memref_slice %arg7[%scan3A_165, %swap3A_619, %swap3A_620] : memref<2x128x128xf32, #tpu.memory_space<vmem>> -> memref<1x128x128xf32, #tpu.memory_space<vmem>>
        %swap3A_622 = tpu.memref_squeeze %swap3A_621 : memref<1x128x128xf32, #tpu.memory_space<vmem>> -> memref<128x128xf32, #tpu.memory_space<vmem>>
        %swap3A_623 = arith.index_cast %add3A_587 : i32 to index
        %swap3A_624 = arith.constant 16 : index
        %swap3A_625 = tpu.vector_load %swap3A_622[%swap3A_623, %swap3A_624] {strides = array<i32>} : memref<128x128xf32, #tpu.memory_space<vmem>>, vector<1x16xf32>,
        %swap3A_626 = vector.shape_cast %swap3A_625 : vector<1x16xf32> to vector<16xf32>
        %swap3A_627 = vector.shape_cast %mul3A_618 : vector<16xf32> to vector<1x16xf32>
        tpu.vector_store %swap3A_622[%swap3A_623, %swap3A_624], %swap3A_627 {strides = array<i32>} : memref<128x128xf32, #tpu.memory_space<vmem>>, vector<1x16xf32>,
        %get3A_628 = arith.constant 0 : i32
        %get3A_629 = arith.constant 0 : i32
        %get3A_630 = tpu.memref_slice %arg6[%scan3A_164, %get3A_628, %get3A_629] : memref<2x128x128xf32, #tpu.memory_space<vmem>> -> memref<1x128x128xf32, #tpu.memory_space<vmem>>
        %get3A_631 = tpu.memref_squeeze %get3A_630 : memref<1x128x128xf32, #tpu.memory_space<vmem>> -> memref<128x128xf32, #tpu.memory_space<vmem>>
        %get3A_632 = arith.index_cast %add3A_587 : i32 to index
        %get3A_633 = arith.constant 32 : index
        %get3A_634 = tpu.vector_load %get3A_631[%get3A_632, %get3A_633] {strides = array<i32>} : memref<128x128xf32, #tpu.memory_space<vmem>>, vector<1x16xf32>,
        %get3A_635 = vector.shape_cast %get3A_634 : vector<1x16xf32> to vector<16xf32>
        %mul3A_636 = arith.constant 11.3137083 : f32
        %mul3A_637 = vector.broadcast %mul3A_636 : f32 to vector<16xf32>
        %mul3A_638 = arith.mulf %get3A_635, %mul3A_637 : vector<16xf32>
        %swap3A_639 = arith.constant 0 : i32
        %swap3A_640 = arith.constant 0 : i32
        %swap3A_641 = tpu.memref_slice %arg7[%scan3A_165, %swap3A_639, %swap3A_640] : memref<2x128x128xf32, #tpu.memory_space<vmem>> -> memref<1x128x128xf32, #tpu.memory_space<vmem>>
        %swap3A_642 = tpu.memref_squeeze %swap3A_641 : memref<1x128x128xf32, #tpu.memory_space<vmem>> -> memref<128x128xf32, #tpu.memory_space<vmem>>
        %swap3A_643 = arith.index_cast %add3A_587 : i32 to index
        %swap3A_644 = arith.constant 32 : index
        %swap3A_645 = tpu.vector_load %swap3A_642[%swap3A_643, %swap3A_644] {strides = array<i32>} : memref<128x128xf32, #tpu.memory_space<vmem>>, vector<1x16xf32>,
        %swap3A_646 = vector.shape_cast %swap3A_645 : vector<1x16xf32> to vector<16xf32>
        %swap3A_647 = vector.shape_cast %mul3A_638 : vector<16xf32> to vector<1x16xf32>
        tpu.vector_store %swap3A_642[%swap3A_643, %swap3A_644], %swap3A_647 {strides = array<i32>} : memref<128x128xf32, #tpu.memory_space<vmem>>, vector<1x16xf32>,
        %get3A_648 = arith.constant 0 : i32
        %get3A_649 = arith.constant 0 : i32
        %get3A_650 = tpu.memref_slice %arg6[%scan3A_164, %get3A_648, %get3A_649] : memref<2x128x128xf32, #tpu.memory_space<vmem>> -> memref<1x128x128xf32, #tpu.memory_space<vmem>>
        %get3A_651 = tpu.memref_squeeze %get3A_650 : memref<1x128x128xf32, #tpu.memory_space<vmem>> -> memref<128x128xf32, #tpu.memory_space<vmem>>
        %get3A_652 = arith.index_cast %add3A_587 : i32 to index
        %get3A_653 = arith.constant 48 : index
        %get3A_654 = tpu.vector_load %get3A_651[%get3A_652, %get3A_653] {strides = array<i32>} : memref<128x128xf32, #tpu.memory_space<vmem>>, vector<1x16xf32>,
        %get3A_655 = vector.shape_cast %get3A_654 : vector<1x16xf32> to vector<16xf32>
        %mul3A_656 = arith.constant 11.3137083 : f32
        %mul3A_657 = vector.broadcast %mul3A_656 : f32 to vector<16xf32>
        %mul3A_658 = arith.mulf %get3A_655, %mul3A_657 : vector<16xf32>
        %swap3A_659 = arith.constant 0 : i32
        %swap3A_660 = arith.constant 0 : i32
        %swap3A_661 = tpu.memref_slice %arg7[%scan3A_165, %swap3A_659, %swap3A_660] : memref<2x128x128xf32, #tpu.memory_space<vmem>> -> memref<1x128x128xf32, #tpu.memory_space<vmem>>
        %swap3A_662 = tpu.memref_squeeze %swap3A_661 : memref<1x128x128xf32, #tpu.memory_space<vmem>> -> memref<128x128xf32, #tpu.memory_space<vmem>>
        %swap3A_663 = arith.index_cast %add3A_587 : i32 to index
        %swap3A_664 = arith.constant 48 : index
        %swap3A_665 = tpu.vector_load %swap3A_662[%swap3A_663, %swap3A_664] {strides = array<i32>} : memref<128x128xf32, #tpu.memory_space<vmem>>, vector<1x16xf32>,
        %swap3A_666 = vector.shape_cast %swap3A_665 : vector<1x16xf32> to vector<16xf32>
        %swap3A_667 = vector.shape_cast %mul3A_658 : vector<16xf32> to vector<1x16xf32>
        tpu.vector_store %swap3A_662[%swap3A_663, %swap3A_664], %swap3A_667 {strides = array<i32>} : memref<128x128xf32, #tpu.memory_space<vmem>>, vector<1x16xf32>,
        %get3A_668 = arith.constant 0 : i32
        %get3A_669 = arith.constant 0 : i32
        %get3A_670 = tpu.memref_slice %arg6[%scan3A_164, %get3A_668, %get3A_669] : memref<2x128x128xf32, #tpu.memory_space<vmem>> -> memref<1x128x128xf32, #tpu.memory_space<vmem>>
        %get3A_671 = tpu.memref_squeeze %get3A_670 : memref<1x128x128xf32, #tpu.memory_space<vmem>> -> memref<128x128xf32, #tpu.memory_space<vmem>>
        %get3A_672 = arith.index_cast %add3A_587 : i32 to index
        %get3A_673 = arith.constant 64 : index
        %get3A_674 = tpu.vector_load %get3A_671[%get3A_672, %get3A_673] {strides = array<i32>} : memref<128x128xf32, #tpu.memory_space<vmem>>, vector<1x16xf32>,
        %get3A_675 = vector.shape_cast %get3A_674 : vector<1x16xf32> to vector<16xf32>
        %mul3A_676 = arith.constant 11.3137083 : f32
        %mul3A_677 = vector.broadcast %mul3A_676 : f32 to vector<16xf32>
        %mul3A_678 = arith.mulf %get3A_675, %mul3A_677 : vector<16xf32>
        %swap3A_679 = arith.constant 0 : i32
        %swap3A_680 = arith.constant 0 : i32
        %swap3A_681 = tpu.memref_slice %arg7[%scan3A_165, %swap3A_679, %swap3A_680] : memref<2x128x128xf32, #tpu.memory_space<vmem>> -> memref<1x128x128xf32, #tpu.memory_space<vmem>>
        %swap3A_682 = tpu.memref_squeeze %swap3A_681 : memref<1x128x128xf32, #tpu.memory_space<vmem>> -> memref<128x128xf32, #tpu.memory_space<vmem>>
        %swap3A_683 = arith.index_cast %add3A_587 : i32 to index
        %swap3A_684 = arith.constant 64 : index
        %swap3A_685 = tpu.vector_load %swap3A_682[%swap3A_683, %swap3A_684] {strides = array<i32>} : memref<128x128xf32, #tpu.memory_space<vmem>>, vector<1x16xf32>,
        %swap3A_686 = vector.shape_cast %swap3A_685 : vector<1x16xf32> to vector<16xf32>
        %swap3A_687 = vector.shape_cast %mul3A_678 : vector<16xf32> to vector<1x16xf32>
        tpu.vector_store %swap3A_682[%swap3A_683, %swap3A_684], %swap3A_687 {strides = array<i32>} : memref<128x128xf32, #tpu.memory_space<vmem>>, vector<1x16xf32>,
        %get3A_688 = arith.constant 0 : i32
        %get3A_689 = arith.constant 0 : i32
        %get3A_690 = tpu.memref_slice %arg6[%scan3A_164, %get3A_688, %get3A_689] : memref<2x128x128xf32, #tpu.memory_space<vmem>> -> memref<1x128x128xf32, #tpu.memory_space<vmem>>
        %get3A_691 = tpu.memref_squeeze %get3A_690 : memref<1x128x128xf32, #tpu.memory_space<vmem>> -> memref<128x128xf32, #tpu.memory_space<vmem>>
        %get3A_692 = arith.index_cast %add3A_587 : i32 to index
        %get3A_693 = arith.constant 80 : index
        %get3A_694 = tpu.vector_load %get3A_691[%get3A_692, %get3A_693] {strides = array<i32>} : memref<128x128xf32, #tpu.memory_space<vmem>>, vector<1x16xf32>,
        %get3A_695 = vector.shape_cast %get3A_694 : vector<1x16xf32> to vector<16xf32>
        %mul3A_696 = arith.constant 11.3137083 : f32
        %mul3A_697 = vector.broadcast %mul3A_696 : f32 to vector<16xf32>
        %mul3A_698 = arith.mulf %get3A_695, %mul3A_697 : vector<16xf32>
        %swap3A_699 = arith.constant 0 : i32
        %swap3A_700 = arith.constant 0 : i32
        %swap3A_701 = tpu.memref_slice %arg7[%scan3A_165, %swap3A_699, %swap3A_700] : memref<2x128x128xf32, #tpu.memory_space<vmem>> -> memref<1x128x128xf32, #tpu.memory_space<vmem>>
        %swap3A_702 = tpu.memref_squeeze %swap3A_701 : memref<1x128x128xf32, #tpu.memory_space<vmem>> -> memref<128x128xf32, #tpu.memory_space<vmem>>
        %swap3A_703 = arith.index_cast %add3A_587 : i32 to index
        %swap3A_704 = arith.constant 80 : index
        %swap3A_705 = tpu.vector_load %swap3A_702[%swap3A_703, %swap3A_704] {strides = array<i32>} : memref<128x128xf32, #tpu.memory_space<vmem>>, vector<1x16xf32>,
        %swap3A_706 = vector.shape_cast %swap3A_705 : vector<1x16xf32> to vector<16xf32>
        %swap3A_707 = vector.shape_cast %mul3A_698 : vector<16xf32> to vector<1x16xf32>
        tpu.vector_store %swap3A_702[%swap3A_703, %swap3A_704], %swap3A_707 {strides = array<i32>} : memref<128x128xf32, #tpu.memory_space<vmem>>, vector<1x16xf32>,
        %get3A_708 = arith.constant 0 : i32
        %get3A_709 = arith.constant 0 : i32
        %get3A_710 = tpu.memref_slice %arg6[%scan3A_164, %get3A_708, %get3A_709] : memref<2x128x128xf32, #tpu.memory_space<vmem>> -> memref<1x128x128xf32, #tpu.memory_space<vmem>>
        %get3A_711 = tpu.memref_squeeze %get3A_710 : memref<1x128x128xf32, #tpu.memory_space<vmem>> -> memref<128x128xf32, #tpu.memory_space<vmem>>
        %get3A_712 = arith.index_cast %add3A_587 : i32 to index
        %get3A_713 = arith.constant 96 : index
        %get3A_714 = tpu.vector_load %get3A_711[%get3A_712, %get3A_713] {strides = array<i32>} : memref<128x128xf32, #tpu.memory_space<vmem>>, vector<1x16xf32>,
        %get3A_715 = vector.shape_cast %get3A_714 : vector<1x16xf32> to vector<16xf32>
        %mul3A_716 = arith.constant 11.3137083 : f32
        %mul3A_717 = vector.broadcast %mul3A_716 : f32 to vector<16xf32>
        %mul3A_718 = arith.mulf %get3A_715, %mul3A_717 : vector<16xf32>
        %swap3A_719 = arith.constant 0 : i32
        %swap3A_720 = arith.constant 0 : i32
        %swap3A_721 = tpu.memref_slice %arg7[%scan3A_165, %swap3A_719, %swap3A_720] : memref<2x128x128xf32, #tpu.memory_space<vmem>> -> memref<1x128x128xf32, #tpu.memory_space<vmem>>
        %swap3A_722 = tpu.memref_squeeze %swap3A_721 : memref<1x128x128xf32, #tpu.memory_space<vmem>> -> memref<128x128xf32, #tpu.memory_space<vmem>>
        %swap3A_723 = arith.index_cast %add3A_587 : i32 to index
        %swap3A_724 = arith.constant 96 : index
        %swap3A_725 = tpu.vector_load %swap3A_722[%swap3A_723, %swap3A_724] {strides = array<i32>} : memref<128x128xf32, #tpu.memory_space<vmem>>, vector<1x16xf32>,
        %swap3A_726 = vector.shape_cast %swap3A_725 : vector<1x16xf32> to vector<16xf32>
        %swap3A_727 = vector.shape_cast %mul3A_718 : vector<16xf32> to vector<1x16xf32>
        tpu.vector_store %swap3A_722[%swap3A_723, %swap3A_724], %swap3A_727 {strides = array<i32>} : memref<128x128xf32, #tpu.memory_space<vmem>>, vector<1x16xf32>,
        %get3A_728 = arith.constant 0 : i32
        %get3A_729 = arith.constant 0 : i32
        %get3A_730 = tpu.memref_slice %arg6[%scan3A_164, %get3A_728, %get3A_729] : memref<2x128x128xf32, #tpu.memory_space<vmem>> -> memref<1x128x128xf32, #tpu.memory_space<vmem>>
        %get3A_731 = tpu.memref_squeeze %get3A_730 : memref<1x128x128xf32, #tpu.memory_space<vmem>> -> memref<128x128xf32, #tpu.memory_space<vmem>>
        %get3A_732 = arith.index_cast %add3A_587 : i32 to index
        %get3A_733 = arith.constant 112 : index
        %get3A_734 = tpu.vector_load %get3A_731[%get3A_732, %get3A_733] {strides = array<i32>} : memref<128x128xf32, #tpu.memory_space<vmem>>, vector<1x16xf32>,
        %get3A_735 = vector.shape_cast %get3A_734 : vector<1x16xf32> to vector<16xf32>
        %mul3A_736 = arith.constant 11.3137083 : f32
        %mul3A_737 = vector.broadcast %mul3A_736 : f32 to vector<16xf32>
        %mul3A_738 = arith.mulf %get3A_735, %mul3A_737 : vector<16xf32>
        %swap3A_739 = arith.constant 0 : i32
        %swap3A_740 = arith.constant 0 : i32
        %swap3A_741 = tpu.memref_slice %arg7[%scan3A_165, %swap3A_739, %swap3A_740] : memref<2x128x128xf32, #tpu.memory_space<vmem>> -> memref<1x128x128xf32, #tpu.memory_space<vmem>>
        %swap3A_742 = tpu.memref_squeeze %swap3A_741 : memref<1x128x128xf32, #tpu.memory_space<vmem>> -> memref<128x128xf32, #tpu.memory_space<vmem>>
        %swap3A_743 = arith.index_cast %add3A_587 : i32 to index
        %swap3A_744 = arith.constant 112 : index
        %swap3A_745 = tpu.vector_load %swap3A_742[%swap3A_743, %swap3A_744] {strides = array<i32>} : memref<128x128xf32, #tpu.memory_space<vmem>>, vector<1x16xf32>,
        %swap3A_746 = vector.shape_cast %swap3A_745 : vector<1x16xf32> to vector<16xf32>
        %swap3A_747 = vector.shape_cast %mul3A_738 : vector<16xf32> to vector<1x16xf32>
        tpu.vector_store %swap3A_742[%swap3A_743, %swap3A_744], %swap3A_747 {strides = array<i32>} : memref<128x128xf32, #tpu.memory_space<vmem>>, vector<1x16xf32>,
        %scan3A_748 = arith.constant 3 : i32
        %scan3A_749 = arith.addi %scan3A_253, %scan3A_748 : i32
        %mul3A_750 = arith.constant 1 : i32
        %mul3A_751 = arith.muli %scan3A_749, %mul3A_750 : i32
        %add3A_752 = arith.constant 0 : i32
        %add3A_753 = arith.addi %add3A_752, %mul3A_751 : i32
        %get3A_754 = arith.constant 0 : i32
        %get3A_755 = arith.constant 0 : i32
        %get3A_756 = tpu.memref_slice %arg6[%scan3A_164, %get3A_754, %get3A_755] : memref<2x128x128xf32, #tpu.memory_space<vmem>> -> memref<1x128x128xf32, #tpu.memory_space<vmem>>
        %get3A_757 = tpu.memref_squeeze %get3A_756 : memref<1x128x128xf32, #tpu.memory_space<vmem>> -> memref<128x128xf32, #tpu.memory_space<vmem>>
        %get3A_758 = arith.index_cast %add3A_753 : i32 to index
        %get3A_759 = arith.constant 0 : index
        %get3A_760 = tpu.vector_load %get3A_757[%get3A_758, %get3A_759] {strides = array<i32>} : memref<128x128xf32, #tpu.memory_space<vmem>>, vector<1x16xf32>,
        %get3A_761 = vector.shape_cast %get3A_760 : vector<1x16xf32> to vector<16xf32>
        %mul3A_762 = arith.constant 11.3137083 : f32
        %mul3A_763 = vector.broadcast %mul3A_762 : f32 to vector<16xf32>
        %mul3A_764 = arith.mulf %get3A_761, %mul3A_763 : vector<16xf32>
        %swap3A_765 = arith.constant 0 : i32
        %swap3A_766 = arith.constant 0 : i32
        %swap3A_767 = tpu.memref_slice %arg7[%scan3A_165, %swap3A_765, %swap3A_766] : memref<2x128x128xf32, #tpu.memory_space<vmem>> -> memref<1x128x128xf32, #tpu.memory_space<vmem>>
        %swap3A_768 = tpu.memref_squeeze %swap3A_767 : memref<1x128x128xf32, #tpu.memory_space<vmem>> -> memref<128x128xf32, #tpu.memory_space<vmem>>
        %swap3A_769 = arith.index_cast %add3A_753 : i32 to index
        %swap3A_770 = arith.constant 0 : index
        %swap3A_771 = tpu.vector_load %swap3A_768[%swap3A_769, %swap3A_770] {strides = array<i32>} : memref<128x128xf32, #tpu.memory_space<vmem>>, vector<1x16xf32>,
        %swap3A_772 = vector.shape_cast %swap3A_771 : vector<1x16xf32> to vector<16xf32>
        %swap3A_773 = vector.shape_cast %mul3A_764 : vector<16xf32> to vector<1x16xf32>
        tpu.vector_store %swap3A_768[%swap3A_769, %swap3A_770], %swap3A_773 {strides = array<i32>} : memref<128x128xf32, #tpu.memory_space<vmem>>, vector<1x16xf32>,
        %get3A_774 = arith.constant 0 : i32
        %get3A_775 = arith.constant 0 : i32
        %get3A_776 = tpu.memref_slice %arg6[%scan3A_164, %get3A_774, %get3A_775] : memref<2x128x128xf32, #tpu.memory_space<vmem>> -> memref<1x128x128xf32, #tpu.memory_space<vmem>>
        %get3A_777 = tpu.memref_squeeze %get3A_776 : memref<1x128x128xf32, #tpu.memory_space<vmem>> -> memref<128x128xf32, #tpu.memory_space<vmem>>
        %get3A_778 = arith.index_cast %add3A_753 : i32 to index
        %get3A_779 = arith.constant 16 : index
        %get3A_780 = tpu.vector_load %get3A_777[%get3A_778, %get3A_779] {strides = array<i32>} : memref<128x128xf32, #tpu.memory_space<vmem>>, vector<1x16xf32>,
        %get3A_781 = vector.shape_cast %get3A_780 : vector<1x16xf32> to vector<16xf32>
        %mul3A_782 = arith.constant 11.3137083 : f32
        %mul3A_783 = vector.broadcast %mul3A_782 : f32 to vector<16xf32>
        %mul3A_784 = arith.mulf %get3A_781, %mul3A_783 : vector<16xf32>
        %swap3A_785 = arith.constant 0 : i32
        %swap3A_786 = arith.constant 0 : i32
        %swap3A_787 = tpu.memref_slice %arg7[%scan3A_165, %swap3A_785, %swap3A_786] : memref<2x128x128xf32, #tpu.memory_space<vmem>> -> memref<1x128x128xf32, #tpu.memory_space<vmem>>
        %swap3A_788 = tpu.memref_squeeze %swap3A_787 : memref<1x128x128xf32, #tpu.memory_space<vmem>> -> memref<128x128xf32, #tpu.memory_space<vmem>>
        %swap3A_789 = arith.index_cast %add3A_753 : i32 to index
        %swap3A_790 = arith.constant 16 : index
        %swap3A_791 = tpu.vector_load %swap3A_788[%swap3A_789, %swap3A_790] {strides = array<i32>} : memref<128x128xf32, #tpu.memory_space<vmem>>, vector<1x16xf32>,
        %swap3A_792 = vector.shape_cast %swap3A_791 : vector<1x16xf32> to vector<16xf32>
        %swap3A_793 = vector.shape_cast %mul3A_784 : vector<16xf32> to vector<1x16xf32>
        tpu.vector_store %swap3A_788[%swap3A_789, %swap3A_790], %swap3A_793 {strides = array<i32>} : memref<128x128xf32, #tpu.memory_space<vmem>>, vector<1x16xf32>,
        %get3A_794 = arith.constant 0 : i32
        %get3A_795 = arith.constant 0 : i32
        %get3A_796 = tpu.memref_slice %arg6[%scan3A_164, %get3A_794, %get3A_795] : memref<2x128x128xf32, #tpu.memory_space<vmem>> -> memref<1x128x128xf32, #tpu.memory_space<vmem>>
        %get3A_797 = tpu.memref_squeeze %get3A_796 : memref<1x128x128xf32, #tpu.memory_space<vmem>> -> memref<128x128xf32, #tpu.memory_space<vmem>>
        %get3A_798 = arith.index_cast %add3A_753 : i32 to index
        %get3A_799 = arith.constant 32 : index
        %get3A_800 = tpu.vector_load %get3A_797[%get3A_798, %get3A_799] {strides = array<i32>} : memref<128x128xf32, #tpu.memory_space<vmem>>, vector<1x16xf32>,
        %get3A_801 = vector.shape_cast %get3A_800 : vector<1x16xf32> to vector<16xf32>
        %mul3A_802 = arith.constant 11.3137083 : f32
        %mul3A_803 = vector.broadcast %mul3A_802 : f32 to vector<16xf32>
        %mul3A_804 = arith.mulf %get3A_801, %mul3A_803 : vector<16xf32>
        %swap3A_805 = arith.constant 0 : i32
        %swap3A_806 = arith.constant 0 : i32
        %swap3A_807 = tpu.memref_slice %arg7[%scan3A_165, %swap3A_805, %swap3A_806] : memref<2x128x128xf32, #tpu.memory_space<vmem>> -> memref<1x128x128xf32, #tpu.memory_space<vmem>>
        %swap3A_808 = tpu.memref_squeeze %swap3A_807 : memref<1x128x128xf32, #tpu.memory_space<vmem>> -> memref<128x128xf32, #tpu.memory_space<vmem>>
        %swap3A_809 = arith.index_cast %add3A_753 : i32 to index
        %swap3A_810 = arith.constant 32 : index
        %swap3A_811 = tpu.vector_load %swap3A_808[%swap3A_809, %swap3A_810] {strides = array<i32>} : memref<128x128xf32, #tpu.memory_space<vmem>>, vector<1x16xf32>,
        %swap3A_812 = vector.shape_cast %swap3A_811 : vector<1x16xf32> to vector<16xf32>
        %swap3A_813 = vector.shape_cast %mul3A_804 : vector<16xf32> to vector<1x16xf32>
        tpu.vector_store %swap3A_808[%swap3A_809, %swap3A_810], %swap3A_813 {strides = array<i32>} : memref<128x128xf32, #tpu.memory_space<vmem>>, vector<1x16xf32>,
        %get3A_814 = arith.constant 0 : i32
        %get3A_815 = arith.constant 0 : i32
        %get3A_816 = tpu.memref_slice %arg6[%scan3A_164, %get3A_814, %get3A_815] : memref<2x128x128xf32, #tpu.memory_space<vmem>> -> memref<1x128x128xf32, #tpu.memory_space<vmem>>
        %get3A_817 = tpu.memref_squeeze %get3A_816 : memref<1x128x128xf32, #tpu.memory_space<vmem>> -> memref<128x128xf32, #tpu.memory_space<vmem>>
        %get3A_818 = arith.index_cast %add3A_753 : i32 to index
        %get3A_819 = arith.constant 48 : index
        %get3A_820 = tpu.vector_load %get3A_817[%get3A_818, %get3A_819] {strides = array<i32>} : memref<128x128xf32, #tpu.memory_space<vmem>>, vector<1x16xf32>,
        %get3A_821 = vector.shape_cast %get3A_820 : vector<1x16xf32> to vector<16xf32>
        %mul3A_822 = arith.constant 11.3137083 : f32
        %mul3A_823 = vector.broadcast %mul3A_822 : f32 to vector<16xf32>
        %mul3A_824 = arith.mulf %get3A_821, %mul3A_823 : vector<16xf32>
        %swap3A_825 = arith.constant 0 : i32
        %swap3A_826 = arith.constant 0 : i32
        %swap3A_827 = tpu.memref_slice %arg7[%scan3A_165, %swap3A_825, %swap3A_826] : memref<2x128x128xf32, #tpu.memory_space<vmem>> -> memref<1x128x128xf32, #tpu.memory_space<vmem>>
        %swap3A_828 = tpu.memref_squeeze %swap3A_827 : memref<1x128x128xf32, #tpu.memory_space<vmem>> -> memref<128x128xf32, #tpu.memory_space<vmem>>
        %swap3A_829 = arith.index_cast %add3A_753 : i32 to index
        %swap3A_830 = arith.constant 48 : index
        %swap3A_831 = tpu.vector_load %swap3A_828[%swap3A_829, %swap3A_830] {strides = array<i32>} : memref<128x128xf32, #tpu.memory_space<vmem>>, vector<1x16xf32>,
        %swap3A_832 = vector.shape_cast %swap3A_831 : vector<1x16xf32> to vector<16xf32>
        %swap3A_833 = vector.shape_cast %mul3A_824 : vector<16xf32> to vector<1x16xf32>
        tpu.vector_store %swap3A_828[%swap3A_829, %swap3A_830], %swap3A_833 {strides = array<i32>} : memref<128x128xf32, #tpu.memory_space<vmem>>, vector<1x16xf32>,
        %get3A_834 = arith.constant 0 : i32
        %get3A_835 = arith.constant 0 : i32
        %get3A_836 = tpu.memref_slice %arg6[%scan3A_164, %get3A_834, %get3A_835] : memref<2x128x128xf32, #tpu.memory_space<vmem>> -> memref<1x128x128xf32, #tpu.memory_space<vmem>>
        %get3A_837 = tpu.memref_squeeze %get3A_836 : memref<1x128x128xf32, #tpu.memory_space<vmem>> -> memref<128x128xf32, #tpu.memory_space<vmem>>
        %get3A_838 = arith.index_cast %add3A_753 : i32 to index
        %get3A_839 = arith.constant 64 : index
        %get3A_840 = tpu.vector_load %get3A_837[%get3A_838, %get3A_839] {strides = array<i32>} : memref<128x128xf32, #tpu.memory_space<vmem>>, vector<1x16xf32>,
        %get3A_841 = vector.shape_cast %get3A_840 : vector<1x16xf32> to vector<16xf32>
        %mul3A_842 = arith.constant 11.3137083 : f32
        %mul3A_843 = vector.broadcast %mul3A_842 : f32 to vector<16xf32>
        %mul3A_844 = arith.mulf %get3A_841, %mul3A_843 : vector<16xf32>
        %swap3A_845 = arith.constant 0 : i32
        %swap3A_846 = arith.constant 0 : i32
        %swap3A_847 = tpu.memref_slice %arg7[%scan3A_165, %swap3A_845, %swap3A_846] : memref<2x128x128xf32, #tpu.memory_space<vmem>> -> memref<1x128x128xf32, #tpu.memory_space<vmem>>
        %swap3A_848 = tpu.memref_squeeze %swap3A_847 : memref<1x128x128xf32, #tpu.memory_space<vmem>> -> memref<128x128xf32, #tpu.memory_space<vmem>>
        %swap3A_849 = arith.index_cast %add3A_753 : i32 to index
        %swap3A_850 = arith.constant 64 : index
        %swap3A_851 = tpu.vector_load %swap3A_848[%swap3A_849, %swap3A_850] {strides = array<i32>} : memref<128x128xf32, #tpu.memory_space<vmem>>, vector<1x16xf32>,
        %swap3A_852 = vector.shape_cast %swap3A_851 : vector<1x16xf32> to vector<16xf32>
        %swap3A_853 = vector.shape_cast %mul3A_844 : vector<16xf32> to vector<1x16xf32>
        tpu.vector_store %swap3A_848[%swap3A_849, %swap3A_850], %swap3A_853 {strides = array<i32>} : memref<128x128xf32, #tpu.memory_space<vmem>>, vector<1x16xf32>,
        %get3A_854 = arith.constant 0 : i32
        %get3A_855 = arith.constant 0 : i32
        %get3A_856 = tpu.memref_slice %arg6[%scan3A_164, %get3A_854, %get3A_855] : memref<2x128x128xf32, #tpu.memory_space<vmem>> -> memref<1x128x128xf32, #tpu.memory_space<vmem>>
        %get3A_857 = tpu.memref_squeeze %get3A_856 : memref<1x128x128xf32, #tpu.memory_space<vmem>> -> memref<128x128xf32, #tpu.memory_space<vmem>>
        %get3A_858 = arith.index_cast %add3A_753 : i32 to index
        %get3A_859 = arith.constant 80 : index
        %get3A_860 = tpu.vector_load %get3A_857[%get3A_858, %get3A_859] {strides = array<i32>} : memref<128x128xf32, #tpu.memory_space<vmem>>, vector<1x16xf32>,
        %get3A_861 = vector.shape_cast %get3A_860 : vector<1x16xf32> to vector<16xf32>
        %mul3A_862 = arith.constant 11.3137083 : f32
        %mul3A_863 = vector.broadcast %mul3A_862 : f32 to vector<16xf32>
        %mul3A_864 = arith.mulf %get3A_861, %mul3A_863 : vector<16xf32>
        %swap3A_865 = arith.constant 0 : i32
        %swap3A_866 = arith.constant 0 : i32
        %swap3A_867 = tpu.memref_slice %arg7[%scan3A_165, %swap3A_865, %swap3A_866] : memref<2x128x128xf32, #tpu.memory_space<vmem>> -> memref<1x128x128xf32, #tpu.memory_space<vmem>>
        %swap3A_868 = tpu.memref_squeeze %swap3A_867 : memref<1x128x128xf32, #tpu.memory_space<vmem>> -> memref<128x128xf32, #tpu.memory_space<vmem>>
        %swap3A_869 = arith.index_cast %add3A_753 : i32 to index
        %swap3A_870 = arith.constant 80 : index
        %swap3A_871 = tpu.vector_load %swap3A_868[%swap3A_869, %swap3A_870] {strides = array<i32>} : memref<128x128xf32, #tpu.memory_space<vmem>>, vector<1x16xf32>,
        %swap3A_872 = vector.shape_cast %swap3A_871 : vector<1x16xf32> to vector<16xf32>
        %swap3A_873 = vector.shape_cast %mul3A_864 : vector<16xf32> to vector<1x16xf32>
        tpu.vector_store %swap3A_868[%swap3A_869, %swap3A_870], %swap3A_873 {strides = array<i32>} : memref<128x128xf32, #tpu.memory_space<vmem>>, vector<1x16xf32>,
        %get3A_874 = arith.constant 0 : i32
        %get3A_875 = arith.constant 0 : i32
        %get3A_876 = tpu.memref_slice %arg6[%scan3A_164, %get3A_874, %get3A_875] : memref<2x128x128xf32, #tpu.memory_space<vmem>> -> memref<1x128x128xf32, #tpu.memory_space<vmem>>
        %get3A_877 = tpu.memref_squeeze %get3A_876 : memref<1x128x128xf32, #tpu.memory_space<vmem>> -> memref<128x128xf32, #tpu.memory_space<vmem>>
        %get3A_878 = arith.index_cast %add3A_753 : i32 to index
        %get3A_879 = arith.constant 96 : index
        %get3A_880 = tpu.vector_load %get3A_877[%get3A_878, %get3A_879] {strides = array<i32>} : memref<128x128xf32, #tpu.memory_space<vmem>>, vector<1x16xf32>,
        %get3A_881 = vector.shape_cast %get3A_880 : vector<1x16xf32> to vector<16xf32>
        %mul3A_882 = arith.constant 11.3137083 : f32
        %mul3A_883 = vector.broadcast %mul3A_882 : f32 to vector<16xf32>
        %mul3A_884 = arith.mulf %get3A_881, %mul3A_883 : vector<16xf32>
        %swap3A_885 = arith.constant 0 : i32
        %swap3A_886 = arith.constant 0 : i32
        %swap3A_887 = tpu.memref_slice %arg7[%scan3A_165, %swap3A_885, %swap3A_886] : memref<2x128x128xf32, #tpu.memory_space<vmem>> -> memref<1x128x128xf32, #tpu.memory_space<vmem>>
        %swap3A_888 = tpu.memref_squeeze %swap3A_887 : memref<1x128x128xf32, #tpu.memory_space<vmem>> -> memref<128x128xf32, #tpu.memory_space<vmem>>
        %swap3A_889 = arith.index_cast %add3A_753 : i32 to index
        %swap3A_890 = arith.constant 96 : index
        %swap3A_891 = tpu.vector_load %swap3A_888[%swap3A_889, %swap3A_890] {strides = array<i32>} : memref<128x128xf32, #tpu.memory_space<vmem>>, vector<1x16xf32>,
        %swap3A_892 = vector.shape_cast %swap3A_891 : vector<1x16xf32> to vector<16xf32>
        %swap3A_893 = vector.shape_cast %mul3A_884 : vector<16xf32> to vector<1x16xf32>
        tpu.vector_store %swap3A_888[%swap3A_889, %swap3A_890], %swap3A_893 {strides = array<i32>} : memref<128x128xf32, #tpu.memory_space<vmem>>, vector<1x16xf32>,
        %get3A_894 = arith.constant 0 : i32
        %get3A_895 = arith.constant 0 : i32
        %get3A_896 = tpu.memref_slice %arg6[%scan3A_164, %get3A_894, %get3A_895] : memref<2x128x128xf32, #tpu.memory_space<vmem>> -> memref<1x128x128xf32, #tpu.memory_space<vmem>>
        %get3A_897 = tpu.memref_squeeze %get3A_896 : memref<1x128x128xf32, #tpu.memory_space<vmem>> -> memref<128x128xf32, #tpu.memory_space<vmem>>
        %get3A_898 = arith.index_cast %add3A_753 : i32 to index
        %get3A_899 = arith.constant 112 : index
        %get3A_900 = tpu.vector_load %get3A_897[%get3A_898, %get3A_899] {strides = array<i32>} : memref<128x128xf32, #tpu.memory_space<vmem>>, vector<1x16xf32>,
        %get3A_901 = vector.shape_cast %get3A_900 : vector<1x16xf32> to vector<16xf32>
        %mul3A_902 = arith.constant 11.3137083 : f32
        %mul3A_903 = vector.broadcast %mul3A_902 : f32 to vector<16xf32>
        %mul3A_904 = arith.mulf %get3A_901, %mul3A_903 : vector<16xf32>
        %swap3A_905 = arith.constant 0 : i32
        %swap3A_906 = arith.constant 0 : i32
        %swap3A_907 = tpu.memref_slice %arg7[%scan3A_165, %swap3A_905, %swap3A_906] : memref<2x128x128xf32, #tpu.memory_space<vmem>> -> memref<1x128x128xf32, #tpu.memory_space<vmem>>
        %swap3A_908 = tpu.memref_squeeze %swap3A_907 : memref<1x128x128xf32, #tpu.memory_space<vmem>> -> memref<128x128xf32, #tpu.memory_space<vmem>>
        %swap3A_909 = arith.index_cast %add3A_753 : i32 to index
        %swap3A_910 = arith.constant 112 : index
        %swap3A_911 = tpu.vector_load %swap3A_908[%swap3A_909, %swap3A_910] {strides = array<i32>} : memref<128x128xf32, #tpu.memory_space<vmem>>, vector<1x16xf32>,
        %swap3A_912 = vector.shape_cast %swap3A_911 : vector<1x16xf32> to vector<16xf32>
        %swap3A_913 = vector.shape_cast %mul3A_904 : vector<16xf32> to vector<1x16xf32>
        tpu.vector_store %swap3A_908[%swap3A_909, %swap3A_910], %swap3A_913 {strides = array<i32>} : memref<128x128xf32, #tpu.memory_space<vmem>>, vector<1x16xf32>,
      }
      %scan3A_170 = arith.constant 128 : i32
      %add3A_171 = arith.constant 2 : i32
      %add3A_172 = arith.addi %add3A_151, %add3A_171 : i32
      %mul3A_173 = arith.constant 128 : i32
      %mul3A_174 = arith.muli %add3A_172, %mul3A_173 : i32
      %dma_start3A_175 = arith.constant 0 : i32
      %dma_start3A_176 = arith.constant 0 : i32
      %dma_start3A_177 = arith.constant 0 : i32
      %dma_start3A_178 = tpu.memref_slice %arg6[%dma_start3A_175, %dma_start3A_176, %dma_start3A_177] : memref<2x128x128xf32, #tpu.memory_space<vmem>> -> memref<1x128x128xf32, #tpu.memory_space<vmem>>
      %dma_start3A_179 = tpu.memref_squeeze %dma_start3A_178 : memref<1x128x128xf32, #tpu.memory_space<vmem>> -> memref<128x128xf32, #tpu.memory_space<vmem>>
      %dma_start3A_180 = tpu.memref_slice %arg5[%mul3A_174] : memref<6400xi32, #tpu.memory_space<vmem>> -> memref<128xi32, #tpu.memory_space<vmem>>
      %dma_start3A_181 = arith.constant 0 : i32
      %dma_start3A_182 = arith.constant 0 : i32
      %dma_start3A_183 = tpu.memref_slice %arg3[%dma_start3A_181, %dma_start3A_182] : memref<100000x128xf32, #tpu.memory_space<hbm>> -> memref<100000x128xf32, #tpu.memory_space<hbm>>
      tpu.enqueue_indirect_dma source(%dma_start3A_183 : memref<100000x128xf32, #tpu.memory_space<hbm>>) target(%dma_start3A_179 : memref<128x128xf32, #tpu.memory_space<vmem>>) offsets(%dma_start3A_180 : memref<128xi32, #tpu.memory_space<vmem>>) semaphore(%arg9 : memref<!tpu.dma_semaphore, #tpu.memory_space<semaphore_mem>>)
      %mul3A_184 = arith.constant 128 : i32
      %mul3A_185 = arith.muli %add3A_151, %mul3A_184 : i32
      %add3A_186 = arith.addi %mul3A_2, %mul3A_185 : i32
      %dma_start3A_187 = arith.constant 0 : i32
      %dma_start3A_188 = arith.constant 0 : i32
      %dma_start3A_189 = arith.constant 0 : i32
      %dma_start3A_190 = tpu.memref_slice %arg7[%dma_start3A_187, %dma_start3A_188, %dma_start3A_189] : memref<2x128x128xf32, #tpu.memory_space<vmem>> -> memref<1x128x128xf32, #tpu.memory_space<vmem>>
      %dma_start3A_191 = tpu.memref_squeeze %dma_start3A_190 : memref<1x128x128xf32, #tpu.memory_space<vmem>> -> memref<128x128xf32, #tpu.memory_space<vmem>>
      %dma_start3A_192 = arith.constant 0 : i32
      %dma_start3A_193 = tpu.memref_slice %arg4[%add3A_186, %dma_start3A_192] : memref<204800x128xf32, #tpu.memory_space<hbm>> -> memref<128x128xf32, #tpu.memory_space<hbm>>
      %dma_start3A_194 = arith.constant 0 : i32
      %dma_start3A_195 = tpu.memref_slice %arg4[%add3A_186, %dma_start3A_194] : memref<204800x128xf32, #tpu.memory_space<hbm>> -> memref<128x128xf32, #tpu.memory_space<hbm>>
      %dma_start3A_196 = arith.constant 0 : i32
      %dma_start3A_197 = arith.constant 0 : i32
      %dma_start3A_198 = tpu.memref_slice %arg7[%dma_start3A_187, %dma_start3A_196, %dma_start3A_197] : memref<2x128x128xf32, #tpu.memory_space<vmem>> -> memref<1x128x128xf32, #tpu.memory_space<vmem>>
      %dma_start3A_199 = tpu.memref_squeeze %dma_start3A_198 : memref<1x128x128xf32, #tpu.memory_space<vmem>> -> memref<128x128xf32, #tpu.memory_space<vmem>>
      tpu.enqueue_dma source(%dma_start3A_199 : memref<128x128xf32, #tpu.memory_space<vmem>>) target(%dma_start3A_195 : memref<128x128xf32, #tpu.memory_space<hbm>>) target_semaphore(%arg11 : memref<!tpu.dma_semaphore, #tpu.memory_space<semaphore_mem>>)
      %add3A_200 = arith.constant 1 : i32
      %add3A_201 = arith.addi %add3A_149, %add3A_200 : i32
      %dma_wait3A_202 = arith.constant 1 : i32
      %dma_wait3A_203 = arith.constant 0 : i32
      %dma_wait3A_204 = arith.constant 0 : i32
      %dma_wait3A_205 = tpu.memref_slice %arg6[%dma_wait3A_202, %dma_wait3A_203, %dma_wait3A_204] : memref<2x128x128xf32, #tpu.memory_space<vmem>> -> memref<1x128x128xf32, #tpu.memory_space<vmem>>
      %dma_wait3A_206 = tpu.memref_squeeze %dma_wait3A_205 : memref<1x128x128xf32, #tpu.memory_space<vmem>> -> memref<128x128xf32, #tpu.memory_space<vmem>>
      %dma_wait3A_207 = arith.constant 0 : i32
      %dma_wait3A_208 = tpu.memref_slice %arg5[%dma_wait3A_207] : memref<6400xi32, #tpu.memory_space<vmem>> -> memref<128xi32, #tpu.memory_space<vmem>>
      %dma_wait3A_209 = arith.constant 0 : i32
      %dma_wait3A_210 = arith.constant 0 : i32
      %dma_wait3A_211 = tpu.memref_slice %arg3[%dma_wait3A_209, %dma_wait3A_210] : memref<100000x128xf32, #tpu.memory_space<hbm>> -> memref<100000x128xf32, #tpu.memory_space<hbm>>
      tpu.wait_indirect_dma semaphore(%arg10 : memref<!tpu.dma_semaphore, #tpu.memory_space<semaphore_mem>>) src(%dma_wait3A_211 : memref<100000x128xf32, #tpu.memory_space<hbm>>) dst(%dma_wait3A_206 : memref<128x128xf32, #tpu.memory_space<vmem>>)
      %gt3A_212 = arith.constant 0 : i32
      %gt3A_213 = arith.cmpi sgt, %add3A_149, %gt3A_212 : i32
      %convert_element_type3A_214 = arith.extui %gt3A_213 : i1 to i32
      %cond3A_215 = arith.constant 0 : i32
      %cond3A_216 = arith.cmpi ne, %convert_element_type3A_214, %cond3A_215 : i32
      scf.if %cond3A_216 {
        %dma_wait3A_253 = arith.constant 1 : i32
        %dma_wait3A_254 = arith.constant 0 : i32
        %dma_wait3A_255 = arith.constant 0 : i32
        %dma_wait3A_256 = tpu.memref_slice %arg7[%dma_wait3A_253, %dma_wait3A_254, %dma_wait3A_255] : memref<2x128x128xf32, #tpu.memory_space<vmem>> -> memref<1x128x128xf32, #tpu.memory_space<vmem>>
        %dma_wait3A_257 = tpu.memref_squeeze %dma_wait3A_256 : memref<1x128x128xf32, #tpu.memory_space<vmem>> -> memref<128x128xf32, #tpu.memory_space<vmem>>
        %dma_wait3A_258 = arith.constant 0 : i32
        %dma_wait3A_259 = tpu.memref_slice %arg4[%mul3A_2, %dma_wait3A_258] : memref<204800x128xf32, #tpu.memory_space<hbm>> -> memref<128x128xf32, #tpu.memory_space<hbm>>
        %dma_wait3A_260 = arith.constant 0 : i32
        %dma_wait3A_261 = tpu.memref_slice %arg4[%mul3A_2, %dma_wait3A_260] : memref<204800x128xf32, #tpu.memory_space<hbm>> -> memref<128x128xf32, #tpu.memory_space<hbm>>
        %dma_wait3A_262 = arith.constant 0 : i32
        %dma_wait3A_263 = arith.constant 0 : i32
        %dma_wait3A_264 = tpu.memref_slice %arg7[%dma_wait3A_253, %dma_wait3A_262, %dma_wait3A_263] : memref<2x128x128xf32, #tpu.memory_space<vmem>> -> memref<1x128x128xf32, #tpu.memory_space<vmem>>
        %dma_wait3A_265 = tpu.memref_squeeze %dma_wait3A_264 : memref<1x128x128xf32, #tpu.memory_space<vmem>> -> memref<128x128xf32, #tpu.memory_space<vmem>>
        tpu.wait_dma2 semaphore(%arg12 : memref<!tpu.dma_semaphore, #tpu.memory_space<semaphore_mem>>) src(%dma_wait3A_265 : memref<128x128xf32, #tpu.memory_space<vmem>>) dst(%dma_wait3A_261 : memref<128x128xf32, #tpu.memory_space<hbm>>)
      } else {
      }
      %scan3A_217 = arith.constant 1 : i32
      %scan3A_218 = arith.constant 1 : i32
      %scan3A_219 = arith.constant 0 : i32
      %scan3A_220 = arith.constant 128 : i32
      %scan3A_221 = arith.addi %scan3A_219, %scan3A_220 : i32
      %scan3A_222 = arith.constant 4 : i32
      scf.for %scan3A_253 = %scan3A_219 to %scan3A_221 step %scan3A_222  : i32 {
        %mul3A_254 = arith.constant 1 : i32
        %mul3A_255 = arith.muli %scan3A_253, %mul3A_254 : i32
        %add3A_256 = arith.constant 0 : i32
        %add3A_257 = arith.addi %add3A_256, %mul3A_255 : i32
        %get3A = arith.constant 0 : i32
        %get3A_258 = arith.constant 0 : i32
        %get3A_259 = tpu.memref_slice %arg6[%scan3A_217, %get3A, %get3A_258] : memref<2x128x128xf32, #tpu.memory_space<vmem>> -> memref<1x128x128xf32, #tpu.memory_space<vmem>>
        %get3A_260 = tpu.memref_squeeze %get3A_259 : memref<1x128x128xf32, #tpu.memory_space<vmem>> -> memref<128x128xf32, #tpu.memory_space<vmem>>
        %get3A_261 = arith.index_cast %add3A_257 : i32 to index
        %get3A_262 = arith.constant 0 : index
        %get3A_263 = tpu.vector_load %get3A_260[%get3A_261, %get3A_262] {strides = array<i32>} : memref<128x128xf32, #tpu.memory_space<vmem>>, vector<1x16xf32>,
        %get3A_264 = vector.shape_cast %get3A_263 : vector<1x16xf32> to vector<16xf32>
        %mul3A_265 = arith.constant 11.3137083 : f32
        %mul3A_266 = vector.broadcast %mul3A_265 : f32 to vector<16xf32>
        %mul3A_267 = arith.mulf %get3A_264, %mul3A_266 : vector<16xf32>
        %swap3A = arith.constant 0 : i32
        %swap3A_268 = arith.constant 0 : i32
        %swap3A_269 = tpu.memref_slice %arg7[%scan3A_218, %swap3A, %swap3A_268] : memref<2x128x128xf32, #tpu.memory_space<vmem>> -> memref<1x128x128xf32, #tpu.memory_space<vmem>>
        %swap3A_270 = tpu.memref_squeeze %swap3A_269 : memref<1x128x128xf32, #tpu.memory_space<vmem>> -> memref<128x128xf32, #tpu.memory_space<vmem>>
        %swap3A_271 = arith.index_cast %add3A_257 : i32 to index
        %swap3A_272 = arith.constant 0 : index
        %swap3A_273 = tpu.vector_load %swap3A_270[%swap3A_271, %swap3A_272] {strides = array<i32>} : memref<128x128xf32, #tpu.memory_space<vmem>>, vector<1x16xf32>,
        %swap3A_274 = vector.shape_cast %swap3A_273 : vector<1x16xf32> to vector<16xf32>
        %swap3A_275 = vector.shape_cast %mul3A_267 : vector<16xf32> to vector<1x16xf32>
        tpu.vector_store %swap3A_270[%swap3A_271, %swap3A_272], %swap3A_275 {strides = array<i32>} : memref<128x128xf32, #tpu.memory_space<vmem>>, vector<1x16xf32>,
        %get3A_276 = arith.constant 0 : i32
        %get3A_277 = arith.constant 0 : i32
        %get3A_278 = tpu.memref_slice %arg6[%scan3A_217, %get3A_276, %get3A_277] : memref<2x128x128xf32, #tpu.memory_space<vmem>> -> memref<1x128x128xf32, #tpu.memory_space<vmem>>
        %get3A_279 = tpu.memref_squeeze %get3A_278 : memref<1x128x128xf32, #tpu.memory_space<vmem>> -> memref<128x128xf32, #tpu.memory_space<vmem>>
        %get3A_280 = arith.index_cast %add3A_257 : i32 to index
        %get3A_281 = arith.constant 16 : index
        %get3A_282 = tpu.vector_load %get3A_279[%get3A_280, %get3A_281] {strides = array<i32>} : memref<128x128xf32, #tpu.memory_space<vmem>>, vector<1x16xf32>,
        %get3A_283 = vector.shape_cast %get3A_282 : vector<1x16xf32> to vector<16xf32>
        %mul3A_284 = arith.constant 11.3137083 : f32
        %mul3A_285 = vector.broadcast %mul3A_284 : f32 to vector<16xf32>
        %mul3A_286 = arith.mulf %get3A_283, %mul3A_285 : vector<16xf32>
        %swap3A_287 = arith.constant 0 : i32
        %swap3A_288 = arith.constant 0 : i32
        %swap3A_289 = tpu.memref_slice %arg7[%scan3A_218, %swap3A_287, %swap3A_288] : memref<2x128x128xf32, #tpu.memory_space<vmem>> -> memref<1x128x128xf32, #tpu.memory_space<vmem>>
        %swap3A_290 = tpu.memref_squeeze %swap3A_289 : memref<1x128x128xf32, #tpu.memory_space<vmem>> -> memref<128x128xf32, #tpu.memory_space<vmem>>
        %swap3A_291 = arith.index_cast %add3A_257 : i32 to index
        %swap3A_292 = arith.constant 16 : index
        %swap3A_293 = tpu.vector_load %swap3A_290[%swap3A_291, %swap3A_292] {strides = array<i32>} : memref<128x128xf32, #tpu.memory_space<vmem>>, vector<1x16xf32>,
        %swap3A_294 = vector.shape_cast %swap3A_293 : vector<1x16xf32> to vector<16xf32>
        %swap3A_295 = vector.shape_cast %mul3A_286 : vector<16xf32> to vector<1x16xf32>
        tpu.vector_store %swap3A_290[%swap3A_291, %swap3A_292], %swap3A_295 {strides = array<i32>} : memref<128x128xf32, #tpu.memory_space<vmem>>, vector<1x16xf32>,
        %get3A_296 = arith.constant 0 : i32
        %get3A_297 = arith.constant 0 : i32
        %get3A_298 = tpu.memref_slice %arg6[%scan3A_217, %get3A_296, %get3A_297] : memref<2x128x128xf32, #tpu.memory_space<vmem>> -> memref<1x128x128xf32, #tpu.memory_space<vmem>>
        %get3A_299 = tpu.memref_squeeze %get3A_298 : memref<1x128x128xf32, #tpu.memory_space<vmem>> -> memref<128x128xf32, #tpu.memory_space<vmem>>
        %get3A_300 = arith.index_cast %add3A_257 : i32 to index
        %get3A_301 = arith.constant 32 : index
        %get3A_302 = tpu.vector_load %get3A_299[%get3A_300, %get3A_301] {strides = array<i32>} : memref<128x128xf32, #tpu.memory_space<vmem>>, vector<1x16xf32>,
        %get3A_303 = vector.shape_cast %get3A_302 : vector<1x16xf32> to vector<16xf32>
        %mul3A_304 = arith.constant 11.3137083 : f32
        %mul3A_305 = vector.broadcast %mul3A_304 : f32 to vector<16xf32>
        %mul3A_306 = arith.mulf %get3A_303, %mul3A_305 : vector<16xf32>
        %swap3A_307 = arith.constant 0 : i32
        %swap3A_308 = arith.constant 0 : i32
        %swap3A_309 = tpu.memref_slice %arg7[%scan3A_218, %swap3A_307, %swap3A_308] : memref<2x128x128xf32, #tpu.memory_space<vmem>> -> memref<1x128x128xf32, #tpu.memory_space<vmem>>
        %swap3A_310 = tpu.memref_squeeze %swap3A_309 : memref<1x128x128xf32, #tpu.memory_space<vmem>> -> memref<128x128xf32, #tpu.memory_space<vmem>>
        %swap3A_311 = arith.index_cast %add3A_257 : i32 to index
        %swap3A_312 = arith.constant 32 : index
        %swap3A_313 = tpu.vector_load %swap3A_310[%swap3A_311, %swap3A_312] {strides = array<i32>} : memref<128x128xf32, #tpu.memory_space<vmem>>, vector<1x16xf32>,
        %swap3A_314 = vector.shape_cast %swap3A_313 : vector<1x16xf32> to vector<16xf32>
        %swap3A_315 = vector.shape_cast %mul3A_306 : vector<16xf32> to vector<1x16xf32>
        tpu.vector_store %swap3A_310[%swap3A_311, %swap3A_312], %swap3A_315 {strides = array<i32>} : memref<128x128xf32, #tpu.memory_space<vmem>>, vector<1x16xf32>,
        %get3A_316 = arith.constant 0 : i32
        %get3A_317 = arith.constant 0 : i32
        %get3A_318 = tpu.memref_slice %arg6[%scan3A_217, %get3A_316, %get3A_317] : memref<2x128x128xf32, #tpu.memory_space<vmem>> -> memref<1x128x128xf32, #tpu.memory_space<vmem>>
        %get3A_319 = tpu.memref_squeeze %get3A_318 : memref<1x128x128xf32, #tpu.memory_space<vmem>> -> memref<128x128xf32, #tpu.memory_space<vmem>>
        %get3A_320 = arith.index_cast %add3A_257 : i32 to index
        %get3A_321 = arith.constant 48 : index
        %get3A_322 = tpu.vector_load %get3A_319[%get3A_320, %get3A_321] {strides = array<i32>} : memref<128x128xf32, #tpu.memory_space<vmem>>, vector<1x16xf32>,
        %get3A_323 = vector.shape_cast %get3A_322 : vector<1x16xf32> to vector<16xf32>
        %mul3A_324 = arith.constant 11.3137083 : f32
        %mul3A_325 = vector.broadcast %mul3A_324 : f32 to vector<16xf32>
        %mul3A_326 = arith.mulf %get3A_323, %mul3A_325 : vector<16xf32>
        %swap3A_327 = arith.constant 0 : i32
        %swap3A_328 = arith.constant 0 : i32
        %swap3A_329 = tpu.memref_slice %arg7[%scan3A_218, %swap3A_327, %swap3A_328] : memref<2x128x128xf32, #tpu.memory_space<vmem>> -> memref<1x128x128xf32, #tpu.memory_space<vmem>>
        %swap3A_330 = tpu.memref_squeeze %swap3A_329 : memref<1x128x128xf32, #tpu.memory_space<vmem>> -> memref<128x128xf32, #tpu.memory_space<vmem>>
        %swap3A_331 = arith.index_cast %add3A_257 : i32 to index
        %swap3A_332 = arith.constant 48 : index
        %swap3A_333 = tpu.vector_load %swap3A_330[%swap3A_331, %swap3A_332] {strides = array<i32>} : memref<128x128xf32, #tpu.memory_space<vmem>>, vector<1x16xf32>,
        %swap3A_334 = vector.shape_cast %swap3A_333 : vector<1x16xf32> to vector<16xf32>
        %swap3A_335 = vector.shape_cast %mul3A_326 : vector<16xf32> to vector<1x16xf32>
        tpu.vector_store %swap3A_330[%swap3A_331, %swap3A_332], %swap3A_335 {strides = array<i32>} : memref<128x128xf32, #tpu.memory_space<vmem>>, vector<1x16xf32>,
        %get3A_336 = arith.constant 0 : i32
        %get3A_337 = arith.constant 0 : i32
        %get3A_338 = tpu.memref_slice %arg6[%scan3A_217, %get3A_336, %get3A_337] : memref<2x128x128xf32, #tpu.memory_space<vmem>> -> memref<1x128x128xf32, #tpu.memory_space<vmem>>
        %get3A_339 = tpu.memref_squeeze %get3A_338 : memref<1x128x128xf32, #tpu.memory_space<vmem>> -> memref<128x128xf32, #tpu.memory_space<vmem>>
        %get3A_340 = arith.index_cast %add3A_257 : i32 to index
        %get3A_341 = arith.constant 64 : index
        %get3A_342 = tpu.vector_load %get3A_339[%get3A_340, %get3A_341] {strides = array<i32>} : memref<128x128xf32, #tpu.memory_space<vmem>>, vector<1x16xf32>,
        %get3A_343 = vector.shape_cast %get3A_342 : vector<1x16xf32> to vector<16xf32>
        %mul3A_344 = arith.constant 11.3137083 : f32
        %mul3A_345 = vector.broadcast %mul3A_344 : f32 to vector<16xf32>
        %mul3A_346 = arith.mulf %get3A_343, %mul3A_345 : vector<16xf32>
        %swap3A_347 = arith.constant 0 : i32
        %swap3A_348 = arith.constant 0 : i32
        %swap3A_349 = tpu.memref_slice %arg7[%scan3A_218, %swap3A_347, %swap3A_348] : memref<2x128x128xf32, #tpu.memory_space<vmem>> -> memref<1x128x128xf32, #tpu.memory_space<vmem>>
        %swap3A_350 = tpu.memref_squeeze %swap3A_349 : memref<1x128x128xf32, #tpu.memory_space<vmem>> -> memref<128x128xf32, #tpu.memory_space<vmem>>
        %swap3A_351 = arith.index_cast %add3A_257 : i32 to index
        %swap3A_352 = arith.constant 64 : index
        %swap3A_353 = tpu.vector_load %swap3A_350[%swap3A_351, %swap3A_352] {strides = array<i32>} : memref<128x128xf32, #tpu.memory_space<vmem>>, vector<1x16xf32>,
        %swap3A_354 = vector.shape_cast %swap3A_353 : vector<1x16xf32> to vector<16xf32>
        %swap3A_355 = vector.shape_cast %mul3A_346 : vector<16xf32> to vector<1x16xf32>
        tpu.vector_store %swap3A_350[%swap3A_351, %swap3A_352], %swap3A_355 {strides = array<i32>} : memref<128x128xf32, #tpu.memory_space<vmem>>, vector<1x16xf32>,
        %get3A_356 = arith.constant 0 : i32
        %get3A_357 = arith.constant 0 : i32
        %get3A_358 = tpu.memref_slice %arg6[%scan3A_217, %get3A_356, %get3A_357] : memref<2x128x128xf32, #tpu.memory_space<vmem>> -> memref<1x128x128xf32, #tpu.memory_space<vmem>>
        %get3A_359 = tpu.memref_squeeze %get3A_358 : memref<1x128x128xf32, #tpu.memory_space<vmem>> -> memref<128x128xf32, #tpu.memory_space<vmem>>
        %get3A_360 = arith.index_cast %add3A_257 : i32 to index
        %get3A_361 = arith.constant 80 : index
        %get3A_362 = tpu.vector_load %get3A_359[%get3A_360, %get3A_361] {strides = array<i32>} : memref<128x128xf32, #tpu.memory_space<vmem>>, vector<1x16xf32>,
        %get3A_363 = vector.shape_cast %get3A_362 : vector<1x16xf32> to vector<16xf32>
        %mul3A_364 = arith.constant 11.3137083 : f32
        %mul3A_365 = vector.broadcast %mul3A_364 : f32 to vector<16xf32>
        %mul3A_366 = arith.mulf %get3A_363, %mul3A_365 : vector<16xf32>
        %swap3A_367 = arith.constant 0 : i32
        %swap3A_368 = arith.constant 0 : i32
        %swap3A_369 = tpu.memref_slice %arg7[%scan3A_218, %swap3A_367, %swap3A_368] : memref<2x128x128xf32, #tpu.memory_space<vmem>> -> memref<1x128x128xf32, #tpu.memory_space<vmem>>
        %swap3A_370 = tpu.memref_squeeze %swap3A_369 : memref<1x128x128xf32, #tpu.memory_space<vmem>> -> memref<128x128xf32, #tpu.memory_space<vmem>>
        %swap3A_371 = arith.index_cast %add3A_257 : i32 to index
        %swap3A_372 = arith.constant 80 : index
        %swap3A_373 = tpu.vector_load %swap3A_370[%swap3A_371, %swap3A_372] {strides = array<i32>} : memref<128x128xf32, #tpu.memory_space<vmem>>, vector<1x16xf32>,
        %swap3A_374 = vector.shape_cast %swap3A_373 : vector<1x16xf32> to vector<16xf32>
        %swap3A_375 = vector.shape_cast %mul3A_366 : vector<16xf32> to vector<1x16xf32>
        tpu.vector_store %swap3A_370[%swap3A_371, %swap3A_372], %swap3A_375 {strides = array<i32>} : memref<128x128xf32, #tpu.memory_space<vmem>>, vector<1x16xf32>,
        %get3A_376 = arith.constant 0 : i32
        %get3A_377 = arith.constant 0 : i32
        %get3A_378 = tpu.memref_slice %arg6[%scan3A_217, %get3A_376, %get3A_377] : memref<2x128x128xf32, #tpu.memory_space<vmem>> -> memref<1x128x128xf32, #tpu.memory_space<vmem>>
        %get3A_379 = tpu.memref_squeeze %get3A_378 : memref<1x128x128xf32, #tpu.memory_space<vmem>> -> memref<128x128xf32, #tpu.memory_space<vmem>>
        %get3A_380 = arith.index_cast %add3A_257 : i32 to index
        %get3A_381 = arith.constant 96 : index
        %get3A_382 = tpu.vector_load %get3A_379[%get3A_380, %get3A_381] {strides = array<i32>} : memref<128x128xf32, #tpu.memory_space<vmem>>, vector<1x16xf32>,
        %get3A_383 = vector.shape_cast %get3A_382 : vector<1x16xf32> to vector<16xf32>
        %mul3A_384 = arith.constant 11.3137083 : f32
        %mul3A_385 = vector.broadcast %mul3A_384 : f32 to vector<16xf32>
        %mul3A_386 = arith.mulf %get3A_383, %mul3A_385 : vector<16xf32>
        %swap3A_387 = arith.constant 0 : i32
        %swap3A_388 = arith.constant 0 : i32
        %swap3A_389 = tpu.memref_slice %arg7[%scan3A_218, %swap3A_387, %swap3A_388] : memref<2x128x128xf32, #tpu.memory_space<vmem>> -> memref<1x128x128xf32, #tpu.memory_space<vmem>>
        %swap3A_390 = tpu.memref_squeeze %swap3A_389 : memref<1x128x128xf32, #tpu.memory_space<vmem>> -> memref<128x128xf32, #tpu.memory_space<vmem>>
        %swap3A_391 = arith.index_cast %add3A_257 : i32 to index
        %swap3A_392 = arith.constant 96 : index
        %swap3A_393 = tpu.vector_load %swap3A_390[%swap3A_391, %swap3A_392] {strides = array<i32>} : memref<128x128xf32, #tpu.memory_space<vmem>>, vector<1x16xf32>,
        %swap3A_394 = vector.shape_cast %swap3A_393 : vector<1x16xf32> to vector<16xf32>
        %swap3A_395 = vector.shape_cast %mul3A_386 : vector<16xf32> to vector<1x16xf32>
        tpu.vector_store %swap3A_390[%swap3A_391, %swap3A_392], %swap3A_395 {strides = array<i32>} : memref<128x128xf32, #tpu.memory_space<vmem>>, vector<1x16xf32>,
        %get3A_396 = arith.constant 0 : i32
        %get3A_397 = arith.constant 0 : i32
        %get3A_398 = tpu.memref_slice %arg6[%scan3A_217, %get3A_396, %get3A_397] : memref<2x128x128xf32, #tpu.memory_space<vmem>> -> memref<1x128x128xf32, #tpu.memory_space<vmem>>
        %get3A_399 = tpu.memref_squeeze %get3A_398 : memref<1x128x128xf32, #tpu.memory_space<vmem>> -> memref<128x128xf32, #tpu.memory_space<vmem>>
        %get3A_400 = arith.index_cast %add3A_257 : i32 to index
        %get3A_401 = arith.constant 112 : index
        %get3A_402 = tpu.vector_load %get3A_399[%get3A_400, %get3A_401] {strides = array<i32>} : memref<128x128xf32, #tpu.memory_space<vmem>>, vector<1x16xf32>,
        %get3A_403 = vector.shape_cast %get3A_402 : vector<1x16xf32> to vector<16xf32>
        %mul3A_404 = arith.constant 11.3137083 : f32
        %mul3A_405 = vector.broadcast %mul3A_404 : f32 to vector<16xf32>
        %mul3A_406 = arith.mulf %get3A_403, %mul3A_405 : vector<16xf32>
        %swap3A_407 = arith.constant 0 : i32
        %swap3A_408 = arith.constant 0 : i32
        %swap3A_409 = tpu.memref_slice %arg7[%scan3A_218, %swap3A_407, %swap3A_408] : memref<2x128x128xf32, #tpu.memory_space<vmem>> -> memref<1x128x128xf32, #tpu.memory_space<vmem>>
        %swap3A_410 = tpu.memref_squeeze %swap3A_409 : memref<1x128x128xf32, #tpu.memory_space<vmem>> -> memref<128x128xf32, #tpu.memory_space<vmem>>
        %swap3A_411 = arith.index_cast %add3A_257 : i32 to index
        %swap3A_412 = arith.constant 112 : index
        %swap3A_413 = tpu.vector_load %swap3A_410[%swap3A_411, %swap3A_412] {strides = array<i32>} : memref<128x128xf32, #tpu.memory_space<vmem>>, vector<1x16xf32>,
        %swap3A_414 = vector.shape_cast %swap3A_413 : vector<1x16xf32> to vector<16xf32>
        %swap3A_415 = vector.shape_cast %mul3A_406 : vector<16xf32> to vector<1x16xf32>
        tpu.vector_store %swap3A_410[%swap3A_411, %swap3A_412], %swap3A_415 {strides = array<i32>} : memref<128x128xf32, #tpu.memory_space<vmem>>, vector<1x16xf32>,
        %scan3A_416 = arith.constant 1 : i32
        %scan3A_417 = arith.addi %scan3A_253, %scan3A_416 : i32
        %mul3A_418 = arith.constant 1 : i32
        %mul3A_419 = arith.muli %scan3A_417, %mul3A_418 : i32
        %add3A_420 = arith.constant 0 : i32
        %add3A_421 = arith.addi %add3A_420, %mul3A_419 : i32
        %get3A_422 = arith.constant 0 : i32
        %get3A_423 = arith.constant 0 : i32
        %get3A_424 = tpu.memref_slice %arg6[%scan3A_217, %get3A_422, %get3A_423] : memref<2x128x128xf32, #tpu.memory_space<vmem>> -> memref<1x128x128xf32, #tpu.memory_space<vmem>>
        %get3A_425 = tpu.memref_squeeze %get3A_424 : memref<1x128x128xf32, #tpu.memory_space<vmem>> -> memref<128x128xf32, #tpu.memory_space<vmem>>
        %get3A_426 = arith.index_cast %add3A_421 : i32 to index
        %get3A_427 = arith.constant 0 : index
        %get3A_428 = tpu.vector_load %get3A_425[%get3A_426, %get3A_427] {strides = array<i32>} : memref<128x128xf32, #tpu.memory_space<vmem>>, vector<1x16xf32>,
        %get3A_429 = vector.shape_cast %get3A_428 : vector<1x16xf32> to vector<16xf32>
        %mul3A_430 = arith.constant 11.3137083 : f32
        %mul3A_431 = vector.broadcast %mul3A_430 : f32 to vector<16xf32>
        %mul3A_432 = arith.mulf %get3A_429, %mul3A_431 : vector<16xf32>
        %swap3A_433 = arith.constant 0 : i32
        %swap3A_434 = arith.constant 0 : i32
        %swap3A_435 = tpu.memref_slice %arg7[%scan3A_218, %swap3A_433, %swap3A_434] : memref<2x128x128xf32, #tpu.memory_space<vmem>> -> memref<1x128x128xf32, #tpu.memory_space<vmem>>
        %swap3A_436 = tpu.memref_squeeze %swap3A_435 : memref<1x128x128xf32, #tpu.memory_space<vmem>> -> memref<128x128xf32, #tpu.memory_space<vmem>>
        %swap3A_437 = arith.index_cast %add3A_421 : i32 to index
        %swap3A_438 = arith.constant 0 : index
        %swap3A_439 = tpu.vector_load %swap3A_436[%swap3A_437, %swap3A_438] {strides = array<i32>} : memref<128x128xf32, #tpu.memory_space<vmem>>, vector<1x16xf32>,
        %swap3A_440 = vector.shape_cast %swap3A_439 : vector<1x16xf32> to vector<16xf32>
        %swap3A_441 = vector.shape_cast %mul3A_432 : vector<16xf32> to vector<1x16xf32>
        tpu.vector_store %swap3A_436[%swap3A_437, %swap3A_438], %swap3A_441 {strides = array<i32>} : memref<128x128xf32, #tpu.memory_space<vmem>>, vector<1x16xf32>,
        %get3A_442 = arith.constant 0 : i32
        %get3A_443 = arith.constant 0 : i32
        %get3A_444 = tpu.memref_slice %arg6[%scan3A_217, %get3A_442, %get3A_443] : memref<2x128x128xf32, #tpu.memory_space<vmem>> -> memref<1x128x128xf32, #tpu.memory_space<vmem>>
        %get3A_445 = tpu.memref_squeeze %get3A_444 : memref<1x128x128xf32, #tpu.memory_space<vmem>> -> memref<128x128xf32, #tpu.memory_space<vmem>>
        %get3A_446 = arith.index_cast %add3A_421 : i32 to index
        %get3A_447 = arith.constant 16 : index
        %get3A_448 = tpu.vector_load %get3A_445[%get3A_446, %get3A_447] {strides = array<i32>} : memref<128x128xf32, #tpu.memory_space<vmem>>, vector<1x16xf32>,
        %get3A_449 = vector.shape_cast %get3A_448 : vector<1x16xf32> to vector<16xf32>
        %mul3A_450 = arith.constant 11.3137083 : f32
        %mul3A_451 = vector.broadcast %mul3A_450 : f32 to vector<16xf32>
        %mul3A_452 = arith.mulf %get3A_449, %mul3A_451 : vector<16xf32>
        %swap3A_453 = arith.constant 0 : i32
        %swap3A_454 = arith.constant 0 : i32
        %swap3A_455 = tpu.memref_slice %arg7[%scan3A_218, %swap3A_453, %swap3A_454] : memref<2x128x128xf32, #tpu.memory_space<vmem>> -> memref<1x128x128xf32, #tpu.memory_space<vmem>>
        %swap3A_456 = tpu.memref_squeeze %swap3A_455 : memref<1x128x128xf32, #tpu.memory_space<vmem>> -> memref<128x128xf32, #tpu.memory_space<vmem>>
        %swap3A_457 = arith.index_cast %add3A_421 : i32 to index
        %swap3A_458 = arith.constant 16 : index
        %swap3A_459 = tpu.vector_load %swap3A_456[%swap3A_457, %swap3A_458] {strides = array<i32>} : memref<128x128xf32, #tpu.memory_space<vmem>>, vector<1x16xf32>,
        %swap3A_460 = vector.shape_cast %swap3A_459 : vector<1x16xf32> to vector<16xf32>
        %swap3A_461 = vector.shape_cast %mul3A_452 : vector<16xf32> to vector<1x16xf32>
        tpu.vector_store %swap3A_456[%swap3A_457, %swap3A_458], %swap3A_461 {strides = array<i32>} : memref<128x128xf32, #tpu.memory_space<vmem>>, vector<1x16xf32>,
        %get3A_462 = arith.constant 0 : i32
        %get3A_463 = arith.constant 0 : i32
        %get3A_464 = tpu.memref_slice %arg6[%scan3A_217, %get3A_462, %get3A_463] : memref<2x128x128xf32, #tpu.memory_space<vmem>> -> memref<1x128x128xf32, #tpu.memory_space<vmem>>
        %get3A_465 = tpu.memref_squeeze %get3A_464 : memref<1x128x128xf32, #tpu.memory_space<vmem>> -> memref<128x128xf32, #tpu.memory_space<vmem>>
        %get3A_466 = arith.index_cast %add3A_421 : i32 to index
        %get3A_467 = arith.constant 32 : index
        %get3A_468 = tpu.vector_load %get3A_465[%get3A_466, %get3A_467] {strides = array<i32>} : memref<128x128xf32, #tpu.memory_space<vmem>>, vector<1x16xf32>,
        %get3A_469 = vector.shape_cast %get3A_468 : vector<1x16xf32> to vector<16xf32>
        %mul3A_470 = arith.constant 11.3137083 : f32
        %mul3A_471 = vector.broadcast %mul3A_470 : f32 to vector<16xf32>
        %mul3A_472 = arith.mulf %get3A_469, %mul3A_471 : vector<16xf32>
        %swap3A_473 = arith.constant 0 : i32
        %swap3A_474 = arith.constant 0 : i32
        %swap3A_475 = tpu.memref_slice %arg7[%scan3A_218, %swap3A_473, %swap3A_474] : memref<2x128x128xf32, #tpu.memory_space<vmem>> -> memref<1x128x128xf32, #tpu.memory_space<vmem>>
        %swap3A_476 = tpu.memref_squeeze %swap3A_475 : memref<1x128x128xf32, #tpu.memory_space<vmem>> -> memref<128x128xf32, #tpu.memory_space<vmem>>
        %swap3A_477 = arith.index_cast %add3A_421 : i32 to index
        %swap3A_478 = arith.constant 32 : index
        %swap3A_479 = tpu.vector_load %swap3A_476[%swap3A_477, %swap3A_478] {strides = array<i32>} : memref<128x128xf32, #tpu.memory_space<vmem>>, vector<1x16xf32>,
        %swap3A_480 = vector.shape_cast %swap3A_479 : vector<1x16xf32> to vector<16xf32>
        %swap3A_481 = vector.shape_cast %mul3A_472 : vector<16xf32> to vector<1x16xf32>
        tpu.vector_store %swap3A_476[%swap3A_477, %swap3A_478], %swap3A_481 {strides = array<i32>} : memref<128x128xf32, #tpu.memory_space<vmem>>, vector<1x16xf32>,
        %get3A_482 = arith.constant 0 : i32
        %get3A_483 = arith.constant 0 : i32
        %get3A_484 = tpu.memref_slice %arg6[%scan3A_217, %get3A_482, %get3A_483] : memref<2x128x128xf32, #tpu.memory_space<vmem>> -> memref<1x128x128xf32, #tpu.memory_space<vmem>>
        %get3A_485 = tpu.memref_squeeze %get3A_484 : memref<1x128x128xf32, #tpu.memory_space<vmem>> -> memref<128x128xf32, #tpu.memory_space<vmem>>
        %get3A_486 = arith.index_cast %add3A_421 : i32 to index
        %get3A_487 = arith.constant 48 : index
        %get3A_488 = tpu.vector_load %get3A_485[%get3A_486, %get3A_487] {strides = array<i32>} : memref<128x128xf32, #tpu.memory_space<vmem>>, vector<1x16xf32>,
        %get3A_489 = vector.shape_cast %get3A_488 : vector<1x16xf32> to vector<16xf32>
        %mul3A_490 = arith.constant 11.3137083 : f32
        %mul3A_491 = vector.broadcast %mul3A_490 : f32 to vector<16xf32>
        %mul3A_492 = arith.mulf %get3A_489, %mul3A_491 : vector<16xf32>
        %swap3A_493 = arith.constant 0 : i32
        %swap3A_494 = arith.constant 0 : i32
        %swap3A_495 = tpu.memref_slice %arg7[%scan3A_218, %swap3A_493, %swap3A_494] : memref<2x128x128xf32, #tpu.memory_space<vmem>> -> memref<1x128x128xf32, #tpu.memory_space<vmem>>
        %swap3A_496 = tpu.memref_squeeze %swap3A_495 : memref<1x128x128xf32, #tpu.memory_space<vmem>> -> memref<128x128xf32, #tpu.memory_space<vmem>>
        %swap3A_497 = arith.index_cast %add3A_421 : i32 to index
        %swap3A_498 = arith.constant 48 : index
        %swap3A_499 = tpu.vector_load %swap3A_496[%swap3A_497, %swap3A_498] {strides = array<i32>} : memref<128x128xf32, #tpu.memory_space<vmem>>, vector<1x16xf32>,
        %swap3A_500 = vector.shape_cast %swap3A_499 : vector<1x16xf32> to vector<16xf32>
        %swap3A_501 = vector.shape_cast %mul3A_492 : vector<16xf32> to vector<1x16xf32>
        tpu.vector_store %swap3A_496[%swap3A_497, %swap3A_498], %swap3A_501 {strides = array<i32>} : memref<128x128xf32, #tpu.memory_space<vmem>>, vector<1x16xf32>,
        %get3A_502 = arith.constant 0 : i32
        %get3A_503 = arith.constant 0 : i32
        %get3A_504 = tpu.memref_slice %arg6[%scan3A_217, %get3A_502, %get3A_503] : memref<2x128x128xf32, #tpu.memory_space<vmem>> -> memref<1x128x128xf32, #tpu.memory_space<vmem>>
        %get3A_505 = tpu.memref_squeeze %get3A_504 : memref<1x128x128xf32, #tpu.memory_space<vmem>> -> memref<128x128xf32, #tpu.memory_space<vmem>>
        %get3A_506 = arith.index_cast %add3A_421 : i32 to index
        %get3A_507 = arith.constant 64 : index
        %get3A_508 = tpu.vector_load %get3A_505[%get3A_506, %get3A_507] {strides = array<i32>} : memref<128x128xf32, #tpu.memory_space<vmem>>, vector<1x16xf32>,
        %get3A_509 = vector.shape_cast %get3A_508 : vector<1x16xf32> to vector<16xf32>
        %mul3A_510 = arith.constant 11.3137083 : f32
        %mul3A_511 = vector.broadcast %mul3A_510 : f32 to vector<16xf32>
        %mul3A_512 = arith.mulf %get3A_509, %mul3A_511 : vector<16xf32>
        %swap3A_513 = arith.constant 0 : i32
        %swap3A_514 = arith.constant 0 : i32
        %swap3A_515 = tpu.memref_slice %arg7[%scan3A_218, %swap3A_513, %swap3A_514] : memref<2x128x128xf32, #tpu.memory_space<vmem>> -> memref<1x128x128xf32, #tpu.memory_space<vmem>>
        %swap3A_516 = tpu.memref_squeeze %swap3A_515 : memref<1x128x128xf32, #tpu.memory_space<vmem>> -> memref<128x128xf32, #tpu.memory_space<vmem>>
        %swap3A_517 = arith.index_cast %add3A_421 : i32 to index
        %swap3A_518 = arith.constant 64 : index
        %swap3A_519 = tpu.vector_load %swap3A_516[%swap3A_517, %swap3A_518] {strides = array<i32>} : memref<128x128xf32, #tpu.memory_space<vmem>>, vector<1x16xf32>,
        %swap3A_520 = vector.shape_cast %swap3A_519 : vector<1x16xf32> to vector<16xf32>
        %swap3A_521 = vector.shape_cast %mul3A_512 : vector<16xf32> to vector<1x16xf32>
        tpu.vector_store %swap3A_516[%swap3A_517, %swap3A_518], %swap3A_521 {strides = array<i32>} : memref<128x128xf32, #tpu.memory_space<vmem>>, vector<1x16xf32>,
        %get3A_522 = arith.constant 0 : i32
        %get3A_523 = arith.constant 0 : i32
        %get3A_524 = tpu.memref_slice %arg6[%scan3A_217, %get3A_522, %get3A_523] : memref<2x128x128xf32, #tpu.memory_space<vmem>> -> memref<1x128x128xf32, #tpu.memory_space<vmem>>
        %get3A_525 = tpu.memref_squeeze %get3A_524 : memref<1x128x128xf32, #tpu.memory_space<vmem>> -> memref<128x128xf32, #tpu.memory_space<vmem>>
        %get3A_526 = arith.index_cast %add3A_421 : i32 to index
        %get3A_527 = arith.constant 80 : index
        %get3A_528 = tpu.vector_load %get3A_525[%get3A_526, %get3A_527] {strides = array<i32>} : memref<128x128xf32, #tpu.memory_space<vmem>>, vector<1x16xf32>,
        %get3A_529 = vector.shape_cast %get3A_528 : vector<1x16xf32> to vector<16xf32>
        %mul3A_530 = arith.constant 11.3137083 : f32
        %mul3A_531 = vector.broadcast %mul3A_530 : f32 to vector<16xf32>
        %mul3A_532 = arith.mulf %get3A_529, %mul3A_531 : vector<16xf32>
        %swap3A_533 = arith.constant 0 : i32
        %swap3A_534 = arith.constant 0 : i32
        %swap3A_535 = tpu.memref_slice %arg7[%scan3A_218, %swap3A_533, %swap3A_534] : memref<2x128x128xf32, #tpu.memory_space<vmem>> -> memref<1x128x128xf32, #tpu.memory_space<vmem>>
        %swap3A_536 = tpu.memref_squeeze %swap3A_535 : memref<1x128x128xf32, #tpu.memory_space<vmem>> -> memref<128x128xf32, #tpu.memory_space<vmem>>
        %swap3A_537 = arith.index_cast %add3A_421 : i32 to index
        %swap3A_538 = arith.constant 80 : index
        %swap3A_539 = tpu.vector_load %swap3A_536[%swap3A_537, %swap3A_538] {strides = array<i32>} : memref<128x128xf32, #tpu.memory_space<vmem>>, vector<1x16xf32>,
        %swap3A_540 = vector.shape_cast %swap3A_539 : vector<1x16xf32> to vector<16xf32>
        %swap3A_541 = vector.shape_cast %mul3A_532 : vector<16xf32> to vector<1x16xf32>
        tpu.vector_store %swap3A_536[%swap3A_537, %swap3A_538], %swap3A_541 {strides = array<i32>} : memref<128x128xf32, #tpu.memory_space<vmem>>, vector<1x16xf32>,
        %get3A_542 = arith.constant 0 : i32
        %get3A_543 = arith.constant 0 : i32
        %get3A_544 = tpu.memref_slice %arg6[%scan3A_217, %get3A_542, %get3A_543] : memref<2x128x128xf32, #tpu.memory_space<vmem>> -> memref<1x128x128xf32, #tpu.memory_space<vmem>>
        %get3A_545 = tpu.memref_squeeze %get3A_544 : memref<1x128x128xf32, #tpu.memory_space<vmem>> -> memref<128x128xf32, #tpu.memory_space<vmem>>
        %get3A_546 = arith.index_cast %add3A_421 : i32 to index
        %get3A_547 = arith.constant 96 : index
        %get3A_548 = tpu.vector_load %get3A_545[%get3A_546, %get3A_547] {strides = array<i32>} : memref<128x128xf32, #tpu.memory_space<vmem>>, vector<1x16xf32>,
        %get3A_549 = vector.shape_cast %get3A_548 : vector<1x16xf32> to vector<16xf32>
        %mul3A_550 = arith.constant 11.3137083 : f32
        %mul3A_551 = vector.broadcast %mul3A_550 : f32 to vector<16xf32>
        %mul3A_552 = arith.mulf %get3A_549, %mul3A_551 : vector<16xf32>
        %swap3A_553 = arith.constant 0 : i32
        %swap3A_554 = arith.constant 0 : i32
        %swap3A_555 = tpu.memref_slice %arg7[%scan3A_218, %swap3A_553, %swap3A_554] : memref<2x128x128xf32, #tpu.memory_space<vmem>> -> memref<1x128x128xf32, #tpu.memory_space<vmem>>
        %swap3A_556 = tpu.memref_squeeze %swap3A_555 : memref<1x128x128xf32, #tpu.memory_space<vmem>> -> memref<128x128xf32, #tpu.memory_space<vmem>>
        %swap3A_557 = arith.index_cast %add3A_421 : i32 to index
        %swap3A_558 = arith.constant 96 : index
        %swap3A_559 = tpu.vector_load %swap3A_556[%swap3A_557, %swap3A_558] {strides = array<i32>} : memref<128x128xf32, #tpu.memory_space<vmem>>, vector<1x16xf32>,
        %swap3A_560 = vector.shape_cast %swap3A_559 : vector<1x16xf32> to vector<16xf32>
        %swap3A_561 = vector.shape_cast %mul3A_552 : vector<16xf32> to vector<1x16xf32>
        tpu.vector_store %swap3A_556[%swap3A_557, %swap3A_558], %swap3A_561 {strides = array<i32>} : memref<128x128xf32, #tpu.memory_space<vmem>>, vector<1x16xf32>,
        %get3A_562 = arith.constant 0 : i32
        %get3A_563 = arith.constant 0 : i32
        %get3A_564 = tpu.memref_slice %arg6[%scan3A_217, %get3A_562, %get3A_563] : memref<2x128x128xf32, #tpu.memory_space<vmem>> -> memref<1x128x128xf32, #tpu.memory_space<vmem>>
        %get3A_565 = tpu.memref_squeeze %get3A_564 : memref<1x128x128xf32, #tpu.memory_space<vmem>> -> memref<128x128xf32, #tpu.memory_space<vmem>>
        %get3A_566 = arith.index_cast %add3A_421 : i32 to index
        %get3A_567 = arith.constant 112 : index
        %get3A_568 = tpu.vector_load %get3A_565[%get3A_566, %get3A_567] {strides = array<i32>} : memref<128x128xf32, #tpu.memory_space<vmem>>, vector<1x16xf32>,
        %get3A_569 = vector.shape_cast %get3A_568 : vector<1x16xf32> to vector<16xf32>
        %mul3A_570 = arith.constant 11.3137083 : f32
        %mul3A_571 = vector.broadcast %mul3A_570 : f32 to vector<16xf32>
        %mul3A_572 = arith.mulf %get3A_569, %mul3A_571 : vector<16xf32>
        %swap3A_573 = arith.constant 0 : i32
        %swap3A_574 = arith.constant 0 : i32
        %swap3A_575 = tpu.memref_slice %arg7[%scan3A_218, %swap3A_573, %swap3A_574] : memref<2x128x128xf32, #tpu.memory_space<vmem>> -> memref<1x128x128xf32, #tpu.memory_space<vmem>>
        %swap3A_576 = tpu.memref_squeeze %swap3A_575 : memref<1x128x128xf32, #tpu.memory_space<vmem>> -> memref<128x128xf32, #tpu.memory_space<vmem>>
        %swap3A_577 = arith.index_cast %add3A_421 : i32 to index
        %swap3A_578 = arith.constant 112 : index
        %swap3A_579 = tpu.vector_load %swap3A_576[%swap3A_577, %swap3A_578] {strides = array<i32>} : memref<128x128xf32, #tpu.memory_space<vmem>>, vector<1x16xf32>,
        %swap3A_580 = vector.shape_cast %swap3A_579 : vector<1x16xf32> to vector<16xf32>
        %swap3A_581 = vector.shape_cast %mul3A_572 : vector<16xf32> to vector<1x16xf32>
        tpu.vector_store %swap3A_576[%swap3A_577, %swap3A_578], %swap3A_581 {strides = array<i32>} : memref<128x128xf32, #tpu.memory_space<vmem>>, vector<1x16xf32>,
        %scan3A_582 = arith.constant 2 : i32
        %scan3A_583 = arith.addi %scan3A_253, %scan3A_582 : i32
        %mul3A_584 = arith.constant 1 : i32
        %mul3A_585 = arith.muli %scan3A_583, %mul3A_584 : i32
        %add3A_586 = arith.constant 0 : i32
        %add3A_587 = arith.addi %add3A_586, %mul3A_585 : i32
        %get3A_588 = arith.constant 0 : i32
        %get3A_589 = arith.constant 0 : i32
        %get3A_590 = tpu.memref_slice %arg6[%scan3A_217, %get3A_588, %get3A_589] : memref<2x128x128xf32, #tpu.memory_space<vmem>> -> memref<1x128x128xf32, #tpu.memory_space<vmem>>
        %get3A_591 = tpu.memref_squeeze %get3A_590 : memref<1x128x128xf32, #tpu.memory_space<vmem>> -> memref<128x128xf32, #tpu.memory_space<vmem>>
        %get3A_592 = arith.index_cast %add3A_587 : i32 to index
        %get3A_593 = arith.constant 0 : index
        %get3A_594 = tpu.vector_load %get3A_591[%get3A_592, %get3A_593] {strides = array<i32>} : memref<128x128xf32, #tpu.memory_space<vmem>>, vector<1x16xf32>,
        %get3A_595 = vector.shape_cast %get3A_594 : vector<1x16xf32> to vector<16xf32>
        %mul3A_596 = arith.constant 11.3137083 : f32
        %mul3A_597 = vector.broadcast %mul3A_596 : f32 to vector<16xf32>
        %mul3A_598 = arith.mulf %get3A_595, %mul3A_597 : vector<16xf32>
        %swap3A_599 = arith.constant 0 : i32
        %swap3A_600 = arith.constant 0 : i32
        %swap3A_601 = tpu.memref_slice %arg7[%scan3A_218, %swap3A_599, %swap3A_600] : memref<2x128x128xf32, #tpu.memory_space<vmem>> -> memref<1x128x128xf32, #tpu.memory_space<vmem>>
        %swap3A_602 = tpu.memref_squeeze %swap3A_601 : memref<1x128x128xf32, #tpu.memory_space<vmem>> -> memref<128x128xf32, #tpu.memory_space<vmem>>
        %swap3A_603 = arith.index_cast %add3A_587 : i32 to index
        %swap3A_604 = arith.constant 0 : index
        %swap3A_605 = tpu.vector_load %swap3A_602[%swap3A_603, %swap3A_604] {strides = array<i32>} : memref<128x128xf32, #tpu.memory_space<vmem>>, vector<1x16xf32>,
        %swap3A_606 = vector.shape_cast %swap3A_605 : vector<1x16xf32> to vector<16xf32>
        %swap3A_607 = vector.shape_cast %mul3A_598 : vector<16xf32> to vector<1x16xf32>
        tpu.vector_store %swap3A_602[%swap3A_603, %swap3A_604], %swap3A_607 {strides = array<i32>} : memref<128x128xf32, #tpu.memory_space<vmem>>, vector<1x16xf32>,
        %get3A_608 = arith.constant 0 : i32
        %get3A_609 = arith.constant 0 : i32
        %get3A_610 = tpu.memref_slice %arg6[%scan3A_217, %get3A_608, %get3A_609] : memref<2x128x128xf32, #tpu.memory_space<vmem>> -> memref<1x128x128xf32, #tpu.memory_space<vmem>>
        %get3A_611 = tpu.memref_squeeze %get3A_610 : memref<1x128x128xf32, #tpu.memory_space<vmem>> -> memref<128x128xf32, #tpu.memory_space<vmem>>
        %get3A_612 = arith.index_cast %add3A_587 : i32 to index
        %get3A_613 = arith.constant 16 : index
        %get3A_614 = tpu.vector_load %get3A_611[%get3A_612, %get3A_613] {strides = array<i32>} : memref<128x128xf32, #tpu.memory_space<vmem>>, vector<1x16xf32>,
        %get3A_615 = vector.shape_cast %get3A_614 : vector<1x16xf32> to vector<16xf32>
        %mul3A_616 = arith.constant 11.3137083 : f32
        %mul3A_617 = vector.broadcast %mul3A_616 : f32 to vector<16xf32>
        %mul3A_618 = arith.mulf %get3A_615, %mul3A_617 : vector<16xf32>
        %swap3A_619 = arith.constant 0 : i32
        %swap3A_620 = arith.constant 0 : i32
        %swap3A_621 = tpu.memref_slice %arg7[%scan3A_218, %swap3A_619, %swap3A_620] : memref<2x128x128xf32, #tpu.memory_space<vmem>> -> memref<1x128x128xf32, #tpu.memory_space<vmem>>
        %swap3A_622 = tpu.memref_squeeze %swap3A_621 : memref<1x128x128xf32, #tpu.memory_space<vmem>> -> memref<128x128xf32, #tpu.memory_space<vmem>>
        %swap3A_623 = arith.index_cast %add3A_587 : i32 to index
        %swap3A_624 = arith.constant 16 : index
        %swap3A_625 = tpu.vector_load %swap3A_622[%swap3A_623, %swap3A_624] {strides = array<i32>} : memref<128x128xf32, #tpu.memory_space<vmem>>, vector<1x16xf32>,
        %swap3A_626 = vector.shape_cast %swap3A_625 : vector<1x16xf32> to vector<16xf32>
        %swap3A_627 = vector.shape_cast %mul3A_618 : vector<16xf32> to vector<1x16xf32>
        tpu.vector_store %swap3A_622[%swap3A_623, %swap3A_624], %swap3A_627 {strides = array<i32>} : memref<128x128xf32, #tpu.memory_space<vmem>>, vector<1x16xf32>,
        %get3A_628 = arith.constant 0 : i32
        %get3A_629 = arith.constant 0 : i32
        %get3A_630 = tpu.memref_slice %arg6[%scan3A_217, %get3A_628, %get3A_629] : memref<2x128x128xf32, #tpu.memory_space<vmem>> -> memref<1x128x128xf32, #tpu.memory_space<vmem>>
        %get3A_631 = tpu.memref_squeeze %get3A_630 : memref<1x128x128xf32, #tpu.memory_space<vmem>> -> memref<128x128xf32, #tpu.memory_space<vmem>>
        %get3A_632 = arith.index_cast %add3A_587 : i32 to index
        %get3A_633 = arith.constant 32 : index
        %get3A_634 = tpu.vector_load %get3A_631[%get3A_632, %get3A_633] {strides = array<i32>} : memref<128x128xf32, #tpu.memory_space<vmem>>, vector<1x16xf32>,
        %get3A_635 = vector.shape_cast %get3A_634 : vector<1x16xf32> to vector<16xf32>
        %mul3A_636 = arith.constant 11.3137083 : f32
        %mul3A_637 = vector.broadcast %mul3A_636 : f32 to vector<16xf32>
        %mul3A_638 = arith.mulf %get3A_635, %mul3A_637 : vector<16xf32>
        %swap3A_639 = arith.constant 0 : i32
        %swap3A_640 = arith.constant 0 : i32
        %swap3A_641 = tpu.memref_slice %arg7[%scan3A_218, %swap3A_639, %swap3A_640] : memref<2x128x128xf32, #tpu.memory_space<vmem>> -> memref<1x128x128xf32, #tpu.memory_space<vmem>>
        %swap3A_642 = tpu.memref_squeeze %swap3A_641 : memref<1x128x128xf32, #tpu.memory_space<vmem>> -> memref<128x128xf32, #tpu.memory_space<vmem>>
        %swap3A_643 = arith.index_cast %add3A_587 : i32 to index
        %swap3A_644 = arith.constant 32 : index
        %swap3A_645 = tpu.vector_load %swap3A_642[%swap3A_643, %swap3A_644] {strides = array<i32>} : memref<128x128xf32, #tpu.memory_space<vmem>>, vector<1x16xf32>,
        %swap3A_646 = vector.shape_cast %swap3A_645 : vector<1x16xf32> to vector<16xf32>
        %swap3A_647 = vector.shape_cast %mul3A_638 : vector<16xf32> to vector<1x16xf32>
        tpu.vector_store %swap3A_642[%swap3A_643, %swap3A_644], %swap3A_647 {strides = array<i32>} : memref<128x128xf32, #tpu.memory_space<vmem>>, vector<1x16xf32>,
        %get3A_648 = arith.constant 0 : i32
        %get3A_649 = arith.constant 0 : i32
        %get3A_650 = tpu.memref_slice %arg6[%scan3A_217, %get3A_648, %get3A_649] : memref<2x128x128xf32, #tpu.memory_space<vmem>> -> memref<1x128x128xf32, #tpu.memory_space<vmem>>
        %get3A_651 = tpu.memref_squeeze %get3A_650 : memref<1x128x128xf32, #tpu.memory_space<vmem>> -> memref<128x128xf32, #tpu.memory_space<vmem>>
        %get3A_652 = arith.index_cast %add3A_587 : i32 to index
        %get3A_653 = arith.constant 48 : index
        %get3A_654 = tpu.vector_load %get3A_651[%get3A_652, %get3A_653] {strides = array<i32>} : memref<128x128xf32, #tpu.memory_space<vmem>>, vector<1x16xf32>,
        %get3A_655 = vector.shape_cast %get3A_654 : vector<1x16xf32> to vector<16xf32>
        %mul3A_656 = arith.constant 11.3137083 : f32
        %mul3A_657 = vector.broadcast %mul3A_656 : f32 to vector<16xf32>
        %mul3A_658 = arith.mulf %get3A_655, %mul3A_657 : vector<16xf32>
        %swap3A_659 = arith.constant 0 : i32
        %swap3A_660 = arith.constant 0 : i32
        %swap3A_661 = tpu.memref_slice %arg7[%scan3A_218, %swap3A_659, %swap3A_660] : memref<2x128x128xf32, #tpu.memory_space<vmem>> -> memref<1x128x128xf32, #tpu.memory_space<vmem>>
        %swap3A_662 = tpu.memref_squeeze %swap3A_661 : memref<1x128x128xf32, #tpu.memory_space<vmem>> -> memref<128x128xf32, #tpu.memory_space<vmem>>
        %swap3A_663 = arith.index_cast %add3A_587 : i32 to index
        %swap3A_664 = arith.constant 48 : index
        %swap3A_665 = tpu.vector_load %swap3A_662[%swap3A_663, %swap3A_664] {strides = array<i32>} : memref<128x128xf32, #tpu.memory_space<vmem>>, vector<1x16xf32>,
        %swap3A_666 = vector.shape_cast %swap3A_665 : vector<1x16xf32> to vector<16xf32>
        %swap3A_667 = vector.shape_cast %mul3A_658 : vector<16xf32> to vector<1x16xf32>
        tpu.vector_store %swap3A_662[%swap3A_663, %swap3A_664], %swap3A_667 {strides = array<i32>} : memref<128x128xf32, #tpu.memory_space<vmem>>, vector<1x16xf32>,
        %get3A_668 = arith.constant 0 : i32
        %get3A_669 = arith.constant 0 : i32
        %get3A_670 = tpu.memref_slice %arg6[%scan3A_217, %get3A_668, %get3A_669] : memref<2x128x128xf32, #tpu.memory_space<vmem>> -> memref<1x128x128xf32, #tpu.memory_space<vmem>>
        %get3A_671 = tpu.memref_squeeze %get3A_670 : memref<1x128x128xf32, #tpu.memory_space<vmem>> -> memref<128x128xf32, #tpu.memory_space<vmem>>
        %get3A_672 = arith.index_cast %add3A_587 : i32 to index
        %get3A_673 = arith.constant 64 : index
        %get3A_674 = tpu.vector_load %get3A_671[%get3A_672, %get3A_673] {strides = array<i32>} : memref<128x128xf32, #tpu.memory_space<vmem>>, vector<1x16xf32>,
        %get3A_675 = vector.shape_cast %get3A_674 : vector<1x16xf32> to vector<16xf32>
        %mul3A_676 = arith.constant 11.3137083 : f32
        %mul3A_677 = vector.broadcast %mul3A_676 : f32 to vector<16xf32>
        %mul3A_678 = arith.mulf %get3A_675, %mul3A_677 : vector<16xf32>
        %swap3A_679 = arith.constant 0 : i32
        %swap3A_680 = arith.constant 0 : i32
        %swap3A_681 = tpu.memref_slice %arg7[%scan3A_218, %swap3A_679, %swap3A_680] : memref<2x128x128xf32, #tpu.memory_space<vmem>> -> memref<1x128x128xf32, #tpu.memory_space<vmem>>
        %swap3A_682 = tpu.memref_squeeze %swap3A_681 : memref<1x128x128xf32, #tpu.memory_space<vmem>> -> memref<128x128xf32, #tpu.memory_space<vmem>>
        %swap3A_683 = arith.index_cast %add3A_587 : i32 to index
        %swap3A_684 = arith.constant 64 : index
        %swap3A_685 = tpu.vector_load %swap3A_682[%swap3A_683, %swap3A_684] {strides = array<i32>} : memref<128x128xf32, #tpu.memory_space<vmem>>, vector<1x16xf32>,
        %swap3A_686 = vector.shape_cast %swap3A_685 : vector<1x16xf32> to vector<16xf32>
        %swap3A_687 = vector.shape_cast %mul3A_678 : vector<16xf32> to vector<1x16xf32>
        tpu.vector_store %swap3A_682[%swap3A_683, %swap3A_684], %swap3A_687 {strides = array<i32>} : memref<128x128xf32, #tpu.memory_space<vmem>>, vector<1x16xf32>,
        %get3A_688 = arith.constant 0 : i32
        %get3A_689 = arith.constant 0 : i32
        %get3A_690 = tpu.memref_slice %arg6[%scan3A_217, %get3A_688, %get3A_689] : memref<2x128x128xf32, #tpu.memory_space<vmem>> -> memref<1x128x128xf32, #tpu.memory_space<vmem>>
        %get3A_691 = tpu.memref_squeeze %get3A_690 : memref<1x128x128xf32, #tpu.memory_space<vmem>> -> memref<128x128xf32, #tpu.memory_space<vmem>>
        %get3A_692 = arith.index_cast %add3A_587 : i32 to index
        %get3A_693 = arith.constant 80 : index
        %get3A_694 = tpu.vector_load %get3A_691[%get3A_692, %get3A_693] {strides = array<i32>} : memref<128x128xf32, #tpu.memory_space<vmem>>, vector<1x16xf32>,
        %get3A_695 = vector.shape_cast %get3A_694 : vector<1x16xf32> to vector<16xf32>
        %mul3A_696 = arith.constant 11.3137083 : f32
        %mul3A_697 = vector.broadcast %mul3A_696 : f32 to vector<16xf32>
        %mul3A_698 = arith.mulf %get3A_695, %mul3A_697 : vector<16xf32>
        %swap3A_699 = arith.constant 0 : i32
        %swap3A_700 = arith.constant 0 : i32
        %swap3A_701 = tpu.memref_slice %arg7[%scan3A_218, %swap3A_699, %swap3A_700] : memref<2x128x128xf32, #tpu.memory_space<vmem>> -> memref<1x128x128xf32, #tpu.memory_space<vmem>>
        %swap3A_702 = tpu.memref_squeeze %swap3A_701 : memref<1x128x128xf32, #tpu.memory_space<vmem>> -> memref<128x128xf32, #tpu.memory_space<vmem>>
        %swap3A_703 = arith.index_cast %add3A_587 : i32 to index
        %swap3A_704 = arith.constant 80 : index
        %swap3A_705 = tpu.vector_load %swap3A_702[%swap3A_703, %swap3A_704] {strides = array<i32>} : memref<128x128xf32, #tpu.memory_space<vmem>>, vector<1x16xf32>,
        %swap3A_706 = vector.shape_cast %swap3A_705 : vector<1x16xf32> to vector<16xf32>
        %swap3A_707 = vector.shape_cast %mul3A_698 : vector<16xf32> to vector<1x16xf32>
        tpu.vector_store %swap3A_702[%swap3A_703, %swap3A_704], %swap3A_707 {strides = array<i32>} : memref<128x128xf32, #tpu.memory_space<vmem>>, vector<1x16xf32>,
        %get3A_708 = arith.constant 0 : i32
        %get3A_709 = arith.constant 0 : i32
        %get3A_710 = tpu.memref_slice %arg6[%scan3A_217, %get3A_708, %get3A_709] : memref<2x128x128xf32, #tpu.memory_space<vmem>> -> memref<1x128x128xf32, #tpu.memory_space<vmem>>
        %get3A_711 = tpu.memref_squeeze %get3A_710 : memref<1x128x128xf32, #tpu.memory_space<vmem>> -> memref<128x128xf32, #tpu.memory_space<vmem>>
        %get3A_712 = arith.index_cast %add3A_587 : i32 to index
        %get3A_713 = arith.constant 96 : index
        %get3A_714 = tpu.vector_load %get3A_711[%get3A_712, %get3A_713] {strides = array<i32>} : memref<128x128xf32, #tpu.memory_space<vmem>>, vector<1x16xf32>,
        %get3A_715 = vector.shape_cast %get3A_714 : vector<1x16xf32> to vector<16xf32>
        %mul3A_716 = arith.constant 11.3137083 : f32
        %mul3A_717 = vector.broadcast %mul3A_716 : f32 to vector<16xf32>
        %mul3A_718 = arith.mulf %get3A_715, %mul3A_717 : vector<16xf32>
        %swap3A_719 = arith.constant 0 : i32
        %swap3A_720 = arith.constant 0 : i32
        %swap3A_721 = tpu.memref_slice %arg7[%scan3A_218, %swap3A_719, %swap3A_720] : memref<2x128x128xf32, #tpu.memory_space<vmem>> -> memref<1x128x128xf32, #tpu.memory_space<vmem>>
        %swap3A_722 = tpu.memref_squeeze %swap3A_721 : memref<1x128x128xf32, #tpu.memory_space<vmem>> -> memref<128x128xf32, #tpu.memory_space<vmem>>
        %swap3A_723 = arith.index_cast %add3A_587 : i32 to index
        %swap3A_724 = arith.constant 96 : index
        %swap3A_725 = tpu.vector_load %swap3A_722[%swap3A_723, %swap3A_724] {strides = array<i32>} : memref<128x128xf32, #tpu.memory_space<vmem>>, vector<1x16xf32>,
        %swap3A_726 = vector.shape_cast %swap3A_725 : vector<1x16xf32> to vector<16xf32>
        %swap3A_727 = vector.shape_cast %mul3A_718 : vector<16xf32> to vector<1x16xf32>
        tpu.vector_store %swap3A_722[%swap3A_723, %swap3A_724], %swap3A_727 {strides = array<i32>} : memref<128x128xf32, #tpu.memory_space<vmem>>, vector<1x16xf32>,
        %get3A_728 = arith.constant 0 : i32
        %get3A_729 = arith.constant 0 : i32
        %get3A_730 = tpu.memref_slice %arg6[%scan3A_217, %get3A_728, %get3A_729] : memref<2x128x128xf32, #tpu.memory_space<vmem>> -> memref<1x128x128xf32, #tpu.memory_space<vmem>>
        %get3A_731 = tpu.memref_squeeze %get3A_730 : memref<1x128x128xf32, #tpu.memory_space<vmem>> -> memref<128x128xf32, #tpu.memory_space<vmem>>
        %get3A_732 = arith.index_cast %add3A_587 : i32 to index
        %get3A_733 = arith.constant 112 : index
        %get3A_734 = tpu.vector_load %get3A_731[%get3A_732, %get3A_733] {strides = array<i32>} : memref<128x128xf32, #tpu.memory_space<vmem>>, vector<1x16xf32>,
        %get3A_735 = vector.shape_cast %get3A_734 : vector<1x16xf32> to vector<16xf32>
        %mul3A_736 = arith.constant 11.3137083 : f32
        %mul3A_737 = vector.broadcast %mul3A_736 : f32 to vector<16xf32>
        %mul3A_738 = arith.mulf %get3A_735, %mul3A_737 : vector<16xf32>
        %swap3A_739 = arith.constant 0 : i32
        %swap3A_740 = arith.constant 0 : i32
        %swap3A_741 = tpu.memref_slice %arg7[%scan3A_218, %swap3A_739, %swap3A_740] : memref<2x128x128xf32, #tpu.memory_space<vmem>> -> memref<1x128x128xf32, #tpu.memory_space<vmem>>
        %swap3A_742 = tpu.memref_squeeze %swap3A_741 : memref<1x128x128xf32, #tpu.memory_space<vmem>> -> memref<128x128xf32, #tpu.memory_space<vmem>>
        %swap3A_743 = arith.index_cast %add3A_587 : i32 to index
        %swap3A_744 = arith.constant 112 : index
        %swap3A_745 = tpu.vector_load %swap3A_742[%swap3A_743, %swap3A_744] {strides = array<i32>} : memref<128x128xf32, #tpu.memory_space<vmem>>, vector<1x16xf32>,
        %swap3A_746 = vector.shape_cast %swap3A_745 : vector<1x16xf32> to vector<16xf32>
        %swap3A_747 = vector.shape_cast %mul3A_738 : vector<16xf32> to vector<1x16xf32>
        tpu.vector_store %swap3A_742[%swap3A_743, %swap3A_744], %swap3A_747 {strides = array<i32>} : memref<128x128xf32, #tpu.memory_space<vmem>>, vector<1x16xf32>,
        %scan3A_748 = arith.constant 3 : i32
        %scan3A_749 = arith.addi %scan3A_253, %scan3A_748 : i32
        %mul3A_750 = arith.constant 1 : i32
        %mul3A_751 = arith.muli %scan3A_749, %mul3A_750 : i32
        %add3A_752 = arith.constant 0 : i32
        %add3A_753 = arith.addi %add3A_752, %mul3A_751 : i32
        %get3A_754 = arith.constant 0 : i32
        %get3A_755 = arith.constant 0 : i32
        %get3A_756 = tpu.memref_slice %arg6[%scan3A_217, %get3A_754, %get3A_755] : memref<2x128x128xf32, #tpu.memory_space<vmem>> -> memref<1x128x128xf32, #tpu.memory_space<vmem>>
        %get3A_757 = tpu.memref_squeeze %get3A_756 : memref<1x128x128xf32, #tpu.memory_space<vmem>> -> memref<128x128xf32, #tpu.memory_space<vmem>>
        %get3A_758 = arith.index_cast %add3A_753 : i32 to index
        %get3A_759 = arith.constant 0 : index
        %get3A_760 = tpu.vector_load %get3A_757[%get3A_758, %get3A_759] {strides = array<i32>} : memref<128x128xf32, #tpu.memory_space<vmem>>, vector<1x16xf32>,
        %get3A_761 = vector.shape_cast %get3A_760 : vector<1x16xf32> to vector<16xf32>
        %mul3A_762 = arith.constant 11.3137083 : f32
        %mul3A_763 = vector.broadcast %mul3A_762 : f32 to vector<16xf32>
        %mul3A_764 = arith.mulf %get3A_761, %mul3A_763 : vector<16xf32>
        %swap3A_765 = arith.constant 0 : i32
        %swap3A_766 = arith.constant 0 : i32
        %swap3A_767 = tpu.memref_slice %arg7[%scan3A_218, %swap3A_765, %swap3A_766] : memref<2x128x128xf32, #tpu.memory_space<vmem>> -> memref<1x128x128xf32, #tpu.memory_space<vmem>>
        %swap3A_768 = tpu.memref_squeeze %swap3A_767 : memref<1x128x128xf32, #tpu.memory_space<vmem>> -> memref<128x128xf32, #tpu.memory_space<vmem>>
        %swap3A_769 = arith.index_cast %add3A_753 : i32 to index
        %swap3A_770 = arith.constant 0 : index
        %swap3A_771 = tpu.vector_load %swap3A_768[%swap3A_769, %swap3A_770] {strides = array<i32>} : memref<128x128xf32, #tpu.memory_space<vmem>>, vector<1x16xf32>,
        %swap3A_772 = vector.shape_cast %swap3A_771 : vector<1x16xf32> to vector<16xf32>
        %swap3A_773 = vector.shape_cast %mul3A_764 : vector<16xf32> to vector<1x16xf32>
        tpu.vector_store %swap3A_768[%swap3A_769, %swap3A_770], %swap3A_773 {strides = array<i32>} : memref<128x128xf32, #tpu.memory_space<vmem>>, vector<1x16xf32>,
        %get3A_774 = arith.constant 0 : i32
        %get3A_775 = arith.constant 0 : i32
        %get3A_776 = tpu.memref_slice %arg6[%scan3A_217, %get3A_774, %get3A_775] : memref<2x128x128xf32, #tpu.memory_space<vmem>> -> memref<1x128x128xf32, #tpu.memory_space<vmem>>
        %get3A_777 = tpu.memref_squeeze %get3A_776 : memref<1x128x128xf32, #tpu.memory_space<vmem>> -> memref<128x128xf32, #tpu.memory_space<vmem>>
        %get3A_778 = arith.index_cast %add3A_753 : i32 to index
        %get3A_779 = arith.constant 16 : index
        %get3A_780 = tpu.vector_load %get3A_777[%get3A_778, %get3A_779] {strides = array<i32>} : memref<128x128xf32, #tpu.memory_space<vmem>>, vector<1x16xf32>,
        %get3A_781 = vector.shape_cast %get3A_780 : vector<1x16xf32> to vector<16xf32>
        %mul3A_782 = arith.constant 11.3137083 : f32
        %mul3A_783 = vector.broadcast %mul3A_782 : f32 to vector<16xf32>
        %mul3A_784 = arith.mulf %get3A_781, %mul3A_783 : vector<16xf32>
        %swap3A_785 = arith.constant 0 : i32
        %swap3A_786 = arith.constant 0 : i32
        %swap3A_787 = tpu.memref_slice %arg7[%scan3A_218, %swap3A_785, %swap3A_786] : memref<2x128x128xf32, #tpu.memory_space<vmem>> -> memref<1x128x128xf32, #tpu.memory_space<vmem>>
        %swap3A_788 = tpu.memref_squeeze %swap3A_787 : memref<1x128x128xf32, #tpu.memory_space<vmem>> -> memref<128x128xf32, #tpu.memory_space<vmem>>
        %swap3A_789 = arith.index_cast %add3A_753 : i32 to index
        %swap3A_790 = arith.constant 16 : index
        %swap3A_791 = tpu.vector_load %swap3A_788[%swap3A_789, %swap3A_790] {strides = array<i32>} : memref<128x128xf32, #tpu.memory_space<vmem>>, vector<1x16xf32>,
        %swap3A_792 = vector.shape_cast %swap3A_791 : vector<1x16xf32> to vector<16xf32>
        %swap3A_793 = vector.shape_cast %mul3A_784 : vector<16xf32> to vector<1x16xf32>
        tpu.vector_store %swap3A_788[%swap3A_789, %swap3A_790], %swap3A_793 {strides = array<i32>} : memref<128x128xf32, #tpu.memory_space<vmem>>, vector<1x16xf32>,
        %get3A_794 = arith.constant 0 : i32
        %get3A_795 = arith.constant 0 : i32
        %get3A_796 = tpu.memref_slice %arg6[%scan3A_217, %get3A_794, %get3A_795] : memref<2x128x128xf32, #tpu.memory_space<vmem>> -> memref<1x128x128xf32, #tpu.memory_space<vmem>>
        %get3A_797 = tpu.memref_squeeze %get3A_796 : memref<1x128x128xf32, #tpu.memory_space<vmem>> -> memref<128x128xf32, #tpu.memory_space<vmem>>
        %get3A_798 = arith.index_cast %add3A_753 : i32 to index
        %get3A_799 = arith.constant 32 : index
        %get3A_800 = tpu.vector_load %get3A_797[%get3A_798, %get3A_799] {strides = array<i32>} : memref<128x128xf32, #tpu.memory_space<vmem>>, vector<1x16xf32>,
        %get3A_801 = vector.shape_cast %get3A_800 : vector<1x16xf32> to vector<16xf32>
        %mul3A_802 = arith.constant 11.3137083 : f32
        %mul3A_803 = vector.broadcast %mul3A_802 : f32 to vector<16xf32>
        %mul3A_804 = arith.mulf %get3A_801, %mul3A_803 : vector<16xf32>
        %swap3A_805 = arith.constant 0 : i32
        %swap3A_806 = arith.constant 0 : i32
        %swap3A_807 = tpu.memref_slice %arg7[%scan3A_218, %swap3A_805, %swap3A_806] : memref<2x128x128xf32, #tpu.memory_space<vmem>> -> memref<1x128x128xf32, #tpu.memory_space<vmem>>
        %swap3A_808 = tpu.memref_squeeze %swap3A_807 : memref<1x128x128xf32, #tpu.memory_space<vmem>> -> memref<128x128xf32, #tpu.memory_space<vmem>>
        %swap3A_809 = arith.index_cast %add3A_753 : i32 to index
        %swap3A_810 = arith.constant 32 : index
        %swap3A_811 = tpu.vector_load %swap3A_808[%swap3A_809, %swap3A_810] {strides = array<i32>} : memref<128x128xf32, #tpu.memory_space<vmem>>, vector<1x16xf32>,
        %swap3A_812 = vector.shape_cast %swap3A_811 : vector<1x16xf32> to vector<16xf32>
        %swap3A_813 = vector.shape_cast %mul3A_804 : vector<16xf32> to vector<1x16xf32>
        tpu.vector_store %swap3A_808[%swap3A_809, %swap3A_810], %swap3A_813 {strides = array<i32>} : memref<128x128xf32, #tpu.memory_space<vmem>>, vector<1x16xf32>,
        %get3A_814 = arith.constant 0 : i32
        %get3A_815 = arith.constant 0 : i32
        %get3A_816 = tpu.memref_slice %arg6[%scan3A_217, %get3A_814, %get3A_815] : memref<2x128x128xf32, #tpu.memory_space<vmem>> -> memref<1x128x128xf32, #tpu.memory_space<vmem>>
        %get3A_817 = tpu.memref_squeeze %get3A_816 : memref<1x128x128xf32, #tpu.memory_space<vmem>> -> memref<128x128xf32, #tpu.memory_space<vmem>>
        %get3A_818 = arith.index_cast %add3A_753 : i32 to index
        %get3A_819 = arith.constant 48 : index
        %get3A_820 = tpu.vector_load %get3A_817[%get3A_818, %get3A_819] {strides = array<i32>} : memref<128x128xf32, #tpu.memory_space<vmem>>, vector<1x16xf32>,
        %get3A_821 = vector.shape_cast %get3A_820 : vector<1x16xf32> to vector<16xf32>
        %mul3A_822 = arith.constant 11.3137083 : f32
        %mul3A_823 = vector.broadcast %mul3A_822 : f32 to vector<16xf32>
        %mul3A_824 = arith.mulf %get3A_821, %mul3A_823 : vector<16xf32>
        %swap3A_825 = arith.constant 0 : i32
        %swap3A_826 = arith.constant 0 : i32
        %swap3A_827 = tpu.memref_slice %arg7[%scan3A_218, %swap3A_825, %swap3A_826] : memref<2x128x128xf32, #tpu.memory_space<vmem>> -> memref<1x128x128xf32, #tpu.memory_space<vmem>>
        %swap3A_828 = tpu.memref_squeeze %swap3A_827 : memref<1x128x128xf32, #tpu.memory_space<vmem>> -> memref<128x128xf32, #tpu.memory_space<vmem>>
        %swap3A_829 = arith.index_cast %add3A_753 : i32 to index
        %swap3A_830 = arith.constant 48 : index
        %swap3A_831 = tpu.vector_load %swap3A_828[%swap3A_829, %swap3A_830] {strides = array<i32>} : memref<128x128xf32, #tpu.memory_space<vmem>>, vector<1x16xf32>,
        %swap3A_832 = vector.shape_cast %swap3A_831 : vector<1x16xf32> to vector<16xf32>
        %swap3A_833 = vector.shape_cast %mul3A_824 : vector<16xf32> to vector<1x16xf32>
        tpu.vector_store %swap3A_828[%swap3A_829, %swap3A_830], %swap3A_833 {strides = array<i32>} : memref<128x128xf32, #tpu.memory_space<vmem>>, vector<1x16xf32>,
        %get3A_834 = arith.constant 0 : i32
        %get3A_835 = arith.constant 0 : i32
        %get3A_836 = tpu.memref_slice %arg6[%scan3A_217, %get3A_834, %get3A_835] : memref<2x128x128xf32, #tpu.memory_space<vmem>> -> memref<1x128x128xf32, #tpu.memory_space<vmem>>
        %get3A_837 = tpu.memref_squeeze %get3A_836 : memref<1x128x128xf32, #tpu.memory_space<vmem>> -> memref<128x128xf32, #tpu.memory_space<vmem>>
        %get3A_838 = arith.index_cast %add3A_753 : i32 to index
        %get3A_839 = arith.constant 64 : index
        %get3A_840 = tpu.vector_load %get3A_837[%get3A_838, %get3A_839] {strides = array<i32>} : memref<128x128xf32, #tpu.memory_space<vmem>>, vector<1x16xf32>,
        %get3A_841 = vector.shape_cast %get3A_840 : vector<1x16xf32> to vector<16xf32>
        %mul3A_842 = arith.constant 11.3137083 : f32
        %mul3A_843 = vector.broadcast %mul3A_842 : f32 to vector<16xf32>
        %mul3A_844 = arith.mulf %get3A_841, %mul3A_843 : vector<16xf32>
        %swap3A_845 = arith.constant 0 : i32
        %swap3A_846 = arith.constant 0 : i32
        %swap3A_847 = tpu.memref_slice %arg7[%scan3A_218, %swap3A_845, %swap3A_846] : memref<2x128x128xf32, #tpu.memory_space<vmem>> -> memref<1x128x128xf32, #tpu.memory_space<vmem>>
        %swap3A_848 = tpu.memref_squeeze %swap3A_847 : memref<1x128x128xf32, #tpu.memory_space<vmem>> -> memref<128x128xf32, #tpu.memory_space<vmem>>
        %swap3A_849 = arith.index_cast %add3A_753 : i32 to index
        %swap3A_850 = arith.constant 64 : index
        %swap3A_851 = tpu.vector_load %swap3A_848[%swap3A_849, %swap3A_850] {strides = array<i32>} : memref<128x128xf32, #tpu.memory_space<vmem>>, vector<1x16xf32>,
        %swap3A_852 = vector.shape_cast %swap3A_851 : vector<1x16xf32> to vector<16xf32>
        %swap3A_853 = vector.shape_cast %mul3A_844 : vector<16xf32> to vector<1x16xf32>
        tpu.vector_store %swap3A_848[%swap3A_849, %swap3A_850], %swap3A_853 {strides = array<i32>} : memref<128x128xf32, #tpu.memory_space<vmem>>, vector<1x16xf32>,
        %get3A_854 = arith.constant 0 : i32
        %get3A_855 = arith.constant 0 : i32
        %get3A_856 = tpu.memref_slice %arg6[%scan3A_217, %get3A_854, %get3A_855] : memref<2x128x128xf32, #tpu.memory_space<vmem>> -> memref<1x128x128xf32, #tpu.memory_space<vmem>>
        %get3A_857 = tpu.memref_squeeze %get3A_856 : memref<1x128x128xf32, #tpu.memory_space<vmem>> -> memref<128x128xf32, #tpu.memory_space<vmem>>
        %get3A_858 = arith.index_cast %add3A_753 : i32 to index
        %get3A_859 = arith.constant 80 : index
        %get3A_860 = tpu.vector_load %get3A_857[%get3A_858, %get3A_859] {strides = array<i32>} : memref<128x128xf32, #tpu.memory_space<vmem>>, vector<1x16xf32>,
        %get3A_861 = vector.shape_cast %get3A_860 : vector<1x16xf32> to vector<16xf32>
        %mul3A_862 = arith.constant 11.3137083 : f32
        %mul3A_863 = vector.broadcast %mul3A_862 : f32 to vector<16xf32>
        %mul3A_864 = arith.mulf %get3A_861, %mul3A_863 : vector<16xf32>
        %swap3A_865 = arith.constant 0 : i32
        %swap3A_866 = arith.constant 0 : i32
        %swap3A_867 = tpu.memref_slice %arg7[%scan3A_218, %swap3A_865, %swap3A_866] : memref<2x128x128xf32, #tpu.memory_space<vmem>> -> memref<1x128x128xf32, #tpu.memory_space<vmem>>
        %swap3A_868 = tpu.memref_squeeze %swap3A_867 : memref<1x128x128xf32, #tpu.memory_space<vmem>> -> memref<128x128xf32, #tpu.memory_space<vmem>>
        %swap3A_869 = arith.index_cast %add3A_753 : i32 to index
        %swap3A_870 = arith.constant 80 : index
        %swap3A_871 = tpu.vector_load %swap3A_868[%swap3A_869, %swap3A_870] {strides = array<i32>} : memref<128x128xf32, #tpu.memory_space<vmem>>, vector<1x16xf32>,
        %swap3A_872 = vector.shape_cast %swap3A_871 : vector<1x16xf32> to vector<16xf32>
        %swap3A_873 = vector.shape_cast %mul3A_864 : vector<16xf32> to vector<1x16xf32>
        tpu.vector_store %swap3A_868[%swap3A_869, %swap3A_870], %swap3A_873 {strides = array<i32>} : memref<128x128xf32, #tpu.memory_space<vmem>>, vector<1x16xf32>,
        %get3A_874 = arith.constant 0 : i32
        %get3A_875 = arith.constant 0 : i32
        %get3A_876 = tpu.memref_slice %arg6[%scan3A_217, %get3A_874, %get3A_875] : memref<2x128x128xf32, #tpu.memory_space<vmem>> -> memref<1x128x128xf32, #tpu.memory_space<vmem>>
        %get3A_877 = tpu.memref_squeeze %get3A_876 : memref<1x128x128xf32, #tpu.memory_space<vmem>> -> memref<128x128xf32, #tpu.memory_space<vmem>>
        %get3A_878 = arith.index_cast %add3A_753 : i32 to index
        %get3A_879 = arith.constant 96 : index
        %get3A_880 = tpu.vector_load %get3A_877[%get3A_878, %get3A_879] {strides = array<i32>} : memref<128x128xf32, #tpu.memory_space<vmem>>, vector<1x16xf32>,
        %get3A_881 = vector.shape_cast %get3A_880 : vector<1x16xf32> to vector<16xf32>
        %mul3A_882 = arith.constant 11.3137083 : f32
        %mul3A_883 = vector.broadcast %mul3A_882 : f32 to vector<16xf32>
        %mul3A_884 = arith.mulf %get3A_881, %mul3A_883 : vector<16xf32>
        %swap3A_885 = arith.constant 0 : i32
        %swap3A_886 = arith.constant 0 : i32
        %swap3A_887 = tpu.memref_slice %arg7[%scan3A_218, %swap3A_885, %swap3A_886] : memref<2x128x128xf32, #tpu.memory_space<vmem>> -> memref<1x128x128xf32, #tpu.memory_space<vmem>>
        %swap3A_888 = tpu.memref_squeeze %swap3A_887 : memref<1x128x128xf32, #tpu.memory_space<vmem>> -> memref<128x128xf32, #tpu.memory_space<vmem>>
        %swap3A_889 = arith.index_cast %add3A_753 : i32 to index
        %swap3A_890 = arith.constant 96 : index
        %swap3A_891 = tpu.vector_load %swap3A_888[%swap3A_889, %swap3A_890] {strides = array<i32>} : memref<128x128xf32, #tpu.memory_space<vmem>>, vector<1x16xf32>,
        %swap3A_892 = vector.shape_cast %swap3A_891 : vector<1x16xf32> to vector<16xf32>
        %swap3A_893 = vector.shape_cast %mul3A_884 : vector<16xf32> to vector<1x16xf32>
        tpu.vector_store %swap3A_888[%swap3A_889, %swap3A_890], %swap3A_893 {strides = array<i32>} : memref<128x128xf32, #tpu.memory_space<vmem>>, vector<1x16xf32>,
        %get3A_894 = arith.constant 0 : i32
        %get3A_895 = arith.constant 0 : i32
        %get3A_896 = tpu.memref_slice %arg6[%scan3A_217, %get3A_894, %get3A_895] : memref<2x128x128xf32, #tpu.memory_space<vmem>> -> memref<1x128x128xf32, #tpu.memory_space<vmem>>
        %get3A_897 = tpu.memref_squeeze %get3A_896 : memref<1x128x128xf32, #tpu.memory_space<vmem>> -> memref<128x128xf32, #tpu.memory_space<vmem>>
        %get3A_898 = arith.index_cast %add3A_753 : i32 to index
        %get3A_899 = arith.constant 112 : index
        %get3A_900 = tpu.vector_load %get3A_897[%get3A_898, %get3A_899] {strides = array<i32>} : memref<128x128xf32, #tpu.memory_space<vmem>>, vector<1x16xf32>,
        %get3A_901 = vector.shape_cast %get3A_900 : vector<1x16xf32> to vector<16xf32>
        %mul3A_902 = arith.constant 11.3137083 : f32
        %mul3A_903 = vector.broadcast %mul3A_902 : f32 to vector<16xf32>
        %mul3A_904 = arith.mulf %get3A_901, %mul3A_903 : vector<16xf32>
        %swap3A_905 = arith.constant 0 : i32
        %swap3A_906 = arith.constant 0 : i32
        %swap3A_907 = tpu.memref_slice %arg7[%scan3A_218, %swap3A_905, %swap3A_906] : memref<2x128x128xf32, #tpu.memory_space<vmem>> -> memref<1x128x128xf32, #tpu.memory_space<vmem>>
        %swap3A_908 = tpu.memref_squeeze %swap3A_907 : memref<1x128x128xf32, #tpu.memory_space<vmem>> -> memref<128x128xf32, #tpu.memory_space<vmem>>
        %swap3A_909 = arith.index_cast %add3A_753 : i32 to index
        %swap3A_910 = arith.constant 112 : index
        %swap3A_911 = tpu.vector_load %swap3A_908[%swap3A_909, %swap3A_910] {strides = array<i32>} : memref<128x128xf32, #tpu.memory_space<vmem>>, vector<1x16xf32>,
        %swap3A_912 = vector.shape_cast %swap3A_911 : vector<1x16xf32> to vector<16xf32>
        %swap3A_913 = vector.shape_cast %mul3A_904 : vector<16xf32> to vector<1x16xf32>
        tpu.vector_store %swap3A_908[%swap3A_909, %swap3A_910], %swap3A_913 {strides = array<i32>} : memref<128x128xf32, #tpu.memory_space<vmem>>, vector<1x16xf32>,
      }
      %scan3A_223 = arith.constant 128 : i32
      %add3A_224 = arith.constant 2 : i32
      %add3A_225 = arith.addi %add3A_201, %add3A_224 : i32
      %mul3A_226 = arith.constant 128 : i32
      %mul3A_227 = arith.muli %add3A_225, %mul3A_226 : i32
      %dma_start3A_228 = arith.constant 1 : i32
      %dma_start3A_229 = arith.constant 0 : i32
      %dma_start3A_230 = arith.constant 0 : i32
      %dma_start3A_231 = tpu.memref_slice %arg6[%dma_start3A_228, %dma_start3A_229, %dma_start3A_230] : memref<2x128x128xf32, #tpu.memory_space<vmem>> -> memref<1x128x128xf32, #tpu.memory_space<vmem>>
      %dma_start3A_232 = tpu.memref_squeeze %dma_start3A_231 : memref<1x128x128xf32, #tpu.memory_space<vmem>> -> memref<128x128xf32, #tpu.memory_space<vmem>>
      %dma_start3A_233 = tpu.memref_slice %arg5[%mul3A_227] : memref<6400xi32, #tpu.memory_space<vmem>> -> memref<128xi32, #tpu.memory_space<vmem>>
      %dma_start3A_234 = arith.constant 0 : i32
      %dma_start3A_235 = arith.constant 0 : i32
      %dma_start3A_236 = tpu.memref_slice %arg3[%dma_start3A_234, %dma_start3A_235] : memref<100000x128xf32, #tpu.memory_space<hbm>> -> memref<100000x128xf32, #tpu.memory_space<hbm>>
      tpu.enqueue_indirect_dma source(%dma_start3A_236 : memref<100000x128xf32, #tpu.memory_space<hbm>>) target(%dma_start3A_232 : memref<128x128xf32, #tpu.memory_space<vmem>>) offsets(%dma_start3A_233 : memref<128xi32, #tpu.memory_space<vmem>>) semaphore(%arg10 : memref<!tpu.dma_semaphore, #tpu.memory_space<semaphore_mem>>)
      %mul3A_237 = arith.constant 128 : i32
      %mul3A_238 = arith.muli %add3A_201, %mul3A_237 : i32
      %add3A_239 = arith.addi %mul3A_2, %mul3A_238 : i32
      %dma_start3A_240 = arith.constant 1 : i32
      %dma_start3A_241 = arith.constant 0 : i32
      %dma_start3A_242 = arith.constant 0 : i32
      %dma_start3A_243 = tpu.memref_slice %arg7[%dma_start3A_240, %dma_start3A_241, %dma_start3A_242] : memref<2x128x128xf32, #tpu.memory_space<vmem>> -> memref<1x128x128xf32, #tpu.memory_space<vmem>>
      %dma_start3A_244 = tpu.memref_squeeze %dma_start3A_243 : memref<1x128x128xf32, #tpu.memory_space<vmem>> -> memref<128x128xf32, #tpu.memory_space<vmem>>
      %dma_start3A_245 = arith.constant 0 : i32
      %dma_start3A_246 = tpu.memref_slice %arg4[%add3A_239, %dma_start3A_245] : memref<204800x128xf32, #tpu.memory_space<hbm>> -> memref<128x128xf32, #tpu.memory_space<hbm>>
      %dma_start3A_247 = arith.constant 0 : i32
      %dma_start3A_248 = tpu.memref_slice %arg4[%add3A_239, %dma_start3A_247] : memref<204800x128xf32, #tpu.memory_space<hbm>> -> memref<128x128xf32, #tpu.memory_space<hbm>>
      %dma_start3A_249 = arith.constant 0 : i32
      %dma_start3A_250 = arith.constant 0 : i32
      %dma_start3A_251 = tpu.memref_slice %arg7[%dma_start3A_240, %dma_start3A_249, %dma_start3A_250] : memref<2x128x128xf32, #tpu.memory_space<vmem>> -> memref<1x128x128xf32, #tpu.memory_space<vmem>>
      %dma_start3A_252 = tpu.memref_squeeze %dma_start3A_251 : memref<1x128x128xf32, #tpu.memory_space<vmem>> -> memref<128x128xf32, #tpu.memory_space<vmem>>
      tpu.enqueue_dma source(%dma_start3A_252 : memref<128x128xf32, #tpu.memory_space<vmem>>) target(%dma_start3A_248 : memref<128x128xf32, #tpu.memory_space<hbm>>) target_semaphore(%arg12 : memref<!tpu.dma_semaphore, #tpu.memory_space<semaphore_mem>>)
    }
    %scan3A_28 = arith.constant 24 : i32
    %dma_wait3A_29 = arith.constant 0 : i32
    %dma_wait3A_30 = arith.constant 0 : i32
    %dma_wait3A_31 = arith.constant 0 : i32
    %dma_wait3A_32 = tpu.memref_slice %arg6[%dma_wait3A_29, %dma_wait3A_30, %dma_wait3A_31] : memref<2x128x128xf32, #tpu.memory_space<vmem>> -> memref<1x128x128xf32, #tpu.memory_space<vmem>>
    %dma_wait3A_33 = tpu.memref_squeeze %dma_wait3A_32 : memref<1x128x128xf32, #tpu.memory_space<vmem>> -> memref<128x128xf32, #tpu.memory_space<vmem>>
    %dma_wait3A_34 = arith.constant 0 : i32
    %dma_wait3A_35 = tpu.memref_slice %arg5[%dma_wait3A_34] : memref<6400xi32, #tpu.memory_space<vmem>> -> memref<128xi32, #tpu.memory_space<vmem>>
    %dma_wait3A_36 = arith.constant 0 : i32
    %dma_wait3A_37 = arith.constant 0 : i32
    %dma_wait3A_38 = tpu.memref_slice %arg3[%dma_wait3A_36, %dma_wait3A_37] : memref<100000x128xf32, #tpu.memory_space<hbm>> -> memref<100000x128xf32, #tpu.memory_space<hbm>>
    tpu.wait_indirect_dma semaphore(%arg9 : memref<!tpu.dma_semaphore, #tpu.memory_space<semaphore_mem>>) src(%dma_wait3A_38 : memref<100000x128xf32, #tpu.memory_space<hbm>>) dst(%dma_wait3A_33 : memref<128x128xf32, #tpu.memory_space<vmem>>)
    %dma_wait3A_39 = arith.constant 0 : i32
    %dma_wait3A_40 = arith.constant 0 : i32
    %dma_wait3A_41 = arith.constant 0 : i32
    %dma_wait3A_42 = tpu.memref_slice %arg7[%dma_wait3A_39, %dma_wait3A_40, %dma_wait3A_41] : memref<2x128x128xf32, #tpu.memory_space<vmem>> -> memref<1x128x128xf32, #tpu.memory_space<vmem>>
    %dma_wait3A_43 = tpu.memref_squeeze %dma_wait3A_42 : memref<1x128x128xf32, #tpu.memory_space<vmem>> -> memref<128x128xf32, #tpu.memory_space<vmem>>
    %dma_wait3A_44 = arith.constant 0 : i32
    %dma_wait3A_45 = tpu.memref_slice %arg4[%mul3A_2, %dma_wait3A_44] : memref<204800x128xf32, #tpu.memory_space<hbm>> -> memref<128x128xf32, #tpu.memory_space<hbm>>
    %dma_wait3A_46 = arith.constant 0 : i32
    %dma_wait3A_47 = tpu.memref_slice %arg4[%mul3A_2, %dma_wait3A_46] : memref<204800x128xf32, #tpu.memory_space<hbm>> -> memref<128x128xf32, #tpu.memory_space<hbm>>
    %dma_wait3A_48 = arith.constant 0 : i32
    %dma_wait3A_49 = arith.constant 0 : i32
    %dma_wait3A_50 = tpu.memref_slice %arg7[%dma_wait3A_39, %dma_wait3A_48, %dma_wait3A_49] : memref<2x128x128xf32, #tpu.memory_space<vmem>> -> memref<1x128x128xf32, #tpu.memory_space<vmem>>
    %dma_wait3A_51 = tpu.memref_squeeze %dma_wait3A_50 : memref<1x128x128xf32, #tpu.memory_space<vmem>> -> memref<128x128xf32, #tpu.memory_space<vmem>>
    tpu.wait_dma2 semaphore(%arg11 : memref<!tpu.dma_semaphore, #tpu.memory_space<semaphore_mem>>) src(%dma_wait3A_51 : memref<128x128xf32, #tpu.memory_space<vmem>>) dst(%dma_wait3A_47 : memref<128x128xf32, #tpu.memory_space<hbm>>)
    %scan3A_52 = arith.constant 0 : i32
    %scan3A_53 = arith.constant 0 : i32
    %scan3A_54 = arith.constant 0 : i32
    %scan3A_55 = arith.constant 128 : i32
    %scan3A_56 = arith.addi %scan3A_54, %scan3A_55 : i32
    %scan3A_57 = arith.constant 4 : i32
    scf.for %scan3A_145 = %scan3A_54 to %scan3A_56 step %scan3A_57  : i32 {
      %mul3A_146 = arith.constant 1 : i32
      %mul3A_147 = arith.muli %scan3A_145, %mul3A_146 : i32
      %add3A_148 = arith.constant 0 : i32
      %add3A_149 = arith.addi %add3A_148, %mul3A_147 : i32
      %get3A = arith.constant 0 : i32
      %get3A_150 = arith.constant 0 : i32
      %get3A_151 = tpu.memref_slice %arg6[%scan3A_52, %get3A, %get3A_150] : memref<2x128x128xf32, #tpu.memory_space<vmem>> -> memref<1x128x128xf32, #tpu.memory_space<vmem>>
      %get3A_152 = tpu.memref_squeeze %get3A_151 : memref<1x128x128xf32, #tpu.memory_space<vmem>> -> memref<128x128xf32, #tpu.memory_space<vmem>>
      %get3A_153 = arith.index_cast %add3A_149 : i32 to index
      %get3A_154 = arith.constant 0 : index
      %get3A_155 = tpu.vector_load %get3A_152[%get3A_153, %get3A_154] {strides = array<i32>} : memref<128x128xf32, #tpu.memory_space<vmem>>, vector<1x16xf32>,
      %get3A_156 = vector.shape_cast %get3A_155 : vector<1x16xf32> to vector<16xf32>
      %mul3A_157 = arith.constant 11.3137083 : f32
      %mul3A_158 = vector.broadcast %mul3A_157 : f32 to vector<16xf32>
      %mul3A_159 = arith.mulf %get3A_156, %mul3A_158 : vector<16xf32>
      %swap3A = arith.constant 0 : i32
      %swap3A_160 = arith.constant 0 : i32
      %swap3A_161 = tpu.memref_slice %arg7[%scan3A_53, %swap3A, %swap3A_160] : memref<2x128x128xf32, #tpu.memory_space<vmem>> -> memref<1x128x128xf32, #tpu.memory_space<vmem>>
      %swap3A_162 = tpu.memref_squeeze %swap3A_161 : memref<1x128x128xf32, #tpu.memory_space<vmem>> -> memref<128x128xf32, #tpu.memory_space<vmem>>
      %swap3A_163 = arith.index_cast %add3A_149 : i32 to index
      %swap3A_164 = arith.constant 0 : index
      %swap3A_165 = tpu.vector_load %swap3A_162[%swap3A_163, %swap3A_164] {strides = array<i32>} : memref<128x128xf32, #tpu.memory_space<vmem>>, vector<1x16xf32>,
      %swap3A_166 = vector.shape_cast %swap3A_165 : vector<1x16xf32> to vector<16xf32>
      %swap3A_167 = vector.shape_cast %mul3A_159 : vector<16xf32> to vector<1x16xf32>
      tpu.vector_store %swap3A_162[%swap3A_163, %swap3A_164], %swap3A_167 {strides = array<i32>} : memref<128x128xf32, #tpu.memory_space<vmem>>, vector<1x16xf32>,
      %get3A_168 = arith.constant 0 : i32
      %get3A_169 = arith.constant 0 : i32
      %get3A_170 = tpu.memref_slice %arg6[%scan3A_52, %get3A_168, %get3A_169] : memref<2x128x128xf32, #tpu.memory_space<vmem>> -> memref<1x128x128xf32, #tpu.memory_space<vmem>>
      %get3A_171 = tpu.memref_squeeze %get3A_170 : memref<1x128x128xf32, #tpu.memory_space<vmem>> -> memref<128x128xf32, #tpu.memory_space<vmem>>
      %get3A_172 = arith.index_cast %add3A_149 : i32 to index
      %get3A_173 = arith.constant 16 : index
      %get3A_174 = tpu.vector_load %get3A_171[%get3A_172, %get3A_173] {strides = array<i32>} : memref<128x128xf32, #tpu.memory_space<vmem>>, vector<1x16xf32>,
      %get3A_175 = vector.shape_cast %get3A_174 : vector<1x16xf32> to vector<16xf32>
      %mul3A_176 = arith.constant 11.3137083 : f32
      %mul3A_177 = vector.broadcast %mul3A_176 : f32 to vector<16xf32>
      %mul3A_178 = arith.mulf %get3A_175, %mul3A_177 : vector<16xf32>
      %swap3A_179 = arith.constant 0 : i32
      %swap3A_180 = arith.constant 0 : i32
      %swap3A_181 = tpu.memref_slice %arg7[%scan3A_53, %swap3A_179, %swap3A_180] : memref<2x128x128xf32, #tpu.memory_space<vmem>> -> memref<1x128x128xf32, #tpu.memory_space<vmem>>
      %swap3A_182 = tpu.memref_squeeze %swap3A_181 : memref<1x128x128xf32, #tpu.memory_space<vmem>> -> memref<128x128xf32, #tpu.memory_space<vmem>>
      %swap3A_183 = arith.index_cast %add3A_149 : i32 to index
      %swap3A_184 = arith.constant 16 : index
      %swap3A_185 = tpu.vector_load %swap3A_182[%swap3A_183, %swap3A_184] {strides = array<i32>} : memref<128x128xf32, #tpu.memory_space<vmem>>, vector<1x16xf32>,
      %swap3A_186 = vector.shape_cast %swap3A_185 : vector<1x16xf32> to vector<16xf32>
      %swap3A_187 = vector.shape_cast %mul3A_178 : vector<16xf32> to vector<1x16xf32>
      tpu.vector_store %swap3A_182[%swap3A_183, %swap3A_184], %swap3A_187 {strides = array<i32>} : memref<128x128xf32, #tpu.memory_space<vmem>>, vector<1x16xf32>,
      %get3A_188 = arith.constant 0 : i32
      %get3A_189 = arith.constant 0 : i32
      %get3A_190 = tpu.memref_slice %arg6[%scan3A_52, %get3A_188, %get3A_189] : memref<2x128x128xf32, #tpu.memory_space<vmem>> -> memref<1x128x128xf32, #tpu.memory_space<vmem>>
      %get3A_191 = tpu.memref_squeeze %get3A_190 : memref<1x128x128xf32, #tpu.memory_space<vmem>> -> memref<128x128xf32, #tpu.memory_space<vmem>>
      %get3A_192 = arith.index_cast %add3A_149 : i32 to index
      %get3A_193 = arith.constant 32 : index
      %get3A_194 = tpu.vector_load %get3A_191[%get3A_192, %get3A_193] {strides = array<i32>} : memref<128x128xf32, #tpu.memory_space<vmem>>, vector<1x16xf32>,
      %get3A_195 = vector.shape_cast %get3A_194 : vector<1x16xf32> to vector<16xf32>
      %mul3A_196 = arith.constant 11.3137083 : f32
      %mul3A_197 = vector.broadcast %mul3A_196 : f32 to vector<16xf32>
      %mul3A_198 = arith.mulf %get3A_195, %mul3A_197 : vector<16xf32>
      %swap3A_199 = arith.constant 0 : i32
      %swap3A_200 = arith.constant 0 : i32
      %swap3A_201 = tpu.memref_slice %arg7[%scan3A_53, %swap3A_199, %swap3A_200] : memref<2x128x128xf32, #tpu.memory_space<vmem>> -> memref<1x128x128xf32, #tpu.memory_space<vmem>>
      %swap3A_202 = tpu.memref_squeeze %swap3A_201 : memref<1x128x128xf32, #tpu.memory_space<vmem>> -> memref<128x128xf32, #tpu.memory_space<vmem>>
      %swap3A_203 = arith.index_cast %add3A_149 : i32 to index
      %swap3A_204 = arith.constant 32 : index
      %swap3A_205 = tpu.vector_load %swap3A_202[%swap3A_203, %swap3A_204] {strides = array<i32>} : memref<128x128xf32, #tpu.memory_space<vmem>>, vector<1x16xf32>,
      %swap3A_206 = vector.shape_cast %swap3A_205 : vector<1x16xf32> to vector<16xf32>
      %swap3A_207 = vector.shape_cast %mul3A_198 : vector<16xf32> to vector<1x16xf32>
      tpu.vector_store %swap3A_202[%swap3A_203, %swap3A_204], %swap3A_207 {strides = array<i32>} : memref<128x128xf32, #tpu.memory_space<vmem>>, vector<1x16xf32>,
      %get3A_208 = arith.constant 0 : i32
      %get3A_209 = arith.constant 0 : i32
      %get3A_210 = tpu.memref_slice %arg6[%scan3A_52, %get3A_208, %get3A_209] : memref<2x128x128xf32, #tpu.memory_space<vmem>> -> memref<1x128x128xf32, #tpu.memory_space<vmem>>
      %get3A_211 = tpu.memref_squeeze %get3A_210 : memref<1x128x128xf32, #tpu.memory_space<vmem>> -> memref<128x128xf32, #tpu.memory_space<vmem>>
      %get3A_212 = arith.index_cast %add3A_149 : i32 to index
      %get3A_213 = arith.constant 48 : index
      %get3A_214 = tpu.vector_load %get3A_211[%get3A_212, %get3A_213] {strides = array<i32>} : memref<128x128xf32, #tpu.memory_space<vmem>>, vector<1x16xf32>,
      %get3A_215 = vector.shape_cast %get3A_214 : vector<1x16xf32> to vector<16xf32>
      %mul3A_216 = arith.constant 11.3137083 : f32
      %mul3A_217 = vector.broadcast %mul3A_216 : f32 to vector<16xf32>
      %mul3A_218 = arith.mulf %get3A_215, %mul3A_217 : vector<16xf32>
      %swap3A_219 = arith.constant 0 : i32
      %swap3A_220 = arith.constant 0 : i32
      %swap3A_221 = tpu.memref_slice %arg7[%scan3A_53, %swap3A_219, %swap3A_220] : memref<2x128x128xf32, #tpu.memory_space<vmem>> -> memref<1x128x128xf32, #tpu.memory_space<vmem>>
      %swap3A_222 = tpu.memref_squeeze %swap3A_221 : memref<1x128x128xf32, #tpu.memory_space<vmem>> -> memref<128x128xf32, #tpu.memory_space<vmem>>
      %swap3A_223 = arith.index_cast %add3A_149 : i32 to index
      %swap3A_224 = arith.constant 48 : index
      %swap3A_225 = tpu.vector_load %swap3A_222[%swap3A_223, %swap3A_224] {strides = array<i32>} : memref<128x128xf32, #tpu.memory_space<vmem>>, vector<1x16xf32>,
      %swap3A_226 = vector.shape_cast %swap3A_225 : vector<1x16xf32> to vector<16xf32>
      %swap3A_227 = vector.shape_cast %mul3A_218 : vector<16xf32> to vector<1x16xf32>
      tpu.vector_store %swap3A_222[%swap3A_223, %swap3A_224], %swap3A_227 {strides = array<i32>} : memref<128x128xf32, #tpu.memory_space<vmem>>, vector<1x16xf32>,
      %get3A_228 = arith.constant 0 : i32
      %get3A_229 = arith.constant 0 : i32
      %get3A_230 = tpu.memref_slice %arg6[%scan3A_52, %get3A_228, %get3A_229] : memref<2x128x128xf32, #tpu.memory_space<vmem>> -> memref<1x128x128xf32, #tpu.memory_space<vmem>>
      %get3A_231 = tpu.memref_squeeze %get3A_230 : memref<1x128x128xf32, #tpu.memory_space<vmem>> -> memref<128x128xf32, #tpu.memory_space<vmem>>
      %get3A_232 = arith.index_cast %add3A_149 : i32 to index
      %get3A_233 = arith.constant 64 : index
      %get3A_234 = tpu.vector_load %get3A_231[%get3A_232, %get3A_233] {strides = array<i32>} : memref<128x128xf32, #tpu.memory_space<vmem>>, vector<1x16xf32>,
      %get3A_235 = vector.shape_cast %get3A_234 : vector<1x16xf32> to vector<16xf32>
      %mul3A_236 = arith.constant 11.3137083 : f32
      %mul3A_237 = vector.broadcast %mul3A_236 : f32 to vector<16xf32>
      %mul3A_238 = arith.mulf %get3A_235, %mul3A_237 : vector<16xf32>
      %swap3A_239 = arith.constant 0 : i32
      %swap3A_240 = arith.constant 0 : i32
      %swap3A_241 = tpu.memref_slice %arg7[%scan3A_53, %swap3A_239, %swap3A_240] : memref<2x128x128xf32, #tpu.memory_space<vmem>> -> memref<1x128x128xf32, #tpu.memory_space<vmem>>
      %swap3A_242 = tpu.memref_squeeze %swap3A_241 : memref<1x128x128xf32, #tpu.memory_space<vmem>> -> memref<128x128xf32, #tpu.memory_space<vmem>>
      %swap3A_243 = arith.index_cast %add3A_149 : i32 to index
      %swap3A_244 = arith.constant 64 : index
      %swap3A_245 = tpu.vector_load %swap3A_242[%swap3A_243, %swap3A_244] {strides = array<i32>} : memref<128x128xf32, #tpu.memory_space<vmem>>, vector<1x16xf32>,
      %swap3A_246 = vector.shape_cast %swap3A_245 : vector<1x16xf32> to vector<16xf32>
      %swap3A_247 = vector.shape_cast %mul3A_238 : vector<16xf32> to vector<1x16xf32>
      tpu.vector_store %swap3A_242[%swap3A_243, %swap3A_244], %swap3A_247 {strides = array<i32>} : memref<128x128xf32, #tpu.memory_space<vmem>>, vector<1x16xf32>,
      %get3A_248 = arith.constant 0 : i32
      %get3A_249 = arith.constant 0 : i32
      %get3A_250 = tpu.memref_slice %arg6[%scan3A_52, %get3A_248, %get3A_249] : memref<2x128x128xf32, #tpu.memory_space<vmem>> -> memref<1x128x128xf32, #tpu.memory_space<vmem>>
      %get3A_251 = tpu.memref_squeeze %get3A_250 : memref<1x128x128xf32, #tpu.memory_space<vmem>> -> memref<128x128xf32, #tpu.memory_space<vmem>>
      %get3A_252 = arith.index_cast %add3A_149 : i32 to index
      %get3A_253 = arith.constant 80 : index
      %get3A_254 = tpu.vector_load %get3A_251[%get3A_252, %get3A_253] {strides = array<i32>} : memref<128x128xf32, #tpu.memory_space<vmem>>, vector<1x16xf32>,
      %get3A_255 = vector.shape_cast %get3A_254 : vector<1x16xf32> to vector<16xf32>
      %mul3A_256 = arith.constant 11.3137083 : f32
      %mul3A_257 = vector.broadcast %mul3A_256 : f32 to vector<16xf32>
      %mul3A_258 = arith.mulf %get3A_255, %mul3A_257 : vector<16xf32>
      %swap3A_259 = arith.constant 0 : i32
      %swap3A_260 = arith.constant 0 : i32
      %swap3A_261 = tpu.memref_slice %arg7[%scan3A_53, %swap3A_259, %swap3A_260] : memref<2x128x128xf32, #tpu.memory_space<vmem>> -> memref<1x128x128xf32, #tpu.memory_space<vmem>>
      %swap3A_262 = tpu.memref_squeeze %swap3A_261 : memref<1x128x128xf32, #tpu.memory_space<vmem>> -> memref<128x128xf32, #tpu.memory_space<vmem>>
      %swap3A_263 = arith.index_cast %add3A_149 : i32 to index
      %swap3A_264 = arith.constant 80 : index
      %swap3A_265 = tpu.vector_load %swap3A_262[%swap3A_263, %swap3A_264] {strides = array<i32>} : memref<128x128xf32, #tpu.memory_space<vmem>>, vector<1x16xf32>,
      %swap3A_266 = vector.shape_cast %swap3A_265 : vector<1x16xf32> to vector<16xf32>
      %swap3A_267 = vector.shape_cast %mul3A_258 : vector<16xf32> to vector<1x16xf32>
      tpu.vector_store %swap3A_262[%swap3A_263, %swap3A_264], %swap3A_267 {strides = array<i32>} : memref<128x128xf32, #tpu.memory_space<vmem>>, vector<1x16xf32>,
      %get3A_268 = arith.constant 0 : i32
      %get3A_269 = arith.constant 0 : i32
      %get3A_270 = tpu.memref_slice %arg6[%scan3A_52, %get3A_268, %get3A_269] : memref<2x128x128xf32, #tpu.memory_space<vmem>> -> memref<1x128x128xf32, #tpu.memory_space<vmem>>
      %get3A_271 = tpu.memref_squeeze %get3A_270 : memref<1x128x128xf32, #tpu.memory_space<vmem>> -> memref<128x128xf32, #tpu.memory_space<vmem>>
      %get3A_272 = arith.index_cast %add3A_149 : i32 to index
      %get3A_273 = arith.constant 96 : index
      %get3A_274 = tpu.vector_load %get3A_271[%get3A_272, %get3A_273] {strides = array<i32>} : memref<128x128xf32, #tpu.memory_space<vmem>>, vector<1x16xf32>,
      %get3A_275 = vector.shape_cast %get3A_274 : vector<1x16xf32> to vector<16xf32>
      %mul3A_276 = arith.constant 11.3137083 : f32
      %mul3A_277 = vector.broadcast %mul3A_276 : f32 to vector<16xf32>
      %mul3A_278 = arith.mulf %get3A_275, %mul3A_277 : vector<16xf32>
      %swap3A_279 = arith.constant 0 : i32
      %swap3A_280 = arith.constant 0 : i32
      %swap3A_281 = tpu.memref_slice %arg7[%scan3A_53, %swap3A_279, %swap3A_280] : memref<2x128x128xf32, #tpu.memory_space<vmem>> -> memref<1x128x128xf32, #tpu.memory_space<vmem>>
      %swap3A_282 = tpu.memref_squeeze %swap3A_281 : memref<1x128x128xf32, #tpu.memory_space<vmem>> -> memref<128x128xf32, #tpu.memory_space<vmem>>
      %swap3A_283 = arith.index_cast %add3A_149 : i32 to index
      %swap3A_284 = arith.constant 96 : index
      %swap3A_285 = tpu.vector_load %swap3A_282[%swap3A_283, %swap3A_284] {strides = array<i32>} : memref<128x128xf32, #tpu.memory_space<vmem>>, vector<1x16xf32>,
      %swap3A_286 = vector.shape_cast %swap3A_285 : vector<1x16xf32> to vector<16xf32>
      %swap3A_287 = vector.shape_cast %mul3A_278 : vector<16xf32> to vector<1x16xf32>
      tpu.vector_store %swap3A_282[%swap3A_283, %swap3A_284], %swap3A_287 {strides = array<i32>} : memref<128x128xf32, #tpu.memory_space<vmem>>, vector<1x16xf32>,
      %get3A_288 = arith.constant 0 : i32
      %get3A_289 = arith.constant 0 : i32
      %get3A_290 = tpu.memref_slice %arg6[%scan3A_52, %get3A_288, %get3A_289] : memref<2x128x128xf32, #tpu.memory_space<vmem>> -> memref<1x128x128xf32, #tpu.memory_space<vmem>>
      %get3A_291 = tpu.memref_squeeze %get3A_290 : memref<1x128x128xf32, #tpu.memory_space<vmem>> -> memref<128x128xf32, #tpu.memory_space<vmem>>
      %get3A_292 = arith.index_cast %add3A_149 : i32 to index
      %get3A_293 = arith.constant 112 : index
      %get3A_294 = tpu.vector_load %get3A_291[%get3A_292, %get3A_293] {strides = array<i32>} : memref<128x128xf32, #tpu.memory_space<vmem>>, vector<1x16xf32>,
      %get3A_295 = vector.shape_cast %get3A_294 : vector<1x16xf32> to vector<16xf32>
      %mul3A_296 = arith.constant 11.3137083 : f32
      %mul3A_297 = vector.broadcast %mul3A_296 : f32 to vector<16xf32>
      %mul3A_298 = arith.mulf %get3A_295, %mul3A_297 : vector<16xf32>
      %swap3A_299 = arith.constant 0 : i32
      %swap3A_300 = arith.constant 0 : i32
      %swap3A_301 = tpu.memref_slice %arg7[%scan3A_53, %swap3A_299, %swap3A_300] : memref<2x128x128xf32, #tpu.memory_space<vmem>> -> memref<1x128x128xf32, #tpu.memory_space<vmem>>
      %swap3A_302 = tpu.memref_squeeze %swap3A_301 : memref<1x128x128xf32, #tpu.memory_space<vmem>> -> memref<128x128xf32, #tpu.memory_space<vmem>>
      %swap3A_303 = arith.index_cast %add3A_149 : i32 to index
      %swap3A_304 = arith.constant 112 : index
      %swap3A_305 = tpu.vector_load %swap3A_302[%swap3A_303, %swap3A_304] {strides = array<i32>} : memref<128x128xf32, #tpu.memory_space<vmem>>, vector<1x16xf32>,
      %swap3A_306 = vector.shape_cast %swap3A_305 : vector<1x16xf32> to vector<16xf32>
      %swap3A_307 = vector.shape_cast %mul3A_298 : vector<16xf32> to vector<1x16xf32>
      tpu.vector_store %swap3A_302[%swap3A_303, %swap3A_304], %swap3A_307 {strides = array<i32>} : memref<128x128xf32, #tpu.memory_space<vmem>>, vector<1x16xf32>,
      %scan3A_308 = arith.constant 1 : i32
      %scan3A_309 = arith.addi %scan3A_145, %scan3A_308 : i32
      %mul3A_310 = arith.constant 1 : i32
      %mul3A_311 = arith.muli %scan3A_309, %mul3A_310 : i32
      %add3A_312 = arith.constant 0 : i32
      %add3A_313 = arith.addi %add3A_312, %mul3A_311 : i32
      %get3A_314 = arith.constant 0 : i32
      %get3A_315 = arith.constant 0 : i32
      %get3A_316 = tpu.memref_slice %arg6[%scan3A_52, %get3A_314, %get3A_315] : memref<2x128x128xf32, #tpu.memory_space<vmem>> -> memref<1x128x128xf32, #tpu.memory_space<vmem>>
      %get3A_317 = tpu.memref_squeeze %get3A_316 : memref<1x128x128xf32, #tpu.memory_space<vmem>> -> memref<128x128xf32, #tpu.memory_space<vmem>>
      %get3A_318 = arith.index_cast %add3A_313 : i32 to index
      %get3A_319 = arith.constant 0 : index
      %get3A_320 = tpu.vector_load %get3A_317[%get3A_318, %get3A_319] {strides = array<i32>} : memref<128x128xf32, #tpu.memory_space<vmem>>, vector<1x16xf32>,
      %get3A_321 = vector.shape_cast %get3A_320 : vector<1x16xf32> to vector<16xf32>
      %mul3A_322 = arith.constant 11.3137083 : f32
      %mul3A_323 = vector.broadcast %mul3A_322 : f32 to vector<16xf32>
      %mul3A_324 = arith.mulf %get3A_321, %mul3A_323 : vector<16xf32>
      %swap3A_325 = arith.constant 0 : i32
      %swap3A_326 = arith.constant 0 : i32
      %swap3A_327 = tpu.memref_slice %arg7[%scan3A_53, %swap3A_325, %swap3A_326] : memref<2x128x128xf32, #tpu.memory_space<vmem>> -> memref<1x128x128xf32, #tpu.memory_space<vmem>>
      %swap3A_328 = tpu.memref_squeeze %swap3A_327 : memref<1x128x128xf32, #tpu.memory_space<vmem>> -> memref<128x128xf32, #tpu.memory_space<vmem>>
      %swap3A_329 = arith.index_cast %add3A_313 : i32 to index
      %swap3A_330 = arith.constant 0 : index
      %swap3A_331 = tpu.vector_load %swap3A_328[%swap3A_329, %swap3A_330] {strides = array<i32>} : memref<128x128xf32, #tpu.memory_space<vmem>>, vector<1x16xf32>,
      %swap3A_332 = vector.shape_cast %swap3A_331 : vector<1x16xf32> to vector<16xf32>
      %swap3A_333 = vector.shape_cast %mul3A_324 : vector<16xf32> to vector<1x16xf32>
      tpu.vector_store %swap3A_328[%swap3A_329, %swap3A_330], %swap3A_333 {strides = array<i32>} : memref<128x128xf32, #tpu.memory_space<vmem>>, vector<1x16xf32>,
      %get3A_334 = arith.constant 0 : i32
      %get3A_335 = arith.constant 0 : i32
      %get3A_336 = tpu.memref_slice %arg6[%scan3A_52, %get3A_334, %get3A_335] : memref<2x128x128xf32, #tpu.memory_space<vmem>> -> memref<1x128x128xf32, #tpu.memory_space<vmem>>
      %get3A_337 = tpu.memref_squeeze %get3A_336 : memref<1x128x128xf32, #tpu.memory_space<vmem>> -> memref<128x128xf32, #tpu.memory_space<vmem>>
      %get3A_338 = arith.index_cast %add3A_313 : i32 to index
      %get3A_339 = arith.constant 16 : index
      %get3A_340 = tpu.vector_load %get3A_337[%get3A_338, %get3A_339] {strides = array<i32>} : memref<128x128xf32, #tpu.memory_space<vmem>>, vector<1x16xf32>,
      %get3A_341 = vector.shape_cast %get3A_340 : vector<1x16xf32> to vector<16xf32>
      %mul3A_342 = arith.constant 11.3137083 : f32
      %mul3A_343 = vector.broadcast %mul3A_342 : f32 to vector<16xf32>
      %mul3A_344 = arith.mulf %get3A_341, %mul3A_343 : vector<16xf32>
      %swap3A_345 = arith.constant 0 : i32
      %swap3A_346 = arith.constant 0 : i32
      %swap3A_347 = tpu.memref_slice %arg7[%scan3A_53, %swap3A_345, %swap3A_346] : memref<2x128x128xf32, #tpu.memory_space<vmem>> -> memref<1x128x128xf32, #tpu.memory_space<vmem>>
      %swap3A_348 = tpu.memref_squeeze %swap3A_347 : memref<1x128x128xf32, #tpu.memory_space<vmem>> -> memref<128x128xf32, #tpu.memory_space<vmem>>
      %swap3A_349 = arith.index_cast %add3A_313 : i32 to index
      %swap3A_350 = arith.constant 16 : index
      %swap3A_351 = tpu.vector_load %swap3A_348[%swap3A_349, %swap3A_350] {strides = array<i32>} : memref<128x128xf32, #tpu.memory_space<vmem>>, vector<1x16xf32>,
      %swap3A_352 = vector.shape_cast %swap3A_351 : vector<1x16xf32> to vector<16xf32>
      %swap3A_353 = vector.shape_cast %mul3A_344 : vector<16xf32> to vector<1x16xf32>
      tpu.vector_store %swap3A_348[%swap3A_349, %swap3A_350], %swap3A_353 {strides = array<i32>} : memref<128x128xf32, #tpu.memory_space<vmem>>, vector<1x16xf32>,
      %get3A_354 = arith.constant 0 : i32
      %get3A_355 = arith.constant 0 : i32
      %get3A_356 = tpu.memref_slice %arg6[%scan3A_52, %get3A_354, %get3A_355] : memref<2x128x128xf32, #tpu.memory_space<vmem>> -> memref<1x128x128xf32, #tpu.memory_space<vmem>>
      %get3A_357 = tpu.memref_squeeze %get3A_356 : memref<1x128x128xf32, #tpu.memory_space<vmem>> -> memref<128x128xf32, #tpu.memory_space<vmem>>
      %get3A_358 = arith.index_cast %add3A_313 : i32 to index
      %get3A_359 = arith.constant 32 : index
      %get3A_360 = tpu.vector_load %get3A_357[%get3A_358, %get3A_359] {strides = array<i32>} : memref<128x128xf32, #tpu.memory_space<vmem>>, vector<1x16xf32>,
      %get3A_361 = vector.shape_cast %get3A_360 : vector<1x16xf32> to vector<16xf32>
      %mul3A_362 = arith.constant 11.3137083 : f32
      %mul3A_363 = vector.broadcast %mul3A_362 : f32 to vector<16xf32>
      %mul3A_364 = arith.mulf %get3A_361, %mul3A_363 : vector<16xf32>
      %swap3A_365 = arith.constant 0 : i32
      %swap3A_366 = arith.constant 0 : i32
      %swap3A_367 = tpu.memref_slice %arg7[%scan3A_53, %swap3A_365, %swap3A_366] : memref<2x128x128xf32, #tpu.memory_space<vmem>> -> memref<1x128x128xf32, #tpu.memory_space<vmem>>
      %swap3A_368 = tpu.memref_squeeze %swap3A_367 : memref<1x128x128xf32, #tpu.memory_space<vmem>> -> memref<128x128xf32, #tpu.memory_space<vmem>>
      %swap3A_369 = arith.index_cast %add3A_313 : i32 to index
      %swap3A_370 = arith.constant 32 : index
      %swap3A_371 = tpu.vector_load %swap3A_368[%swap3A_369, %swap3A_370] {strides = array<i32>} : memref<128x128xf32, #tpu.memory_space<vmem>>, vector<1x16xf32>,
      %swap3A_372 = vector.shape_cast %swap3A_371 : vector<1x16xf32> to vector<16xf32>
      %swap3A_373 = vector.shape_cast %mul3A_364 : vector<16xf32> to vector<1x16xf32>
      tpu.vector_store %swap3A_368[%swap3A_369, %swap3A_370], %swap3A_373 {strides = array<i32>} : memref<128x128xf32, #tpu.memory_space<vmem>>, vector<1x16xf32>,
      %get3A_374 = arith.constant 0 : i32
      %get3A_375 = arith.constant 0 : i32
      %get3A_376 = tpu.memref_slice %arg6[%scan3A_52, %get3A_374, %get3A_375] : memref<2x128x128xf32, #tpu.memory_space<vmem>> -> memref<1x128x128xf32, #tpu.memory_space<vmem>>
      %get3A_377 = tpu.memref_squeeze %get3A_376 : memref<1x128x128xf32, #tpu.memory_space<vmem>> -> memref<128x128xf32, #tpu.memory_space<vmem>>
      %get3A_378 = arith.index_cast %add3A_313 : i32 to index
      %get3A_379 = arith.constant 48 : index
      %get3A_380 = tpu.vector_load %get3A_377[%get3A_378, %get3A_379] {strides = array<i32>} : memref<128x128xf32, #tpu.memory_space<vmem>>, vector<1x16xf32>,
      %get3A_381 = vector.shape_cast %get3A_380 : vector<1x16xf32> to vector<16xf32>
      %mul3A_382 = arith.constant 11.3137083 : f32
      %mul3A_383 = vector.broadcast %mul3A_382 : f32 to vector<16xf32>
      %mul3A_384 = arith.mulf %get3A_381, %mul3A_383 : vector<16xf32>
      %swap3A_385 = arith.constant 0 : i32
      %swap3A_386 = arith.constant 0 : i32
      %swap3A_387 = tpu.memref_slice %arg7[%scan3A_53, %swap3A_385, %swap3A_386] : memref<2x128x128xf32, #tpu.memory_space<vmem>> -> memref<1x128x128xf32, #tpu.memory_space<vmem>>
      %swap3A_388 = tpu.memref_squeeze %swap3A_387 : memref<1x128x128xf32, #tpu.memory_space<vmem>> -> memref<128x128xf32, #tpu.memory_space<vmem>>
      %swap3A_389 = arith.index_cast %add3A_313 : i32 to index
      %swap3A_390 = arith.constant 48 : index
      %swap3A_391 = tpu.vector_load %swap3A_388[%swap3A_389, %swap3A_390] {strides = array<i32>} : memref<128x128xf32, #tpu.memory_space<vmem>>, vector<1x16xf32>,
      %swap3A_392 = vector.shape_cast %swap3A_391 : vector<1x16xf32> to vector<16xf32>
      %swap3A_393 = vector.shape_cast %mul3A_384 : vector<16xf32> to vector<1x16xf32>
      tpu.vector_store %swap3A_388[%swap3A_389, %swap3A_390], %swap3A_393 {strides = array<i32>} : memref<128x128xf32, #tpu.memory_space<vmem>>, vector<1x16xf32>,
      %get3A_394 = arith.constant 0 : i32
      %get3A_395 = arith.constant 0 : i32
      %get3A_396 = tpu.memref_slice %arg6[%scan3A_52, %get3A_394, %get3A_395] : memref<2x128x128xf32, #tpu.memory_space<vmem>> -> memref<1x128x128xf32, #tpu.memory_space<vmem>>
      %get3A_397 = tpu.memref_squeeze %get3A_396 : memref<1x128x128xf32, #tpu.memory_space<vmem>> -> memref<128x128xf32, #tpu.memory_space<vmem>>
      %get3A_398 = arith.index_cast %add3A_313 : i32 to index
      %get3A_399 = arith.constant 64 : index
      %get3A_400 = tpu.vector_load %get3A_397[%get3A_398, %get3A_399] {strides = array<i32>} : memref<128x128xf32, #tpu.memory_space<vmem>>, vector<1x16xf32>,
      %get3A_401 = vector.shape_cast %get3A_400 : vector<1x16xf32> to vector<16xf32>
      %mul3A_402 = arith.constant 11.3137083 : f32
      %mul3A_403 = vector.broadcast %mul3A_402 : f32 to vector<16xf32>
      %mul3A_404 = arith.mulf %get3A_401, %mul3A_403 : vector<16xf32>
      %swap3A_405 = arith.constant 0 : i32
      %swap3A_406 = arith.constant 0 : i32
      %swap3A_407 = tpu.memref_slice %arg7[%scan3A_53, %swap3A_405, %swap3A_406] : memref<2x128x128xf32, #tpu.memory_space<vmem>> -> memref<1x128x128xf32, #tpu.memory_space<vmem>>
      %swap3A_408 = tpu.memref_squeeze %swap3A_407 : memref<1x128x128xf32, #tpu.memory_space<vmem>> -> memref<128x128xf32, #tpu.memory_space<vmem>>
      %swap3A_409 = arith.index_cast %add3A_313 : i32 to index
      %swap3A_410 = arith.constant 64 : index
      %swap3A_411 = tpu.vector_load %swap3A_408[%swap3A_409, %swap3A_410] {strides = array<i32>} : memref<128x128xf32, #tpu.memory_space<vmem>>, vector<1x16xf32>,
      %swap3A_412 = vector.shape_cast %swap3A_411 : vector<1x16xf32> to vector<16xf32>
      %swap3A_413 = vector.shape_cast %mul3A_404 : vector<16xf32> to vector<1x16xf32>
      tpu.vector_store %swap3A_408[%swap3A_409, %swap3A_410], %swap3A_413 {strides = array<i32>} : memref<128x128xf32, #tpu.memory_space<vmem>>, vector<1x16xf32>,
      %get3A_414 = arith.constant 0 : i32
      %get3A_415 = arith.constant 0 : i32
      %get3A_416 = tpu.memref_slice %arg6[%scan3A_52, %get3A_414, %get3A_415] : memref<2x128x128xf32, #tpu.memory_space<vmem>> -> memref<1x128x128xf32, #tpu.memory_space<vmem>>
      %get3A_417 = tpu.memref_squeeze %get3A_416 : memref<1x128x128xf32, #tpu.memory_space<vmem>> -> memref<128x128xf32, #tpu.memory_space<vmem>>
      %get3A_418 = arith.index_cast %add3A_313 : i32 to index
      %get3A_419 = arith.constant 80 : index
      %get3A_420 = tpu.vector_load %get3A_417[%get3A_418, %get3A_419] {strides = array<i32>} : memref<128x128xf32, #tpu.memory_space<vmem>>, vector<1x16xf32>,
      %get3A_421 = vector.shape_cast %get3A_420 : vector<1x16xf32> to vector<16xf32>
      %mul3A_422 = arith.constant 11.3137083 : f32
      %mul3A_423 = vector.broadcast %mul3A_422 : f32 to vector<16xf32>
      %mul3A_424 = arith.mulf %get3A_421, %mul3A_423 : vector<16xf32>
      %swap3A_425 = arith.constant 0 : i32
      %swap3A_426 = arith.constant 0 : i32
      %swap3A_427 = tpu.memref_slice %arg7[%scan3A_53, %swap3A_425, %swap3A_426] : memref<2x128x128xf32, #tpu.memory_space<vmem>> -> memref<1x128x128xf32, #tpu.memory_space<vmem>>
      %swap3A_428 = tpu.memref_squeeze %swap3A_427 : memref<1x128x128xf32, #tpu.memory_space<vmem>> -> memref<128x128xf32, #tpu.memory_space<vmem>>
      %swap3A_429 = arith.index_cast %add3A_313 : i32 to index
      %swap3A_430 = arith.constant 80 : index
      %swap3A_431 = tpu.vector_load %swap3A_428[%swap3A_429, %swap3A_430] {strides = array<i32>} : memref<128x128xf32, #tpu.memory_space<vmem>>, vector<1x16xf32>,
      %swap3A_432 = vector.shape_cast %swap3A_431 : vector<1x16xf32> to vector<16xf32>
      %swap3A_433 = vector.shape_cast %mul3A_424 : vector<16xf32> to vector<1x16xf32>
      tpu.vector_store %swap3A_428[%swap3A_429, %swap3A_430], %swap3A_433 {strides = array<i32>} : memref<128x128xf32, #tpu.memory_space<vmem>>, vector<1x16xf32>,
      %get3A_434 = arith.constant 0 : i32
      %get3A_435 = arith.constant 0 : i32
      %get3A_436 = tpu.memref_slice %arg6[%scan3A_52, %get3A_434, %get3A_435] : memref<2x128x128xf32, #tpu.memory_space<vmem>> -> memref<1x128x128xf32, #tpu.memory_space<vmem>>
      %get3A_437 = tpu.memref_squeeze %get3A_436 : memref<1x128x128xf32, #tpu.memory_space<vmem>> -> memref<128x128xf32, #tpu.memory_space<vmem>>
      %get3A_438 = arith.index_cast %add3A_313 : i32 to index
      %get3A_439 = arith.constant 96 : index
      %get3A_440 = tpu.vector_load %get3A_437[%get3A_438, %get3A_439] {strides = array<i32>} : memref<128x128xf32, #tpu.memory_space<vmem>>, vector<1x16xf32>,
      %get3A_441 = vector.shape_cast %get3A_440 : vector<1x16xf32> to vector<16xf32>
      %mul3A_442 = arith.constant 11.3137083 : f32
      %mul3A_443 = vector.broadcast %mul3A_442 : f32 to vector<16xf32>
      %mul3A_444 = arith.mulf %get3A_441, %mul3A_443 : vector<16xf32>
      %swap3A_445 = arith.constant 0 : i32
      %swap3A_446 = arith.constant 0 : i32
      %swap3A_447 = tpu.memref_slice %arg7[%scan3A_53, %swap3A_445, %swap3A_446] : memref<2x128x128xf32, #tpu.memory_space<vmem>> -> memref<1x128x128xf32, #tpu.memory_space<vmem>>
      %swap3A_448 = tpu.memref_squeeze %swap3A_447 : memref<1x128x128xf32, #tpu.memory_space<vmem>> -> memref<128x128xf32, #tpu.memory_space<vmem>>
      %swap3A_449 = arith.index_cast %add3A_313 : i32 to index
      %swap3A_450 = arith.constant 96 : index
      %swap3A_451 = tpu.vector_load %swap3A_448[%swap3A_449, %swap3A_450] {strides = array<i32>} : memref<128x128xf32, #tpu.memory_space<vmem>>, vector<1x16xf32>,
      %swap3A_452 = vector.shape_cast %swap3A_451 : vector<1x16xf32> to vector<16xf32>
      %swap3A_453 = vector.shape_cast %mul3A_444 : vector<16xf32> to vector<1x16xf32>
      tpu.vector_store %swap3A_448[%swap3A_449, %swap3A_450], %swap3A_453 {strides = array<i32>} : memref<128x128xf32, #tpu.memory_space<vmem>>, vector<1x16xf32>,
      %get3A_454 = arith.constant 0 : i32
      %get3A_455 = arith.constant 0 : i32
      %get3A_456 = tpu.memref_slice %arg6[%scan3A_52, %get3A_454, %get3A_455] : memref<2x128x128xf32, #tpu.memory_space<vmem>> -> memref<1x128x128xf32, #tpu.memory_space<vmem>>
      %get3A_457 = tpu.memref_squeeze %get3A_456 : memref<1x128x128xf32, #tpu.memory_space<vmem>> -> memref<128x128xf32, #tpu.memory_space<vmem>>
      %get3A_458 = arith.index_cast %add3A_313 : i32 to index
      %get3A_459 = arith.constant 112 : index
      %get3A_460 = tpu.vector_load %get3A_457[%get3A_458, %get3A_459] {strides = array<i32>} : memref<128x128xf32, #tpu.memory_space<vmem>>, vector<1x16xf32>,
      %get3A_461 = vector.shape_cast %get3A_460 : vector<1x16xf32> to vector<16xf32>
      %mul3A_462 = arith.constant 11.3137083 : f32
      %mul3A_463 = vector.broadcast %mul3A_462 : f32 to vector<16xf32>
      %mul3A_464 = arith.mulf %get3A_461, %mul3A_463 : vector<16xf32>
      %swap3A_465 = arith.constant 0 : i32
      %swap3A_466 = arith.constant 0 : i32
      %swap3A_467 = tpu.memref_slice %arg7[%scan3A_53, %swap3A_465, %swap3A_466] : memref<2x128x128xf32, #tpu.memory_space<vmem>> -> memref<1x128x128xf32, #tpu.memory_space<vmem>>
      %swap3A_468 = tpu.memref_squeeze %swap3A_467 : memref<1x128x128xf32, #tpu.memory_space<vmem>> -> memref<128x128xf32, #tpu.memory_space<vmem>>
      %swap3A_469 = arith.index_cast %add3A_313 : i32 to index
      %swap3A_470 = arith.constant 112 : index
      %swap3A_471 = tpu.vector_load %swap3A_468[%swap3A_469, %swap3A_470] {strides = array<i32>} : memref<128x128xf32, #tpu.memory_space<vmem>>, vector<1x16xf32>,
      %swap3A_472 = vector.shape_cast %swap3A_471 : vector<1x16xf32> to vector<16xf32>
      %swap3A_473 = vector.shape_cast %mul3A_464 : vector<16xf32> to vector<1x16xf32>
      tpu.vector_store %swap3A_468[%swap3A_469, %swap3A_470], %swap3A_473 {strides = array<i32>} : memref<128x128xf32, #tpu.memory_space<vmem>>, vector<1x16xf32>,
      %scan3A_474 = arith.constant 2 : i32
      %scan3A_475 = arith.addi %scan3A_145, %scan3A_474 : i32
      %mul3A_476 = arith.constant 1 : i32
      %mul3A_477 = arith.muli %scan3A_475, %mul3A_476 : i32
      %add3A_478 = arith.constant 0 : i32
      %add3A_479 = arith.addi %add3A_478, %mul3A_477 : i32
      %get3A_480 = arith.constant 0 : i32
      %get3A_481 = arith.constant 0 : i32
      %get3A_482 = tpu.memref_slice %arg6[%scan3A_52, %get3A_480, %get3A_481] : memref<2x128x128xf32, #tpu.memory_space<vmem>> -> memref<1x128x128xf32, #tpu.memory_space<vmem>>
      %get3A_483 = tpu.memref_squeeze %get3A_482 : memref<1x128x128xf32, #tpu.memory_space<vmem>> -> memref<128x128xf32, #tpu.memory_space<vmem>>
      %get3A_484 = arith.index_cast %add3A_479 : i32 to index
      %get3A_485 = arith.constant 0 : index
      %get3A_486 = tpu.vector_load %get3A_483[%get3A_484, %get3A_485] {strides = array<i32>} : memref<128x128xf32, #tpu.memory_space<vmem>>, vector<1x16xf32>,
      %get3A_487 = vector.shape_cast %get3A_486 : vector<1x16xf32> to vector<16xf32>
      %mul3A_488 = arith.constant 11.3137083 : f32
      %mul3A_489 = vector.broadcast %mul3A_488 : f32 to vector<16xf32>
      %mul3A_490 = arith.mulf %get3A_487, %mul3A_489 : vector<16xf32>
      %swap3A_491 = arith.constant 0 : i32
      %swap3A_492 = arith.constant 0 : i32
      %swap3A_493 = tpu.memref_slice %arg7[%scan3A_53, %swap3A_491, %swap3A_492] : memref<2x128x128xf32, #tpu.memory_space<vmem>> -> memref<1x128x128xf32, #tpu.memory_space<vmem>>
      %swap3A_494 = tpu.memref_squeeze %swap3A_493 : memref<1x128x128xf32, #tpu.memory_space<vmem>> -> memref<128x128xf32, #tpu.memory_space<vmem>>
      %swap3A_495 = arith.index_cast %add3A_479 : i32 to index
      %swap3A_496 = arith.constant 0 : index
      %swap3A_497 = tpu.vector_load %swap3A_494[%swap3A_495, %swap3A_496] {strides = array<i32>} : memref<128x128xf32, #tpu.memory_space<vmem>>, vector<1x16xf32>,
      %swap3A_498 = vector.shape_cast %swap3A_497 : vector<1x16xf32> to vector<16xf32>
      %swap3A_499 = vector.shape_cast %mul3A_490 : vector<16xf32> to vector<1x16xf32>
      tpu.vector_store %swap3A_494[%swap3A_495, %swap3A_496], %swap3A_499 {strides = array<i32>} : memref<128x128xf32, #tpu.memory_space<vmem>>, vector<1x16xf32>,
      %get3A_500 = arith.constant 0 : i32
      %get3A_501 = arith.constant 0 : i32
      %get3A_502 = tpu.memref_slice %arg6[%scan3A_52, %get3A_500, %get3A_501] : memref<2x128x128xf32, #tpu.memory_space<vmem>> -> memref<1x128x128xf32, #tpu.memory_space<vmem>>
      %get3A_503 = tpu.memref_squeeze %get3A_502 : memref<1x128x128xf32, #tpu.memory_space<vmem>> -> memref<128x128xf32, #tpu.memory_space<vmem>>
      %get3A_504 = arith.index_cast %add3A_479 : i32 to index
      %get3A_505 = arith.constant 16 : index
      %get3A_506 = tpu.vector_load %get3A_503[%get3A_504, %get3A_505] {strides = array<i32>} : memref<128x128xf32, #tpu.memory_space<vmem>>, vector<1x16xf32>,
      %get3A_507 = vector.shape_cast %get3A_506 : vector<1x16xf32> to vector<16xf32>
      %mul3A_508 = arith.constant 11.3137083 : f32
      %mul3A_509 = vector.broadcast %mul3A_508 : f32 to vector<16xf32>
      %mul3A_510 = arith.mulf %get3A_507, %mul3A_509 : vector<16xf32>
      %swap3A_511 = arith.constant 0 : i32
      %swap3A_512 = arith.constant 0 : i32
      %swap3A_513 = tpu.memref_slice %arg7[%scan3A_53, %swap3A_511, %swap3A_512] : memref<2x128x128xf32, #tpu.memory_space<vmem>> -> memref<1x128x128xf32, #tpu.memory_space<vmem>>
      %swap3A_514 = tpu.memref_squeeze %swap3A_513 : memref<1x128x128xf32, #tpu.memory_space<vmem>> -> memref<128x128xf32, #tpu.memory_space<vmem>>
      %swap3A_515 = arith.index_cast %add3A_479 : i32 to index
      %swap3A_516 = arith.constant 16 : index
      %swap3A_517 = tpu.vector_load %swap3A_514[%swap3A_515, %swap3A_516] {strides = array<i32>} : memref<128x128xf32, #tpu.memory_space<vmem>>, vector<1x16xf32>,
      %swap3A_518 = vector.shape_cast %swap3A_517 : vector<1x16xf32> to vector<16xf32>
      %swap3A_519 = vector.shape_cast %mul3A_510 : vector<16xf32> to vector<1x16xf32>
      tpu.vector_store %swap3A_514[%swap3A_515, %swap3A_516], %swap3A_519 {strides = array<i32>} : memref<128x128xf32, #tpu.memory_space<vmem>>, vector<1x16xf32>,
      %get3A_520 = arith.constant 0 : i32
      %get3A_521 = arith.constant 0 : i32
      %get3A_522 = tpu.memref_slice %arg6[%scan3A_52, %get3A_520, %get3A_521] : memref<2x128x128xf32, #tpu.memory_space<vmem>> -> memref<1x128x128xf32, #tpu.memory_space<vmem>>
      %get3A_523 = tpu.memref_squeeze %get3A_522 : memref<1x128x128xf32, #tpu.memory_space<vmem>> -> memref<128x128xf32, #tpu.memory_space<vmem>>
      %get3A_524 = arith.index_cast %add3A_479 : i32 to index
      %get3A_525 = arith.constant 32 : index
      %get3A_526 = tpu.vector_load %get3A_523[%get3A_524, %get3A_525] {strides = array<i32>} : memref<128x128xf32, #tpu.memory_space<vmem>>, vector<1x16xf32>,
      %get3A_527 = vector.shape_cast %get3A_526 : vector<1x16xf32> to vector<16xf32>
      %mul3A_528 = arith.constant 11.3137083 : f32
      %mul3A_529 = vector.broadcast %mul3A_528 : f32 to vector<16xf32>
      %mul3A_530 = arith.mulf %get3A_527, %mul3A_529 : vector<16xf32>
      %swap3A_531 = arith.constant 0 : i32
      %swap3A_532 = arith.constant 0 : i32
      %swap3A_533 = tpu.memref_slice %arg7[%scan3A_53, %swap3A_531, %swap3A_532] : memref<2x128x128xf32, #tpu.memory_space<vmem>> -> memref<1x128x128xf32, #tpu.memory_space<vmem>>
      %swap3A_534 = tpu.memref_squeeze %swap3A_533 : memref<1x128x128xf32, #tpu.memory_space<vmem>> -> memref<128x128xf32, #tpu.memory_space<vmem>>
      %swap3A_535 = arith.index_cast %add3A_479 : i32 to index
      %swap3A_536 = arith.constant 32 : index
      %swap3A_537 = tpu.vector_load %swap3A_534[%swap3A_535, %swap3A_536] {strides = array<i32>} : memref<128x128xf32, #tpu.memory_space<vmem>>, vector<1x16xf32>,
      %swap3A_538 = vector.shape_cast %swap3A_537 : vector<1x16xf32> to vector<16xf32>
      %swap3A_539 = vector.shape_cast %mul3A_530 : vector<16xf32> to vector<1x16xf32>
      tpu.vector_store %swap3A_534[%swap3A_535, %swap3A_536], %swap3A_539 {strides = array<i32>} : memref<128x128xf32, #tpu.memory_space<vmem>>, vector<1x16xf32>,
      %get3A_540 = arith.constant 0 : i32
      %get3A_541 = arith.constant 0 : i32
      %get3A_542 = tpu.memref_slice %arg6[%scan3A_52, %get3A_540, %get3A_541] : memref<2x128x128xf32, #tpu.memory_space<vmem>> -> memref<1x128x128xf32, #tpu.memory_space<vmem>>
      %get3A_543 = tpu.memref_squeeze %get3A_542 : memref<1x128x128xf32, #tpu.memory_space<vmem>> -> memref<128x128xf32, #tpu.memory_space<vmem>>
      %get3A_544 = arith.index_cast %add3A_479 : i32 to index
      %get3A_545 = arith.constant 48 : index
      %get3A_546 = tpu.vector_load %get3A_543[%get3A_544, %get3A_545] {strides = array<i32>} : memref<128x128xf32, #tpu.memory_space<vmem>>, vector<1x16xf32>,
      %get3A_547 = vector.shape_cast %get3A_546 : vector<1x16xf32> to vector<16xf32>
      %mul3A_548 = arith.constant 11.3137083 : f32
      %mul3A_549 = vector.broadcast %mul3A_548 : f32 to vector<16xf32>
      %mul3A_550 = arith.mulf %get3A_547, %mul3A_549 : vector<16xf32>
      %swap3A_551 = arith.constant 0 : i32
      %swap3A_552 = arith.constant 0 : i32
      %swap3A_553 = tpu.memref_slice %arg7[%scan3A_53, %swap3A_551, %swap3A_552] : memref<2x128x128xf32, #tpu.memory_space<vmem>> -> memref<1x128x128xf32, #tpu.memory_space<vmem>>
      %swap3A_554 = tpu.memref_squeeze %swap3A_553 : memref<1x128x128xf32, #tpu.memory_space<vmem>> -> memref<128x128xf32, #tpu.memory_space<vmem>>
      %swap3A_555 = arith.index_cast %add3A_479 : i32 to index
      %swap3A_556 = arith.constant 48 : index
      %swap3A_557 = tpu.vector_load %swap3A_554[%swap3A_555, %swap3A_556] {strides = array<i32>} : memref<128x128xf32, #tpu.memory_space<vmem>>, vector<1x16xf32>,
      %swap3A_558 = vector.shape_cast %swap3A_557 : vector<1x16xf32> to vector<16xf32>
      %swap3A_559 = vector.shape_cast %mul3A_550 : vector<16xf32> to vector<1x16xf32>
      tpu.vector_store %swap3A_554[%swap3A_555, %swap3A_556], %swap3A_559 {strides = array<i32>} : memref<128x128xf32, #tpu.memory_space<vmem>>, vector<1x16xf32>,
      %get3A_560 = arith.constant 0 : i32
      %get3A_561 = arith.constant 0 : i32
      %get3A_562 = tpu.memref_slice %arg6[%scan3A_52, %get3A_560, %get3A_561] : memref<2x128x128xf32, #tpu.memory_space<vmem>> -> memref<1x128x128xf32, #tpu.memory_space<vmem>>
      %get3A_563 = tpu.memref_squeeze %get3A_562 : memref<1x128x128xf32, #tpu.memory_space<vmem>> -> memref<128x128xf32, #tpu.memory_space<vmem>>
      %get3A_564 = arith.index_cast %add3A_479 : i32 to index
      %get3A_565 = arith.constant 64 : index
      %get3A_566 = tpu.vector_load %get3A_563[%get3A_564, %get3A_565] {strides = array<i32>} : memref<128x128xf32, #tpu.memory_space<vmem>>, vector<1x16xf32>,
      %get3A_567 = vector.shape_cast %get3A_566 : vector<1x16xf32> to vector<16xf32>
      %mul3A_568 = arith.constant 11.3137083 : f32
      %mul3A_569 = vector.broadcast %mul3A_568 : f32 to vector<16xf32>
      %mul3A_570 = arith.mulf %get3A_567, %mul3A_569 : vector<16xf32>
      %swap3A_571 = arith.constant 0 : i32
      %swap3A_572 = arith.constant 0 : i32
      %swap3A_573 = tpu.memref_slice %arg7[%scan3A_53, %swap3A_571, %swap3A_572] : memref<2x128x128xf32, #tpu.memory_space<vmem>> -> memref<1x128x128xf32, #tpu.memory_space<vmem>>
      %swap3A_574 = tpu.memref_squeeze %swap3A_573 : memref<1x128x128xf32, #tpu.memory_space<vmem>> -> memref<128x128xf32, #tpu.memory_space<vmem>>
      %swap3A_575 = arith.index_cast %add3A_479 : i32 to index
      %swap3A_576 = arith.constant 64 : index
      %swap3A_577 = tpu.vector_load %swap3A_574[%swap3A_575, %swap3A_576] {strides = array<i32>} : memref<128x128xf32, #tpu.memory_space<vmem>>, vector<1x16xf32>,
      %swap3A_578 = vector.shape_cast %swap3A_577 : vector<1x16xf32> to vector<16xf32>
      %swap3A_579 = vector.shape_cast %mul3A_570 : vector<16xf32> to vector<1x16xf32>
      tpu.vector_store %swap3A_574[%swap3A_575, %swap3A_576], %swap3A_579 {strides = array<i32>} : memref<128x128xf32, #tpu.memory_space<vmem>>, vector<1x16xf32>,
      %get3A_580 = arith.constant 0 : i32
      %get3A_581 = arith.constant 0 : i32
      %get3A_582 = tpu.memref_slice %arg6[%scan3A_52, %get3A_580, %get3A_581] : memref<2x128x128xf32, #tpu.memory_space<vmem>> -> memref<1x128x128xf32, #tpu.memory_space<vmem>>
      %get3A_583 = tpu.memref_squeeze %get3A_582 : memref<1x128x128xf32, #tpu.memory_space<vmem>> -> memref<128x128xf32, #tpu.memory_space<vmem>>
      %get3A_584 = arith.index_cast %add3A_479 : i32 to index
      %get3A_585 = arith.constant 80 : index
      %get3A_586 = tpu.vector_load %get3A_583[%get3A_584, %get3A_585] {strides = array<i32>} : memref<128x128xf32, #tpu.memory_space<vmem>>, vector<1x16xf32>,
      %get3A_587 = vector.shape_cast %get3A_586 : vector<1x16xf32> to vector<16xf32>
      %mul3A_588 = arith.constant 11.3137083 : f32
      %mul3A_589 = vector.broadcast %mul3A_588 : f32 to vector<16xf32>
      %mul3A_590 = arith.mulf %get3A_587, %mul3A_589 : vector<16xf32>
      %swap3A_591 = arith.constant 0 : i32
      %swap3A_592 = arith.constant 0 : i32
      %swap3A_593 = tpu.memref_slice %arg7[%scan3A_53, %swap3A_591, %swap3A_592] : memref<2x128x128xf32, #tpu.memory_space<vmem>> -> memref<1x128x128xf32, #tpu.memory_space<vmem>>
      %swap3A_594 = tpu.memref_squeeze %swap3A_593 : memref<1x128x128xf32, #tpu.memory_space<vmem>> -> memref<128x128xf32, #tpu.memory_space<vmem>>
      %swap3A_595 = arith.index_cast %add3A_479 : i32 to index
      %swap3A_596 = arith.constant 80 : index
      %swap3A_597 = tpu.vector_load %swap3A_594[%swap3A_595, %swap3A_596] {strides = array<i32>} : memref<128x128xf32, #tpu.memory_space<vmem>>, vector<1x16xf32>,
      %swap3A_598 = vector.shape_cast %swap3A_597 : vector<1x16xf32> to vector<16xf32>
      %swap3A_599 = vector.shape_cast %mul3A_590 : vector<16xf32> to vector<1x16xf32>
      tpu.vector_store %swap3A_594[%swap3A_595, %swap3A_596], %swap3A_599 {strides = array<i32>} : memref<128x128xf32, #tpu.memory_space<vmem>>, vector<1x16xf32>,
      %get3A_600 = arith.constant 0 : i32
      %get3A_601 = arith.constant 0 : i32
      %get3A_602 = tpu.memref_slice %arg6[%scan3A_52, %get3A_600, %get3A_601] : memref<2x128x128xf32, #tpu.memory_space<vmem>> -> memref<1x128x128xf32, #tpu.memory_space<vmem>>
      %get3A_603 = tpu.memref_squeeze %get3A_602 : memref<1x128x128xf32, #tpu.memory_space<vmem>> -> memref<128x128xf32, #tpu.memory_space<vmem>>
      %get3A_604 = arith.index_cast %add3A_479 : i32 to index
      %get3A_605 = arith.constant 96 : index
      %get3A_606 = tpu.vector_load %get3A_603[%get3A_604, %get3A_605] {strides = array<i32>} : memref<128x128xf32, #tpu.memory_space<vmem>>, vector<1x16xf32>,
      %get3A_607 = vector.shape_cast %get3A_606 : vector<1x16xf32> to vector<16xf32>
      %mul3A_608 = arith.constant 11.3137083 : f32
      %mul3A_609 = vector.broadcast %mul3A_608 : f32 to vector<16xf32>
      %mul3A_610 = arith.mulf %get3A_607, %mul3A_609 : vector<16xf32>
      %swap3A_611 = arith.constant 0 : i32
      %swap3A_612 = arith.constant 0 : i32
      %swap3A_613 = tpu.memref_slice %arg7[%scan3A_53, %swap3A_611, %swap3A_612] : memref<2x128x128xf32, #tpu.memory_space<vmem>> -> memref<1x128x128xf32, #tpu.memory_space<vmem>>
      %swap3A_614 = tpu.memref_squeeze %swap3A_613 : memref<1x128x128xf32, #tpu.memory_space<vmem>> -> memref<128x128xf32, #tpu.memory_space<vmem>>
      %swap3A_615 = arith.index_cast %add3A_479 : i32 to index
      %swap3A_616 = arith.constant 96 : index
      %swap3A_617 = tpu.vector_load %swap3A_614[%swap3A_615, %swap3A_616] {strides = array<i32>} : memref<128x128xf32, #tpu.memory_space<vmem>>, vector<1x16xf32>,
      %swap3A_618 = vector.shape_cast %swap3A_617 : vector<1x16xf32> to vector<16xf32>
      %swap3A_619 = vector.shape_cast %mul3A_610 : vector<16xf32> to vector<1x16xf32>
      tpu.vector_store %swap3A_614[%swap3A_615, %swap3A_616], %swap3A_619 {strides = array<i32>} : memref<128x128xf32, #tpu.memory_space<vmem>>, vector<1x16xf32>,
      %get3A_620 = arith.constant 0 : i32
      %get3A_621 = arith.constant 0 : i32
      %get3A_622 = tpu.memref_slice %arg6[%scan3A_52, %get3A_620, %get3A_621] : memref<2x128x128xf32, #tpu.memory_space<vmem>> -> memref<1x128x128xf32, #tpu.memory_space<vmem>>
      %get3A_623 = tpu.memref_squeeze %get3A_622 : memref<1x128x128xf32, #tpu.memory_space<vmem>> -> memref<128x128xf32, #tpu.memory_space<vmem>>
      %get3A_624 = arith.index_cast %add3A_479 : i32 to index
      %get3A_625 = arith.constant 112 : index
      %get3A_626 = tpu.vector_load %get3A_623[%get3A_624, %get3A_625] {strides = array<i32>} : memref<128x128xf32, #tpu.memory_space<vmem>>, vector<1x16xf32>,
      %get3A_627 = vector.shape_cast %get3A_626 : vector<1x16xf32> to vector<16xf32>
      %mul3A_628 = arith.constant 11.3137083 : f32
      %mul3A_629 = vector.broadcast %mul3A_628 : f32 to vector<16xf32>
      %mul3A_630 = arith.mulf %get3A_627, %mul3A_629 : vector<16xf32>
      %swap3A_631 = arith.constant 0 : i32
      %swap3A_632 = arith.constant 0 : i32
      %swap3A_633 = tpu.memref_slice %arg7[%scan3A_53, %swap3A_631, %swap3A_632] : memref<2x128x128xf32, #tpu.memory_space<vmem>> -> memref<1x128x128xf32, #tpu.memory_space<vmem>>
      %swap3A_634 = tpu.memref_squeeze %swap3A_633 : memref<1x128x128xf32, #tpu.memory_space<vmem>> -> memref<128x128xf32, #tpu.memory_space<vmem>>
      %swap3A_635 = arith.index_cast %add3A_479 : i32 to index
      %swap3A_636 = arith.constant 112 : index
      %swap3A_637 = tpu.vector_load %swap3A_634[%swap3A_635, %swap3A_636] {strides = array<i32>} : memref<128x128xf32, #tpu.memory_space<vmem>>, vector<1x16xf32>,
      %swap3A_638 = vector.shape_cast %swap3A_637 : vector<1x16xf32> to vector<16xf32>
      %swap3A_639 = vector.shape_cast %mul3A_630 : vector<16xf32> to vector<1x16xf32>
      tpu.vector_store %swap3A_634[%swap3A_635, %swap3A_636], %swap3A_639 {strides = array<i32>} : memref<128x128xf32, #tpu.memory_space<vmem>>, vector<1x16xf32>,
      %scan3A_640 = arith.constant 3 : i32
      %scan3A_641 = arith.addi %scan3A_145, %scan3A_640 : i32
      %mul3A_642 = arith.constant 1 : i32
      %mul3A_643 = arith.muli %scan3A_641, %mul3A_642 : i32
      %add3A_644 = arith.constant 0 : i32
      %add3A_645 = arith.addi %add3A_644, %mul3A_643 : i32
      %get3A_646 = arith.constant 0 : i32
      %get3A_647 = arith.constant 0 : i32
      %get3A_648 = tpu.memref_slice %arg6[%scan3A_52, %get3A_646, %get3A_647] : memref<2x128x128xf32, #tpu.memory_space<vmem>> -> memref<1x128x128xf32, #tpu.memory_space<vmem>>
      %get3A_649 = tpu.memref_squeeze %get3A_648 : memref<1x128x128xf32, #tpu.memory_space<vmem>> -> memref<128x128xf32, #tpu.memory_space<vmem>>
      %get3A_650 = arith.index_cast %add3A_645 : i32 to index
      %get3A_651 = arith.constant 0 : index
      %get3A_652 = tpu.vector_load %get3A_649[%get3A_650, %get3A_651] {strides = array<i32>} : memref<128x128xf32, #tpu.memory_space<vmem>>, vector<1x16xf32>,
      %get3A_653 = vector.shape_cast %get3A_652 : vector<1x16xf32> to vector<16xf32>
      %mul3A_654 = arith.constant 11.3137083 : f32
      %mul3A_655 = vector.broadcast %mul3A_654 : f32 to vector<16xf32>
      %mul3A_656 = arith.mulf %get3A_653, %mul3A_655 : vector<16xf32>
      %swap3A_657 = arith.constant 0 : i32
      %swap3A_658 = arith.constant 0 : i32
      %swap3A_659 = tpu.memref_slice %arg7[%scan3A_53, %swap3A_657, %swap3A_658] : memref<2x128x128xf32, #tpu.memory_space<vmem>> -> memref<1x128x128xf32, #tpu.memory_space<vmem>>
      %swap3A_660 = tpu.memref_squeeze %swap3A_659 : memref<1x128x128xf32, #tpu.memory_space<vmem>> -> memref<128x128xf32, #tpu.memory_space<vmem>>
      %swap3A_661 = arith.index_cast %add3A_645 : i32 to index
      %swap3A_662 = arith.constant 0 : index
      %swap3A_663 = tpu.vector_load %swap3A_660[%swap3A_661, %swap3A_662] {strides = array<i32>} : memref<128x128xf32, #tpu.memory_space<vmem>>, vector<1x16xf32>,
      %swap3A_664 = vector.shape_cast %swap3A_663 : vector<1x16xf32> to vector<16xf32>
      %swap3A_665 = vector.shape_cast %mul3A_656 : vector<16xf32> to vector<1x16xf32>
      tpu.vector_store %swap3A_660[%swap3A_661, %swap3A_662], %swap3A_665 {strides = array<i32>} : memref<128x128xf32, #tpu.memory_space<vmem>>, vector<1x16xf32>,
      %get3A_666 = arith.constant 0 : i32
      %get3A_667 = arith.constant 0 : i32
      %get3A_668 = tpu.memref_slice %arg6[%scan3A_52, %get3A_666, %get3A_667] : memref<2x128x128xf32, #tpu.memory_space<vmem>> -> memref<1x128x128xf32, #tpu.memory_space<vmem>>
      %get3A_669 = tpu.memref_squeeze %get3A_668 : memref<1x128x128xf32, #tpu.memory_space<vmem>> -> memref<128x128xf32, #tpu.memory_space<vmem>>
      %get3A_670 = arith.index_cast %add3A_645 : i32 to index
      %get3A_671 = arith.constant 16 : index
      %get3A_672 = tpu.vector_load %get3A_669[%get3A_670, %get3A_671] {strides = array<i32>} : memref<128x128xf32, #tpu.memory_space<vmem>>, vector<1x16xf32>,
      %get3A_673 = vector.shape_cast %get3A_672 : vector<1x16xf32> to vector<16xf32>
      %mul3A_674 = arith.constant 11.3137083 : f32
      %mul3A_675 = vector.broadcast %mul3A_674 : f32 to vector<16xf32>
      %mul3A_676 = arith.mulf %get3A_673, %mul3A_675 : vector<16xf32>
      %swap3A_677 = arith.constant 0 : i32
      %swap3A_678 = arith.constant 0 : i32
      %swap3A_679 = tpu.memref_slice %arg7[%scan3A_53, %swap3A_677, %swap3A_678] : memref<2x128x128xf32, #tpu.memory_space<vmem>> -> memref<1x128x128xf32, #tpu.memory_space<vmem>>
      %swap3A_680 = tpu.memref_squeeze %swap3A_679 : memref<1x128x128xf32, #tpu.memory_space<vmem>> -> memref<128x128xf32, #tpu.memory_space<vmem>>
      %swap3A_681 = arith.index_cast %add3A_645 : i32 to index
      %swap3A_682 = arith.constant 16 : index
      %swap3A_683 = tpu.vector_load %swap3A_680[%swap3A_681, %swap3A_682] {strides = array<i32>} : memref<128x128xf32, #tpu.memory_space<vmem>>, vector<1x16xf32>,
      %swap3A_684 = vector.shape_cast %swap3A_683 : vector<1x16xf32> to vector<16xf32>
      %swap3A_685 = vector.shape_cast %mul3A_676 : vector<16xf32> to vector<1x16xf32>
      tpu.vector_store %swap3A_680[%swap3A_681, %swap3A_682], %swap3A_685 {strides = array<i32>} : memref<128x128xf32, #tpu.memory_space<vmem>>, vector<1x16xf32>,
      %get3A_686 = arith.constant 0 : i32
      %get3A_687 = arith.constant 0 : i32
      %get3A_688 = tpu.memref_slice %arg6[%scan3A_52, %get3A_686, %get3A_687] : memref<2x128x128xf32, #tpu.memory_space<vmem>> -> memref<1x128x128xf32, #tpu.memory_space<vmem>>
      %get3A_689 = tpu.memref_squeeze %get3A_688 : memref<1x128x128xf32, #tpu.memory_space<vmem>> -> memref<128x128xf32, #tpu.memory_space<vmem>>
      %get3A_690 = arith.index_cast %add3A_645 : i32 to index
      %get3A_691 = arith.constant 32 : index
      %get3A_692 = tpu.vector_load %get3A_689[%get3A_690, %get3A_691] {strides = array<i32>} : memref<128x128xf32, #tpu.memory_space<vmem>>, vector<1x16xf32>,
      %get3A_693 = vector.shape_cast %get3A_692 : vector<1x16xf32> to vector<16xf32>
      %mul3A_694 = arith.constant 11.3137083 : f32
      %mul3A_695 = vector.broadcast %mul3A_694 : f32 to vector<16xf32>
      %mul3A_696 = arith.mulf %get3A_693, %mul3A_695 : vector<16xf32>
      %swap3A_697 = arith.constant 0 : i32
      %swap3A_698 = arith.constant 0 : i32
      %swap3A_699 = tpu.memref_slice %arg7[%scan3A_53, %swap3A_697, %swap3A_698] : memref<2x128x128xf32, #tpu.memory_space<vmem>> -> memref<1x128x128xf32, #tpu.memory_space<vmem>>
      %swap3A_700 = tpu.memref_squeeze %swap3A_699 : memref<1x128x128xf32, #tpu.memory_space<vmem>> -> memref<128x128xf32, #tpu.memory_space<vmem>>
      %swap3A_701 = arith.index_cast %add3A_645 : i32 to index
      %swap3A_702 = arith.constant 32 : index
      %swap3A_703 = tpu.vector_load %swap3A_700[%swap3A_701, %swap3A_702] {strides = array<i32>} : memref<128x128xf32, #tpu.memory_space<vmem>>, vector<1x16xf32>,
      %swap3A_704 = vector.shape_cast %swap3A_703 : vector<1x16xf32> to vector<16xf32>
      %swap3A_705 = vector.shape_cast %mul3A_696 : vector<16xf32> to vector<1x16xf32>
      tpu.vector_store %swap3A_700[%swap3A_701, %swap3A_702], %swap3A_705 {strides = array<i32>} : memref<128x128xf32, #tpu.memory_space<vmem>>, vector<1x16xf32>,
      %get3A_706 = arith.constant 0 : i32
      %get3A_707 = arith.constant 0 : i32
      %get3A_708 = tpu.memref_slice %arg6[%scan3A_52, %get3A_706, %get3A_707] : memref<2x128x128xf32, #tpu.memory_space<vmem>> -> memref<1x128x128xf32, #tpu.memory_space<vmem>>
      %get3A_709 = tpu.memref_squeeze %get3A_708 : memref<1x128x128xf32, #tpu.memory_space<vmem>> -> memref<128x128xf32, #tpu.memory_space<vmem>>
      %get3A_710 = arith.index_cast %add3A_645 : i32 to index
      %get3A_711 = arith.constant 48 : index
      %get3A_712 = tpu.vector_load %get3A_709[%get3A_710, %get3A_711] {strides = array<i32>} : memref<128x128xf32, #tpu.memory_space<vmem>>, vector<1x16xf32>,
      %get3A_713 = vector.shape_cast %get3A_712 : vector<1x16xf32> to vector<16xf32>
      %mul3A_714 = arith.constant 11.3137083 : f32
      %mul3A_715 = vector.broadcast %mul3A_714 : f32 to vector<16xf32>
      %mul3A_716 = arith.mulf %get3A_713, %mul3A_715 : vector<16xf32>
      %swap3A_717 = arith.constant 0 : i32
      %swap3A_718 = arith.constant 0 : i32
      %swap3A_719 = tpu.memref_slice %arg7[%scan3A_53, %swap3A_717, %swap3A_718] : memref<2x128x128xf32, #tpu.memory_space<vmem>> -> memref<1x128x128xf32, #tpu.memory_space<vmem>>
      %swap3A_720 = tpu.memref_squeeze %swap3A_719 : memref<1x128x128xf32, #tpu.memory_space<vmem>> -> memref<128x128xf32, #tpu.memory_space<vmem>>
      %swap3A_721 = arith.index_cast %add3A_645 : i32 to index
      %swap3A_722 = arith.constant 48 : index
      %swap3A_723 = tpu.vector_load %swap3A_720[%swap3A_721, %swap3A_722] {strides = array<i32>} : memref<128x128xf32, #tpu.memory_space<vmem>>, vector<1x16xf32>,
      %swap3A_724 = vector.shape_cast %swap3A_723 : vector<1x16xf32> to vector<16xf32>
      %swap3A_725 = vector.shape_cast %mul3A_716 : vector<16xf32> to vector<1x16xf32>
      tpu.vector_store %swap3A_720[%swap3A_721, %swap3A_722], %swap3A_725 {strides = array<i32>} : memref<128x128xf32, #tpu.memory_space<vmem>>, vector<1x16xf32>,
      %get3A_726 = arith.constant 0 : i32
      %get3A_727 = arith.constant 0 : i32
      %get3A_728 = tpu.memref_slice %arg6[%scan3A_52, %get3A_726, %get3A_727] : memref<2x128x128xf32, #tpu.memory_space<vmem>> -> memref<1x128x128xf32, #tpu.memory_space<vmem>>
      %get3A_729 = tpu.memref_squeeze %get3A_728 : memref<1x128x128xf32, #tpu.memory_space<vmem>> -> memref<128x128xf32, #tpu.memory_space<vmem>>
      %get3A_730 = arith.index_cast %add3A_645 : i32 to index
      %get3A_731 = arith.constant 64 : index
      %get3A_732 = tpu.vector_load %get3A_729[%get3A_730, %get3A_731] {strides = array<i32>} : memref<128x128xf32, #tpu.memory_space<vmem>>, vector<1x16xf32>,
      %get3A_733 = vector.shape_cast %get3A_732 : vector<1x16xf32> to vector<16xf32>
      %mul3A_734 = arith.constant 11.3137083 : f32
      %mul3A_735 = vector.broadcast %mul3A_734 : f32 to vector<16xf32>
      %mul3A_736 = arith.mulf %get3A_733, %mul3A_735 : vector<16xf32>
      %swap3A_737 = arith.constant 0 : i32
      %swap3A_738 = arith.constant 0 : i32
      %swap3A_739 = tpu.memref_slice %arg7[%scan3A_53, %swap3A_737, %swap3A_738] : memref<2x128x128xf32, #tpu.memory_space<vmem>> -> memref<1x128x128xf32, #tpu.memory_space<vmem>>
      %swap3A_740 = tpu.memref_squeeze %swap3A_739 : memref<1x128x128xf32, #tpu.memory_space<vmem>> -> memref<128x128xf32, #tpu.memory_space<vmem>>
      %swap3A_741 = arith.index_cast %add3A_645 : i32 to index
      %swap3A_742 = arith.constant 64 : index
      %swap3A_743 = tpu.vector_load %swap3A_740[%swap3A_741, %swap3A_742] {strides = array<i32>} : memref<128x128xf32, #tpu.memory_space<vmem>>, vector<1x16xf32>,
      %swap3A_744 = vector.shape_cast %swap3A_743 : vector<1x16xf32> to vector<16xf32>
      %swap3A_745 = vector.shape_cast %mul3A_736 : vector<16xf32> to vector<1x16xf32>
      tpu.vector_store %swap3A_740[%swap3A_741, %swap3A_742], %swap3A_745 {strides = array<i32>} : memref<128x128xf32, #tpu.memory_space<vmem>>, vector<1x16xf32>,
      %get3A_746 = arith.constant 0 : i32
      %get3A_747 = arith.constant 0 : i32
      %get3A_748 = tpu.memref_slice %arg6[%scan3A_52, %get3A_746, %get3A_747] : memref<2x128x128xf32, #tpu.memory_space<vmem>> -> memref<1x128x128xf32, #tpu.memory_space<vmem>>
      %get3A_749 = tpu.memref_squeeze %get3A_748 : memref<1x128x128xf32, #tpu.memory_space<vmem>> -> memref<128x128xf32, #tpu.memory_space<vmem>>
      %get3A_750 = arith.index_cast %add3A_645 : i32 to index
      %get3A_751 = arith.constant 80 : index
      %get3A_752 = tpu.vector_load %get3A_749[%get3A_750, %get3A_751] {strides = array<i32>} : memref<128x128xf32, #tpu.memory_space<vmem>>, vector<1x16xf32>,
      %get3A_753 = vector.shape_cast %get3A_752 : vector<1x16xf32> to vector<16xf32>
      %mul3A_754 = arith.constant 11.3137083 : f32
      %mul3A_755 = vector.broadcast %mul3A_754 : f32 to vector<16xf32>
      %mul3A_756 = arith.mulf %get3A_753, %mul3A_755 : vector<16xf32>
      %swap3A_757 = arith.constant 0 : i32
      %swap3A_758 = arith.constant 0 : i32
      %swap3A_759 = tpu.memref_slice %arg7[%scan3A_53, %swap3A_757, %swap3A_758] : memref<2x128x128xf32, #tpu.memory_space<vmem>> -> memref<1x128x128xf32, #tpu.memory_space<vmem>>
      %swap3A_760 = tpu.memref_squeeze %swap3A_759 : memref<1x128x128xf32, #tpu.memory_space<vmem>> -> memref<128x128xf32, #tpu.memory_space<vmem>>
      %swap3A_761 = arith.index_cast %add3A_645 : i32 to index
      %swap3A_762 = arith.constant 80 : index
      %swap3A_763 = tpu.vector_load %swap3A_760[%swap3A_761, %swap3A_762] {strides = array<i32>} : memref<128x128xf32, #tpu.memory_space<vmem>>, vector<1x16xf32>,
      %swap3A_764 = vector.shape_cast %swap3A_763 : vector<1x16xf32> to vector<16xf32>
      %swap3A_765 = vector.shape_cast %mul3A_756 : vector<16xf32> to vector<1x16xf32>
      tpu.vector_store %swap3A_760[%swap3A_761, %swap3A_762], %swap3A_765 {strides = array<i32>} : memref<128x128xf32, #tpu.memory_space<vmem>>, vector<1x16xf32>,
      %get3A_766 = arith.constant 0 : i32
      %get3A_767 = arith.constant 0 : i32
      %get3A_768 = tpu.memref_slice %arg6[%scan3A_52, %get3A_766, %get3A_767] : memref<2x128x128xf32, #tpu.memory_space<vmem>> -> memref<1x128x128xf32, #tpu.memory_space<vmem>>
      %get3A_769 = tpu.memref_squeeze %get3A_768 : memref<1x128x128xf32, #tpu.memory_space<vmem>> -> memref<128x128xf32, #tpu.memory_space<vmem>>
      %get3A_770 = arith.index_cast %add3A_645 : i32 to index
      %get3A_771 = arith.constant 96 : index
      %get3A_772 = tpu.vector_load %get3A_769[%get3A_770, %get3A_771] {strides = array<i32>} : memref<128x128xf32, #tpu.memory_space<vmem>>, vector<1x16xf32>,
      %get3A_773 = vector.shape_cast %get3A_772 : vector<1x16xf32> to vector<16xf32>
      %mul3A_774 = arith.constant 11.3137083 : f32
      %mul3A_775 = vector.broadcast %mul3A_774 : f32 to vector<16xf32>
      %mul3A_776 = arith.mulf %get3A_773, %mul3A_775 : vector<16xf32>
      %swap3A_777 = arith.constant 0 : i32
      %swap3A_778 = arith.constant 0 : i32
      %swap3A_779 = tpu.memref_slice %arg7[%scan3A_53, %swap3A_777, %swap3A_778] : memref<2x128x128xf32, #tpu.memory_space<vmem>> -> memref<1x128x128xf32, #tpu.memory_space<vmem>>
      %swap3A_780 = tpu.memref_squeeze %swap3A_779 : memref<1x128x128xf32, #tpu.memory_space<vmem>> -> memref<128x128xf32, #tpu.memory_space<vmem>>
      %swap3A_781 = arith.index_cast %add3A_645 : i32 to index
      %swap3A_782 = arith.constant 96 : index
      %swap3A_783 = tpu.vector_load %swap3A_780[%swap3A_781, %swap3A_782] {strides = array<i32>} : memref<128x128xf32, #tpu.memory_space<vmem>>, vector<1x16xf32>,
      %swap3A_784 = vector.shape_cast %swap3A_783 : vector<1x16xf32> to vector<16xf32>
      %swap3A_785 = vector.shape_cast %mul3A_776 : vector<16xf32> to vector<1x16xf32>
      tpu.vector_store %swap3A_780[%swap3A_781, %swap3A_782], %swap3A_785 {strides = array<i32>} : memref<128x128xf32, #tpu.memory_space<vmem>>, vector<1x16xf32>,
      %get3A_786 = arith.constant 0 : i32
      %get3A_787 = arith.constant 0 : i32
      %get3A_788 = tpu.memref_slice %arg6[%scan3A_52, %get3A_786, %get3A_787] : memref<2x128x128xf32, #tpu.memory_space<vmem>> -> memref<1x128x128xf32, #tpu.memory_space<vmem>>
      %get3A_789 = tpu.memref_squeeze %get3A_788 : memref<1x128x128xf32, #tpu.memory_space<vmem>> -> memref<128x128xf32, #tpu.memory_space<vmem>>
      %get3A_790 = arith.index_cast %add3A_645 : i32 to index
      %get3A_791 = arith.constant 112 : index
      %get3A_792 = tpu.vector_load %get3A_789[%get3A_790, %get3A_791] {strides = array<i32>} : memref<128x128xf32, #tpu.memory_space<vmem>>, vector<1x16xf32>,
      %get3A_793 = vector.shape_cast %get3A_792 : vector<1x16xf32> to vector<16xf32>
      %mul3A_794 = arith.constant 11.3137083 : f32
      %mul3A_795 = vector.broadcast %mul3A_794 : f32 to vector<16xf32>
      %mul3A_796 = arith.mulf %get3A_793, %mul3A_795 : vector<16xf32>
      %swap3A_797 = arith.constant 0 : i32
      %swap3A_798 = arith.constant 0 : i32
      %swap3A_799 = tpu.memref_slice %arg7[%scan3A_53, %swap3A_797, %swap3A_798] : memref<2x128x128xf32, #tpu.memory_space<vmem>> -> memref<1x128x128xf32, #tpu.memory_space<vmem>>
      %swap3A_800 = tpu.memref_squeeze %swap3A_799 : memref<1x128x128xf32, #tpu.memory_space<vmem>> -> memref<128x128xf32, #tpu.memory_space<vmem>>
      %swap3A_801 = arith.index_cast %add3A_645 : i32 to index
      %swap3A_802 = arith.constant 112 : index
      %swap3A_803 = tpu.vector_load %swap3A_800[%swap3A_801, %swap3A_802] {strides = array<i32>} : memref<128x128xf32, #tpu.memory_space<vmem>>, vector<1x16xf32>,
      %swap3A_804 = vector.shape_cast %swap3A_803 : vector<1x16xf32> to vector<16xf32>
      %swap3A_805 = vector.shape_cast %mul3A_796 : vector<16xf32> to vector<1x16xf32>
      tpu.vector_store %swap3A_800[%swap3A_801, %swap3A_802], %swap3A_805 {strides = array<i32>} : memref<128x128xf32, #tpu.memory_space<vmem>>, vector<1x16xf32>,
    }
    %scan3A_58 = arith.constant 128 : i32
    %add3A_59 = arith.constant 6144 : i32
    %add3A_60 = arith.addi %mul3A_2, %add3A_59 : i32
    %dma_start3A_61 = arith.constant 0 : i32
    %dma_start3A_62 = arith.constant 0 : i32
    %dma_start3A_63 = arith.constant 0 : i32
    %dma_start3A_64 = tpu.memref_slice %arg7[%dma_start3A_61, %dma_start3A_62, %dma_start3A_63] : memref<2x128x128xf32, #tpu.memory_space<vmem>> -> memref<1x128x128xf32, #tpu.memory_space<vmem>>
    %dma_start3A_65 = tpu.memref_squeeze %dma_start3A_64 : memref<1x128x128xf32, #tpu.memory_space<vmem>> -> memref<128x128xf32, #tpu.memory_space<vmem>>
    %dma_start3A_66 = arith.constant 0 : i32
    %dma_start3A_67 = tpu.memref_slice %arg4[%add3A_60, %dma_start3A_66] : memref<204800x128xf32, #tpu.memory_space<hbm>> -> memref<128x128xf32, #tpu.memory_space<hbm>>
    %dma_start3A_68 = arith.constant 0 : i32
    %dma_start3A_69 = tpu.memref_slice %arg4[%add3A_60, %dma_start3A_68] : memref<204800x128xf32, #tpu.memory_space<hbm>> -> memref<128x128xf32, #tpu.memory_space<hbm>>
    %dma_start3A_70 = arith.constant 0 : i32
    %dma_start3A_71 = arith.constant 0 : i32
    %dma_start3A_72 = tpu.memref_slice %arg7[%dma_start3A_61, %dma_start3A_70, %dma_start3A_71] : memref<2x128x128xf32, #tpu.memory_space<vmem>> -> memref<1x128x128xf32, #tpu.memory_space<vmem>>
    %dma_start3A_73 = tpu.memref_squeeze %dma_start3A_72 : memref<1x128x128xf32, #tpu.memory_space<vmem>> -> memref<128x128xf32, #tpu.memory_space<vmem>>
    tpu.enqueue_dma source(%dma_start3A_73 : memref<128x128xf32, #tpu.memory_space<vmem>>) target(%dma_start3A_69 : memref<128x128xf32, #tpu.memory_space<hbm>>) target_semaphore(%arg11 : memref<!tpu.dma_semaphore, #tpu.memory_space<semaphore_mem>>)
    %dma_wait3A_74 = arith.constant 1 : i32
    %dma_wait3A_75 = arith.constant 0 : i32
    %dma_wait3A_76 = arith.constant 0 : i32
    %dma_wait3A_77 = tpu.memref_slice %arg6[%dma_wait3A_74, %dma_wait3A_75, %dma_wait3A_76] : memref<2x128x128xf32, #tpu.memory_space<vmem>> -> memref<1x128x128xf32, #tpu.memory_space<vmem>>
    %dma_wait3A_78 = tpu.memref_squeeze %dma_wait3A_77 : memref<1x128x128xf32, #tpu.memory_space<vmem>> -> memref<128x128xf32, #tpu.memory_space<vmem>>
    %dma_wait3A_79 = arith.constant 0 : i32
    %dma_wait3A_80 = tpu.memref_slice %arg5[%dma_wait3A_79] : memref<6400xi32, #tpu.memory_space<vmem>> -> memref<128xi32, #tpu.memory_space<vmem>>
    %dma_wait3A_81 = arith.constant 0 : i32
    %dma_wait3A_82 = arith.constant 0 : i32
    %dma_wait3A_83 = tpu.memref_slice %arg3[%dma_wait3A_81, %dma_wait3A_82] : memref<100000x128xf32, #tpu.memory_space<hbm>> -> memref<100000x128xf32, #tpu.memory_space<hbm>>
    tpu.wait_indirect_dma semaphore(%arg10 : memref<!tpu.dma_semaphore, #tpu.memory_space<semaphore_mem>>) src(%dma_wait3A_83 : memref<100000x128xf32, #tpu.memory_space<hbm>>) dst(%dma_wait3A_78 : memref<128x128xf32, #tpu.memory_space<vmem>>)
    %dma_wait3A_84 = arith.constant 1 : i32
    %dma_wait3A_85 = arith.constant 0 : i32
    %dma_wait3A_86 = arith.constant 0 : i32
    %dma_wait3A_87 = tpu.memref_slice %arg7[%dma_wait3A_84, %dma_wait3A_85, %dma_wait3A_86] : memref<2x128x128xf32, #tpu.memory_space<vmem>> -> memref<1x128x128xf32, #tpu.memory_space<vmem>>
    %dma_wait3A_88 = tpu.memref_squeeze %dma_wait3A_87 : memref<1x128x128xf32, #tpu.memory_space<vmem>> -> memref<128x128xf32, #tpu.memory_space<vmem>>
    %dma_wait3A_89 = arith.constant 0 : i32
    %dma_wait3A_90 = tpu.memref_slice %arg4[%mul3A_2, %dma_wait3A_89] : memref<204800x128xf32, #tpu.memory_space<hbm>> -> memref<128x128xf32, #tpu.memory_space<hbm>>
    %dma_wait3A_91 = arith.constant 0 : i32
    %dma_wait3A_92 = tpu.memref_slice %arg4[%mul3A_2, %dma_wait3A_91] : memref<204800x128xf32, #tpu.memory_space<hbm>> -> memref<128x128xf32, #tpu.memory_space<hbm>>
    %dma_wait3A_93 = arith.constant 0 : i32
    %dma_wait3A_94 = arith.constant 0 : i32
    %dma_wait3A_95 = tpu.memref_slice %arg7[%dma_wait3A_84, %dma_wait3A_93, %dma_wait3A_94] : memref<2x128x128xf32, #tpu.memory_space<vmem>> -> memref<1x128x128xf32, #tpu.memory_space<vmem>>
    %dma_wait3A_96 = tpu.memref_squeeze %dma_wait3A_95 : memref<1x128x128xf32, #tpu.memory_space<vmem>> -> memref<128x128xf32, #tpu.memory_space<vmem>>
    tpu.wait_dma2 semaphore(%arg12 : memref<!tpu.dma_semaphore, #tpu.memory_space<semaphore_mem>>) src(%dma_wait3A_96 : memref<128x128xf32, #tpu.memory_space<vmem>>) dst(%dma_wait3A_92 : memref<128x128xf32, #tpu.memory_space<hbm>>)
    %scan3A_97 = arith.constant 1 : i32
    %scan3A_98 = arith.constant 1 : i32
    %scan3A_99 = arith.constant 0 : i32
    %scan3A_100 = arith.constant 128 : i32
    %scan3A_101 = arith.addi %scan3A_99, %scan3A_100 : i32
    %scan3A_102 = arith.constant 4 : i32
    scf.for %scan3A_145 = %scan3A_99 to %scan3A_101 step %scan3A_102  : i32 {
      %mul3A_146 = arith.constant 1 : i32
      %mul3A_147 = arith.muli %scan3A_145, %mul3A_146 : i32
      %add3A_148 = arith.constant 0 : i32
      %add3A_149 = arith.addi %add3A_148, %mul3A_147 : i32
      %get3A = arith.constant 0 : i32
      %get3A_150 = arith.constant 0 : i32
      %get3A_151 = tpu.memref_slice %arg6[%scan3A_97, %get3A, %get3A_150] : memref<2x128x128xf32, #tpu.memory_space<vmem>> -> memref<1x128x128xf32, #tpu.memory_space<vmem>>
      %get3A_152 = tpu.memref_squeeze %get3A_151 : memref<1x128x128xf32, #tpu.memory_space<vmem>> -> memref<128x128xf32, #tpu.memory_space<vmem>>
      %get3A_153 = arith.index_cast %add3A_149 : i32 to index
      %get3A_154 = arith.constant 0 : index
      %get3A_155 = tpu.vector_load %get3A_152[%get3A_153, %get3A_154] {strides = array<i32>} : memref<128x128xf32, #tpu.memory_space<vmem>>, vector<1x16xf32>,
      %get3A_156 = vector.shape_cast %get3A_155 : vector<1x16xf32> to vector<16xf32>
      %mul3A_157 = arith.constant 11.3137083 : f32
      %mul3A_158 = vector.broadcast %mul3A_157 : f32 to vector<16xf32>
      %mul3A_159 = arith.mulf %get3A_156, %mul3A_158 : vector<16xf32>
      %swap3A = arith.constant 0 : i32
      %swap3A_160 = arith.constant 0 : i32
      %swap3A_161 = tpu.memref_slice %arg7[%scan3A_98, %swap3A, %swap3A_160] : memref<2x128x128xf32, #tpu.memory_space<vmem>> -> memref<1x128x128xf32, #tpu.memory_space<vmem>>
      %swap3A_162 = tpu.memref_squeeze %swap3A_161 : memref<1x128x128xf32, #tpu.memory_space<vmem>> -> memref<128x128xf32, #tpu.memory_space<vmem>>
      %swap3A_163 = arith.index_cast %add3A_149 : i32 to index
      %swap3A_164 = arith.constant 0 : index
      %swap3A_165 = tpu.vector_load %swap3A_162[%swap3A_163, %swap3A_164] {strides = array<i32>} : memref<128x128xf32, #tpu.memory_space<vmem>>, vector<1x16xf32>,
      %swap3A_166 = vector.shape_cast %swap3A_165 : vector<1x16xf32> to vector<16xf32>
      %swap3A_167 = vector.shape_cast %mul3A_159 : vector<16xf32> to vector<1x16xf32>
      tpu.vector_store %swap3A_162[%swap3A_163, %swap3A_164], %swap3A_167 {strides = array<i32>} : memref<128x128xf32, #tpu.memory_space<vmem>>, vector<1x16xf32>,
      %get3A_168 = arith.constant 0 : i32
      %get3A_169 = arith.constant 0 : i32
      %get3A_170 = tpu.memref_slice %arg6[%scan3A_97, %get3A_168, %get3A_169] : memref<2x128x128xf32, #tpu.memory_space<vmem>> -> memref<1x128x128xf32, #tpu.memory_space<vmem>>
      %get3A_171 = tpu.memref_squeeze %get3A_170 : memref<1x128x128xf32, #tpu.memory_space<vmem>> -> memref<128x128xf32, #tpu.memory_space<vmem>>
      %get3A_172 = arith.index_cast %add3A_149 : i32 to index
      %get3A_173 = arith.constant 16 : index
      %get3A_174 = tpu.vector_load %get3A_171[%get3A_172, %get3A_173] {strides = array<i32>} : memref<128x128xf32, #tpu.memory_space<vmem>>, vector<1x16xf32>,
      %get3A_175 = vector.shape_cast %get3A_174 : vector<1x16xf32> to vector<16xf32>
      %mul3A_176 = arith.constant 11.3137083 : f32
      %mul3A_177 = vector.broadcast %mul3A_176 : f32 to vector<16xf32>
      %mul3A_178 = arith.mulf %get3A_175, %mul3A_177 : vector<16xf32>
      %swap3A_179 = arith.constant 0 : i32
      %swap3A_180 = arith.constant 0 : i32
      %swap3A_181 = tpu.memref_slice %arg7[%scan3A_98, %swap3A_179, %swap3A_180] : memref<2x128x128xf32, #tpu.memory_space<vmem>> -> memref<1x128x128xf32, #tpu.memory_space<vmem>>
      %swap3A_182 = tpu.memref_squeeze %swap3A_181 : memref<1x128x128xf32, #tpu.memory_space<vmem>> -> memref<128x128xf32, #tpu.memory_space<vmem>>
      %swap3A_183 = arith.index_cast %add3A_149 : i32 to index
      %swap3A_184 = arith.constant 16 : index
      %swap3A_185 = tpu.vector_load %swap3A_182[%swap3A_183, %swap3A_184] {strides = array<i32>} : memref<128x128xf32, #tpu.memory_space<vmem>>, vector<1x16xf32>,
      %swap3A_186 = vector.shape_cast %swap3A_185 : vector<1x16xf32> to vector<16xf32>
      %swap3A_187 = vector.shape_cast %mul3A_178 : vector<16xf32> to vector<1x16xf32>
      tpu.vector_store %swap3A_182[%swap3A_183, %swap3A_184], %swap3A_187 {strides = array<i32>} : memref<128x128xf32, #tpu.memory_space<vmem>>, vector<1x16xf32>,
      %get3A_188 = arith.constant 0 : i32
      %get3A_189 = arith.constant 0 : i32
      %get3A_190 = tpu.memref_slice %arg6[%scan3A_97, %get3A_188, %get3A_189] : memref<2x128x128xf32, #tpu.memory_space<vmem>> -> memref<1x128x128xf32, #tpu.memory_space<vmem>>
      %get3A_191 = tpu.memref_squeeze %get3A_190 : memref<1x128x128xf32, #tpu.memory_space<vmem>> -> memref<128x128xf32, #tpu.memory_space<vmem>>
      %get3A_192 = arith.index_cast %add3A_149 : i32 to index
      %get3A_193 = arith.constant 32 : index
      %get3A_194 = tpu.vector_load %get3A_191[%get3A_192, %get3A_193] {strides = array<i32>} : memref<128x128xf32, #tpu.memory_space<vmem>>, vector<1x16xf32>,
      %get3A_195 = vector.shape_cast %get3A_194 : vector<1x16xf32> to vector<16xf32>
      %mul3A_196 = arith.constant 11.3137083 : f32
      %mul3A_197 = vector.broadcast %mul3A_196 : f32 to vector<16xf32>
      %mul3A_198 = arith.mulf %get3A_195, %mul3A_197 : vector<16xf32>
      %swap3A_199 = arith.constant 0 : i32
      %swap3A_200 = arith.constant 0 : i32
      %swap3A_201 = tpu.memref_slice %arg7[%scan3A_98, %swap3A_199, %swap3A_200] : memref<2x128x128xf32, #tpu.memory_space<vmem>> -> memref<1x128x128xf32, #tpu.memory_space<vmem>>
      %swap3A_202 = tpu.memref_squeeze %swap3A_201 : memref<1x128x128xf32, #tpu.memory_space<vmem>> -> memref<128x128xf32, #tpu.memory_space<vmem>>
      %swap3A_203 = arith.index_cast %add3A_149 : i32 to index
      %swap3A_204 = arith.constant 32 : index
      %swap3A_205 = tpu.vector_load %swap3A_202[%swap3A_203, %swap3A_204] {strides = array<i32>} : memref<128x128xf32, #tpu.memory_space<vmem>>, vector<1x16xf32>,
      %swap3A_206 = vector.shape_cast %swap3A_205 : vector<1x16xf32> to vector<16xf32>
      %swap3A_207 = vector.shape_cast %mul3A_198 : vector<16xf32> to vector<1x16xf32>
      tpu.vector_store %swap3A_202[%swap3A_203, %swap3A_204], %swap3A_207 {strides = array<i32>} : memref<128x128xf32, #tpu.memory_space<vmem>>, vector<1x16xf32>,
      %get3A_208 = arith.constant 0 : i32
      %get3A_209 = arith.constant 0 : i32
      %get3A_210 = tpu.memref_slice %arg6[%scan3A_97, %get3A_208, %get3A_209] : memref<2x128x128xf32, #tpu.memory_space<vmem>> -> memref<1x128x128xf32, #tpu.memory_space<vmem>>
      %get3A_211 = tpu.memref_squeeze %get3A_210 : memref<1x128x128xf32, #tpu.memory_space<vmem>> -> memref<128x128xf32, #tpu.memory_space<vmem>>
      %get3A_212 = arith.index_cast %add3A_149 : i32 to index
      %get3A_213 = arith.constant 48 : index
      %get3A_214 = tpu.vector_load %get3A_211[%get3A_212, %get3A_213] {strides = array<i32>} : memref<128x128xf32, #tpu.memory_space<vmem>>, vector<1x16xf32>,
      %get3A_215 = vector.shape_cast %get3A_214 : vector<1x16xf32> to vector<16xf32>
      %mul3A_216 = arith.constant 11.3137083 : f32
      %mul3A_217 = vector.broadcast %mul3A_216 : f32 to vector<16xf32>
      %mul3A_218 = arith.mulf %get3A_215, %mul3A_217 : vector<16xf32>
      %swap3A_219 = arith.constant 0 : i32
      %swap3A_220 = arith.constant 0 : i32
      %swap3A_221 = tpu.memref_slice %arg7[%scan3A_98, %swap3A_219, %swap3A_220] : memref<2x128x128xf32, #tpu.memory_space<vmem>> -> memref<1x128x128xf32, #tpu.memory_space<vmem>>
      %swap3A_222 = tpu.memref_squeeze %swap3A_221 : memref<1x128x128xf32, #tpu.memory_space<vmem>> -> memref<128x128xf32, #tpu.memory_space<vmem>>
      %swap3A_223 = arith.index_cast %add3A_149 : i32 to index
      %swap3A_224 = arith.constant 48 : index
      %swap3A_225 = tpu.vector_load %swap3A_222[%swap3A_223, %swap3A_224] {strides = array<i32>} : memref<128x128xf32, #tpu.memory_space<vmem>>, vector<1x16xf32>,
      %swap3A_226 = vector.shape_cast %swap3A_225 : vector<1x16xf32> to vector<16xf32>
      %swap3A_227 = vector.shape_cast %mul3A_218 : vector<16xf32> to vector<1x16xf32>
      tpu.vector_store %swap3A_222[%swap3A_223, %swap3A_224], %swap3A_227 {strides = array<i32>} : memref<128x128xf32, #tpu.memory_space<vmem>>, vector<1x16xf32>,
      %get3A_228 = arith.constant 0 : i32
      %get3A_229 = arith.constant 0 : i32
      %get3A_230 = tpu.memref_slice %arg6[%scan3A_97, %get3A_228, %get3A_229] : memref<2x128x128xf32, #tpu.memory_space<vmem>> -> memref<1x128x128xf32, #tpu.memory_space<vmem>>
      %get3A_231 = tpu.memref_squeeze %get3A_230 : memref<1x128x128xf32, #tpu.memory_space<vmem>> -> memref<128x128xf32, #tpu.memory_space<vmem>>
      %get3A_232 = arith.index_cast %add3A_149 : i32 to index
      %get3A_233 = arith.constant 64 : index
      %get3A_234 = tpu.vector_load %get3A_231[%get3A_232, %get3A_233] {strides = array<i32>} : memref<128x128xf32, #tpu.memory_space<vmem>>, vector<1x16xf32>,
      %get3A_235 = vector.shape_cast %get3A_234 : vector<1x16xf32> to vector<16xf32>
      %mul3A_236 = arith.constant 11.3137083 : f32
      %mul3A_237 = vector.broadcast %mul3A_236 : f32 to vector<16xf32>
      %mul3A_238 = arith.mulf %get3A_235, %mul3A_237 : vector<16xf32>
      %swap3A_239 = arith.constant 0 : i32
      %swap3A_240 = arith.constant 0 : i32
      %swap3A_241 = tpu.memref_slice %arg7[%scan3A_98, %swap3A_239, %swap3A_240] : memref<2x128x128xf32, #tpu.memory_space<vmem>> -> memref<1x128x128xf32, #tpu.memory_space<vmem>>
      %swap3A_242 = tpu.memref_squeeze %swap3A_241 : memref<1x128x128xf32, #tpu.memory_space<vmem>> -> memref<128x128xf32, #tpu.memory_space<vmem>>
      %swap3A_243 = arith.index_cast %add3A_149 : i32 to index
      %swap3A_244 = arith.constant 64 : index
      %swap3A_245 = tpu.vector_load %swap3A_242[%swap3A_243, %swap3A_244] {strides = array<i32>} : memref<128x128xf32, #tpu.memory_space<vmem>>, vector<1x16xf32>,
      %swap3A_246 = vector.shape_cast %swap3A_245 : vector<1x16xf32> to vector<16xf32>
      %swap3A_247 = vector.shape_cast %mul3A_238 : vector<16xf32> to vector<1x16xf32>
      tpu.vector_store %swap3A_242[%swap3A_243, %swap3A_244], %swap3A_247 {strides = array<i32>} : memref<128x128xf32, #tpu.memory_space<vmem>>, vector<1x16xf32>,
      %get3A_248 = arith.constant 0 : i32
      %get3A_249 = arith.constant 0 : i32
      %get3A_250 = tpu.memref_slice %arg6[%scan3A_97, %get3A_248, %get3A_249] : memref<2x128x128xf32, #tpu.memory_space<vmem>> -> memref<1x128x128xf32, #tpu.memory_space<vmem>>
      %get3A_251 = tpu.memref_squeeze %get3A_250 : memref<1x128x128xf32, #tpu.memory_space<vmem>> -> memref<128x128xf32, #tpu.memory_space<vmem>>
      %get3A_252 = arith.index_cast %add3A_149 : i32 to index
      %get3A_253 = arith.constant 80 : index
      %get3A_254 = tpu.vector_load %get3A_251[%get3A_252, %get3A_253] {strides = array<i32>} : memref<128x128xf32, #tpu.memory_space<vmem>>, vector<1x16xf32>,
      %get3A_255 = vector.shape_cast %get3A_254 : vector<1x16xf32> to vector<16xf32>
      %mul3A_256 = arith.constant 11.3137083 : f32
      %mul3A_257 = vector.broadcast %mul3A_256 : f32 to vector<16xf32>
      %mul3A_258 = arith.mulf %get3A_255, %mul3A_257 : vector<16xf32>
      %swap3A_259 = arith.constant 0 : i32
      %swap3A_260 = arith.constant 0 : i32
      %swap3A_261 = tpu.memref_slice %arg7[%scan3A_98, %swap3A_259, %swap3A_260] : memref<2x128x128xf32, #tpu.memory_space<vmem>> -> memref<1x128x128xf32, #tpu.memory_space<vmem>>
      %swap3A_262 = tpu.memref_squeeze %swap3A_261 : memref<1x128x128xf32, #tpu.memory_space<vmem>> -> memref<128x128xf32, #tpu.memory_space<vmem>>
      %swap3A_263 = arith.index_cast %add3A_149 : i32 to index
      %swap3A_264 = arith.constant 80 : index
      %swap3A_265 = tpu.vector_load %swap3A_262[%swap3A_263, %swap3A_264] {strides = array<i32>} : memref<128x128xf32, #tpu.memory_space<vmem>>, vector<1x16xf32>,
      %swap3A_266 = vector.shape_cast %swap3A_265 : vector<1x16xf32> to vector<16xf32>
      %swap3A_267 = vector.shape_cast %mul3A_258 : vector<16xf32> to vector<1x16xf32>
      tpu.vector_store %swap3A_262[%swap3A_263, %swap3A_264], %swap3A_267 {strides = array<i32>} : memref<128x128xf32, #tpu.memory_space<vmem>>, vector<1x16xf32>,
      %get3A_268 = arith.constant 0 : i32
      %get3A_269 = arith.constant 0 : i32
      %get3A_270 = tpu.memref_slice %arg6[%scan3A_97, %get3A_268, %get3A_269] : memref<2x128x128xf32, #tpu.memory_space<vmem>> -> memref<1x128x128xf32, #tpu.memory_space<vmem>>
      %get3A_271 = tpu.memref_squeeze %get3A_270 : memref<1x128x128xf32, #tpu.memory_space<vmem>> -> memref<128x128xf32, #tpu.memory_space<vmem>>
      %get3A_272 = arith.index_cast %add3A_149 : i32 to index
      %get3A_273 = arith.constant 96 : index
      %get3A_274 = tpu.vector_load %get3A_271[%get3A_272, %get3A_273] {strides = array<i32>} : memref<128x128xf32, #tpu.memory_space<vmem>>, vector<1x16xf32>,
      %get3A_275 = vector.shape_cast %get3A_274 : vector<1x16xf32> to vector<16xf32>
      %mul3A_276 = arith.constant 11.3137083 : f32
      %mul3A_277 = vector.broadcast %mul3A_276 : f32 to vector<16xf32>
      %mul3A_278 = arith.mulf %get3A_275, %mul3A_277 : vector<16xf32>
      %swap3A_279 = arith.constant 0 : i32
      %swap3A_280 = arith.constant 0 : i32
      %swap3A_281 = tpu.memref_slice %arg7[%scan3A_98, %swap3A_279, %swap3A_280] : memref<2x128x128xf32, #tpu.memory_space<vmem>> -> memref<1x128x128xf32, #tpu.memory_space<vmem>>
      %swap3A_282 = tpu.memref_squeeze %swap3A_281 : memref<1x128x128xf32, #tpu.memory_space<vmem>> -> memref<128x128xf32, #tpu.memory_space<vmem>>
      %swap3A_283 = arith.index_cast %add3A_149 : i32 to index
      %swap3A_284 = arith.constant 96 : index
      %swap3A_285 = tpu.vector_load %swap3A_282[%swap3A_283, %swap3A_284] {strides = array<i32>} : memref<128x128xf32, #tpu.memory_space<vmem>>, vector<1x16xf32>,
      %swap3A_286 = vector.shape_cast %swap3A_285 : vector<1x16xf32> to vector<16xf32>
      %swap3A_287 = vector.shape_cast %mul3A_278 : vector<16xf32> to vector<1x16xf32>
      tpu.vector_store %swap3A_282[%swap3A_283, %swap3A_284], %swap3A_287 {strides = array<i32>} : memref<128x128xf32, #tpu.memory_space<vmem>>, vector<1x16xf32>,
      %get3A_288 = arith.constant 0 : i32
      %get3A_289 = arith.constant 0 : i32
      %get3A_290 = tpu.memref_slice %arg6[%scan3A_97, %get3A_288, %get3A_289] : memref<2x128x128xf32, #tpu.memory_space<vmem>> -> memref<1x128x128xf32, #tpu.memory_space<vmem>>
      %get3A_291 = tpu.memref_squeeze %get3A_290 : memref<1x128x128xf32, #tpu.memory_space<vmem>> -> memref<128x128xf32, #tpu.memory_space<vmem>>
      %get3A_292 = arith.index_cast %add3A_149 : i32 to index
      %get3A_293 = arith.constant 112 : index
      %get3A_294 = tpu.vector_load %get3A_291[%get3A_292, %get3A_293] {strides = array<i32>} : memref<128x128xf32, #tpu.memory_space<vmem>>, vector<1x16xf32>,
      %get3A_295 = vector.shape_cast %get3A_294 : vector<1x16xf32> to vector<16xf32>
      %mul3A_296 = arith.constant 11.3137083 : f32
      %mul3A_297 = vector.broadcast %mul3A_296 : f32 to vector<16xf32>
      %mul3A_298 = arith.mulf %get3A_295, %mul3A_297 : vector<16xf32>
      %swap3A_299 = arith.constant 0 : i32
      %swap3A_300 = arith.constant 0 : i32
      %swap3A_301 = tpu.memref_slice %arg7[%scan3A_98, %swap3A_299, %swap3A_300] : memref<2x128x128xf32, #tpu.memory_space<vmem>> -> memref<1x128x128xf32, #tpu.memory_space<vmem>>
      %swap3A_302 = tpu.memref_squeeze %swap3A_301 : memref<1x128x128xf32, #tpu.memory_space<vmem>> -> memref<128x128xf32, #tpu.memory_space<vmem>>
      %swap3A_303 = arith.index_cast %add3A_149 : i32 to index
      %swap3A_304 = arith.constant 112 : index
      %swap3A_305 = tpu.vector_load %swap3A_302[%swap3A_303, %swap3A_304] {strides = array<i32>} : memref<128x128xf32, #tpu.memory_space<vmem>>, vector<1x16xf32>,
      %swap3A_306 = vector.shape_cast %swap3A_305 : vector<1x16xf32> to vector<16xf32>
      %swap3A_307 = vector.shape_cast %mul3A_298 : vector<16xf32> to vector<1x16xf32>
      tpu.vector_store %swap3A_302[%swap3A_303, %swap3A_304], %swap3A_307 {strides = array<i32>} : memref<128x128xf32, #tpu.memory_space<vmem>>, vector<1x16xf32>,
      %scan3A_308 = arith.constant 1 : i32
      %scan3A_309 = arith.addi %scan3A_145, %scan3A_308 : i32
      %mul3A_310 = arith.constant 1 : i32
      %mul3A_311 = arith.muli %scan3A_309, %mul3A_310 : i32
      %add3A_312 = arith.constant 0 : i32
      %add3A_313 = arith.addi %add3A_312, %mul3A_311 : i32
      %get3A_314 = arith.constant 0 : i32
      %get3A_315 = arith.constant 0 : i32
      %get3A_316 = tpu.memref_slice %arg6[%scan3A_97, %get3A_314, %get3A_315] : memref<2x128x128xf32, #tpu.memory_space<vmem>> -> memref<1x128x128xf32, #tpu.memory_space<vmem>>
      %get3A_317 = tpu.memref_squeeze %get3A_316 : memref<1x128x128xf32, #tpu.memory_space<vmem>> -> memref<128x128xf32, #tpu.memory_space<vmem>>
      %get3A_318 = arith.index_cast %add3A_313 : i32 to index
      %get3A_319 = arith.constant 0 : index
      %get3A_320 = tpu.vector_load %get3A_317[%get3A_318, %get3A_319] {strides = array<i32>} : memref<128x128xf32, #tpu.memory_space<vmem>>, vector<1x16xf32>,
      %get3A_321 = vector.shape_cast %get3A_320 : vector<1x16xf32> to vector<16xf32>
      %mul3A_322 = arith.constant 11.3137083 : f32
      %mul3A_323 = vector.broadcast %mul3A_322 : f32 to vector<16xf32>
      %mul3A_324 = arith.mulf %get3A_321, %mul3A_323 : vector<16xf32>
      %swap3A_325 = arith.constant 0 : i32
      %swap3A_326 = arith.constant 0 : i32
      %swap3A_327 = tpu.memref_slice %arg7[%scan3A_98, %swap3A_325, %swap3A_326] : memref<2x128x128xf32, #tpu.memory_space<vmem>> -> memref<1x128x128xf32, #tpu.memory_space<vmem>>
      %swap3A_328 = tpu.memref_squeeze %swap3A_327 : memref<1x128x128xf32, #tpu.memory_space<vmem>> -> memref<128x128xf32, #tpu.memory_space<vmem>>
      %swap3A_329 = arith.index_cast %add3A_313 : i32 to index
      %swap3A_330 = arith.constant 0 : index
      %swap3A_331 = tpu.vector_load %swap3A_328[%swap3A_329, %swap3A_330] {strides = array<i32>} : memref<128x128xf32, #tpu.memory_space<vmem>>, vector<1x16xf32>,
      %swap3A_332 = vector.shape_cast %swap3A_331 : vector<1x16xf32> to vector<16xf32>
      %swap3A_333 = vector.shape_cast %mul3A_324 : vector<16xf32> to vector<1x16xf32>
      tpu.vector_store %swap3A_328[%swap3A_329, %swap3A_330], %swap3A_333 {strides = array<i32>} : memref<128x128xf32, #tpu.memory_space<vmem>>, vector<1x16xf32>,
      %get3A_334 = arith.constant 0 : i32
      %get3A_335 = arith.constant 0 : i32
      %get3A_336 = tpu.memref_slice %arg6[%scan3A_97, %get3A_334, %get3A_335] : memref<2x128x128xf32, #tpu.memory_space<vmem>> -> memref<1x128x128xf32, #tpu.memory_space<vmem>>
      %get3A_337 = tpu.memref_squeeze %get3A_336 : memref<1x128x128xf32, #tpu.memory_space<vmem>> -> memref<128x128xf32, #tpu.memory_space<vmem>>
      %get3A_338 = arith.index_cast %add3A_313 : i32 to index
      %get3A_339 = arith.constant 16 : index
      %get3A_340 = tpu.vector_load %get3A_337[%get3A_338, %get3A_339] {strides = array<i32>} : memref<128x128xf32, #tpu.memory_space<vmem>>, vector<1x16xf32>,
      %get3A_341 = vector.shape_cast %get3A_340 : vector<1x16xf32> to vector<16xf32>
      %mul3A_342 = arith.constant 11.3137083 : f32
      %mul3A_343 = vector.broadcast %mul3A_342 : f32 to vector<16xf32>
      %mul3A_344 = arith.mulf %get3A_341, %mul3A_343 : vector<16xf32>
      %swap3A_345 = arith.constant 0 : i32
      %swap3A_346 = arith.constant 0 : i32
      %swap3A_347 = tpu.memref_slice %arg7[%scan3A_98, %swap3A_345, %swap3A_346] : memref<2x128x128xf32, #tpu.memory_space<vmem>> -> memref<1x128x128xf32, #tpu.memory_space<vmem>>
      %swap3A_348 = tpu.memref_squeeze %swap3A_347 : memref<1x128x128xf32, #tpu.memory_space<vmem>> -> memref<128x128xf32, #tpu.memory_space<vmem>>
      %swap3A_349 = arith.index_cast %add3A_313 : i32 to index
      %swap3A_350 = arith.constant 16 : index
      %swap3A_351 = tpu.vector_load %swap3A_348[%swap3A_349, %swap3A_350] {strides = array<i32>} : memref<128x128xf32, #tpu.memory_space<vmem>>, vector<1x16xf32>,
      %swap3A_352 = vector.shape_cast %swap3A_351 : vector<1x16xf32> to vector<16xf32>
      %swap3A_353 = vector.shape_cast %mul3A_344 : vector<16xf32> to vector<1x16xf32>
      tpu.vector_store %swap3A_348[%swap3A_349, %swap3A_350], %swap3A_353 {strides = array<i32>} : memref<128x128xf32, #tpu.memory_space<vmem>>, vector<1x16xf32>,
      %get3A_354 = arith.constant 0 : i32
      %get3A_355 = arith.constant 0 : i32
      %get3A_356 = tpu.memref_slice %arg6[%scan3A_97, %get3A_354, %get3A_355] : memref<2x128x128xf32, #tpu.memory_space<vmem>> -> memref<1x128x128xf32, #tpu.memory_space<vmem>>
      %get3A_357 = tpu.memref_squeeze %get3A_356 : memref<1x128x128xf32, #tpu.memory_space<vmem>> -> memref<128x128xf32, #tpu.memory_space<vmem>>
      %get3A_358 = arith.index_cast %add3A_313 : i32 to index
      %get3A_359 = arith.constant 32 : index
      %get3A_360 = tpu.vector_load %get3A_357[%get3A_358, %get3A_359] {strides = array<i32>} : memref<128x128xf32, #tpu.memory_space<vmem>>, vector<1x16xf32>,
      %get3A_361 = vector.shape_cast %get3A_360 : vector<1x16xf32> to vector<16xf32>
      %mul3A_362 = arith.constant 11.3137083 : f32
      %mul3A_363 = vector.broadcast %mul3A_362 : f32 to vector<16xf32>
      %mul3A_364 = arith.mulf %get3A_361, %mul3A_363 : vector<16xf32>
      %swap3A_365 = arith.constant 0 : i32
      %swap3A_366 = arith.constant 0 : i32
      %swap3A_367 = tpu.memref_slice %arg7[%scan3A_98, %swap3A_365, %swap3A_366] : memref<2x128x128xf32, #tpu.memory_space<vmem>> -> memref<1x128x128xf32, #tpu.memory_space<vmem>>
      %swap3A_368 = tpu.memref_squeeze %swap3A_367 : memref<1x128x128xf32, #tpu.memory_space<vmem>> -> memref<128x128xf32, #tpu.memory_space<vmem>>
      %swap3A_369 = arith.index_cast %add3A_313 : i32 to index
      %swap3A_370 = arith.constant 32 : index
      %swap3A_371 = tpu.vector_load %swap3A_368[%swap3A_369, %swap3A_370] {strides = array<i32>} : memref<128x128xf32, #tpu.memory_space<vmem>>, vector<1x16xf32>,
      %swap3A_372 = vector.shape_cast %swap3A_371 : vector<1x16xf32> to vector<16xf32>
      %swap3A_373 = vector.shape_cast %mul3A_364 : vector<16xf32> to vector<1x16xf32>
      tpu.vector_store %swap3A_368[%swap3A_369, %swap3A_370], %swap3A_373 {strides = array<i32>} : memref<128x128xf32, #tpu.memory_space<vmem>>, vector<1x16xf32>,
      %get3A_374 = arith.constant 0 : i32
      %get3A_375 = arith.constant 0 : i32
      %get3A_376 = tpu.memref_slice %arg6[%scan3A_97, %get3A_374, %get3A_375] : memref<2x128x128xf32, #tpu.memory_space<vmem>> -> memref<1x128x128xf32, #tpu.memory_space<vmem>>
      %get3A_377 = tpu.memref_squeeze %get3A_376 : memref<1x128x128xf32, #tpu.memory_space<vmem>> -> memref<128x128xf32, #tpu.memory_space<vmem>>
      %get3A_378 = arith.index_cast %add3A_313 : i32 to index
      %get3A_379 = arith.constant 48 : index
      %get3A_380 = tpu.vector_load %get3A_377[%get3A_378, %get3A_379] {strides = array<i32>} : memref<128x128xf32, #tpu.memory_space<vmem>>, vector<1x16xf32>,
      %get3A_381 = vector.shape_cast %get3A_380 : vector<1x16xf32> to vector<16xf32>
      %mul3A_382 = arith.constant 11.3137083 : f32
      %mul3A_383 = vector.broadcast %mul3A_382 : f32 to vector<16xf32>
      %mul3A_384 = arith.mulf %get3A_381, %mul3A_383 : vector<16xf32>
      %swap3A_385 = arith.constant 0 : i32
      %swap3A_386 = arith.constant 0 : i32
      %swap3A_387 = tpu.memref_slice %arg7[%scan3A_98, %swap3A_385, %swap3A_386] : memref<2x128x128xf32, #tpu.memory_space<vmem>> -> memref<1x128x128xf32, #tpu.memory_space<vmem>>
      %swap3A_388 = tpu.memref_squeeze %swap3A_387 : memref<1x128x128xf32, #tpu.memory_space<vmem>> -> memref<128x128xf32, #tpu.memory_space<vmem>>
      %swap3A_389 = arith.index_cast %add3A_313 : i32 to index
      %swap3A_390 = arith.constant 48 : index
      %swap3A_391 = tpu.vector_load %swap3A_388[%swap3A_389, %swap3A_390] {strides = array<i32>} : memref<128x128xf32, #tpu.memory_space<vmem>>, vector<1x16xf32>,
      %swap3A_392 = vector.shape_cast %swap3A_391 : vector<1x16xf32> to vector<16xf32>
      %swap3A_393 = vector.shape_cast %mul3A_384 : vector<16xf32> to vector<1x16xf32>
      tpu.vector_store %swap3A_388[%swap3A_389, %swap3A_390], %swap3A_393 {strides = array<i32>} : memref<128x128xf32, #tpu.memory_space<vmem>>, vector<1x16xf32>,
      %get3A_394 = arith.constant 0 : i32
      %get3A_395 = arith.constant 0 : i32
      %get3A_396 = tpu.memref_slice %arg6[%scan3A_97, %get3A_394, %get3A_395] : memref<2x128x128xf32, #tpu.memory_space<vmem>> -> memref<1x128x128xf32, #tpu.memory_space<vmem>>
      %get3A_397 = tpu.memref_squeeze %get3A_396 : memref<1x128x128xf32, #tpu.memory_space<vmem>> -> memref<128x128xf32, #tpu.memory_space<vmem>>
      %get3A_398 = arith.index_cast %add3A_313 : i32 to index
      %get3A_399 = arith.constant 64 : index
      %get3A_400 = tpu.vector_load %get3A_397[%get3A_398, %get3A_399] {strides = array<i32>} : memref<128x128xf32, #tpu.memory_space<vmem>>, vector<1x16xf32>,
      %get3A_401 = vector.shape_cast %get3A_400 : vector<1x16xf32> to vector<16xf32>
      %mul3A_402 = arith.constant 11.3137083 : f32
      %mul3A_403 = vector.broadcast %mul3A_402 : f32 to vector<16xf32>
      %mul3A_404 = arith.mulf %get3A_401, %mul3A_403 : vector<16xf32>
      %swap3A_405 = arith.constant 0 : i32
      %swap3A_406 = arith.constant 0 : i32
      %swap3A_407 = tpu.memref_slice %arg7[%scan3A_98, %swap3A_405, %swap3A_406] : memref<2x128x128xf32, #tpu.memory_space<vmem>> -> memref<1x128x128xf32, #tpu.memory_space<vmem>>
      %swap3A_408 = tpu.memref_squeeze %swap3A_407 : memref<1x128x128xf32, #tpu.memory_space<vmem>> -> memref<128x128xf32, #tpu.memory_space<vmem>>
      %swap3A_409 = arith.index_cast %add3A_313 : i32 to index
      %swap3A_410 = arith.constant 64 : index
      %swap3A_411 = tpu.vector_load %swap3A_408[%swap3A_409, %swap3A_410] {strides = array<i32>} : memref<128x128xf32, #tpu.memory_space<vmem>>, vector<1x16xf32>,
      %swap3A_412 = vector.shape_cast %swap3A_411 : vector<1x16xf32> to vector<16xf32>
      %swap3A_413 = vector.shape_cast %mul3A_404 : vector<16xf32> to vector<1x16xf32>
      tpu.vector_store %swap3A_408[%swap3A_409, %swap3A_410], %swap3A_413 {strides = array<i32>} : memref<128x128xf32, #tpu.memory_space<vmem>>, vector<1x16xf32>,
      %get3A_414 = arith.constant 0 : i32
      %get3A_415 = arith.constant 0 : i32
      %get3A_416 = tpu.memref_slice %arg6[%scan3A_97, %get3A_414, %get3A_415] : memref<2x128x128xf32, #tpu.memory_space<vmem>> -> memref<1x128x128xf32, #tpu.memory_space<vmem>>
      %get3A_417 = tpu.memref_squeeze %get3A_416 : memref<1x128x128xf32, #tpu.memory_space<vmem>> -> memref<128x128xf32, #tpu.memory_space<vmem>>
      %get3A_418 = arith.index_cast %add3A_313 : i32 to index
      %get3A_419 = arith.constant 80 : index
      %get3A_420 = tpu.vector_load %get3A_417[%get3A_418, %get3A_419] {strides = array<i32>} : memref<128x128xf32, #tpu.memory_space<vmem>>, vector<1x16xf32>,
      %get3A_421 = vector.shape_cast %get3A_420 : vector<1x16xf32> to vector<16xf32>
      %mul3A_422 = arith.constant 11.3137083 : f32
      %mul3A_423 = vector.broadcast %mul3A_422 : f32 to vector<16xf32>
      %mul3A_424 = arith.mulf %get3A_421, %mul3A_423 : vector<16xf32>
      %swap3A_425 = arith.constant 0 : i32
      %swap3A_426 = arith.constant 0 : i32
      %swap3A_427 = tpu.memref_slice %arg7[%scan3A_98, %swap3A_425, %swap3A_426] : memref<2x128x128xf32, #tpu.memory_space<vmem>> -> memref<1x128x128xf32, #tpu.memory_space<vmem>>
      %swap3A_428 = tpu.memref_squeeze %swap3A_427 : memref<1x128x128xf32, #tpu.memory_space<vmem>> -> memref<128x128xf32, #tpu.memory_space<vmem>>
      %swap3A_429 = arith.index_cast %add3A_313 : i32 to index
      %swap3A_430 = arith.constant 80 : index
      %swap3A_431 = tpu.vector_load %swap3A_428[%swap3A_429, %swap3A_430] {strides = array<i32>} : memref<128x128xf32, #tpu.memory_space<vmem>>, vector<1x16xf32>,
      %swap3A_432 = vector.shape_cast %swap3A_431 : vector<1x16xf32> to vector<16xf32>
      %swap3A_433 = vector.shape_cast %mul3A_424 : vector<16xf32> to vector<1x16xf32>
      tpu.vector_store %swap3A_428[%swap3A_429, %swap3A_430], %swap3A_433 {strides = array<i32>} : memref<128x128xf32, #tpu.memory_space<vmem>>, vector<1x16xf32>,
      %get3A_434 = arith.constant 0 : i32
      %get3A_435 = arith.constant 0 : i32
      %get3A_436 = tpu.memref_slice %arg6[%scan3A_97, %get3A_434, %get3A_435] : memref<2x128x128xf32, #tpu.memory_space<vmem>> -> memref<1x128x128xf32, #tpu.memory_space<vmem>>
      %get3A_437 = tpu.memref_squeeze %get3A_436 : memref<1x128x128xf32, #tpu.memory_space<vmem>> -> memref<128x128xf32, #tpu.memory_space<vmem>>
      %get3A_438 = arith.index_cast %add3A_313 : i32 to index
      %get3A_439 = arith.constant 96 : index
      %get3A_440 = tpu.vector_load %get3A_437[%get3A_438, %get3A_439] {strides = array<i32>} : memref<128x128xf32, #tpu.memory_space<vmem>>, vector<1x16xf32>,
      %get3A_441 = vector.shape_cast %get3A_440 : vector<1x16xf32> to vector<16xf32>
      %mul3A_442 = arith.constant 11.3137083 : f32
      %mul3A_443 = vector.broadcast %mul3A_442 : f32 to vector<16xf32>
      %mul3A_444 = arith.mulf %get3A_441, %mul3A_443 : vector<16xf32>
      %swap3A_445 = arith.constant 0 : i32
      %swap3A_446 = arith.constant 0 : i32
      %swap3A_447 = tpu.memref_slice %arg7[%scan3A_98, %swap3A_445, %swap3A_446] : memref<2x128x128xf32, #tpu.memory_space<vmem>> -> memref<1x128x128xf32, #tpu.memory_space<vmem>>
      %swap3A_448 = tpu.memref_squeeze %swap3A_447 : memref<1x128x128xf32, #tpu.memory_space<vmem>> -> memref<128x128xf32, #tpu.memory_space<vmem>>
      %swap3A_449 = arith.index_cast %add3A_313 : i32 to index
      %swap3A_450 = arith.constant 96 : index
      %swap3A_451 = tpu.vector_load %swap3A_448[%swap3A_449, %swap3A_450] {strides = array<i32>} : memref<128x128xf32, #tpu.memory_space<vmem>>, vector<1x16xf32>,
      %swap3A_452 = vector.shape_cast %swap3A_451 : vector<1x16xf32> to vector<16xf32>
      %swap3A_453 = vector.shape_cast %mul3A_444 : vector<16xf32> to vector<1x16xf32>
      tpu.vector_store %swap3A_448[%swap3A_449, %swap3A_450], %swap3A_453 {strides = array<i32>} : memref<128x128xf32, #tpu.memory_space<vmem>>, vector<1x16xf32>,
      %get3A_454 = arith.constant 0 : i32
      %get3A_455 = arith.constant 0 : i32
      %get3A_456 = tpu.memref_slice %arg6[%scan3A_97, %get3A_454, %get3A_455] : memref<2x128x128xf32, #tpu.memory_space<vmem>> -> memref<1x128x128xf32, #tpu.memory_space<vmem>>
      %get3A_457 = tpu.memref_squeeze %get3A_456 : memref<1x128x128xf32, #tpu.memory_space<vmem>> -> memref<128x128xf32, #tpu.memory_space<vmem>>
      %get3A_458 = arith.index_cast %add3A_313 : i32 to index
      %get3A_459 = arith.constant 112 : index
      %get3A_460 = tpu.vector_load %get3A_457[%get3A_458, %get3A_459] {strides = array<i32>} : memref<128x128xf32, #tpu.memory_space<vmem>>, vector<1x16xf32>,
      %get3A_461 = vector.shape_cast %get3A_460 : vector<1x16xf32> to vector<16xf32>
      %mul3A_462 = arith.constant 11.3137083 : f32
      %mul3A_463 = vector.broadcast %mul3A_462 : f32 to vector<16xf32>
      %mul3A_464 = arith.mulf %get3A_461, %mul3A_463 : vector<16xf32>
      %swap3A_465 = arith.constant 0 : i32
      %swap3A_466 = arith.constant 0 : i32
      %swap3A_467 = tpu.memref_slice %arg7[%scan3A_98, %swap3A_465, %swap3A_466] : memref<2x128x128xf32, #tpu.memory_space<vmem>> -> memref<1x128x128xf32, #tpu.memory_space<vmem>>
      %swap3A_468 = tpu.memref_squeeze %swap3A_467 : memref<1x128x128xf32, #tpu.memory_space<vmem>> -> memref<128x128xf32, #tpu.memory_space<vmem>>
      %swap3A_469 = arith.index_cast %add3A_313 : i32 to index
      %swap3A_470 = arith.constant 112 : index
      %swap3A_471 = tpu.vector_load %swap3A_468[%swap3A_469, %swap3A_470] {strides = array<i32>} : memref<128x128xf32, #tpu.memory_space<vmem>>, vector<1x16xf32>,
      %swap3A_472 = vector.shape_cast %swap3A_471 : vector<1x16xf32> to vector<16xf32>
      %swap3A_473 = vector.shape_cast %mul3A_464 : vector<16xf32> to vector<1x16xf32>
      tpu.vector_store %swap3A_468[%swap3A_469, %swap3A_470], %swap3A_473 {strides = array<i32>} : memref<128x128xf32, #tpu.memory_space<vmem>>, vector<1x16xf32>,
      %scan3A_474 = arith.constant 2 : i32
      %scan3A_475 = arith.addi %scan3A_145, %scan3A_474 : i32
      %mul3A_476 = arith.constant 1 : i32
      %mul3A_477 = arith.muli %scan3A_475, %mul3A_476 : i32
      %add3A_478 = arith.constant 0 : i32
      %add3A_479 = arith.addi %add3A_478, %mul3A_477 : i32
      %get3A_480 = arith.constant 0 : i32
      %get3A_481 = arith.constant 0 : i32
      %get3A_482 = tpu.memref_slice %arg6[%scan3A_97, %get3A_480, %get3A_481] : memref<2x128x128xf32, #tpu.memory_space<vmem>> -> memref<1x128x128xf32, #tpu.memory_space<vmem>>
      %get3A_483 = tpu.memref_squeeze %get3A_482 : memref<1x128x128xf32, #tpu.memory_space<vmem>> -> memref<128x128xf32, #tpu.memory_space<vmem>>
      %get3A_484 = arith.index_cast %add3A_479 : i32 to index
      %get3A_485 = arith.constant 0 : index
      %get3A_486 = tpu.vector_load %get3A_483[%get3A_484, %get3A_485] {strides = array<i32>} : memref<128x128xf32, #tpu.memory_space<vmem>>, vector<1x16xf32>,
      %get3A_487 = vector.shape_cast %get3A_486 : vector<1x16xf32> to vector<16xf32>
      %mul3A_488 = arith.constant 11.3137083 : f32
      %mul3A_489 = vector.broadcast %mul3A_488 : f32 to vector<16xf32>
      %mul3A_490 = arith.mulf %get3A_487, %mul3A_489 : vector<16xf32>
      %swap3A_491 = arith.constant 0 : i32
      %swap3A_492 = arith.constant 0 : i32
      %swap3A_493 = tpu.memref_slice %arg7[%scan3A_98, %swap3A_491, %swap3A_492] : memref<2x128x128xf32, #tpu.memory_space<vmem>> -> memref<1x128x128xf32, #tpu.memory_space<vmem>>
      %swap3A_494 = tpu.memref_squeeze %swap3A_493 : memref<1x128x128xf32, #tpu.memory_space<vmem>> -> memref<128x128xf32, #tpu.memory_space<vmem>>
      %swap3A_495 = arith.index_cast %add3A_479 : i32 to index
      %swap3A_496 = arith.constant 0 : index
      %swap3A_497 = tpu.vector_load %swap3A_494[%swap3A_495, %swap3A_496] {strides = array<i32>} : memref<128x128xf32, #tpu.memory_space<vmem>>, vector<1x16xf32>,
      %swap3A_498 = vector.shape_cast %swap3A_497 : vector<1x16xf32> to vector<16xf32>
      %swap3A_499 = vector.shape_cast %mul3A_490 : vector<16xf32> to vector<1x16xf32>
      tpu.vector_store %swap3A_494[%swap3A_495, %swap3A_496], %swap3A_499 {strides = array<i32>} : memref<128x128xf32, #tpu.memory_space<vmem>>, vector<1x16xf32>,
      %get3A_500 = arith.constant 0 : i32
      %get3A_501 = arith.constant 0 : i32
      %get3A_502 = tpu.memref_slice %arg6[%scan3A_97, %get3A_500, %get3A_501] : memref<2x128x128xf32, #tpu.memory_space<vmem>> -> memref<1x128x128xf32, #tpu.memory_space<vmem>>
      %get3A_503 = tpu.memref_squeeze %get3A_502 : memref<1x128x128xf32, #tpu.memory_space<vmem>> -> memref<128x128xf32, #tpu.memory_space<vmem>>
      %get3A_504 = arith.index_cast %add3A_479 : i32 to index
      %get3A_505 = arith.constant 16 : index
      %get3A_506 = tpu.vector_load %get3A_503[%get3A_504, %get3A_505] {strides = array<i32>} : memref<128x128xf32, #tpu.memory_space<vmem>>, vector<1x16xf32>,
      %get3A_507 = vector.shape_cast %get3A_506 : vector<1x16xf32> to vector<16xf32>
      %mul3A_508 = arith.constant 11.3137083 : f32
      %mul3A_509 = vector.broadcast %mul3A_508 : f32 to vector<16xf32>
      %mul3A_510 = arith.mulf %get3A_507, %mul3A_509 : vector<16xf32>
      %swap3A_511 = arith.constant 0 : i32
      %swap3A_512 = arith.constant 0 : i32
      %swap3A_513 = tpu.memref_slice %arg7[%scan3A_98, %swap3A_511, %swap3A_512] : memref<2x128x128xf32, #tpu.memory_space<vmem>> -> memref<1x128x128xf32, #tpu.memory_space<vmem>>
      %swap3A_514 = tpu.memref_squeeze %swap3A_513 : memref<1x128x128xf32, #tpu.memory_space<vmem>> -> memref<128x128xf32, #tpu.memory_space<vmem>>
      %swap3A_515 = arith.index_cast %add3A_479 : i32 to index
      %swap3A_516 = arith.constant 16 : index
      %swap3A_517 = tpu.vector_load %swap3A_514[%swap3A_515, %swap3A_516] {strides = array<i32>} : memref<128x128xf32, #tpu.memory_space<vmem>>, vector<1x16xf32>,
      %swap3A_518 = vector.shape_cast %swap3A_517 : vector<1x16xf32> to vector<16xf32>
      %swap3A_519 = vector.shape_cast %mul3A_510 : vector<16xf32> to vector<1x16xf32>
      tpu.vector_store %swap3A_514[%swap3A_515, %swap3A_516], %swap3A_519 {strides = array<i32>} : memref<128x128xf32, #tpu.memory_space<vmem>>, vector<1x16xf32>,
      %get3A_520 = arith.constant 0 : i32
      %get3A_521 = arith.constant 0 : i32
      %get3A_522 = tpu.memref_slice %arg6[%scan3A_97, %get3A_520, %get3A_521] : memref<2x128x128xf32, #tpu.memory_space<vmem>> -> memref<1x128x128xf32, #tpu.memory_space<vmem>>
      %get3A_523 = tpu.memref_squeeze %get3A_522 : memref<1x128x128xf32, #tpu.memory_space<vmem>> -> memref<128x128xf32, #tpu.memory_space<vmem>>
      %get3A_524 = arith.index_cast %add3A_479 : i32 to index
      %get3A_525 = arith.constant 32 : index
      %get3A_526 = tpu.vector_load %get3A_523[%get3A_524, %get3A_525] {strides = array<i32>} : memref<128x128xf32, #tpu.memory_space<vmem>>, vector<1x16xf32>,
      %get3A_527 = vector.shape_cast %get3A_526 : vector<1x16xf32> to vector<16xf32>
      %mul3A_528 = arith.constant 11.3137083 : f32
      %mul3A_529 = vector.broadcast %mul3A_528 : f32 to vector<16xf32>
      %mul3A_530 = arith.mulf %get3A_527, %mul3A_529 : vector<16xf32>
      %swap3A_531 = arith.constant 0 : i32
      %swap3A_532 = arith.constant 0 : i32
      %swap3A_533 = tpu.memref_slice %arg7[%scan3A_98, %swap3A_531, %swap3A_532] : memref<2x128x128xf32, #tpu.memory_space<vmem>> -> memref<1x128x128xf32, #tpu.memory_space<vmem>>
      %swap3A_534 = tpu.memref_squeeze %swap3A_533 : memref<1x128x128xf32, #tpu.memory_space<vmem>> -> memref<128x128xf32, #tpu.memory_space<vmem>>
      %swap3A_535 = arith.index_cast %add3A_479 : i32 to index
      %swap3A_536 = arith.constant 32 : index
      %swap3A_537 = tpu.vector_load %swap3A_534[%swap3A_535, %swap3A_536] {strides = array<i32>} : memref<128x128xf32, #tpu.memory_space<vmem>>, vector<1x16xf32>,
      %swap3A_538 = vector.shape_cast %swap3A_537 : vector<1x16xf32> to vector<16xf32>
      %swap3A_539 = vector.shape_cast %mul3A_530 : vector<16xf32> to vector<1x16xf32>
      tpu.vector_store %swap3A_534[%swap3A_535, %swap3A_536], %swap3A_539 {strides = array<i32>} : memref<128x128xf32, #tpu.memory_space<vmem>>, vector<1x16xf32>,
      %get3A_540 = arith.constant 0 : i32
      %get3A_541 = arith.constant 0 : i32
      %get3A_542 = tpu.memref_slice %arg6[%scan3A_97, %get3A_540, %get3A_541] : memref<2x128x128xf32, #tpu.memory_space<vmem>> -> memref<1x128x128xf32, #tpu.memory_space<vmem>>
      %get3A_543 = tpu.memref_squeeze %get3A_542 : memref<1x128x128xf32, #tpu.memory_space<vmem>> -> memref<128x128xf32, #tpu.memory_space<vmem>>
      %get3A_544 = arith.index_cast %add3A_479 : i32 to index
      %get3A_545 = arith.constant 48 : index
      %get3A_546 = tpu.vector_load %get3A_543[%get3A_544, %get3A_545] {strides = array<i32>} : memref<128x128xf32, #tpu.memory_space<vmem>>, vector<1x16xf32>,
      %get3A_547 = vector.shape_cast %get3A_546 : vector<1x16xf32> to vector<16xf32>
      %mul3A_548 = arith.constant 11.3137083 : f32
      %mul3A_549 = vector.broadcast %mul3A_548 : f32 to vector<16xf32>
      %mul3A_550 = arith.mulf %get3A_547, %mul3A_549 : vector<16xf32>
      %swap3A_551 = arith.constant 0 : i32
      %swap3A_552 = arith.constant 0 : i32
      %swap3A_553 = tpu.memref_slice %arg7[%scan3A_98, %swap3A_551, %swap3A_552] : memref<2x128x128xf32, #tpu.memory_space<vmem>> -> memref<1x128x128xf32, #tpu.memory_space<vmem>>
      %swap3A_554 = tpu.memref_squeeze %swap3A_553 : memref<1x128x128xf32, #tpu.memory_space<vmem>> -> memref<128x128xf32, #tpu.memory_space<vmem>>
      %swap3A_555 = arith.index_cast %add3A_479 : i32 to index
      %swap3A_556 = arith.constant 48 : index
      %swap3A_557 = tpu.vector_load %swap3A_554[%swap3A_555, %swap3A_556] {strides = array<i32>} : memref<128x128xf32, #tpu.memory_space<vmem>>, vector<1x16xf32>,
      %swap3A_558 = vector.shape_cast %swap3A_557 : vector<1x16xf32> to vector<16xf32>
      %swap3A_559 = vector.shape_cast %mul3A_550 : vector<16xf32> to vector<1x16xf32>
      tpu.vector_store %swap3A_554[%swap3A_555, %swap3A_556], %swap3A_559 {strides = array<i32>} : memref<128x128xf32, #tpu.memory_space<vmem>>, vector<1x16xf32>,
      %get3A_560 = arith.constant 0 : i32
      %get3A_561 = arith.constant 0 : i32
      %get3A_562 = tpu.memref_slice %arg6[%scan3A_97, %get3A_560, %get3A_561] : memref<2x128x128xf32, #tpu.memory_space<vmem>> -> memref<1x128x128xf32, #tpu.memory_space<vmem>>
      %get3A_563 = tpu.memref_squeeze %get3A_562 : memref<1x128x128xf32, #tpu.memory_space<vmem>> -> memref<128x128xf32, #tpu.memory_space<vmem>>
      %get3A_564 = arith.index_cast %add3A_479 : i32 to index
      %get3A_565 = arith.constant 64 : index
      %get3A_566 = tpu.vector_load %get3A_563[%get3A_564, %get3A_565] {strides = array<i32>} : memref<128x128xf32, #tpu.memory_space<vmem>>, vector<1x16xf32>,
      %get3A_567 = vector.shape_cast %get3A_566 : vector<1x16xf32> to vector<16xf32>
      %mul3A_568 = arith.constant 11.3137083 : f32
      %mul3A_569 = vector.broadcast %mul3A_568 : f32 to vector<16xf32>
      %mul3A_570 = arith.mulf %get3A_567, %mul3A_569 : vector<16xf32>
      %swap3A_571 = arith.constant 0 : i32
      %swap3A_572 = arith.constant 0 : i32
      %swap3A_573 = tpu.memref_slice %arg7[%scan3A_98, %swap3A_571, %swap3A_572] : memref<2x128x128xf32, #tpu.memory_space<vmem>> -> memref<1x128x128xf32, #tpu.memory_space<vmem>>
      %swap3A_574 = tpu.memref_squeeze %swap3A_573 : memref<1x128x128xf32, #tpu.memory_space<vmem>> -> memref<128x128xf32, #tpu.memory_space<vmem>>
      %swap3A_575 = arith.index_cast %add3A_479 : i32 to index
      %swap3A_576 = arith.constant 64 : index
      %swap3A_577 = tpu.vector_load %swap3A_574[%swap3A_575, %swap3A_576] {strides = array<i32>} : memref<128x128xf32, #tpu.memory_space<vmem>>, vector<1x16xf32>,
      %swap3A_578 = vector.shape_cast %swap3A_577 : vector<1x16xf32> to vector<16xf32>
      %swap3A_579 = vector.shape_cast %mul3A_570 : vector<16xf32> to vector<1x16xf32>
      tpu.vector_store %swap3A_574[%swap3A_575, %swap3A_576], %swap3A_579 {strides = array<i32>} : memref<128x128xf32, #tpu.memory_space<vmem>>, vector<1x16xf32>,
      %get3A_580 = arith.constant 0 : i32
      %get3A_581 = arith.constant 0 : i32
      %get3A_582 = tpu.memref_slice %arg6[%scan3A_97, %get3A_580, %get3A_581] : memref<2x128x128xf32, #tpu.memory_space<vmem>> -> memref<1x128x128xf32, #tpu.memory_space<vmem>>
      %get3A_583 = tpu.memref_squeeze %get3A_582 : memref<1x128x128xf32, #tpu.memory_space<vmem>> -> memref<128x128xf32, #tpu.memory_space<vmem>>
      %get3A_584 = arith.index_cast %add3A_479 : i32 to index
      %get3A_585 = arith.constant 80 : index
      %get3A_586 = tpu.vector_load %get3A_583[%get3A_584, %get3A_585] {strides = array<i32>} : memref<128x128xf32, #tpu.memory_space<vmem>>, vector<1x16xf32>,
      %get3A_587 = vector.shape_cast %get3A_586 : vector<1x16xf32> to vector<16xf32>
      %mul3A_588 = arith.constant 11.3137083 : f32
      %mul3A_589 = vector.broadcast %mul3A_588 : f32 to vector<16xf32>
      %mul3A_590 = arith.mulf %get3A_587, %mul3A_589 : vector<16xf32>
      %swap3A_591 = arith.constant 0 : i32
      %swap3A_592 = arith.constant 0 : i32
      %swap3A_593 = tpu.memref_slice %arg7[%scan3A_98, %swap3A_591, %swap3A_592] : memref<2x128x128xf32, #tpu.memory_space<vmem>> -> memref<1x128x128xf32, #tpu.memory_space<vmem>>
      %swap3A_594 = tpu.memref_squeeze %swap3A_593 : memref<1x128x128xf32, #tpu.memory_space<vmem>> -> memref<128x128xf32, #tpu.memory_space<vmem>>
      %swap3A_595 = arith.index_cast %add3A_479 : i32 to index
      %swap3A_596 = arith.constant 80 : index
      %swap3A_597 = tpu.vector_load %swap3A_594[%swap3A_595, %swap3A_596] {strides = array<i32>} : memref<128x128xf32, #tpu.memory_space<vmem>>, vector<1x16xf32>,
      %swap3A_598 = vector.shape_cast %swap3A_597 : vector<1x16xf32> to vector<16xf32>
      %swap3A_599 = vector.shape_cast %mul3A_590 : vector<16xf32> to vector<1x16xf32>
      tpu.vector_store %swap3A_594[%swap3A_595, %swap3A_596], %swap3A_599 {strides = array<i32>} : memref<128x128xf32, #tpu.memory_space<vmem>>, vector<1x16xf32>,
      %get3A_600 = arith.constant 0 : i32
      %get3A_601 = arith.constant 0 : i32
      %get3A_602 = tpu.memref_slice %arg6[%scan3A_97, %get3A_600, %get3A_601] : memref<2x128x128xf32, #tpu.memory_space<vmem>> -> memref<1x128x128xf32, #tpu.memory_space<vmem>>
      %get3A_603 = tpu.memref_squeeze %get3A_602 : memref<1x128x128xf32, #tpu.memory_space<vmem>> -> memref<128x128xf32, #tpu.memory_space<vmem>>
      %get3A_604 = arith.index_cast %add3A_479 : i32 to index
      %get3A_605 = arith.constant 96 : index
      %get3A_606 = tpu.vector_load %get3A_603[%get3A_604, %get3A_605] {strides = array<i32>} : memref<128x128xf32, #tpu.memory_space<vmem>>, vector<1x16xf32>,
      %get3A_607 = vector.shape_cast %get3A_606 : vector<1x16xf32> to vector<16xf32>
      %mul3A_608 = arith.constant 11.3137083 : f32
      %mul3A_609 = vector.broadcast %mul3A_608 : f32 to vector<16xf32>
      %mul3A_610 = arith.mulf %get3A_607, %mul3A_609 : vector<16xf32>
      %swap3A_611 = arith.constant 0 : i32
      %swap3A_612 = arith.constant 0 : i32
      %swap3A_613 = tpu.memref_slice %arg7[%scan3A_98, %swap3A_611, %swap3A_612] : memref<2x128x128xf32, #tpu.memory_space<vmem>> -> memref<1x128x128xf32, #tpu.memory_space<vmem>>
      %swap3A_614 = tpu.memref_squeeze %swap3A_613 : memref<1x128x128xf32, #tpu.memory_space<vmem>> -> memref<128x128xf32, #tpu.memory_space<vmem>>
      %swap3A_615 = arith.index_cast %add3A_479 : i32 to index
      %swap3A_616 = arith.constant 96 : index
      %swap3A_617 = tpu.vector_load %swap3A_614[%swap3A_615, %swap3A_616] {strides = array<i32>} : memref<128x128xf32, #tpu.memory_space<vmem>>, vector<1x16xf32>,
      %swap3A_618 = vector.shape_cast %swap3A_617 : vector<1x16xf32> to vector<16xf32>
      %swap3A_619 = vector.shape_cast %mul3A_610 : vector<16xf32> to vector<1x16xf32>
      tpu.vector_store %swap3A_614[%swap3A_615, %swap3A_616], %swap3A_619 {strides = array<i32>} : memref<128x128xf32, #tpu.memory_space<vmem>>, vector<1x16xf32>,
      %get3A_620 = arith.constant 0 : i32
      %get3A_621 = arith.constant 0 : i32
      %get3A_622 = tpu.memref_slice %arg6[%scan3A_97, %get3A_620, %get3A_621] : memref<2x128x128xf32, #tpu.memory_space<vmem>> -> memref<1x128x128xf32, #tpu.memory_space<vmem>>
      %get3A_623 = tpu.memref_squeeze %get3A_622 : memref<1x128x128xf32, #tpu.memory_space<vmem>> -> memref<128x128xf32, #tpu.memory_space<vmem>>
      %get3A_624 = arith.index_cast %add3A_479 : i32 to index
      %get3A_625 = arith.constant 112 : index
      %get3A_626 = tpu.vector_load %get3A_623[%get3A_624, %get3A_625] {strides = array<i32>} : memref<128x128xf32, #tpu.memory_space<vmem>>, vector<1x16xf32>,
      %get3A_627 = vector.shape_cast %get3A_626 : vector<1x16xf32> to vector<16xf32>
      %mul3A_628 = arith.constant 11.3137083 : f32
      %mul3A_629 = vector.broadcast %mul3A_628 : f32 to vector<16xf32>
      %mul3A_630 = arith.mulf %get3A_627, %mul3A_629 : vector<16xf32>
      %swap3A_631 = arith.constant 0 : i32
      %swap3A_632 = arith.constant 0 : i32
      %swap3A_633 = tpu.memref_slice %arg7[%scan3A_98, %swap3A_631, %swap3A_632] : memref<2x128x128xf32, #tpu.memory_space<vmem>> -> memref<1x128x128xf32, #tpu.memory_space<vmem>>
      %swap3A_634 = tpu.memref_squeeze %swap3A_633 : memref<1x128x128xf32, #tpu.memory_space<vmem>> -> memref<128x128xf32, #tpu.memory_space<vmem>>
      %swap3A_635 = arith.index_cast %add3A_479 : i32 to index
      %swap3A_636 = arith.constant 112 : index
      %swap3A_637 = tpu.vector_load %swap3A_634[%swap3A_635, %swap3A_636] {strides = array<i32>} : memref<128x128xf32, #tpu.memory_space<vmem>>, vector<1x16xf32>,
      %swap3A_638 = vector.shape_cast %swap3A_637 : vector<1x16xf32> to vector<16xf32>
      %swap3A_639 = vector.shape_cast %mul3A_630 : vector<16xf32> to vector<1x16xf32>
      tpu.vector_store %swap3A_634[%swap3A_635, %swap3A_636], %swap3A_639 {strides = array<i32>} : memref<128x128xf32, #tpu.memory_space<vmem>>, vector<1x16xf32>,
      %scan3A_640 = arith.constant 3 : i32
      %scan3A_641 = arith.addi %scan3A_145, %scan3A_640 : i32
      %mul3A_642 = arith.constant 1 : i32
      %mul3A_643 = arith.muli %scan3A_641, %mul3A_642 : i32
      %add3A_644 = arith.constant 0 : i32
      %add3A_645 = arith.addi %add3A_644, %mul3A_643 : i32
      %get3A_646 = arith.constant 0 : i32
      %get3A_647 = arith.constant 0 : i32
      %get3A_648 = tpu.memref_slice %arg6[%scan3A_97, %get3A_646, %get3A_647] : memref<2x128x128xf32, #tpu.memory_space<vmem>> -> memref<1x128x128xf32, #tpu.memory_space<vmem>>
      %get3A_649 = tpu.memref_squeeze %get3A_648 : memref<1x128x128xf32, #tpu.memory_space<vmem>> -> memref<128x128xf32, #tpu.memory_space<vmem>>
      %get3A_650 = arith.index_cast %add3A_645 : i32 to index
      %get3A_651 = arith.constant 0 : index
      %get3A_652 = tpu.vector_load %get3A_649[%get3A_650, %get3A_651] {strides = array<i32>} : memref<128x128xf32, #tpu.memory_space<vmem>>, vector<1x16xf32>,
      %get3A_653 = vector.shape_cast %get3A_652 : vector<1x16xf32> to vector<16xf32>
      %mul3A_654 = arith.constant 11.3137083 : f32
      %mul3A_655 = vector.broadcast %mul3A_654 : f32 to vector<16xf32>
      %mul3A_656 = arith.mulf %get3A_653, %mul3A_655 : vector<16xf32>
      %swap3A_657 = arith.constant 0 : i32
      %swap3A_658 = arith.constant 0 : i32
      %swap3A_659 = tpu.memref_slice %arg7[%scan3A_98, %swap3A_657, %swap3A_658] : memref<2x128x128xf32, #tpu.memory_space<vmem>> -> memref<1x128x128xf32, #tpu.memory_space<vmem>>
      %swap3A_660 = tpu.memref_squeeze %swap3A_659 : memref<1x128x128xf32, #tpu.memory_space<vmem>> -> memref<128x128xf32, #tpu.memory_space<vmem>>
      %swap3A_661 = arith.index_cast %add3A_645 : i32 to index
      %swap3A_662 = arith.constant 0 : index
      %swap3A_663 = tpu.vector_load %swap3A_660[%swap3A_661, %swap3A_662] {strides = array<i32>} : memref<128x128xf32, #tpu.memory_space<vmem>>, vector<1x16xf32>,
      %swap3A_664 = vector.shape_cast %swap3A_663 : vector<1x16xf32> to vector<16xf32>
      %swap3A_665 = vector.shape_cast %mul3A_656 : vector<16xf32> to vector<1x16xf32>
      tpu.vector_store %swap3A_660[%swap3A_661, %swap3A_662], %swap3A_665 {strides = array<i32>} : memref<128x128xf32, #tpu.memory_space<vmem>>, vector<1x16xf32>,
      %get3A_666 = arith.constant 0 : i32
      %get3A_667 = arith.constant 0 : i32
      %get3A_668 = tpu.memref_slice %arg6[%scan3A_97, %get3A_666, %get3A_667] : memref<2x128x128xf32, #tpu.memory_space<vmem>> -> memref<1x128x128xf32, #tpu.memory_space<vmem>>
      %get3A_669 = tpu.memref_squeeze %get3A_668 : memref<1x128x128xf32, #tpu.memory_space<vmem>> -> memref<128x128xf32, #tpu.memory_space<vmem>>
      %get3A_670 = arith.index_cast %add3A_645 : i32 to index
      %get3A_671 = arith.constant 16 : index
      %get3A_672 = tpu.vector_load %get3A_669[%get3A_670, %get3A_671] {strides = array<i32>} : memref<128x128xf32, #tpu.memory_space<vmem>>, vector<1x16xf32>,
      %get3A_673 = vector.shape_cast %get3A_672 : vector<1x16xf32> to vector<16xf32>
      %mul3A_674 = arith.constant 11.3137083 : f32
      %mul3A_675 = vector.broadcast %mul3A_674 : f32 to vector<16xf32>
      %mul3A_676 = arith.mulf %get3A_673, %mul3A_675 : vector<16xf32>
      %swap3A_677 = arith.constant 0 : i32
      %swap3A_678 = arith.constant 0 : i32
      %swap3A_679 = tpu.memref_slice %arg7[%scan3A_98, %swap3A_677, %swap3A_678] : memref<2x128x128xf32, #tpu.memory_space<vmem>> -> memref<1x128x128xf32, #tpu.memory_space<vmem>>
      %swap3A_680 = tpu.memref_squeeze %swap3A_679 : memref<1x128x128xf32, #tpu.memory_space<vmem>> -> memref<128x128xf32, #tpu.memory_space<vmem>>
      %swap3A_681 = arith.index_cast %add3A_645 : i32 to index
      %swap3A_682 = arith.constant 16 : index
      %swap3A_683 = tpu.vector_load %swap3A_680[%swap3A_681, %swap3A_682] {strides = array<i32>} : memref<128x128xf32, #tpu.memory_space<vmem>>, vector<1x16xf32>,
      %swap3A_684 = vector.shape_cast %swap3A_683 : vector<1x16xf32> to vector<16xf32>
      %swap3A_685 = vector.shape_cast %mul3A_676 : vector<16xf32> to vector<1x16xf32>
      tpu.vector_store %swap3A_680[%swap3A_681, %swap3A_682], %swap3A_685 {strides = array<i32>} : memref<128x128xf32, #tpu.memory_space<vmem>>, vector<1x16xf32>,
      %get3A_686 = arith.constant 0 : i32
      %get3A_687 = arith.constant 0 : i32
      %get3A_688 = tpu.memref_slice %arg6[%scan3A_97, %get3A_686, %get3A_687] : memref<2x128x128xf32, #tpu.memory_space<vmem>> -> memref<1x128x128xf32, #tpu.memory_space<vmem>>
      %get3A_689 = tpu.memref_squeeze %get3A_688 : memref<1x128x128xf32, #tpu.memory_space<vmem>> -> memref<128x128xf32, #tpu.memory_space<vmem>>
      %get3A_690 = arith.index_cast %add3A_645 : i32 to index
      %get3A_691 = arith.constant 32 : index
      %get3A_692 = tpu.vector_load %get3A_689[%get3A_690, %get3A_691] {strides = array<i32>} : memref<128x128xf32, #tpu.memory_space<vmem>>, vector<1x16xf32>,
      %get3A_693 = vector.shape_cast %get3A_692 : vector<1x16xf32> to vector<16xf32>
      %mul3A_694 = arith.constant 11.3137083 : f32
      %mul3A_695 = vector.broadcast %mul3A_694 : f32 to vector<16xf32>
      %mul3A_696 = arith.mulf %get3A_693, %mul3A_695 : vector<16xf32>
      %swap3A_697 = arith.constant 0 : i32
      %swap3A_698 = arith.constant 0 : i32
      %swap3A_699 = tpu.memref_slice %arg7[%scan3A_98, %swap3A_697, %swap3A_698] : memref<2x128x128xf32, #tpu.memory_space<vmem>> -> memref<1x128x128xf32, #tpu.memory_space<vmem>>
      %swap3A_700 = tpu.memref_squeeze %swap3A_699 : memref<1x128x128xf32, #tpu.memory_space<vmem>> -> memref<128x128xf32, #tpu.memory_space<vmem>>
      %swap3A_701 = arith.index_cast %add3A_645 : i32 to index
      %swap3A_702 = arith.constant 32 : index
      %swap3A_703 = tpu.vector_load %swap3A_700[%swap3A_701, %swap3A_702] {strides = array<i32>} : memref<128x128xf32, #tpu.memory_space<vmem>>, vector<1x16xf32>,
      %swap3A_704 = vector.shape_cast %swap3A_703 : vector<1x16xf32> to vector<16xf32>
      %swap3A_705 = vector.shape_cast %mul3A_696 : vector<16xf32> to vector<1x16xf32>
      tpu.vector_store %swap3A_700[%swap3A_701, %swap3A_702], %swap3A_705 {strides = array<i32>} : memref<128x128xf32, #tpu.memory_space<vmem>>, vector<1x16xf32>,
      %get3A_706 = arith.constant 0 : i32
      %get3A_707 = arith.constant 0 : i32
      %get3A_708 = tpu.memref_slice %arg6[%scan3A_97, %get3A_706, %get3A_707] : memref<2x128x128xf32, #tpu.memory_space<vmem>> -> memref<1x128x128xf32, #tpu.memory_space<vmem>>
      %get3A_709 = tpu.memref_squeeze %get3A_708 : memref<1x128x128xf32, #tpu.memory_space<vmem>> -> memref<128x128xf32, #tpu.memory_space<vmem>>
      %get3A_710 = arith.index_cast %add3A_645 : i32 to index
      %get3A_711 = arith.constant 48 : index
      %get3A_712 = tpu.vector_load %get3A_709[%get3A_710, %get3A_711] {strides = array<i32>} : memref<128x128xf32, #tpu.memory_space<vmem>>, vector<1x16xf32>,
      %get3A_713 = vector.shape_cast %get3A_712 : vector<1x16xf32> to vector<16xf32>
      %mul3A_714 = arith.constant 11.3137083 : f32
      %mul3A_715 = vector.broadcast %mul3A_714 : f32 to vector<16xf32>
      %mul3A_716 = arith.mulf %get3A_713, %mul3A_715 : vector<16xf32>
      %swap3A_717 = arith.constant 0 : i32
      %swap3A_718 = arith.constant 0 : i32
      %swap3A_719 = tpu.memref_slice %arg7[%scan3A_98, %swap3A_717, %swap3A_718] : memref<2x128x128xf32, #tpu.memory_space<vmem>> -> memref<1x128x128xf32, #tpu.memory_space<vmem>>
      %swap3A_720 = tpu.memref_squeeze %swap3A_719 : memref<1x128x128xf32, #tpu.memory_space<vmem>> -> memref<128x128xf32, #tpu.memory_space<vmem>>
      %swap3A_721 = arith.index_cast %add3A_645 : i32 to index
      %swap3A_722 = arith.constant 48 : index
      %swap3A_723 = tpu.vector_load %swap3A_720[%swap3A_721, %swap3A_722] {strides = array<i32>} : memref<128x128xf32, #tpu.memory_space<vmem>>, vector<1x16xf32>,
      %swap3A_724 = vector.shape_cast %swap3A_723 : vector<1x16xf32> to vector<16xf32>
      %swap3A_725 = vector.shape_cast %mul3A_716 : vector<16xf32> to vector<1x16xf32>
      tpu.vector_store %swap3A_720[%swap3A_721, %swap3A_722], %swap3A_725 {strides = array<i32>} : memref<128x128xf32, #tpu.memory_space<vmem>>, vector<1x16xf32>,
      %get3A_726 = arith.constant 0 : i32
      %get3A_727 = arith.constant 0 : i32
      %get3A_728 = tpu.memref_slice %arg6[%scan3A_97, %get3A_726, %get3A_727] : memref<2x128x128xf32, #tpu.memory_space<vmem>> -> memref<1x128x128xf32, #tpu.memory_space<vmem>>
      %get3A_729 = tpu.memref_squeeze %get3A_728 : memref<1x128x128xf32, #tpu.memory_space<vmem>> -> memref<128x128xf32, #tpu.memory_space<vmem>>
      %get3A_730 = arith.index_cast %add3A_645 : i32 to index
      %get3A_731 = arith.constant 64 : index
      %get3A_732 = tpu.vector_load %get3A_729[%get3A_730, %get3A_731] {strides = array<i32>} : memref<128x128xf32, #tpu.memory_space<vmem>>, vector<1x16xf32>,
      %get3A_733 = vector.shape_cast %get3A_732 : vector<1x16xf32> to vector<16xf32>
      %mul3A_734 = arith.constant 11.3137083 : f32
      %mul3A_735 = vector.broadcast %mul3A_734 : f32 to vector<16xf32>
      %mul3A_736 = arith.mulf %get3A_733, %mul3A_735 : vector<16xf32>
      %swap3A_737 = arith.constant 0 : i32
      %swap3A_738 = arith.constant 0 : i32
      %swap3A_739 = tpu.memref_slice %arg7[%scan3A_98, %swap3A_737, %swap3A_738] : memref<2x128x128xf32, #tpu.memory_space<vmem>> -> memref<1x128x128xf32, #tpu.memory_space<vmem>>
      %swap3A_740 = tpu.memref_squeeze %swap3A_739 : memref<1x128x128xf32, #tpu.memory_space<vmem>> -> memref<128x128xf32, #tpu.memory_space<vmem>>
      %swap3A_741 = arith.index_cast %add3A_645 : i32 to index
      %swap3A_742 = arith.constant 64 : index
      %swap3A_743 = tpu.vector_load %swap3A_740[%swap3A_741, %swap3A_742] {strides = array<i32>} : memref<128x128xf32, #tpu.memory_space<vmem>>, vector<1x16xf32>,
      %swap3A_744 = vector.shape_cast %swap3A_743 : vector<1x16xf32> to vector<16xf32>
      %swap3A_745 = vector.shape_cast %mul3A_736 : vector<16xf32> to vector<1x16xf32>
      tpu.vector_store %swap3A_740[%swap3A_741, %swap3A_742], %swap3A_745 {strides = array<i32>} : memref<128x128xf32, #tpu.memory_space<vmem>>, vector<1x16xf32>,
      %get3A_746 = arith.constant 0 : i32
      %get3A_747 = arith.constant 0 : i32
      %get3A_748 = tpu.memref_slice %arg6[%scan3A_97, %get3A_746, %get3A_747] : memref<2x128x128xf32, #tpu.memory_space<vmem>> -> memref<1x128x128xf32, #tpu.memory_space<vmem>>
      %get3A_749 = tpu.memref_squeeze %get3A_748 : memref<1x128x128xf32, #tpu.memory_space<vmem>> -> memref<128x128xf32, #tpu.memory_space<vmem>>
      %get3A_750 = arith.index_cast %add3A_645 : i32 to index
      %get3A_751 = arith.constant 80 : index
      %get3A_752 = tpu.vector_load %get3A_749[%get3A_750, %get3A_751] {strides = array<i32>} : memref<128x128xf32, #tpu.memory_space<vmem>>, vector<1x16xf32>,
      %get3A_753 = vector.shape_cast %get3A_752 : vector<1x16xf32> to vector<16xf32>
      %mul3A_754 = arith.constant 11.3137083 : f32
      %mul3A_755 = vector.broadcast %mul3A_754 : f32 to vector<16xf32>
      %mul3A_756 = arith.mulf %get3A_753, %mul3A_755 : vector<16xf32>
      %swap3A_757 = arith.constant 0 : i32
      %swap3A_758 = arith.constant 0 : i32
      %swap3A_759 = tpu.memref_slice %arg7[%scan3A_98, %swap3A_757, %swap3A_758] : memref<2x128x128xf32, #tpu.memory_space<vmem>> -> memref<1x128x128xf32, #tpu.memory_space<vmem>>
      %swap3A_760 = tpu.memref_squeeze %swap3A_759 : memref<1x128x128xf32, #tpu.memory_space<vmem>> -> memref<128x128xf32, #tpu.memory_space<vmem>>
      %swap3A_761 = arith.index_cast %add3A_645 : i32 to index
      %swap3A_762 = arith.constant 80 : index
      %swap3A_763 = tpu.vector_load %swap3A_760[%swap3A_761, %swap3A_762] {strides = array<i32>} : memref<128x128xf32, #tpu.memory_space<vmem>>, vector<1x16xf32>,
      %swap3A_764 = vector.shape_cast %swap3A_763 : vector<1x16xf32> to vector<16xf32>
      %swap3A_765 = vector.shape_cast %mul3A_756 : vector<16xf32> to vector<1x16xf32>
      tpu.vector_store %swap3A_760[%swap3A_761, %swap3A_762], %swap3A_765 {strides = array<i32>} : memref<128x128xf32, #tpu.memory_space<vmem>>, vector<1x16xf32>,
      %get3A_766 = arith.constant 0 : i32
      %get3A_767 = arith.constant 0 : i32
      %get3A_768 = tpu.memref_slice %arg6[%scan3A_97, %get3A_766, %get3A_767] : memref<2x128x128xf32, #tpu.memory_space<vmem>> -> memref<1x128x128xf32, #tpu.memory_space<vmem>>
      %get3A_769 = tpu.memref_squeeze %get3A_768 : memref<1x128x128xf32, #tpu.memory_space<vmem>> -> memref<128x128xf32, #tpu.memory_space<vmem>>
      %get3A_770 = arith.index_cast %add3A_645 : i32 to index
      %get3A_771 = arith.constant 96 : index
      %get3A_772 = tpu.vector_load %get3A_769[%get3A_770, %get3A_771] {strides = array<i32>} : memref<128x128xf32, #tpu.memory_space<vmem>>, vector<1x16xf32>,
      %get3A_773 = vector.shape_cast %get3A_772 : vector<1x16xf32> to vector<16xf32>
      %mul3A_774 = arith.constant 11.3137083 : f32
      %mul3A_775 = vector.broadcast %mul3A_774 : f32 to vector<16xf32>
      %mul3A_776 = arith.mulf %get3A_773, %mul3A_775 : vector<16xf32>
      %swap3A_777 = arith.constant 0 : i32
      %swap3A_778 = arith.constant 0 : i32
      %swap3A_779 = tpu.memref_slice %arg7[%scan3A_98, %swap3A_777, %swap3A_778] : memref<2x128x128xf32, #tpu.memory_space<vmem>> -> memref<1x128x128xf32, #tpu.memory_space<vmem>>
      %swap3A_780 = tpu.memref_squeeze %swap3A_779 : memref<1x128x128xf32, #tpu.memory_space<vmem>> -> memref<128x128xf32, #tpu.memory_space<vmem>>
      %swap3A_781 = arith.index_cast %add3A_645 : i32 to index
      %swap3A_782 = arith.constant 96 : index
      %swap3A_783 = tpu.vector_load %swap3A_780[%swap3A_781, %swap3A_782] {strides = array<i32>} : memref<128x128xf32, #tpu.memory_space<vmem>>, vector<1x16xf32>,
      %swap3A_784 = vector.shape_cast %swap3A_783 : vector<1x16xf32> to vector<16xf32>
      %swap3A_785 = vector.shape_cast %mul3A_776 : vector<16xf32> to vector<1x16xf32>
      tpu.vector_store %swap3A_780[%swap3A_781, %swap3A_782], %swap3A_785 {strides = array<i32>} : memref<128x128xf32, #tpu.memory_space<vmem>>, vector<1x16xf32>,
      %get3A_786 = arith.constant 0 : i32
      %get3A_787 = arith.constant 0 : i32
      %get3A_788 = tpu.memref_slice %arg6[%scan3A_97, %get3A_786, %get3A_787] : memref<2x128x128xf32, #tpu.memory_space<vmem>> -> memref<1x128x128xf32, #tpu.memory_space<vmem>>
      %get3A_789 = tpu.memref_squeeze %get3A_788 : memref<1x128x128xf32, #tpu.memory_space<vmem>> -> memref<128x128xf32, #tpu.memory_space<vmem>>
      %get3A_790 = arith.index_cast %add3A_645 : i32 to index
      %get3A_791 = arith.constant 112 : index
      %get3A_792 = tpu.vector_load %get3A_789[%get3A_790, %get3A_791] {strides = array<i32>} : memref<128x128xf32, #tpu.memory_space<vmem>>, vector<1x16xf32>,
      %get3A_793 = vector.shape_cast %get3A_792 : vector<1x16xf32> to vector<16xf32>
      %mul3A_794 = arith.constant 11.3137083 : f32
      %mul3A_795 = vector.broadcast %mul3A_794 : f32 to vector<16xf32>
      %mul3A_796 = arith.mulf %get3A_793, %mul3A_795 : vector<16xf32>
      %swap3A_797 = arith.constant 0 : i32
      %swap3A_798 = arith.constant 0 : i32
      %swap3A_799 = tpu.memref_slice %arg7[%scan3A_98, %swap3A_797, %swap3A_798] : memref<2x128x128xf32, #tpu.memory_space<vmem>> -> memref<1x128x128xf32, #tpu.memory_space<vmem>>
      %swap3A_800 = tpu.memref_squeeze %swap3A_799 : memref<1x128x128xf32, #tpu.memory_space<vmem>> -> memref<128x128xf32, #tpu.memory_space<vmem>>
      %swap3A_801 = arith.index_cast %add3A_645 : i32 to index
      %swap3A_802 = arith.constant 112 : index
      %swap3A_803 = tpu.vector_load %swap3A_800[%swap3A_801, %swap3A_802] {strides = array<i32>} : memref<128x128xf32, #tpu.memory_space<vmem>>, vector<1x16xf32>,
      %swap3A_804 = vector.shape_cast %swap3A_803 : vector<1x16xf32> to vector<16xf32>
      %swap3A_805 = vector.shape_cast %mul3A_796 : vector<16xf32> to vector<1x16xf32>
      tpu.vector_store %swap3A_800[%swap3A_801, %swap3A_802], %swap3A_805 {strides = array<i32>} : memref<128x128xf32, #tpu.memory_space<vmem>>, vector<1x16xf32>,
    }
    %scan3A_103 = arith.constant 128 : i32
    %add3A_104 = arith.constant 6272 : i32
    %add3A_105 = arith.addi %mul3A_2, %add3A_104 : i32
    %dma_start3A_106 = arith.constant 1 : i32
    %dma_start3A_107 = arith.constant 0 : i32
    %dma_start3A_108 = arith.constant 0 : i32
    %dma_start3A_109 = tpu.memref_slice %arg7[%dma_start3A_106, %dma_start3A_107, %dma_start3A_108] : memref<2x128x128xf32, #tpu.memory_space<vmem>> -> memref<1x128x128xf32, #tpu.memory_space<vmem>>
    %dma_start3A_110 = tpu.memref_squeeze %dma_start3A_109 : memref<1x128x128xf32, #tpu.memory_space<vmem>> -> memref<128x128xf32, #tpu.memory_space<vmem>>
    %dma_start3A_111 = arith.constant 0 : i32
    %dma_start3A_112 = tpu.memref_slice %arg4[%add3A_105, %dma_start3A_111] : memref<204800x128xf32, #tpu.memory_space<hbm>> -> memref<128x128xf32, #tpu.memory_space<hbm>>
    %dma_start3A_113 = arith.constant 0 : i32
    %dma_start3A_114 = tpu.memref_slice %arg4[%add3A_105, %dma_start3A_113] : memref<204800x128xf32, #tpu.memory_space<hbm>> -> memref<128x128xf32, #tpu.memory_space<hbm>>
    %dma_start3A_115 = arith.constant 0 : i32
    %dma_start3A_116 = arith.constant 0 : i32
    %dma_start3A_117 = tpu.memref_slice %arg7[%dma_start3A_106, %dma_start3A_115, %dma_start3A_116] : memref<2x128x128xf32, #tpu.memory_space<vmem>> -> memref<1x128x128xf32, #tpu.memory_space<vmem>>
    %dma_start3A_118 = tpu.memref_squeeze %dma_start3A_117 : memref<1x128x128xf32, #tpu.memory_space<vmem>> -> memref<128x128xf32, #tpu.memory_space<vmem>>
    tpu.enqueue_dma source(%dma_start3A_118 : memref<128x128xf32, #tpu.memory_space<vmem>>) target(%dma_start3A_114 : memref<128x128xf32, #tpu.memory_space<hbm>>) target_semaphore(%arg12 : memref<!tpu.dma_semaphore, #tpu.memory_space<semaphore_mem>>)
    %dma_wait3A_119 = arith.constant 0 : i32
    %dma_wait3A_120 = arith.constant 0 : i32
    %dma_wait3A_121 = arith.constant 0 : i32
    %dma_wait3A_122 = tpu.memref_slice %arg7[%dma_wait3A_119, %dma_wait3A_120, %dma_wait3A_121] : memref<2x128x128xf32, #tpu.memory_space<vmem>> -> memref<1x128x128xf32, #tpu.memory_space<vmem>>
    %dma_wait3A_123 = tpu.memref_squeeze %dma_wait3A_122 : memref<1x128x128xf32, #tpu.memory_space<vmem>> -> memref<128x128xf32, #tpu.memory_space<vmem>>
    %dma_wait3A_124 = arith.constant 0 : i32
    %dma_wait3A_125 = tpu.memref_slice %arg4[%mul3A_2, %dma_wait3A_124] : memref<204800x128xf32, #tpu.memory_space<hbm>> -> memref<128x128xf32, #tpu.memory_space<hbm>>
    %dma_wait3A_126 = arith.constant 0 : i32
    %dma_wait3A_127 = tpu.memref_slice %arg4[%mul3A_2, %dma_wait3A_126] : memref<204800x128xf32, #tpu.memory_space<hbm>> -> memref<128x128xf32, #tpu.memory_space<hbm>>
    %dma_wait3A_128 = arith.constant 0 : i32
    %dma_wait3A_129 = arith.constant 0 : i32
    %dma_wait3A_130 = tpu.memref_slice %arg7[%dma_wait3A_119, %dma_wait3A_128, %dma_wait3A_129] : memref<2x128x128xf32, #tpu.memory_space<vmem>> -> memref<1x128x128xf32, #tpu.memory_space<vmem>>
    %dma_wait3A_131 = tpu.memref_squeeze %dma_wait3A_130 : memref<1x128x128xf32, #tpu.memory_space<vmem>> -> memref<128x128xf32, #tpu.memory_space<vmem>>
    tpu.wait_dma2 semaphore(%arg11 : memref<!tpu.dma_semaphore, #tpu.memory_space<semaphore_mem>>) src(%dma_wait3A_131 : memref<128x128xf32, #tpu.memory_space<vmem>>) dst(%dma_wait3A_127 : memref<128x128xf32, #tpu.memory_space<hbm>>)
    %dma_wait3A_132 = arith.constant 1 : i32
    %dma_wait3A_133 = arith.constant 0 : i32
    %dma_wait3A_134 = arith.constant 0 : i32
    %dma_wait3A_135 = tpu.memref_slice %arg7[%dma_wait3A_132, %dma_wait3A_133, %dma_wait3A_134] : memref<2x128x128xf32, #tpu.memory_space<vmem>> -> memref<1x128x128xf32, #tpu.memory_space<vmem>>
    %dma_wait3A_136 = tpu.memref_squeeze %dma_wait3A_135 : memref<1x128x128xf32, #tpu.memory_space<vmem>> -> memref<128x128xf32, #tpu.memory_space<vmem>>
    %dma_wait3A_137 = arith.constant 0 : i32
    %dma_wait3A_138 = tpu.memref_slice %arg4[%mul3A_2, %dma_wait3A_137] : memref<204800x128xf32, #tpu.memory_space<hbm>> -> memref<128x128xf32, #tpu.memory_space<hbm>>
    %dma_wait3A_139 = arith.constant 0 : i32
    %dma_wait3A_140 = tpu.memref_slice %arg4[%mul3A_2, %dma_wait3A_139] : memref<204800x128xf32, #tpu.memory_space<hbm>> -> memref<128x128xf32, #tpu.memory_space<hbm>>
    %dma_wait3A_141 = arith.constant 0 : i32
    %dma_wait3A_142 = arith.constant 0 : i32
    %dma_wait3A_143 = tpu.memref_slice %arg7[%dma_wait3A_132, %dma_wait3A_141, %dma_wait3A_142] : memref<2x128x128xf32, #tpu.memory_space<vmem>> -> memref<1x128x128xf32, #tpu.memory_space<vmem>>
    %dma_wait3A_144 = tpu.memref_squeeze %dma_wait3A_143 : memref<1x128x128xf32, #tpu.memory_space<vmem>> -> memref<128x128xf32, #tpu.memory_space<vmem>>
    tpu.wait_dma2 semaphore(%arg12 : memref<!tpu.dma_semaphore, #tpu.memory_space<semaphore_mem>>) src(%dma_wait3A_144 : memref<128x128xf32, #tpu.memory_space<vmem>>) dst(%dma_wait3A_140 : memref<128x128xf32, #tpu.memory_space<hbm>>)
    return
  }
}

</mosaic_0001>

<sc_bundles>
// kernel: kernel.3.cloned.1.call-start
scs
__scs_entry_jumppad:
0x0: {  	(pc) =	sbr.rel $0x88, $3  }
0x1: {  	(tag) =	ssettag $0x0;
	lr =	simm.s32 $0x1  }
0x2: {  	[smem:$0x3F9F] =	sst lr;
	_ =	strace $0xD0000000  }
0x3: {  	_ = 	snop  }
0x4: {  	_ = 	snop  }
0x5: {  	_ = 	snop  }
0x6: {  	_ = 	snop  }
0x7: {  	_ = 	snop  }
__scs_overlays_trampoline_lowered:
0x8: {  	[smem:$0x3FAE] =	sst s0  }
0x9: {  	[smem:$0x3FAF] =	sst s1  }
0xa: {  	[smem:$0x3FB0] =	sst s2  }
0xb: {  	[smem:$0x3FB1] =	sst s3  }
0xc: {  	[smem:$0x3FB2] =	sst s4  }
0xd: {  	[smem:$0x3FB3] =	sst s5  }
0xe: {  	[smem:$0x3FB4] =	sst s6  }
0xf: {  	[smem:$0x3FB5] =	sst s7  }
0x10: {  	[smem:$0x3FB6] =	sst s8  }
0x11: {  	[smem:$0x3FB7] =	sst s9;
	s0 =	simm.s32 @!p0 $0x0  }
0x12: {  	s1 =	sld [smem:$0x3F9D];
	s0 =	simm.s32 @p0 $0x1  }
0x13: {  	[smem:$0x3FB8] =	sst s0;
	s0 =	simm.s32 @!p1 $0x0  }
0x14: {  	s2 =	sld [smem:$0x3F9C];
	s0 =	simm.s32 @p1 $0x1  }
0x15: {  	[smem:$0x3FB9] =	sst s0;
	s0 =	simm.s32 @!p2 $0x0  }
0x16: {  	s3 =	sld [smem:$0x3FDB];
	s0 =	simm.s32 @p2 $0x1  }
0x17: {  	s4 =	simm.s32 $0x1BF5;
	[smem:$0x3FBB] =	sst s0  }
0x18: {  	s0 =	sld [smem:$0x3F9E];
	_ =	swait.ge [sflag:s4], $0x0  }
0x19: {  	s7 =	sld [smem:$0x3F9F]  }
0x1a: {  	s8 =	sadd.s32 $0xFFFFE003, lr  }
0x1b: {  	s9 =	sadd.s32 $0xFFFFFEF7, lr;
	s5 =	simm.s32 $0xFFFFFFFF;
	p2 =	slt.u32 s8, $0xFFFFF086  }
0x1c: {  	p1 =	slt.u32 s9, $0xF7A;
	s5 =	simm.s32 @!p2 $0x0  }
0x1d: {  	s5 =	simm.s32 @p1 $0x1;
	p0 =	seq.s32 s7, s2  }
0x1e: {  	s7 =	smul.u32 @!p0 $0xF7A, s2;
	p2 =	seq.s32 @!p0 s5, $0x0  }
0x1f: {  	s9 =	smul.u32 $0xF7A, s1;
	s8 =	simm.s32 @!p0 $0x1BF5;
	p2 =	por !p2, p0  }
0x20: {  	[sflag:s8] =	ssyncset.s32 @!p0 $0xFFFFF086;
	s6 =	sadd.s32 @!p0 s3, s7;
	s7 =	simm.s32 @!p0 $0x108  }
0x21: {  	s3 =	sadd.s32 s3, s9;
	s6 =	sadd.s32 @!p0 $0x88, s6;
	s7 =	simm.s32 @p2 $0x1082  }
0x22: {  	[simem:s7], [sflag:s8] =	dma.local @!p0 [hbm:s6], $0xF7A  }
0x23: {  	s9 =	sor.u32 $0xD0000000, s2;
	s6 =	simm.s32 $0x108;
	_ =	swait.ge @!p0 [sflag:s8], $0x0  }
0x24: {  	s3 =	sadd.s32 $0x88, s3;
	s6 =	simm.s32 @!p1 $0x1082;
	[sflag:s4] =	ssyncset.s32 $0xFFFFF086  }
0x25: {  	[simem:s6], [sflag:s4] =	dma.local [hbm:s3], $0xF7A  }
0x26: {  	[smem:$0x3F9F] =	sst s1;
	(tag) =	ssettag s2;
	_ =	strace s9  }
0x27: {  	s1 =	sld [smem:$0x3FAF]  }
0x28: {  	s2 =	sld [smem:$0x3FB0]  }
0x29: {  	s4 =	sld [smem:$0x3FB2]  }
0x2a: {  	p0 =	seq.s32 s5, $0x0;
	s5 =	sld [smem:$0x3FB3]  }
0x2b: {  	s6 =	sld [smem:$0x3FB4]  }
0x2c: {  	s7 =	sld [smem:$0x3FB5]  }
0x2d: {  	s3 =	simm.s32 $0x108;
	s8 =	sld [smem:$0x3FB6]  }
0x2e: {  	s3 =	simm.s32 @!p0 $0x1082;
	s9 =	sld [smem:$0x3FB7]  }
0x2f: {  	lr =	sadd.s32 s0, s3;
	s0 =	sld [smem:$0x3FAE]  }
0x30: {  	s3 =	sld [smem:$0x3FB1]  }
0x31: {  	[smem:$0x3FBA] =	sst s10  }
0x32: {  	s10 =	sld [smem:$0x3FB8];
	_ =	sdelay $0x3  }
0x33: {  	p0 =	seq.s32 s10, $0x1;
	s10 =	sld [smem:$0x3FBA];
	_ =	sdelay $0x3  }
0x34: {  	[smem:$0x3FBA] =	sst s10  }
0x35: {  	s10 =	sld [smem:$0x3FB9];
	_ =	sdelay $0x3  }
0x36: {  	p1 =	seq.s32 s10, $0x1;
	s10 =	sld [smem:$0x3FBA];
	_ =	sdelay $0x3  }
0x37: {  	[smem:$0x3FBA] =	sst s10  }
0x38: {  	s10 =	sld [smem:$0x3FBB]  }
0x39: {  	_ = 	snop;
	(pc) =	sbr.ind lr, $3  }
0x3a: {  	_ = 	snop  }
0x3b: {  	_ = 	snop  }
0x3c: {  	p2 =	seq.s32 s10, $0x1;
	s10 =	sld [smem:$0x3FBA]  }
0x3d: {  	_ =	shalt  }
0x3e: {  	_ =	shalt  }
0x3f: {  	_ =	shalt  }
0x40: {  	_ =	shalt  }
0x41: {  	_ =	shalt  }
0x42: {  	_ =	shalt  }
0x43: {  	_ =	shalt  }
0x44: {  	_ =	shalt  }
0x45: {  	_ =	shalt  }
0x46: {  	_ =	shalt  }
0x47: {  	_ =	shalt  }
0x48: {  	_ =	shalt  }
0x49: {  	_ =	shalt  }
0x4a: {  	_ =	shalt  }
0x4b: {  	_ =	shalt  }
0x4c: {  	_ =	shalt  }
0x4d: {  	_ =	shalt  }
0x4e: {  	_ =	shalt  }
0x4f: {  	_ =	shalt  }
0x50: {  	_ =	shalt  }
0x51: {  	_ =	shalt  }
0x52: {  	_ =	shalt  }
0x53: {  	_ =	shalt  }
0x54: {  	_ =	shalt  }
0x55: {  	_ =	shalt  }
0x56: {  	_ =	shalt  }
0x57: {  	_ =	shalt  }
0x58: {  	_ =	shalt  }
0x59: {  	_ =	shalt  }
0x5a: {  	_ =	shalt  }
0x5b: {  	_ =	shalt  }
0x5c: {  	_ =	shalt  }
0x5d: {  	_ =	shalt  }
0x5e: {  	_ =	shalt  }
0x5f: {  	_ =	shalt  }
0x60: {  	_ =	shalt  }
0x61: {  	_ =	shalt  }
0x62: {  	_ =	shalt  }
0x63: {  	_ =	shalt  }
0x64: {  	_ =	shalt  }
0x65: {  	_ =	shalt  }
0x66: {  	_ =	shalt  }
0x67: {  	_ =	shalt  }
0x68: {  	_ =	shalt  }
0x69: {  	_ =	shalt  }
0x6a: {  	_ =	shalt  }
0x6b: {  	_ =	shalt  }
0x6c: {  	_ =	shalt  }
0x6d: {  	_ =	shalt  }
0x6e: {  	_ =	shalt  }
0x6f: {  	_ =	shalt  }
0x70: {  	_ =	shalt  }
0x71: {  	_ =	shalt  }
0x72: {  	_ =	shalt  }
0x73: {  	_ =	shalt  }
0x74: {  	_ =	shalt  }
0x75: {  	_ =	shalt  }
0x76: {  	_ =	shalt  }
0x77: {  	_ =	shalt  }
0x78: {  	_ =	shalt  }
0x79: {  	_ =	shalt  }
0x7a: {  	_ =	shalt  }
0x7b: {  	_ =	shalt  }
0x7c: {  	_ =	shalt  }
0x7d: {  	_ =	shalt  }
0x7e: {  	_ =	shalt  }
0x7f: {  	_ =	shalt  }
0x80: {  	_ =	shalt  }
0x81: {  	_ =	shalt  }
0x82: {  	_ =	shalt  }
0x83: {  	_ =	shalt  }
0x84: {  	_ =	shalt  }
0x85: {  	_ =	shalt  }
0x86: {  	_ =	shalt  }
0x87: {  	_ =	shalt  }
.Lfunc_end0:
.L_simem_size_0:
called_computation.1_lowered:
.L_overlay_start_0:
0x88: {  	s2 =	sld [smem:$0x3FD9]  }
0x89: {  	s3 =	sld [smem:$0x3FFE];
	_ =	sdelay $0x1  }
0x8a: {  	s1 =	srdreg.scid  }
0x8b: {  	s0 =	sand.u32 $0x1, s1  }
0x8c: {  	s17 =	sshll.u32 s0, $0xA;
	s2 =	sadd.s32 s3, s2  }
0x8d: {  	s2 =	sadd.s32 s2, s17  }
0x8e: {  	[smem:$0x3FC6] =	sst s2  }
0x8f: {  	_ = 	snop  }
0x90: {  	s2 =	sld [smem:$0x3FC8]  }
0x91: {  	s18 =	sld [smem:$0x3FD0];
	(tm) =	ssettm $0x1  }
0x92: {  	s4 =	sld [smem:$0x3FFB];
	_ =	sdelay $0x3  }
0x93: {  	_ =	strace s4  }
0x94: {  	s4 =	sld [smem:$0x3FFC];
	_ =	sdelay $0x3  }
0x95: {  	_ =	strace s4  }
0x96: {  	s4 =	sld [smem:$0x3FFD];
	_ =	sdelay $0x3  }
0x97: {  	_ =	strace s4  }
0x98: {  	_ =	strace $0x8FFFFFFF  }
0x99: {  	s19 =	sld [smem:$0x3FDB];
	_ =	sdelay $0x1  }
0x9a: {  	s5 =	simm.s32 $_scs_section_size  }
0x9b: {  	s6 =	simm.s32 $_size__tile_overlayer_lowered;
	s7 =	simm.s32 $_tile_overlayer_lowered  }
0x9c: {  	s22 =	simm.s32 $0x1BFF;
	s21 =	sshll.u32 s7, $0x1;
	s4 =	sadd.s32 s5, s19  }
0x9d: {  	s8 =	simm.s32 $0x0;
	s20 =	sshll.u32 s6, $0x1;
	s6 =	sadd.s32 s21, s4  }
0x9e: {  	[timem:s8], [sflag:s22] =	dma.local [hbm:s6], s20  }
0x9f: {  	_ =	swait.ge [sflag:s22], s20  }
0xa0: {  	s5 =	ssub.s32 $0x0, s20;
	[sflag:s22] =	ssyncset.done $0x0  }
0xa1: {  	[sflag:s22] =	ssyncadd.s32 s5;
	_ =	sdelay $0x1  }
0xa2: {  	s23 =	simm.s32 $0x1B8B  }
0xa3: {  	_ =	swait.ge [sflag:s23], $0x1  }
0xa4: {  	[sflag:s23] =	ssyncset.done $0x0  }
0xa5: {  	s25 =	simm.s32 $0x1B8E;
	s24 =	sld [smem:$0x3FFE];
	[sflag:s23] =	ssyncadd.s32 $0xFFFFFFFF  }
0xa6: {  	s26 =	simm.s32 $execute0_lowered;
	[smem:$0x3FD2] =	sst s25  }
0xa7: {  	s6 =	sshll.u32 s26, $0x1;
	_ =	strace $0x80000046;
	[dreg:$0x1] =	wrdreg $0xFFFFFFFF  }
0xa8: {  	s28 =	simm.s32 $_size_execute0_lowered;
	s4 =	sadd.s32 s4, s6;
	[dreg:$0x0] =	wrdreg $0x0  }
0xa9: {  	s6 =	sshll.u32 s28, $0x1;
	[dreg:$0x2] =	wrdreg s4  }
0xaa: {  	[dreg:$0x3] =	wrdreg s6  }
0xab: {  	[dreg:$0x4] =	wrdreg $0xC0  }
0xac: {  	_ =	task [dreg:s8], $0x5FFFF  }
0xad: {  	[dreg:$0x1] =	wrdreg $0xFFFFFFFF  }
0xae: {  	[dreg:$0x0] =	wrdreg $0x60  }
0xaf: {  	[dreg:$0x2] =	wrdreg s24  }
0xb0: {  	[dreg:$0x3] =	wrdreg s2  }
0xb1: {  	[dreg:$0x4] =	wrdreg s18  }
0xb2: {  	[dreg:$0x5] =	wrdreg $0x9  }
0xb3: {  	_ =	task.clear_ibuf [dreg:s8], $0x6FFFF;
	_ =	strace $0x90000046  }
0xb4: {  	s29 =	simm.s32 $0x9;
	_ =	strace $0x80000048  }
0xb5: {  	_ =	swait.ge [sflag:s29], $0x1  }
0xb6: {  	[sflag:s29] =	ssyncadd.s32 $0xFFFFFFFF  }
0xb7: {  	_ =	strace $0x90000048  }
0xb8: {  	_ =	sfence  }
0xb9: {  	s30 =	sld [smem:$0x0];
	_ =	sdelay $0x2  }
0xba: {  	s31 =	sshll.u32 s1, $0xD;
	s1 =	sshrl.u32 s1, $0x2  }
0xbb: {  	s3 =	sand.u32 $0x4000, s31;
	s1 =	sadd.s32 s1, s30  }
0xbc: {  	s0 =	sor.u32 s3, s0;
	s1 =	sshll.u32 s1, $0x11  }
0xbd: {  	s0 =	sor.u32 s1, s0  }
0xbe: {  	s0 =	sadd.s32 $0x8F2B, s0  }
0xbf: {  	[sflag:s0] =	ssyncadd.remote.s32 $0x1  }
0xc0: {  	_ =	sfence.sel $0xFFFF  }
0xc1: {  	[dreg:$0x0] =	wrdreg $0xFFFFFFFF;
	(pc) =	sbr.abs _section_cstart, $3  }
0xc2: {  	[dreg:$0x1] =	wrdreg $0xFFFFFFFF  }
0xc3: {  	_ =	task.clear_ibuf [dreg:s8], $0x2FFFF;
	_ =	strace $0x9FFFFFFF  }
0xc4: {  	(tm) =	ssettm $0x7FFFFFFF  }
0xc5: {  	_ =	shalt  }
tec
execute0_lowered:
.L_overlay_start_1:
0x0: {  	(tag) =	ssettag $0x1  }
0x1: {  	s6 =	rddreg [dreg:$0x0]  }
0x2: {  	s1 =	srdreg.scid;
	s2 =	rddreg [dreg:$0x1]  }
0x3: {  	s0 =	stileid.u32;
	s3 =	rddreg [dreg:$0x2]  }
0x4: {  	s4 =	simm.s32 $0x0;
	s12 =	simm.s32 $0x80;
	s13 =	simm.s32 $0x1900  }
0x5: {  	s14 =	simm.s32 $0x5900;
	s15 =	simm.s32 $0x2;
	s16 =	simm.s32 $0x9900  }
0x6: {  	s17 =	simm.s32 $0x3;
	s7 =	sand.u32 $0x1, s1;
	s29 =	sshll.u32 s0, $0x1  }
0x7: {  	s18 =	simm.s32 $0xD900;
	s19 =	simm.s32 $0x4;
	s8 =	sor.u32 s7, s29  }
0x8: {  	s20 =	simm.s32 $0x5;
	s21 =	simm.s32 $0x0;
	s9 =	smul.u32 $0x320, s8  }
0x9: {  	s1 =	rddreg [dreg:$0x3];
	s7 =	ssub.s32 $0x2, s7;
	s5 =	smul.u32 $0xC8000, s8  }
0xa: {  	[smem:$0x7FF] =	sst s4;
	s10 =	sshrl.u32 s7, $0x1;
	s11 =	smul.u32 $0x19000, s8  }
0xb: {  	_ =	strace $0x80000047;
	s10 =	ssub.s32 s7, s10;
	s30 =	sshrl.u32 s5, $0x3  }
0xc: {  	s6 =	sadd.s32 s9, s6;
	s31 =	sadd.s32 s11, s3;
	s9 =	sadd.s32 s3, s30  }
0xd: {  	s11 =	simm.s32 $0x1;
	s6 =	sadd.s32 $0x800, s6;
	s7 =	sadd.s32 $0x18000, s9  }
0xe: {  	s8 =	sadd.s32 $0x18800, s9;
	s9 =	smax.u32 s10, $0x1;
	s10 =	sadd.s32 $0x800, s31  }
.LBB2_1:
0xf: {  	[tilespmem:s4], [sflag:$0x1] =	stream.linear.gather [hbm4b:s6+s4], $0x1900, $0x38;
	[tilespmem:$0x11900] =	vst v63  }
0x10: {  	_ =	swait.ge [sflag:s11], $0x1900  }
0x11: {  	[sflag:s11] =	ssyncset.done $0x0  }
0x12: {  	[sflag:s11] =	ssyncadd.s32 $0xFFFFE700  }
0x13: {  	[tilespmem:s13], [sflag:$0x2] =	stream.indirect.gather [hbm4b:s2+s12], $0x80, s4, s12, $0xb8;
	[tilespmem:$0x11900] =	vst v63  }
0x14: {  	s22 =	simm.s32 $0x0  }
0x15: {  	[tilespmem:s14], [sflag:$0x3] =	stream.indirect.gather [hbm4b:s2+s12], $0x80, s12, s12, $0xb8;
	[tilespmem:$0x11900] =	vst v63  }
.LBB2_2:
0x16: {  	_ =	swait.ge [sflag:s15], $0x4000  }
0x17: {  	p0 =	seq.s32 s22, $0x0;
	[sflag:s15] =	ssyncset.done $0x0  }
0x18: {  	s23 =	simm.s32 @!p0 $0x4;
	[sflag:s15] =	ssyncadd.s32 $0xFFFFC000  }
0x19: {  	_ =	swait.ge @!p0 [sflag:s23], $0x4000  }
0x1a: {  	[sflag:s23] =	ssyncset.done @!p0 $0x0  }
0x1b: {  	s24 =	simm.s32 $0x1A00;
	[sflag:s23] =	ssyncadd.s32 @!p0 $0xFFFFC000  }
0x1c: {  	v0 =	vld [tilespmem:s24+$0xFFFFFF00];
	_ =	sdelay $0x4  }
0x1d: {  	v0 =	vmul.f32 $1.131370830e+01, v0  }
0x1e: {  	s23 =	simm.s32 $0x9A00  }
0x1f: {  	[tilespmem:s23+$0xFFFFFF00] =	vst v0  }
0x20: {  	v0 =	vld [tilespmem:s24+$0xFFFFFF10];
	_ =	sdelay $0x4  }
0x21: {  	v0 =	vmul.f32 $1.131370830e+01, v0;
	_ =	sdelay $0x1  }
0x22: {  	[tilespmem:s23+$0xFFFFFF10] =	vst v0  }
0x23: {  	v0 =	vld [tilespmem:s24+$0xFFFFFF20];
	_ =	sdelay $0x4  }
0x24: {  	v0 =	vmul.f32 $1.131370830e+01, v0;
	_ =	sdelay $0x1  }
0x25: {  	[tilespmem:s23+$0xFFFFFF20] =	vst v0  }
0x26: {  	v0 =	vld [tilespmem:s24+$0xFFFFFF30];
	_ =	sdelay $0x4  }
0x27: {  	v0 =	vmul.f32 $1.131370830e+01, v0;
	_ =	sdelay $0x1  }
0x28: {  	[tilespmem:s23+$0xFFFFFF30] =	vst v0  }
0x29: {  	v0 =	vld [tilespmem:s24+$0xFFFFFF40];
	_ =	sdelay $0x4  }
0x2a: {  	v0 =	vmul.f32 $1.131370830e+01, v0;
	_ =	sdelay $0x1  }
0x2b: {  	[tilespmem:s23+$0xFFFFFF40] =	vst v0  }
0x2c: {  	v0 =	vld [tilespmem:s24+$0xFFFFFF50];
	_ =	sdelay $0x4  }
0x2d: {  	v0 =	vmul.f32 $1.131370830e+01, v0;
	_ =	sdelay $0x1  }
0x2e: {  	[tilespmem:s23+$0xFFFFFF50] =	vst v0  }
0x2f: {  	v0 =	vld [tilespmem:s24+$0xFFFFFF60];
	_ =	sdelay $0x4  }
0x30: {  	v0 =	vmul.f32 $1.131370830e+01, v0;
	_ =	sdelay $0x1  }
0x31: {  	[tilespmem:s23+$0xFFFFFF60] =	vst v0  }
0x32: {  	v0 =	vld [tilespmem:s24+$0xFFFFFF70];
	_ =	sdelay $0x4  }
0x33: {  	v0 =	vmul.f32 $1.131370830e+01, v0;
	_ =	sdelay $0x1  }
0x34: {  	[tilespmem:s23+$0xFFFFFF70] =	vst v0  }
0x35: {  	v0 =	vld [tilespmem:s24+$0xFFFFFF80];
	_ =	sdelay $0x4  }
0x36: {  	v0 =	vmul.f32 $1.131370830e+01, v0;
	_ =	sdelay $0x1  }
0x37: {  	[tilespmem:s23+$0xFFFFFF80] =	vst v0  }
0x38: {  	v0 =	vld [tilespmem:s24+$0xFFFFFF90];
	_ =	sdelay $0x4  }
0x39: {  	v0 =	vmul.f32 $1.131370830e+01, v0;
	_ =	sdelay $0x1  }
0x3a: {  	[tilespmem:s23+$0xFFFFFF90] =	vst v0  }
0x3b: {  	v0 =	vld [tilespmem:s24+$0xFFFFFFA0];
	_ =	sdelay $0x4  }
0x3c: {  	v0 =	vmul.f32 $1.131370830e+01, v0;
	_ =	sdelay $0x1  }
0x3d: {  	[tilespmem:s23+$0xFFFFFFA0] =	vst v0  }
0x3e: {  	v0 =	vld [tilespmem:s24+$0xFFFFFFB0];
	_ =	sdelay $0x4  }
0x3f: {  	v0 =	vmul.f32 $1.131370830e+01, v0;
	_ =	sdelay $0x1  }
0x40: {  	[tilespmem:s23+$0xFFFFFFB0] =	vst v0  }
0x41: {  	v0 =	vld [tilespmem:s24+$0xFFFFFFC0];
	_ =	sdelay $0x4  }
0x42: {  	v0 =	vmul.f32 $1.131370830e+01, v0;
	_ =	sdelay $0x1  }
0x43: {  	[tilespmem:s23+$0xFFFFFFC0] =	vst v0  }
0x44: {  	v0 =	vld [tilespmem:s24+$0xFFFFFFD0];
	_ =	sdelay $0x4  }
0x45: {  	v0 =	vmul.f32 $1.131370830e+01, v0;
	_ =	sdelay $0x1  }
0x46: {  	[tilespmem:s23+$0xFFFFFFD0] =	vst v0  }
0x47: {  	v0 =	vld [tilespmem:s24+$0xFFFFFFE0];
	_ =	sdelay $0x4  }
0x48: {  	v0 =	vmul.f32 $1.131370830e+01, v0;
	_ =	sdelay $0x1  }
0x49: {  	[tilespmem:s23+$0xFFFFFFE0] =	vst v0  }
0x4a: {  	v0 =	vld [tilespmem:s24+$0xFFFFFFF0];
	_ =	sdelay $0x4  }
0x4b: {  	v0 =	vmul.f32 $1.131370830e+01, v0;
	_ =	sdelay $0x1  }
0x4c: {  	[tilespmem:s23+$0xFFFFFFF0] =	vst v0  }
0x4d: {  	v0 =	vld [tilespmem:s24+$0x0];
	_ =	sdelay $0x4  }
0x4e: {  	v0 =	vmul.f32 $1.131370830e+01, v0;
	_ =	sdelay $0x1  }
0x4f: {  	[tilespmem:s23+$0x0] =	vst v0  }
0x50: {  	v0 =	vld [tilespmem:s24+$0x10];
	_ =	sdelay $0x4  }
0x51: {  	v0 =	vmul.f32 $1.131370830e+01, v0;
	_ =	sdelay $0x1  }
0x52: {  	[tilespmem:s23+$0x10] =	vst v0  }
0x53: {  	v0 =	vld [tilespmem:s24+$0x20];
	_ =	sdelay $0x4  }
0x54: {  	v0 =	vmul.f32 $1.131370830e+01, v0;
	_ =	sdelay $0x1  }
0x55: {  	[tilespmem:s23+$0x20] =	vst v0  }
0x56: {  	v0 =	vld [tilespmem:s24+$0x30];
	_ =	sdelay $0x4  }
0x57: {  	v0 =	vmul.f32 $1.131370830e+01, v0;
	_ =	sdelay $0x1  }
0x58: {  	[tilespmem:s23+$0x30] =	vst v0  }
0x59: {  	v0 =	vld [tilespmem:s24+$0x40];
	_ =	sdelay $0x4  }
0x5a: {  	v0 =	vmul.f32 $1.131370830e+01, v0;
	_ =	sdelay $0x1  }
0x5b: {  	[tilespmem:s23+$0x40] =	vst v0  }
0x5c: {  	v0 =	vld [tilespmem:s24+$0x50];
	_ =	sdelay $0x4  }
0x5d: {  	v0 =	vmul.f32 $1.131370830e+01, v0;
	_ =	sdelay $0x1  }
0x5e: {  	[tilespmem:s23+$0x50] =	vst v0  }
0x5f: {  	v0 =	vld [tilespmem:s24+$0x60];
	_ =	sdelay $0x4  }
0x60: {  	v0 =	vmul.f32 $1.131370830e+01, v0;
	_ =	sdelay $0x1  }
0x61: {  	[tilespmem:s23+$0x60] =	vst v0  }
0x62: {  	v0 =	vld [tilespmem:s24+$0x70];
	_ =	sdelay $0x4  }
0x63: {  	v0 =	vmul.f32 $1.131370830e+01, v0;
	_ =	sdelay $0x1  }
0x64: {  	[tilespmem:s23+$0x70] =	vst v0  }
0x65: {  	v0 =	vld [tilespmem:s24+$0x80];
	_ =	sdelay $0x4  }
0x66: {  	v0 =	vmul.f32 $1.131370830e+01, v0;
	_ =	sdelay $0x1  }
0x67: {  	[tilespmem:s23+$0x80] =	vst v0  }
0x68: {  	v0 =	vld [tilespmem:s24+$0x90];
	_ =	sdelay $0x4  }
0x69: {  	v0 =	vmul.f32 $1.131370830e+01, v0;
	_ =	sdelay $0x1  }
0x6a: {  	[tilespmem:s23+$0x90] =	vst v0  }
0x6b: {  	v0 =	vld [tilespmem:s24+$0xA0];
	_ =	sdelay $0x4  }
0x6c: {  	v0 =	vmul.f32 $1.131370830e+01, v0;
	_ =	sdelay $0x1  }
0x6d: {  	[tilespmem:s23+$0xA0] =	vst v0  }
0x6e: {  	v0 =	vld [tilespmem:s24+$0xB0];
	_ =	sdelay $0x4  }
0x6f: {  	v0 =	vmul.f32 $1.131370830e+01, v0;
	_ =	sdelay $0x1  }
0x70: {  	[tilespmem:s23+$0xB0] =	vst v0  }
0x71: {  	v0 =	vld [tilespmem:s24+$0xC0];
	_ =	sdelay $0x4  }
0x72: {  	v0 =	vmul.f32 $1.131370830e+01, v0;
	_ =	sdelay $0x1  }
0x73: {  	[tilespmem:s23+$0xC0] =	vst v0  }
0x74: {  	v0 =	vld [tilespmem:s24+$0xD0];
	_ =	sdelay $0x4  }
0x75: {  	v0 =	vmul.f32 $1.131370830e+01, v0;
	_ =	sdelay $0x1  }
0x76: {  	[tilespmem:s23+$0xD0] =	vst v0  }
0x77: {  	v0 =	vld [tilespmem:s24+$0xE0];
	_ =	sdelay $0x4  }
0x78: {  	v0 =	vmul.f32 $1.131370830e+01, v0;
	_ =	sdelay $0x1  }
0x79: {  	[tilespmem:s23+$0xE0] =	vst v0  }
0x7a: {  	v0 =	vld [tilespmem:s24+$0xF0];
	_ =	sdelay $0x4  }
0x7b: {  	v0 =	vmul.f32 $1.131370830e+01, v0;
	_ =	sdelay $0x1  }
0x7c: {  	s25 =	simm.s32 $0x1C00;
	s24 =	simm.s32 $0x0;
	[tilespmem:s23+$0xF0] =	vst v0  }
.LBB2_3:
0x7d: {  	v0 =	vld [tilespmem:s25+$0xFFFFFF00];
	s24 =	sadd.s32 $0x4, s24  }
0x7e: {  	p1 =	slt.u32 s24, $0x7C;
	_ =	sdelay $0x3  }
0x7f: {  	v0 =	vmul.f32 $1.131370830e+01, v0  }
0x80: {  	s23 =	sadd.s32 $0x200, s23  }
0x81: {  	[tilespmem:s23+$0xFFFFFF00] =	vst v0  }
0x82: {  	v0 =	vld [tilespmem:s25+$0xFFFFFF10];
	_ =	sdelay $0x4  }
0x83: {  	v0 =	vmul.f32 $1.131370830e+01, v0;
	_ =	sdelay $0x1  }
0x84: {  	[tilespmem:s23+$0xFFFFFF10] =	vst v0  }
0x85: {  	v0 =	vld [tilespmem:s25+$0xFFFFFF20];
	_ =	sdelay $0x4  }
0x86: {  	v0 =	vmul.f32 $1.131370830e+01, v0;
	_ =	sdelay $0x1  }
0x87: {  	[tilespmem:s23+$0xFFFFFF20] =	vst v0  }
0x88: {  	v0 =	vld [tilespmem:s25+$0xFFFFFF30];
	_ =	sdelay $0x4  }
0x89: {  	v0 =	vmul.f32 $1.131370830e+01, v0;
	_ =	sdelay $0x1  }
0x8a: {  	[tilespmem:s23+$0xFFFFFF30] =	vst v0  }
0x8b: {  	v0 =	vld [tilespmem:s25+$0xFFFFFF40];
	_ =	sdelay $0x4  }
0x8c: {  	v0 =	vmul.f32 $1.131370830e+01, v0;
	_ =	sdelay $0x1  }
0x8d: {  	[tilespmem:s23+$0xFFFFFF40] =	vst v0  }
0x8e: {  	v0 =	vld [tilespmem:s25+$0xFFFFFF50];
	_ =	sdelay $0x4  }
0x8f: {  	v0 =	vmul.f32 $1.131370830e+01, v0;
	_ =	sdelay $0x1  }
0x90: {  	[tilespmem:s23+$0xFFFFFF50] =	vst v0  }
0x91: {  	v0 =	vld [tilespmem:s25+$0xFFFFFF60];
	_ =	sdelay $0x4  }
0x92: {  	v0 =	vmul.f32 $1.131370830e+01, v0;
	_ =	sdelay $0x1  }
0x93: {  	[tilespmem:s23+$0xFFFFFF60] =	vst v0  }
0x94: {  	v0 =	vld [tilespmem:s25+$0xFFFFFF70];
	_ =	sdelay $0x4  }
0x95: {  	v0 =	vmul.f32 $1.131370830e+01, v0;
	_ =	sdelay $0x1  }
0x96: {  	[tilespmem:s23+$0xFFFFFF70] =	vst v0  }
0x97: {  	v0 =	vld [tilespmem:s25+$0xFFFFFF80];
	_ =	sdelay $0x4  }
0x98: {  	v0 =	vmul.f32 $1.131370830e+01, v0;
	_ =	sdelay $0x1  }
0x99: {  	[tilespmem:s23+$0xFFFFFF80] =	vst v0  }
0x9a: {  	v0 =	vld [tilespmem:s25+$0xFFFFFF90];
	_ =	sdelay $0x4  }
0x9b: {  	v0 =	vmul.f32 $1.131370830e+01, v0;
	_ =	sdelay $0x1  }
0x9c: {  	[tilespmem:s23+$0xFFFFFF90] =	vst v0  }
0x9d: {  	v0 =	vld [tilespmem:s25+$0xFFFFFFA0];
	_ =	sdelay $0x4  }
0x9e: {  	v0 =	vmul.f32 $1.131370830e+01, v0;
	_ =	sdelay $0x1  }
0x9f: {  	[tilespmem:s23+$0xFFFFFFA0] =	vst v0  }
0xa0: {  	v0 =	vld [tilespmem:s25+$0xFFFFFFB0];
	_ =	sdelay $0x4  }
0xa1: {  	v0 =	vmul.f32 $1.131370830e+01, v0;
	_ =	sdelay $0x1  }
0xa2: {  	[tilespmem:s23+$0xFFFFFFB0] =	vst v0  }
0xa3: {  	v0 =	vld [tilespmem:s25+$0xFFFFFFC0];
	_ =	sdelay $0x4  }
0xa4: {  	v0 =	vmul.f32 $1.131370830e+01, v0;
	_ =	sdelay $0x1  }
0xa5: {  	[tilespmem:s23+$0xFFFFFFC0] =	vst v0  }
0xa6: {  	v0 =	vld [tilespmem:s25+$0xFFFFFFD0];
	_ =	sdelay $0x4  }
0xa7: {  	v0 =	vmul.f32 $1.131370830e+01, v0;
	_ =	sdelay $0x1  }
0xa8: {  	[tilespmem:s23+$0xFFFFFFD0] =	vst v0  }
0xa9: {  	v0 =	vld [tilespmem:s25+$0xFFFFFFE0];
	_ =	sdelay $0x4  }
0xaa: {  	v0 =	vmul.f32 $1.131370830e+01, v0;
	_ =	sdelay $0x1  }
0xab: {  	[tilespmem:s23+$0xFFFFFFE0] =	vst v0  }
0xac: {  	v0 =	vld [tilespmem:s25+$0xFFFFFFF0];
	_ =	sdelay $0x4  }
0xad: {  	v0 =	vmul.f32 $1.131370830e+01, v0;
	_ =	sdelay $0x1  }
0xae: {  	[tilespmem:s23+$0xFFFFFFF0] =	vst v0  }
0xaf: {  	v0 =	vld [tilespmem:s25+$0x0];
	_ =	sdelay $0x4  }
0xb0: {  	v0 =	vmul.f32 $1.131370830e+01, v0;
	_ =	sdelay $0x1  }
0xb1: {  	[tilespmem:s23+$0x0] =	vst v0  }
0xb2: {  	v0 =	vld [tilespmem:s25+$0x10];
	_ =	sdelay $0x4  }
0xb3: {  	v0 =	vmul.f32 $1.131370830e+01, v0;
	_ =	sdelay $0x1  }
0xb4: {  	[tilespmem:s23+$0x10] =	vst v0  }
0xb5: {  	v0 =	vld [tilespmem:s25+$0x20];
	_ =	sdelay $0x4  }
0xb6: {  	v0 =	vmul.f32 $1.131370830e+01, v0;
	_ =	sdelay $0x1  }
0xb7: {  	[tilespmem:s23+$0x20] =	vst v0  }
0xb8: {  	v0 =	vld [tilespmem:s25+$0x30];
	_ =	sdelay $0x4  }
0xb9: {  	v0 =	vmul.f32 $1.131370830e+01, v0;
	_ =	sdelay $0x1  }
0xba: {  	[tilespmem:s23+$0x30] =	vst v0  }
0xbb: {  	v0 =	vld [tilespmem:s25+$0x40];
	_ =	sdelay $0x4  }
0xbc: {  	v0 =	vmul.f32 $1.131370830e+01, v0;
	_ =	sdelay $0x1  }
0xbd: {  	[tilespmem:s23+$0x40] =	vst v0  }
0xbe: {  	v0 =	vld [tilespmem:s25+$0x50];
	_ =	sdelay $0x4  }
0xbf: {  	v0 =	vmul.f32 $1.131370830e+01, v0;
	_ =	sdelay $0x1  }
0xc0: {  	[tilespmem:s23+$0x50] =	vst v0  }
0xc1: {  	v0 =	vld [tilespmem:s25+$0x60];
	_ =	sdelay $0x4  }
0xc2: {  	v0 =	vmul.f32 $1.131370830e+01, v0;
	_ =	sdelay $0x1  }
0xc3: {  	[tilespmem:s23+$0x60] =	vst v0  }
0xc4: {  	v0 =	vld [tilespmem:s25+$0x70];
	_ =	sdelay $0x4  }
0xc5: {  	v0 =	vmul.f32 $1.131370830e+01, v0;
	_ =	sdelay $0x1  }
0xc6: {  	[tilespmem:s23+$0x70] =	vst v0  }
0xc7: {  	v0 =	vld [tilespmem:s25+$0x80];
	_ =	sdelay $0x4  }
0xc8: {  	v0 =	vmul.f32 $1.131370830e+01, v0;
	_ =	sdelay $0x1  }
0xc9: {  	[tilespmem:s23+$0x80] =	vst v0  }
0xca: {  	v0 =	vld [tilespmem:s25+$0x90];
	_ =	sdelay $0x4  }
0xcb: {  	v0 =	vmul.f32 $1.131370830e+01, v0;
	_ =	sdelay $0x1  }
0xcc: {  	[tilespmem:s23+$0x90] =	vst v0  }
0xcd: {  	v0 =	vld [tilespmem:s25+$0xA0];
	_ =	sdelay $0x4  }
0xce: {  	v0 =	vmul.f32 $1.131370830e+01, v0;
	_ =	sdelay $0x1  }
0xcf: {  	[tilespmem:s23+$0xA0] =	vst v0  }
0xd0: {  	v0 =	vld [tilespmem:s25+$0xB0];
	_ =	sdelay $0x4  }
0xd1: {  	v0 =	vmul.f32 $1.131370830e+01, v0;
	_ =	sdelay $0x1  }
0xd2: {  	[tilespmem:s23+$0xB0] =	vst v0  }
0xd3: {  	v0 =	vld [tilespmem:s25+$0xC0];
	_ =	sdelay $0x4  }
0xd4: {  	v0 =	vmul.f32 $1.131370830e+01, v0;
	_ =	sdelay $0x1  }
0xd5: {  	[tilespmem:s23+$0xC0] =	vst v0  }
0xd6: {  	v0 =	vld [tilespmem:s25+$0xD0];
	_ =	sdelay $0x4  }
0xd7: {  	v0 =	vmul.f32 $1.131370830e+01, v0;
	_ =	sdelay $0x1  }
0xd8: {  	[tilespmem:s23+$0xD0] =	vst v0  }
0xd9: {  	v0 =	vld [tilespmem:s25+$0xE0];
	_ =	sdelay $0x4  }
0xda: {  	v0 =	vmul.f32 $1.131370830e+01, v0;
	_ =	sdelay $0x1  }
0xdb: {  	[tilespmem:s23+$0xE0] =	vst v0  }
0xdc: {  	v0 =	vld [tilespmem:s25+$0xF0];
	_ =	sdelay $0x2  }
.Ltmp0:
0xdd: {  	(pc) =	sbr.rel @p1 .LBB2_3-.Ltmp0, $3  }
0xde: {  	_ = 	snop  }
0xdf: {  	v0 =	vmul.f32 $1.131370830e+01, v0;
	_ =	sdelay $0x1  }
0xe0: {  	s25 =	sadd.s32 $0x200, s25;
	[tilespmem:s23+$0xF0] =	vst v0  }
0xe1: {  	s23 =	sshll.u32 s22, $0x8  }
0xe2: {  	s23 =	sand.u32 $0x3FFFFF00, s23  }
0xe3: {  	s31 =	sshll.u32 s22, $0xF;
	s24 =	sadd.s32 $0x100, s23  }
0xe4: {  	[tilespmem:s13], [sflag:$0x2] =	stream.indirect.gather [hbm4b:s2+s12], $0x80, s24, s12, $0xb8;
	[tilespmem:$0x11900] =	vst v63  }
0xe5: {  	s24 =	sadd.s32 s5, s31  }
0xe6: {  	s24 =	sshrl.u32 s24, $0x3  }
0xe7: {  	s24 =	sadd.s32 s3, s24  }
0xe8: {  	[hbm4b:s24+s4] =	stream.linear.scatter [tilespmem:s16], [sflag:$0x4], $0x4000, $0x38;
	[tilespmem:$0x11900] =	vst v63  }
0xe9: {  	_ =	swait.ge [sflag:s17], $0x4000  }
0xea: {  	[sflag:s17] =	ssyncset.done $0x0  }
0xeb: {  	s24 =	simm.s32 @!p0 $0x5;
	[sflag:s17] =	ssyncadd.s32 $0xFFFFC000  }
0xec: {  	_ =	swait.ge @!p0 [sflag:s24], $0x4000  }
0xed: {  	[sflag:s24] =	ssyncset.done @!p0 $0x0  }
0xee: {  	[sflag:s24] =	ssyncadd.s32 @!p0 $0xFFFFC000;
	s24 =	simm.s32 $0x0  }
0xef: {  	v0 =	vld [tilespmem:s24+$0x5AF0]  }
0xf0: {  	v1 =	vld [tilespmem:s24+$0x5900]  }
0xf1: {  	v2 =	vld [tilespmem:s24+$0x5910]  }
0xf2: {  	v3 =	vld [tilespmem:s24+$0x5920]  }
0xf3: {  	v4 =	vld [tilespmem:s24+$0x5930]  }
0xf4: {  	v5 =	vld [tilespmem:s24+$0x5940];
	v0 =	vmul.f32 $1.131370830e+01, v0  }
0xf5: {  	v6 =	vld [tilespmem:s24+$0x5950];
	v1 =	vmul.f32 $1.131370830e+01, v1  }
0xf6: {  	v7 =	vld [tilespmem:s24+$0x5960];
	[tilespmem:s24+$0xDAF0] =	vst v0;
	v0 =	vmul.f32 $1.131370830e+01, v2  }
0xf7: {  	[tilespmem:s24+$0xD900] =	vst v1;
	v1 =	vld [tilespmem:s24+$0x5970];
	v2 =	vmul.f32 $1.131370830e+01, v3  }
0xf8: {  	v3 =	vmul.f32 $1.131370830e+01, v4;
	[tilespmem:s24+$0xD910] =	vst v0;
	v0 =	vld [tilespmem:s24+$0x5980]  }
0xf9: {  	v4 =	vmul.f32 $1.131370830e+01, v5;
	[tilespmem:s24+$0xD920] =	vst v2;
	v2 =	vld [tilespmem:s24+$0x5990]  }
0xfa: {  	v5 =	vmul.f32 $1.131370830e+01, v6;
	[tilespmem:s24+$0xD930] =	vst v3;
	v3 =	vld [tilespmem:s24+$0x59A0]  }
0xfb: {  	v6 =	vmul.f32 $1.131370830e+01, v7;
	[tilespmem:s24+$0xD940] =	vst v4;
	v4 =	vld [tilespmem:s24+$0x59B0]  }
0xfc: {  	[tilespmem:s24+$0xD950] =	vst v5;
	v5 =	vld [tilespmem:s24+$0x59C0];
	v1 =	vmul.f32 $1.131370830e+01, v1  }
0xfd: {  	[tilespmem:s24+$0xD960] =	vst v6;
	v6 =	vld [tilespmem:s24+$0x59D0];
	v0 =	vmul.f32 $1.131370830e+01, v0  }
0xfe: {  	[tilespmem:s24+$0xD970] =	vst v1;
	v1 =	vld [tilespmem:s24+$0x59E0];
	v2 =	vmul.f32 $1.131370830e+01, v2  }
0xff: {  	v3 =	vmul.f32 $1.131370830e+01, v3;
	[tilespmem:s24+$0xD980] =	vst v0;
	v0 =	vld [tilespmem:s24+$0x59F0]  }
0x100: {  	v4 =	vmul.f32 $1.131370830e+01, v4;
	[tilespmem:s24+$0xD990] =	vst v2;
	v2 =	vld [tilespmem:s24+$0x5A00]  }
0x101: {  	v5 =	vmul.f32 $1.131370830e+01, v5;
	[tilespmem:s24+$0xD9A0] =	vst v3;
	v3 =	vld [tilespmem:s24+$0x5A10]  }
0x102: {  	v6 =	vmul.f32 $1.131370830e+01, v6;
	[tilespmem:s24+$0xD9B0] =	vst v4;
	v4 =	vld [tilespmem:s24+$0x5A20]  }
0x103: {  	[tilespmem:s24+$0xD9C0] =	vst v5;
	v5 =	vld [tilespmem:s24+$0x5A30];
	v1 =	vmul.f32 $1.131370830e+01, v1  }
0x104: {  	[tilespmem:s24+$0xD9D0] =	vst v6;
	v6 =	vld [tilespmem:s24+$0x5A40];
	v0 =	vmul.f32 $1.131370830e+01, v0  }
0x105: {  	v7 =	vld [tilespmem:s24+$0x5A60];
	[tilespmem:s24+$0xD9E0] =	vst v1;
	v2 =	vmul.f32 $1.131370830e+01, v2  }
0x106: {  	v1 =	vld [tilespmem:s24+$0x5A50];
	[tilespmem:s24+$0xD9F0] =	vst v0;
	v0 =	vmul.f32 $1.131370830e+01, v3  }
0x107: {  	v8 =	vld [tilespmem:s24+$0x5A70];
	[tilespmem:s24+$0xDA00] =	vst v2;
	v2 =	vmul.f32 $1.131370830e+01, v4  }
0x108: {  	v4 =	vld [tilespmem:s24+$0x5A80];
	[tilespmem:s24+$0xDA10] =	vst v0;
	v0 =	vmul.f32 $1.131370830e+01, v5  }
0x109: {  	v3 =	vmul.f32 $1.131370830e+01, v6;
	[tilespmem:s24+$0xDA20] =	vst v2;
	v2 =	vld [tilespmem:s24+$0x5A90]  }
0x10a: {  	v6 =	vmul.f32 $1.131370830e+01, v7;
	[tilespmem:s24+$0xDA30] =	vst v0;
	v0 =	vld [tilespmem:s24+$0x5AA0]  }
0x10b: {  	[tilespmem:s24+$0xDA40] =	vst v3;
	v5 =	vmul.f32 $1.131370830e+01, v1;
	v1 =	vld [tilespmem:s24+$0x5AB0]  }
0x10c: {  	v3 =	vld [tilespmem:s24+$0x5AC0];
	[tilespmem:s24+$0xDA60] =	vst v6;
	v6 =	vmul.f32 $1.131370830e+01, v8  }
0x10d: {  	s25 =	simm.s32 $0x0;
	s26 =	simm.s32 $0x800;
	[tilespmem:s24+$0xDA50] =	vst v5;
	v5 =	vmul.f32 $1.131370830e+01, v4;
	v4 =	vld [tilespmem:s24+$0x5AD0]  }
.LBB2_5:
0x10e: {  	s28 =	sshra.s32 s26, $0x2;
	s25 =	sadd.s32 $0x4, s25;
	[tilespmem:s24+$0xDA70] =	vst v6;
	v2 =	vmul.f32 $1.131370830e+01, v2;
	v6 =	vld [tilespmem:s24+$0x5AE0]  }
0x10f: {  	v7 =	vld [tilespmem:s28+$0x5AF0];
	p0 =	slt.u32 s25, $0x7C;
	[tilespmem:s24+$0xDA80] =	vst v5;
	v0 =	vmul.f32 $1.131370830e+01, v0  }
0x110: {  	v5 =	vld [tilespmem:s28+$0x5900];
	[tilespmem:s24+$0xDA90] =	vst v2;
	v1 =	vmul.f32 $1.131370830e+01, v1  }
0x111: {  	v2 =	vld [tilespmem:s28+$0x5910];
	[tilespmem:s24+$0xDAA0] =	vst v0;
	v0 =	vmul.f32 $1.131370830e+01, v3  }
0x112: {  	v3 =	vld [tilespmem:s28+$0x5920];
	[tilespmem:s24+$0xDAB0] =	vst v1;
	v1 =	vmul.f32 $1.131370830e+01, v4  }
0x113: {  	v4 =	vld [tilespmem:s28+$0x5930];
	[tilespmem:s24+$0xDAC0] =	vst v0;
	v0 =	vmul.f32 $1.131370830e+01, v6  }
0x114: {  	v6 =	vld [tilespmem:s28+$0x5940];
	v7 =	vmul.f32 $1.131370830e+01, v7;
	[tilespmem:s24+$0xDAD0] =	vst v1  }
0x115: {  	v1 =	vmul.f32 $1.131370830e+01, v5;
	v5 =	vld [tilespmem:s28+$0x5950];
	[tilespmem:s24+$0xDAE0] =	vst v0;
	s24 =	smov.u32 s28  }
0x116: {  	v0 =	vmul.f32 $1.131370830e+01, v2;
	v2 =	vld [tilespmem:s24+$0x5960];
	[tilespmem:s24+$0xDAF0] =	vst v7  }
0x117: {  	[tilespmem:s24+$0xD900] =	vst v1;
	v1 =	vmul.f32 $1.131370830e+01, v3;
	v3 =	vld [tilespmem:s24+$0x5970]  }
0x118: {  	[tilespmem:s24+$0xD910] =	vst v0;
	v0 =	vmul.f32 $1.131370830e+01, v4;
	v4 =	vld [tilespmem:s24+$0x5980]  }
0x119: {  	[tilespmem:s24+$0xD920] =	vst v1;
	v1 =	vmul.f32 $1.131370830e+01, v6;
	v6 =	vld [tilespmem:s24+$0x5990]  }
0x11a: {  	[tilespmem:s24+$0xD930] =	vst v0;
	v0 =	vmul.f32 $1.131370830e+01, v5;
	v5 =	vld [tilespmem:s24+$0x59A0]  }
0x11b: {  	[tilespmem:s24+$0xD940] =	vst v1;
	v1 =	vmul.f32 $1.131370830e+01, v2;
	v2 =	vld [tilespmem:s24+$0x59B0]  }
0x11c: {  	[tilespmem:s24+$0xD950] =	vst v0;
	v0 =	vmul.f32 $1.131370830e+01, v3;
	v3 =	vld [tilespmem:s24+$0x59C0]  }
0x11d: {  	[tilespmem:s24+$0xD960] =	vst v1;
	v1 =	vmul.f32 $1.131370830e+01, v4;
	v4 =	vld [tilespmem:s24+$0x59D0]  }
0x11e: {  	[tilespmem:s24+$0xD970] =	vst v0;
	v0 =	vmul.f32 $1.131370830e+01, v6;
	v6 =	vld [tilespmem:s24+$0x59E0]  }
0x11f: {  	[tilespmem:s24+$0xD980] =	vst v1;
	v1 =	vmul.f32 $1.131370830e+01, v5;
	v5 =	vld [tilespmem:s24+$0x59F0]  }
0x120: {  	[tilespmem:s24+$0xD990] =	vst v0;
	v0 =	vmul.f32 $1.131370830e+01, v2;
	v2 =	vld [tilespmem:s24+$0x5A00]  }
0x121: {  	[tilespmem:s24+$0xD9A0] =	vst v1;
	v1 =	vmul.f32 $1.131370830e+01, v3;
	v3 =	vld [tilespmem:s24+$0x5A10]  }
0x122: {  	[tilespmem:s24+$0xD9B0] =	vst v0;
	v0 =	vmul.f32 $1.131370830e+01, v4;
	v4 =	vld [tilespmem:s24+$0x5A20]  }
0x123: {  	[tilespmem:s24+$0xD9C0] =	vst v1;
	v1 =	vmul.f32 $1.131370830e+01, v6;
	v6 =	vld [tilespmem:s24+$0x5A30]  }
0x124: {  	[tilespmem:s24+$0xD9D0] =	vst v0;
	v0 =	vmul.f32 $1.131370830e+01, v5;
	v5 =	vld [tilespmem:s24+$0x5A40]  }
0x125: {  	[tilespmem:s24+$0xD9E0] =	vst v1;
	v1 =	vmul.f32 $1.131370830e+01, v2;
	v7 =	vld [tilespmem:s24+$0x5A50]  }
0x126: {  	[tilespmem:s24+$0xD9F0] =	vst v0;
	v0 =	vmul.f32 $1.131370830e+01, v3;
	v3 =	vld [tilespmem:s24+$0x5A60]  }
0x127: {  	[tilespmem:s24+$0xDA00] =	vst v1;
	v1 =	vmul.f32 $1.131370830e+01, v4;
	v4 =	vld [tilespmem:s24+$0x5A70]  }
0x128: {  	[tilespmem:s24+$0xDA10] =	vst v0;
	v0 =	vmul.f32 $1.131370830e+01, v6;
	v8 =	vld [tilespmem:s24+$0x5A80]  }
.Ltmp1:
0x129: {  	[tilespmem:s24+$0xDA20] =	vst v1;
	v1 =	vmul.f32 $1.131370830e+01, v5;
	v2 =	vld [tilespmem:s24+$0x5A90];
	(pc) =	sbr.rel @p0 .LBB2_5-.Ltmp1, $4  }
0x12a: {  	[tilespmem:s24+$0xDA30] =	vst v0;
	v5 =	vmul.f32 $1.131370830e+01, v7;
	v0 =	vld [tilespmem:s24+$0x5AA0]  }
0x12b: {  	[tilespmem:s24+$0xDA40] =	vst v1;
	v7 =	vmul.f32 $1.131370830e+01, v3;
	v1 =	vld [tilespmem:s24+$0x5AB0]  }
0x12c: {  	[tilespmem:s24+$0xDA50] =	vst v5;
	v6 =	vmul.f32 $1.131370830e+01, v4;
	v3 =	vld [tilespmem:s24+$0x5AC0]  }
0x12d: {  	s26 =	sadd.s32 $0x800, s26;
	[tilespmem:s24+$0xDA60] =	vst v7;
	v5 =	vmul.f32 $1.131370830e+01, v8;
	v4 =	vld [tilespmem:s24+$0x5AD0]  }
0x12e: {  	[tilespmem:s24+$0xDA70] =	vst v6;
	v2 =	vmul.f32 $1.131370830e+01, v2;
	v60 =	vld [tilespmem:s24+$0x5AE0]  }
0x12f: {  	[tilespmem:s24+$0xDA80] =	vst v5;
	v0 =	vmul.f32 $1.131370830e+01, v0  }
0x130: {  	[tilespmem:s24+$0xDA90] =	vst v2;
	v1 =	vmul.f32 $1.131370830e+01, v1  }
0x131: {  	[tilespmem:s24+$0xDAA0] =	vst v0;
	v61 =	vmul.f32 $1.131370830e+01, v3  }
0x132: {  	s31 =	sshll.u32 s22, $0xC;
	s22 =	sadd.s32 $0x1, s22;
	[tilespmem:s24+$0xDAB0] =	vst v1;
	v62 =	vmul.f32 $1.131370830e+01, v4  }
0x133: {  	p0 =	sne.s32 s22, $0x18;
	[tilespmem:s24+$0xDAC0] =	vst v61;
	v63 =	vmul.f32 $1.131370830e+01, v60  }
.Ltmp2:
0x134: {  	[tilespmem:s24+$0xDAD0] =	vst v62;
	(pc) =	sbr.rel @p0 .LBB2_2-.Ltmp2, $4  }
0x135: {  	s23 =	sadd.s32 $0x180, s23;
	[tilespmem:s24+$0xDAE0] =	vst v63  }
0x136: {  	[tilespmem:s14], [sflag:$0x3] =	stream.indirect.gather [hbm4b:s2+s12], $0x80, s23, s12, $0xb8;
	[tilespmem:$0x11900] =	vst v63  }
0x137: {  	s23 =	sadd.s32 s10, s31  }
0x138: {  	[hbm4b:s23+s4] =	stream.linear.scatter [tilespmem:s18], [sflag:$0x5], $0x4000, $0x38;
	[tilespmem:$0x11900] =	vst v63  }
0x139: {  	_ =	swait.ge [sflag:s15], $0x4000  }
0x13a: {  	[sflag:s15] =	ssyncset.done $0x0  }
0x13b: {  	[sflag:s15] =	ssyncadd.s32 $0xFFFFC000  }
0x13c: {  	_ =	swait.ge [sflag:s19], $0x4000  }
0x13d: {  	[sflag:s19] =	ssyncset.done $0x0  }
0x13e: {  	s23 =	simm.s32 $0x1A00;
	[sflag:s19] =	ssyncadd.s32 $0xFFFFC000  }
0x13f: {  	v0 =	vld [tilespmem:s23+$0xFFFFFF00];
	_ =	sdelay $0x4  }
0x140: {  	v0 =	vmul.f32 $1.131370830e+01, v0  }
0x141: {  	s22 =	simm.s32 $0x9A00  }
0x142: {  	[tilespmem:s22+$0xFFFFFF00] =	vst v0  }
0x143: {  	v0 =	vld [tilespmem:s23+$0xFFFFFF10];
	_ =	sdelay $0x4  }
0x144: {  	v0 =	vmul.f32 $1.131370830e+01, v0;
	_ =	sdelay $0x1  }
0x145: {  	[tilespmem:s22+$0xFFFFFF10] =	vst v0  }
0x146: {  	v0 =	vld [tilespmem:s23+$0xFFFFFF20];
	_ =	sdelay $0x4  }
0x147: {  	v0 =	vmul.f32 $1.131370830e+01, v0;
	_ =	sdelay $0x1  }
0x148: {  	[tilespmem:s22+$0xFFFFFF20] =	vst v0  }
0x149: {  	v0 =	vld [tilespmem:s23+$0xFFFFFF30];
	_ =	sdelay $0x4  }
0x14a: {  	v0 =	vmul.f32 $1.131370830e+01, v0;
	_ =	sdelay $0x1  }
0x14b: {  	[tilespmem:s22+$0xFFFFFF30] =	vst v0  }
0x14c: {  	v0 =	vld [tilespmem:s23+$0xFFFFFF40];
	_ =	sdelay $0x4  }
0x14d: {  	v0 =	vmul.f32 $1.131370830e+01, v0;
	_ =	sdelay $0x1  }
0x14e: {  	[tilespmem:s22+$0xFFFFFF40] =	vst v0  }
0x14f: {  	v0 =	vld [tilespmem:s23+$0xFFFFFF50];
	_ =	sdelay $0x4  }
0x150: {  	v0 =	vmul.f32 $1.131370830e+01, v0;
	_ =	sdelay $0x1  }
0x151: {  	[tilespmem:s22+$0xFFFFFF50] =	vst v0  }
0x152: {  	v0 =	vld [tilespmem:s23+$0xFFFFFF60];
	_ =	sdelay $0x4  }
0x153: {  	v0 =	vmul.f32 $1.131370830e+01, v0;
	_ =	sdelay $0x1  }
0x154: {  	[tilespmem:s22+$0xFFFFFF60] =	vst v0  }
0x155: {  	v0 =	vld [tilespmem:s23+$0xFFFFFF70];
	_ =	sdelay $0x4  }
0x156: {  	v0 =	vmul.f32 $1.131370830e+01, v0;
	_ =	sdelay $0x1  }
0x157: {  	[tilespmem:s22+$0xFFFFFF70] =	vst v0  }
0x158: {  	v0 =	vld [tilespmem:s23+$0xFFFFFF80];
	_ =	sdelay $0x4  }
0x159: {  	v0 =	vmul.f32 $1.131370830e+01, v0;
	_ =	sdelay $0x1  }
0x15a: {  	[tilespmem:s22+$0xFFFFFF80] =	vst v0  }
0x15b: {  	v0 =	vld [tilespmem:s23+$0xFFFFFF90];
	_ =	sdelay $0x4  }
0x15c: {  	v0 =	vmul.f32 $1.131370830e+01, v0;
	_ =	sdelay $0x1  }
0x15d: {  	[tilespmem:s22+$0xFFFFFF90] =	vst v0  }
0x15e: {  	v0 =	vld [tilespmem:s23+$0xFFFFFFA0];
	_ =	sdelay $0x4  }
0x15f: {  	v0 =	vmul.f32 $1.131370830e+01, v0;
	_ =	sdelay $0x1  }
0x160: {  	[tilespmem:s22+$0xFFFFFFA0] =	vst v0  }
0x161: {  	v0 =	vld [tilespmem:s23+$0xFFFFFFB0];
	_ =	sdelay $0x4  }
0x162: {  	v0 =	vmul.f32 $1.131370830e+01, v0;
	_ =	sdelay $0x1  }
0x163: {  	[tilespmem:s22+$0xFFFFFFB0] =	vst v0  }
0x164: {  	v0 =	vld [tilespmem:s23+$0xFFFFFFC0];
	_ =	sdelay $0x4  }
0x165: {  	v0 =	vmul.f32 $1.131370830e+01, v0;
	_ =	sdelay $0x1  }
0x166: {  	[tilespmem:s22+$0xFFFFFFC0] =	vst v0  }
0x167: {  	v0 =	vld [tilespmem:s23+$0xFFFFFFD0];
	_ =	sdelay $0x4  }
0x168: {  	v0 =	vmul.f32 $1.131370830e+01, v0;
	_ =	sdelay $0x1  }
0x169: {  	[tilespmem:s22+$0xFFFFFFD0] =	vst v0  }
0x16a: {  	v0 =	vld [tilespmem:s23+$0xFFFFFFE0];
	_ =	sdelay $0x4  }
0x16b: {  	v0 =	vmul.f32 $1.131370830e+01, v0;
	_ =	sdelay $0x1  }
0x16c: {  	[tilespmem:s22+$0xFFFFFFE0] =	vst v0  }
0x16d: {  	v0 =	vld [tilespmem:s23+$0xFFFFFFF0];
	_ =	sdelay $0x4  }
0x16e: {  	v0 =	vmul.f32 $1.131370830e+01, v0;
	_ =	sdelay $0x1  }
0x16f: {  	[tilespmem:s22+$0xFFFFFFF0] =	vst v0  }
0x170: {  	v0 =	vld [tilespmem:s23+$0x0];
	_ =	sdelay $0x4  }
0x171: {  	v0 =	vmul.f32 $1.131370830e+01, v0;
	_ =	sdelay $0x1  }
0x172: {  	[tilespmem:s22+$0x0] =	vst v0  }
0x173: {  	v0 =	vld [tilespmem:s23+$0x10];
	_ =	sdelay $0x4  }
0x174: {  	v0 =	vmul.f32 $1.131370830e+01, v0;
	_ =	sdelay $0x1  }
0x175: {  	[tilespmem:s22+$0x10] =	vst v0  }
0x176: {  	v0 =	vld [tilespmem:s23+$0x20];
	_ =	sdelay $0x4  }
0x177: {  	v0 =	vmul.f32 $1.131370830e+01, v0;
	_ =	sdelay $0x1  }
0x178: {  	[tilespmem:s22+$0x20] =	vst v0  }
0x179: {  	v0 =	vld [tilespmem:s23+$0x30];
	_ =	sdelay $0x4  }
0x17a: {  	v0 =	vmul.f32 $1.131370830e+01, v0;
	_ =	sdelay $0x1  }
0x17b: {  	[tilespmem:s22+$0x30] =	vst v0  }
0x17c: {  	v0 =	vld [tilespmem:s23+$0x40];
	_ =	sdelay $0x4  }
0x17d: {  	v0 =	vmul.f32 $1.131370830e+01, v0;
	_ =	sdelay $0x1  }
0x17e: {  	[tilespmem:s22+$0x40] =	vst v0  }
0x17f: {  	v0 =	vld [tilespmem:s23+$0x50];
	_ =	sdelay $0x4  }
0x180: {  	v0 =	vmul.f32 $1.131370830e+01, v0;
	_ =	sdelay $0x1  }
0x181: {  	[tilespmem:s22+$0x50] =	vst v0  }
0x182: {  	v0 =	vld [tilespmem:s23+$0x60];
	_ =	sdelay $0x4  }
0x183: {  	v0 =	vmul.f32 $1.131370830e+01, v0;
	_ =	sdelay $0x1  }
0x184: {  	[tilespmem:s22+$0x60] =	vst v0  }
0x185: {  	v0 =	vld [tilespmem:s23+$0x70];
	_ =	sdelay $0x4  }
0x186: {  	v0 =	vmul.f32 $1.131370830e+01, v0;
	_ =	sdelay $0x1  }
0x187: {  	[tilespmem:s22+$0x70] =	vst v0  }
0x188: {  	v0 =	vld [tilespmem:s23+$0x80];
	_ =	sdelay $0x4  }
0x189: {  	v0 =	vmul.f32 $1.131370830e+01, v0;
	_ =	sdelay $0x1  }
0x18a: {  	[tilespmem:s22+$0x80] =	vst v0  }
0x18b: {  	v0 =	vld [tilespmem:s23+$0x90];
	_ =	sdelay $0x4  }
0x18c: {  	v0 =	vmul.f32 $1.131370830e+01, v0;
	_ =	sdelay $0x1  }
0x18d: {  	[tilespmem:s22+$0x90] =	vst v0  }
0x18e: {  	v0 =	vld [tilespmem:s23+$0xA0];
	_ =	sdelay $0x4  }
0x18f: {  	v0 =	vmul.f32 $1.131370830e+01, v0;
	_ =	sdelay $0x1  }
0x190: {  	[tilespmem:s22+$0xA0] =	vst v0  }
0x191: {  	v0 =	vld [tilespmem:s23+$0xB0];
	_ =	sdelay $0x4  }
0x192: {  	v0 =	vmul.f32 $1.131370830e+01, v0;
	_ =	sdelay $0x1  }
0x193: {  	[tilespmem:s22+$0xB0] =	vst v0  }
0x194: {  	v0 =	vld [tilespmem:s23+$0xC0];
	_ =	sdelay $0x4  }
0x195: {  	v0 =	vmul.f32 $1.131370830e+01, v0;
	_ =	sdelay $0x1  }
0x196: {  	[tilespmem:s22+$0xC0] =	vst v0  }
0x197: {  	v0 =	vld [tilespmem:s23+$0xD0];
	_ =	sdelay $0x4  }
0x198: {  	v0 =	vmul.f32 $1.131370830e+01, v0;
	_ =	sdelay $0x1  }
0x199: {  	[tilespmem:s22+$0xD0] =	vst v0  }
0x19a: {  	v0 =	vld [tilespmem:s23+$0xE0];
	_ =	sdelay $0x4  }
0x19b: {  	v0 =	vmul.f32 $1.131370830e+01, v0;
	_ =	sdelay $0x1  }
0x19c: {  	[tilespmem:s22+$0xE0] =	vst v0  }
0x19d: {  	v0 =	vld [tilespmem:s23+$0xF0];
	_ =	sdelay $0x4  }
0x19e: {  	v0 =	vmul.f32 $1.131370830e+01, v0;
	_ =	sdelay $0x1  }
0x19f: {  	s24 =	simm.s32 $0x1C00;
	s23 =	simm.s32 $0x0;
	[tilespmem:s22+$0xF0] =	vst v0  }
.LBB2_8:
0x1a0: {  	v0 =	vld [tilespmem:s24+$0xFFFFFF00];
	s23 =	sadd.s32 $0x4, s23  }
0x1a1: {  	p0 =	slt.u32 s23, $0x7C;
	_ =	sdelay $0x3  }
0x1a2: {  	v0 =	vmul.f32 $1.131370830e+01, v0  }
0x1a3: {  	s22 =	sadd.s32 $0x200, s22  }
0x1a4: {  	[tilespmem:s22+$0xFFFFFF00] =	vst v0  }
0x1a5: {  	v0 =	vld [tilespmem:s24+$0xFFFFFF10];
	_ =	sdelay $0x4  }
0x1a6: {  	v0 =	vmul.f32 $1.131370830e+01, v0;
	_ =	sdelay $0x1  }
0x1a7: {  	[tilespmem:s22+$0xFFFFFF10] =	vst v0  }
0x1a8: {  	v0 =	vld [tilespmem:s24+$0xFFFFFF20];
	_ =	sdelay $0x4  }
0x1a9: {  	v0 =	vmul.f32 $1.131370830e+01, v0;
	_ =	sdelay $0x1  }
0x1aa: {  	[tilespmem:s22+$0xFFFFFF20] =	vst v0  }
0x1ab: {  	v0 =	vld [tilespmem:s24+$0xFFFFFF30];
	_ =	sdelay $0x4  }
0x1ac: {  	v0 =	vmul.f32 $1.131370830e+01, v0;
	_ =	sdelay $0x1  }
0x1ad: {  	[tilespmem:s22+$0xFFFFFF30] =	vst v0  }
0x1ae: {  	v0 =	vld [tilespmem:s24+$0xFFFFFF40];
	_ =	sdelay $0x4  }
0x1af: {  	v0 =	vmul.f32 $1.131370830e+01, v0;
	_ =	sdelay $0x1  }
0x1b0: {  	[tilespmem:s22+$0xFFFFFF40] =	vst v0  }
0x1b1: {  	v0 =	vld [tilespmem:s24+$0xFFFFFF50];
	_ =	sdelay $0x4  }
0x1b2: {  	v0 =	vmul.f32 $1.131370830e+01, v0;
	_ =	sdelay $0x1  }
0x1b3: {  	[tilespmem:s22+$0xFFFFFF50] =	vst v0  }
0x1b4: {  	v0 =	vld [tilespmem:s24+$0xFFFFFF60];
	_ =	sdelay $0x4  }
0x1b5: {  	v0 =	vmul.f32 $1.131370830e+01, v0;
	_ =	sdelay $0x1  }
0x1b6: {  	[tilespmem:s22+$0xFFFFFF60] =	vst v0  }
0x1b7: {  	v0 =	vld [tilespmem:s24+$0xFFFFFF70];
	_ =	sdelay $0x4  }
0x1b8: {  	v0 =	vmul.f32 $1.131370830e+01, v0;
	_ =	sdelay $0x1  }
0x1b9: {  	[tilespmem:s22+$0xFFFFFF70] =	vst v0  }
0x1ba: {  	v0 =	vld [tilespmem:s24+$0xFFFFFF80];
	_ =	sdelay $0x4  }
0x1bb: {  	v0 =	vmul.f32 $1.131370830e+01, v0;
	_ =	sdelay $0x1  }
0x1bc: {  	[tilespmem:s22+$0xFFFFFF80] =	vst v0  }
0x1bd: {  	v0 =	vld [tilespmem:s24+$0xFFFFFF90];
	_ =	sdelay $0x4  }
0x1be: {  	v0 =	vmul.f32 $1.131370830e+01, v0;
	_ =	sdelay $0x1  }
0x1bf: {  	[tilespmem:s22+$0xFFFFFF90] =	vst v0  }
0x1c0: {  	v0 =	vld [tilespmem:s24+$0xFFFFFFA0];
	_ =	sdelay $0x4  }
0x1c1: {  	v0 =	vmul.f32 $1.131370830e+01, v0;
	_ =	sdelay $0x1  }
0x1c2: {  	[tilespmem:s22+$0xFFFFFFA0] =	vst v0  }
0x1c3: {  	v0 =	vld [tilespmem:s24+$0xFFFFFFB0];
	_ =	sdelay $0x4  }
0x1c4: {  	v0 =	vmul.f32 $1.131370830e+01, v0;
	_ =	sdelay $0x1  }
0x1c5: {  	[tilespmem:s22+$0xFFFFFFB0] =	vst v0  }
0x1c6: {  	v0 =	vld [tilespmem:s24+$0xFFFFFFC0];
	_ =	sdelay $0x4  }
0x1c7: {  	v0 =	vmul.f32 $1.131370830e+01, v0;
	_ =	sdelay $0x1  }
0x1c8: {  	[tilespmem:s22+$0xFFFFFFC0] =	vst v0  }
0x1c9: {  	v0 =	vld [tilespmem:s24+$0xFFFFFFD0];
	_ =	sdelay $0x4  }
0x1ca: {  	v0 =	vmul.f32 $1.131370830e+01, v0;
	_ =	sdelay $0x1  }
0x1cb: {  	[tilespmem:s22+$0xFFFFFFD0] =	vst v0  }
0x1cc: {  	v0 =	vld [tilespmem:s24+$0xFFFFFFE0];
	_ =	sdelay $0x4  }
0x1cd: {  	v0 =	vmul.f32 $1.131370830e+01, v0;
	_ =	sdelay $0x1  }
0x1ce: {  	[tilespmem:s22+$0xFFFFFFE0] =	vst v0  }
0x1cf: {  	v0 =	vld [tilespmem:s24+$0xFFFFFFF0];
	_ =	sdelay $0x4  }
0x1d0: {  	v0 =	vmul.f32 $1.131370830e+01, v0;
	_ =	sdelay $0x1  }
0x1d1: {  	[tilespmem:s22+$0xFFFFFFF0] =	vst v0  }
0x1d2: {  	v0 =	vld [tilespmem:s24+$0x0];
	_ =	sdelay $0x4  }
0x1d3: {  	v0 =	vmul.f32 $1.131370830e+01, v0;
	_ =	sdelay $0x1  }
0x1d4: {  	[tilespmem:s22+$0x0] =	vst v0  }
0x1d5: {  	v0 =	vld [tilespmem:s24+$0x10];
	_ =	sdelay $0x4  }
0x1d6: {  	v0 =	vmul.f32 $1.131370830e+01, v0;
	_ =	sdelay $0x1  }
0x1d7: {  	[tilespmem:s22+$0x10] =	vst v0  }
0x1d8: {  	v0 =	vld [tilespmem:s24+$0x20];
	_ =	sdelay $0x4  }
0x1d9: {  	v0 =	vmul.f32 $1.131370830e+01, v0;
	_ =	sdelay $0x1  }
0x1da: {  	[tilespmem:s22+$0x20] =	vst v0  }
0x1db: {  	v0 =	vld [tilespmem:s24+$0x30];
	_ =	sdelay $0x4  }
0x1dc: {  	v0 =	vmul.f32 $1.131370830e+01, v0;
	_ =	sdelay $0x1  }
0x1dd: {  	[tilespmem:s22+$0x30] =	vst v0  }
0x1de: {  	v0 =	vld [tilespmem:s24+$0x40];
	_ =	sdelay $0x4  }
0x1df: {  	v0 =	vmul.f32 $1.131370830e+01, v0;
	_ =	sdelay $0x1  }
0x1e0: {  	[tilespmem:s22+$0x40] =	vst v0  }
0x1e1: {  	v0 =	vld [tilespmem:s24+$0x50];
	_ =	sdelay $0x4  }
0x1e2: {  	v0 =	vmul.f32 $1.131370830e+01, v0;
	_ =	sdelay $0x1  }
0x1e3: {  	[tilespmem:s22+$0x50] =	vst v0  }
0x1e4: {  	v0 =	vld [tilespmem:s24+$0x60];
	_ =	sdelay $0x4  }
0x1e5: {  	v0 =	vmul.f32 $1.131370830e+01, v0;
	_ =	sdelay $0x1  }
0x1e6: {  	[tilespmem:s22+$0x60] =	vst v0  }
0x1e7: {  	v0 =	vld [tilespmem:s24+$0x70];
	_ =	sdelay $0x4  }
0x1e8: {  	v0 =	vmul.f32 $1.131370830e+01, v0;
	_ =	sdelay $0x1  }
0x1e9: {  	[tilespmem:s22+$0x70] =	vst v0  }
0x1ea: {  	v0 =	vld [tilespmem:s24+$0x80];
	_ =	sdelay $0x4  }
0x1eb: {  	v0 =	vmul.f32 $1.131370830e+01, v0;
	_ =	sdelay $0x1  }
0x1ec: {  	[tilespmem:s22+$0x80] =	vst v0  }
0x1ed: {  	v0 =	vld [tilespmem:s24+$0x90];
	_ =	sdelay $0x4  }
0x1ee: {  	v0 =	vmul.f32 $1.131370830e+01, v0;
	_ =	sdelay $0x1  }
0x1ef: {  	[tilespmem:s22+$0x90] =	vst v0  }
0x1f0: {  	v0 =	vld [tilespmem:s24+$0xA0];
	_ =	sdelay $0x4  }
0x1f1: {  	v0 =	vmul.f32 $1.131370830e+01, v0;
	_ =	sdelay $0x1  }
0x1f2: {  	[tilespmem:s22+$0xA0] =	vst v0  }
0x1f3: {  	v0 =	vld [tilespmem:s24+$0xB0];
	_ =	sdelay $0x4  }
0x1f4: {  	v0 =	vmul.f32 $1.131370830e+01, v0;
	_ =	sdelay $0x1  }
0x1f5: {  	[tilespmem:s22+$0xB0] =	vst v0  }
0x1f6: {  	v0 =	vld [tilespmem:s24+$0xC0];
	_ =	sdelay $0x4  }
0x1f7: {  	v0 =	vmul.f32 $1.131370830e+01, v0;
	_ =	sdelay $0x1  }
0x1f8: {  	[tilespmem:s22+$0xC0] =	vst v0  }
0x1f9: {  	v0 =	vld [tilespmem:s24+$0xD0];
	_ =	sdelay $0x4  }
0x1fa: {  	v0 =	vmul.f32 $1.131370830e+01, v0;
	_ =	sdelay $0x1  }
0x1fb: {  	[tilespmem:s22+$0xD0] =	vst v0  }
0x1fc: {  	v0 =	vld [tilespmem:s24+$0xE0];
	_ =	sdelay $0x4  }
0x1fd: {  	v0 =	vmul.f32 $1.131370830e+01, v0;
	_ =	sdelay $0x1  }
0x1fe: {  	[tilespmem:s22+$0xE0] =	vst v0  }
0x1ff: {  	v0 =	vld [tilespmem:s24+$0xF0];
	_ =	sdelay $0x2  }
.Ltmp3:
0x200: {  	(pc) =	sbr.rel @p0 .LBB2_8-.Ltmp3, $3  }
0x201: {  	_ = 	snop  }
0x202: {  	v0 =	vmul.f32 $1.131370830e+01, v0;
	_ =	sdelay $0x1  }
0x203: {  	s24 =	sadd.s32 $0x200, s24;
	[tilespmem:s22+$0xF0] =	vst v0  }
0x204: {  	s22 =	simm.s32 $0x0  }
0x205: {  	[hbm4b:s7+s22] =	stream.linear.scatter [tilespmem:s16], [sflag:$0x4], $0x4000, $0x38;
	[tilespmem:$0x11900] =	vst v63  }
0x206: {  	_ =	swait.ge [sflag:s17], $0x4000  }
0x207: {  	[sflag:s17] =	ssyncset.done $0x0  }
0x208: {  	[sflag:s17] =	ssyncadd.s32 $0xFFFFC000  }
0x209: {  	_ =	swait.ge [sflag:s20], $0x4000  }
0x20a: {  	[sflag:s20] =	ssyncset.done $0x0  }
0x20b: {  	s22 =	simm.s32 $0x0;
	[sflag:s20] =	ssyncadd.s32 $0xFFFFC000  }
0x20c: {  	v0 =	vld [tilespmem:s22+$0x5AF0]  }
0x20d: {  	v1 =	vld [tilespmem:s22+$0x5900]  }
0x20e: {  	v2 =	vld [tilespmem:s22+$0x5910]  }
0x20f: {  	v3 =	vld [tilespmem:s22+$0x5920]  }
0x210: {  	v4 =	vld [tilespmem:s22+$0x5930]  }
0x211: {  	v5 =	vld [tilespmem:s22+$0x5940];
	v0 =	vmul.f32 $1.131370830e+01, v0  }
0x212: {  	v6 =	vld [tilespmem:s22+$0x5950];
	v1 =	vmul.f32 $1.131370830e+01, v1  }
0x213: {  	v7 =	vld [tilespmem:s22+$0x5960];
	[tilespmem:s22+$0xDAF0] =	vst v0;
	v0 =	vmul.f32 $1.131370830e+01, v2  }
0x214: {  	[tilespmem:s22+$0xD900] =	vst v1;
	v1 =	vld [tilespmem:s22+$0x5970];
	v2 =	vmul.f32 $1.131370830e+01, v3  }
0x215: {  	v3 =	vmul.f32 $1.131370830e+01, v4;
	[tilespmem:s22+$0xD910] =	vst v0;
	v0 =	vld [tilespmem:s22+$0x5980]  }
0x216: {  	v4 =	vmul.f32 $1.131370830e+01, v5;
	[tilespmem:s22+$0xD920] =	vst v2;
	v2 =	vld [tilespmem:s22+$0x5990]  }
0x217: {  	v5 =	vmul.f32 $1.131370830e+01, v6;
	[tilespmem:s22+$0xD930] =	vst v3;
	v3 =	vld [tilespmem:s22+$0x59A0]  }
0x218: {  	v6 =	vmul.f32 $1.131370830e+01, v7;
	[tilespmem:s22+$0xD940] =	vst v4;
	v4 =	vld [tilespmem:s22+$0x59B0]  }
0x219: {  	[tilespmem:s22+$0xD950] =	vst v5;
	v5 =	vld [tilespmem:s22+$0x59C0];
	v1 =	vmul.f32 $1.131370830e+01, v1  }
0x21a: {  	[tilespmem:s22+$0xD960] =	vst v6;
	v6 =	vld [tilespmem:s22+$0x59D0];
	v0 =	vmul.f32 $1.131370830e+01, v0  }
0x21b: {  	[tilespmem:s22+$0xD970] =	vst v1;
	v1 =	vld [tilespmem:s22+$0x59E0];
	v2 =	vmul.f32 $1.131370830e+01, v2  }
0x21c: {  	v3 =	vmul.f32 $1.131370830e+01, v3;
	[tilespmem:s22+$0xD980] =	vst v0;
	v0 =	vld [tilespmem:s22+$0x59F0]  }
0x21d: {  	v4 =	vmul.f32 $1.131370830e+01, v4;
	[tilespmem:s22+$0xD990] =	vst v2;
	v2 =	vld [tilespmem:s22+$0x5A00]  }
0x21e: {  	v5 =	vmul.f32 $1.131370830e+01, v5;
	[tilespmem:s22+$0xD9A0] =	vst v3;
	v3 =	vld [tilespmem:s22+$0x5A10]  }
0x21f: {  	v6 =	vmul.f32 $1.131370830e+01, v6;
	[tilespmem:s22+$0xD9B0] =	vst v4;
	v4 =	vld [tilespmem:s22+$0x5A20]  }
0x220: {  	[tilespmem:s22+$0xD9C0] =	vst v5;
	v5 =	vld [tilespmem:s22+$0x5A30];
	v1 =	vmul.f32 $1.131370830e+01, v1  }
0x221: {  	[tilespmem:s22+$0xD9D0] =	vst v6;
	v6 =	vld [tilespmem:s22+$0x5A40];
	v0 =	vmul.f32 $1.131370830e+01, v0  }
0x222: {  	v7 =	vld [tilespmem:s22+$0x5A60];
	[tilespmem:s22+$0xD9E0] =	vst v1;
	v2 =	vmul.f32 $1.131370830e+01, v2  }
0x223: {  	v1 =	vld [tilespmem:s22+$0x5A50];
	[tilespmem:s22+$0xD9F0] =	vst v0;
	v0 =	vmul.f32 $1.131370830e+01, v3  }
0x224: {  	v8 =	vld [tilespmem:s22+$0x5A70];
	[tilespmem:s22+$0xDA00] =	vst v2;
	v2 =	vmul.f32 $1.131370830e+01, v4  }
0x225: {  	v4 =	vld [tilespmem:s22+$0x5A80];
	[tilespmem:s22+$0xDA10] =	vst v0;
	v0 =	vmul.f32 $1.131370830e+01, v5  }
0x226: {  	v3 =	vmul.f32 $1.131370830e+01, v6;
	[tilespmem:s22+$0xDA20] =	vst v2;
	v2 =	vld [tilespmem:s22+$0x5A90]  }
0x227: {  	v6 =	vmul.f32 $1.131370830e+01, v7;
	[tilespmem:s22+$0xDA30] =	vst v0;
	v0 =	vld [tilespmem:s22+$0x5AA0]  }
0x228: {  	[tilespmem:s22+$0xDA40] =	vst v3;
	v5 =	vmul.f32 $1.131370830e+01, v1;
	v1 =	vld [tilespmem:s22+$0x5AB0]  }
0x229: {  	v3 =	vld [tilespmem:s22+$0x5AC0];
	[tilespmem:s22+$0xDA60] =	vst v6;
	v6 =	vmul.f32 $1.131370830e+01, v8  }
0x22a: {  	s23 =	simm.s32 $0x0;
	s24 =	simm.s32 $0x800;
	[tilespmem:s22+$0xDA50] =	vst v5;
	v5 =	vmul.f32 $1.131370830e+01, v4;
	v4 =	vld [tilespmem:s22+$0x5AD0]  }
.LBB2_10:
0x22b: {  	s25 =	sshra.s32 s24, $0x2;
	s23 =	sadd.s32 $0x4, s23;
	[tilespmem:s22+$0xDA70] =	vst v6;
	v2 =	vmul.f32 $1.131370830e+01, v2;
	v6 =	vld [tilespmem:s22+$0x5AE0]  }
0x22c: {  	v7 =	vld [tilespmem:s25+$0x5AF0];
	p0 =	slt.u32 s23, $0x7C;
	[tilespmem:s22+$0xDA80] =	vst v5;
	v0 =	vmul.f32 $1.131370830e+01, v0  }
0x22d: {  	v5 =	vld [tilespmem:s25+$0x5900];
	[tilespmem:s22+$0xDA90] =	vst v2;
	v1 =	vmul.f32 $1.131370830e+01, v1  }
0x22e: {  	v2 =	vld [tilespmem:s25+$0x5910];
	[tilespmem:s22+$0xDAA0] =	vst v0;
	v0 =	vmul.f32 $1.131370830e+01, v3  }
0x22f: {  	v3 =	vld [tilespmem:s25+$0x5920];
	[tilespmem:s22+$0xDAB0] =	vst v1;
	v1 =	vmul.f32 $1.131370830e+01, v4  }
0x230: {  	v4 =	vld [tilespmem:s25+$0x5930];
	[tilespmem:s22+$0xDAC0] =	vst v0;
	v0 =	vmul.f32 $1.131370830e+01, v6  }
0x231: {  	v6 =	vld [tilespmem:s25+$0x5940];
	v7 =	vmul.f32 $1.131370830e+01, v7;
	[tilespmem:s22+$0xDAD0] =	vst v1  }
0x232: {  	v1 =	vmul.f32 $1.131370830e+01, v5;
	v5 =	vld [tilespmem:s25+$0x5950];
	[tilespmem:s22+$0xDAE0] =	vst v0;
	s22 =	smov.u32 s25  }
0x233: {  	v0 =	vmul.f32 $1.131370830e+01, v2;
	v2 =	vld [tilespmem:s22+$0x5960];
	[tilespmem:s22+$0xDAF0] =	vst v7  }
0x234: {  	[tilespmem:s22+$0xD900] =	vst v1;
	v1 =	vmul.f32 $1.131370830e+01, v3;
	v3 =	vld [tilespmem:s22+$0x5970]  }
0x235: {  	[tilespmem:s22+$0xD910] =	vst v0;
	v0 =	vmul.f32 $1.131370830e+01, v4;
	v4 =	vld [tilespmem:s22+$0x5980]  }
0x236: {  	[tilespmem:s22+$0xD920] =	vst v1;
	v1 =	vmul.f32 $1.131370830e+01, v6;
	v6 =	vld [tilespmem:s22+$0x5990]  }
0x237: {  	[tilespmem:s22+$0xD930] =	vst v0;
	v0 =	vmul.f32 $1.131370830e+01, v5;
	v5 =	vld [tilespmem:s22+$0x59A0]  }
0x238: {  	[tilespmem:s22+$0xD940] =	vst v1;
	v1 =	vmul.f32 $1.131370830e+01, v2;
	v2 =	vld [tilespmem:s22+$0x59B0]  }
0x239: {  	[tilespmem:s22+$0xD950] =	vst v0;
	v0 =	vmul.f32 $1.131370830e+01, v3;
	v3 =	vld [tilespmem:s22+$0x59C0]  }
0x23a: {  	[tilespmem:s22+$0xD960] =	vst v1;
	v1 =	vmul.f32 $1.131370830e+01, v4;
	v4 =	vld [tilespmem:s22+$0x59D0]  }
0x23b: {  	[tilespmem:s22+$0xD970] =	vst v0;
	v0 =	vmul.f32 $1.131370830e+01, v6;
	v6 =	vld [tilespmem:s22+$0x59E0]  }
0x23c: {  	[tilespmem:s22+$0xD980] =	vst v1;
	v1 =	vmul.f32 $1.131370830e+01, v5;
	v5 =	vld [tilespmem:s22+$0x59F0]  }
0x23d: {  	[tilespmem:s22+$0xD990] =	vst v0;
	v0 =	vmul.f32 $1.131370830e+01, v2;
	v2 =	vld [tilespmem:s22+$0x5A00]  }
0x23e: {  	[tilespmem:s22+$0xD9A0] =	vst v1;
	v1 =	vmul.f32 $1.131370830e+01, v3;
	v3 =	vld [tilespmem:s22+$0x5A10]  }
0x23f: {  	[tilespmem:s22+$0xD9B0] =	vst v0;
	v0 =	vmul.f32 $1.131370830e+01, v4;
	v4 =	vld [tilespmem:s22+$0x5A20]  }
0x240: {  	[tilespmem:s22+$0xD9C0] =	vst v1;
	v1 =	vmul.f32 $1.131370830e+01, v6;
	v6 =	vld [tilespmem:s22+$0x5A30]  }
0x241: {  	[tilespmem:s22+$0xD9D0] =	vst v0;
	v0 =	vmul.f32 $1.131370830e+01, v5;
	v5 =	vld [tilespmem:s22+$0x5A40]  }
0x242: {  	[tilespmem:s22+$0xD9E0] =	vst v1;
	v1 =	vmul.f32 $1.131370830e+01, v2;
	v7 =	vld [tilespmem:s22+$0x5A50]  }
0x243: {  	[tilespmem:s22+$0xD9F0] =	vst v0;
	v0 =	vmul.f32 $1.131370830e+01, v3;
	v3 =	vld [tilespmem:s22+$0x5A60]  }
0x244: {  	[tilespmem:s22+$0xDA00] =	vst v1;
	v1 =	vmul.f32 $1.131370830e+01, v4;
	v4 =	vld [tilespmem:s22+$0x5A70]  }
0x245: {  	[tilespmem:s22+$0xDA10] =	vst v0;
	v0 =	vmul.f32 $1.131370830e+01, v6;
	v8 =	vld [tilespmem:s22+$0x5A80]  }
.Ltmp4:
0x246: {  	[tilespmem:s22+$0xDA20] =	vst v1;
	v1 =	vmul.f32 $1.131370830e+01, v5;
	v2 =	vld [tilespmem:s22+$0x5A90];
	(pc) =	sbr.rel @p0 .LBB2_10-.Ltmp4, $4  }
0x247: {  	[tilespmem:s22+$0xDA30] =	vst v0;
	v5 =	vmul.f32 $1.131370830e+01, v7;
	v0 =	vld [tilespmem:s22+$0x5AA0]  }
0x248: {  	[tilespmem:s22+$0xDA40] =	vst v1;
	v7 =	vmul.f32 $1.131370830e+01, v3;
	v1 =	vld [tilespmem:s22+$0x5AB0]  }
0x249: {  	[tilespmem:s22+$0xDA50] =	vst v5;
	v6 =	vmul.f32 $1.131370830e+01, v4;
	v3 =	vld [tilespmem:s22+$0x5AC0]  }
0x24a: {  	s24 =	sadd.s32 $0x800, s24;
	[tilespmem:s22+$0xDA60] =	vst v7;
	v5 =	vmul.f32 $1.131370830e+01, v8;
	v4 =	vld [tilespmem:s22+$0x5AD0]  }
0x24b: {  	[tilespmem:s22+$0xDA70] =	vst v6;
	v2 =	vmul.f32 $1.131370830e+01, v2;
	v60 =	vld [tilespmem:s22+$0x5AE0]  }
0x24c: {  	[tilespmem:s22+$0xDA80] =	vst v5;
	v0 =	vmul.f32 $1.131370830e+01, v0  }
0x24d: {  	[tilespmem:s22+$0xDA90] =	vst v2;
	v1 =	vmul.f32 $1.131370830e+01, v1  }
0x24e: {  	[tilespmem:s22+$0xDAA0] =	vst v0;
	v61 =	vmul.f32 $1.131370830e+01, v3  }
0x24f: {  	[tilespmem:s22+$0xDAB0] =	vst v1;
	v62 =	vmul.f32 $1.131370830e+01, v4  }
0x250: {  	[tilespmem:s22+$0xDAC0] =	vst v61;
	v63 =	vmul.f32 $1.131370830e+01, v60  }
0x251: {  	[tilespmem:s22+$0xDAD0] =	vst v62  }
0x252: {  	s21 =	sadd.s32 $0x1, s21;
	[tilespmem:s22+$0xDAE0] =	vst v63  }
0x253: {  	[hbm4b:s8+s4] =	stream.linear.scatter [tilespmem:s18], [sflag:$0x5], $0x4000, $0x38;
	[tilespmem:$0x11900] =	vst v63  }
0x254: {  	p0 =	sne.s32 s21, s9;
	_ =	swait.ge [sflag:s19], $0x4000  }
.Ltmp5:
0x255: {  	[sflag:s19] =	ssyncset.done $0x0;
	(pc) =	sbr.rel @p0 .LBB2_1-.Ltmp5, $4  }
0x256: {  	[sflag:s19] =	ssyncadd.s32 $0xFFFFC000  }
0x257: {  	_ =	swait.ge [sflag:s20], $0x4000  }
0x258: {  	[sflag:s20] =	ssyncset.done $0x0  }
0x259: {  	[sflag:s20] =	ssyncadd.s32 $0xFFFFC000  }
0x25a: {  	_ =	sfence.sel $0x180000  }
0x25b: {  	[bflag:$0x0] =	sbarrier.arrive $0xFFFF  }
0x25c: {  	p0 =	sne.s32 s0, $0x0;
	_ =	strace $0x90000047  }
0x25d: {  	s0 =	sadd.s32 @!p0 $0x100000, s1;
	[bflag:$0x2] =	sbarrier.arrive $0xFFFF  }
0x25e: {  	[sflag:s0] =	ssyncadd.tile.s32 @!p0 $0x1;
	_ =	shalt  }
.Lfunc_end2:
_tile_overlayer_lowered:
.L_overlay_start_2:
0x25f: {  	(tag) =	ssettag $0x2  }
0x260: {  	s0 =	rddreg [dreg:$0x0];
	s2 =	stileid.u32  }
0x261: {  	s1 =	rddreg [dreg:$0x1];
	p0 =	sne.s32 s2, $0x0  }
0x262: {  	s3 =	rddreg [dreg:$0x2];
	[bflag:$0x3] =	sbarrier.arrive $0xFFFF;
	s2 =	simm.s32 @!p0 $0x1C06  }
0x263: {  	[timem:s3], [sflag:s2] =	dma.local @!p0 [hbm:s0], s1  }
0x264: {  	s0 =	simm.s32 @!p0 $0x6  }
0x265: {  	_ =	swait.ge @!p0 [sflag:s0], s1  }
0x266: {  	s1 =	ssub.s32 @!p0 $0x0, s1;
	[sflag:s0] =	ssyncset.done @!p0 $0x0  }
0x267: {  	[sflag:s0] =	ssyncadd.s32 @!p0 s1  }
0x268: {  	[bflag:$0x3] =	sbarrier.arrive $0xFFFF  }
0x269: {  	_ =	shalt  }

// kernel: sparse-core-data-format-call.cloned.1.call-start
scs
called_computation_lowered:
.L_overlay_start_0:
0x0: {  	s2 =	sld [smem:$0x3FD9]  }
0x1: {  	s3 =	sld [smem:$0x3FFE];
	_ =	sdelay $0x1  }
0x2: {  	s1 =	srdreg.scid  }
0x3: {  	s0 =	sand.u32 $0x1, s1  }
0x4: {  	s18 =	sshll.u32 s0, $0xA;
	s2 =	sadd.s32 s3, s2  }
0x5: {  	s2 =	sadd.s32 s2, s18  }
0x6: {  	[smem:$0x3FC6] =	sst s2  }
0x7: {  	_ = 	snop  }
0x8: {  	s2 =	sld [smem:$0x3FD0];
	(tm) =	ssettm $0x1  }
0x9: {  	s19 =	sld [smem:$0x3FFB];
	_ =	sdelay $0x3  }
0xa: {  	_ =	strace s19  }
0xb: {  	s3 =	sld [smem:$0x3FFC];
	_ =	sdelay $0x3  }
0xc: {  	_ =	strace s3  }
0xd: {  	s3 =	sld [smem:$0x3FFD];
	_ =	sdelay $0x3  }
0xe: {  	_ =	strace s3  }
0xf: {  	_ =	strace $0x8FFFFFFF  }
0x10: {  	s20 =	sld [smem:$0x3FDB];
	_ =	sdelay $0x1  }
0x11: {  	s4 =	simm.s32 $_scs_section_size  }
0x12: {  	s5 =	simm.s32 $_size__tile_overlayer_lowered;
	s6 =	simm.s32 $_tile_overlayer_lowered  }
0x13: {  	s23 =	simm.s32 $0x1BFF;
	s22 =	sshll.u32 s6, $0x1;
	s3 =	sadd.s32 s4, s20  }
0x14: {  	s7 =	simm.s32 $0x0;
	s21 =	sshll.u32 s5, $0x1;
	s5 =	sadd.s32 s22, s3  }
0x15: {  	[timem:s7], [sflag:s23] =	dma.local [hbm:s5], s21  }
0x16: {  	_ =	swait.ge [sflag:s23], s21  }
0x17: {  	s4 =	ssub.s32 $0x0, s21;
	[sflag:s23] =	ssyncset.done $0x0  }
0x18: {  	[sflag:s23] =	ssyncadd.s32 s4;
	_ =	sdelay $0x1  }
0x19: {  	s24 =	simm.s32 $0x1B8B  }
0x1a: {  	_ =	swait.ge [sflag:s24], $0x1  }
0x1b: {  	[sflag:s24] =	ssyncset.done $0x0  }
0x1c: {  	s26 =	simm.s32 $0x1B8E;
	s25 =	sld [smem:$0x3FFE];
	[sflag:s24] =	ssyncadd.s32 $0xFFFFFFFF  }
0x1d: {  	s27 =	simm.s32 $execute0_lowered;
	[smem:$0x3FD2] =	sst s26  }
0x1e: {  	s5 =	sshll.u32 s27, $0x1;
	_ =	strace $0x80000049;
	[dreg:$0x1] =	wrdreg $0xFFFFFFFF  }
0x1f: {  	s28 =	simm.s32 $_size_execute0_lowered;
	s3 =	sadd.s32 s3, s5;
	[dreg:$0x0] =	wrdreg $0x0  }
0x20: {  	s5 =	sshll.u32 s28, $0x1;
	[dreg:$0x2] =	wrdreg s3  }
0x21: {  	[dreg:$0x3] =	wrdreg s5  }
0x22: {  	[dreg:$0x4] =	wrdreg $0xC0  }
0x23: {  	_ =	task [dreg:s7], $0x5FFFF  }
0x24: {  	[dreg:$0x1] =	wrdreg $0xFFFFFFFF  }
0x25: {  	[dreg:$0x0] =	wrdreg $0x60  }
0x26: {  	[dreg:$0x2] =	wrdreg s25  }
0x27: {  	[dreg:$0x3] =	wrdreg s2  }
0x28: {  	[dreg:$0x4] =	wrdreg $0x9  }
0x29: {  	_ =	task.clear_ibuf [dreg:s7], $0x5FFFF;
	_ =	strace $0x90000049  }
0x2a: {  	s29 =	simm.s32 $0x9;
	_ =	strace $0x8000004B  }
0x2b: {  	_ =	swait.ge [sflag:s29], $0x1  }
0x2c: {  	[sflag:s29] =	ssyncadd.s32 $0xFFFFFFFF  }
0x2d: {  	_ =	strace $0x9000004B  }
0x2e: {  	_ =	sfence  }
0x2f: {  	s30 =	sld [smem:$0x0];
	_ =	sdelay $0x2  }
0x30: {  	s31 =	sshll.u32 s1, $0xD;
	s1 =	sshrl.u32 s1, $0x2  }
0x31: {  	s3 =	sand.u32 $0x4000, s31;
	s1 =	sadd.s32 s1, s30  }
0x32: {  	s0 =	sor.u32 s3, s0;
	s1 =	sshll.u32 s1, $0x11  }
0x33: {  	s0 =	sor.u32 s1, s0  }
0x34: {  	s0 =	sadd.s32 $0x8F2B, s0  }
0x35: {  	[sflag:s0] =	ssyncadd.remote.s32 $0x1  }
0x36: {  	_ =	sfence.sel $0xFFFF  }
0x37: {  	[dreg:$0x0] =	wrdreg $0xFFFFFFFF;
	(pc) =	sbr.abs _section_cstart, $3  }
0x38: {  	[dreg:$0x1] =	wrdreg $0xFFFFFFFF  }
0x39: {  	_ =	task.clear_ibuf [dreg:s7], $0x2FFFF;
	_ =	strace $0x9FFFFFFF  }
0x3a: {  	(tm) =	ssettm $0x7FFFFFFF  }
0x3b: {  	_ =	shalt  }
tec
execute0_lowered:
.L_overlay_start_1:
0x0: {  	(tag) =	ssettag $0x1  }
0x1: {  	s0 =	srdreg.scid  }
0x2: {  	s1 =	sshll.u32 s0, $0x4  }
0x3: {  	s0 =	stileid.u32;
	s1 =	sand.u32 $0x10, s1  }
0x4: {  	s1 =	sor.u32 s0, s1  }
0x5: {  	s6 =	rddreg [dreg:$0x0];
	s4 =	simm.s32 $0x1;
	s2 =	sshll.u32 s1, $0x6  }
0x6: {  	s7 =	simm.s32 $0x2;
	s13 =	simm.s32 $0x0;
	s1 =	ssub.s32 $0x1000, s2  }
0x7: {  	s8 =	simm.s32 $0x2000;
	s9 =	simm.s32 $0x80000;
	s3 =	sand.u32 $0x7C0, s1  }
0x8: {  	s14 =	simm.s32 $0x0;
	s5 =	sshrl.u32 s1, $0xB;
	p0 =	sne.s32 s3, $0x0  }
.Ltmp0:
0x9: {  	s1 =	rddreg [dreg:$0x2];
	s4 =	simm.s32 @!p0 $0x0;
	(pc) =	sbr.rel .LBB1_1-.Ltmp0, $4  }
0xa: {  	s10 =	simm.s32 $0x0;
	s3 =	rddreg [dreg:$0x1];
	s5 =	sadd.s32 s4, s5  }
0xb: {  	_ =	strace $0x8000004A;
	s4 =	simm.s32 $0x1;
	s5 =	smul.u32 $0x19, s5  }
0xc: {  	s12 =	simm.s32 $0x0;
	s6 =	sadd.s32 $0x800, s6;
	[sflag:s4] =	ssyncpa.u1 $0x0  }
0xd: {  	s11 =	smov.u32 s2;
	[sflag:s7] =	ssyncpa.u1 $0x0;
	s7 =	sadd.s32 $0x1, s5  }
.LBB1_7:
0xe: {  	s15 =	sadd.s32 $0x2, s10  }
0xf: {  	s13 =	sadd.s32 $0x800, s11;
	s17 =	smov.u32 s11;
	p1 =	sgt.s32 s15, $0x31  }
0x10: {  	s17 =	smov.u32 @p1 s13  }
0x11: {  	s15 =	simm.s32 @p1 $0x0;
	p1 =	sgt.s32 s17, $0xFFF  }
0x12: {  	s17 =	smov.u32 @p1 s2;
	p1 =	sne.s32 s12, s7  }
.Ltmp1:
0x13: {  	p0 =	slt.u32 s12, $0x2;
	(pc) =	sbr.rel @!p1 .LBB1_8-.Ltmp1, $4  }
0x14: {  	s16 =	simm.s32 @!p0 $0x2  }
0x15: {  	s14 =	smov.u32 s11;
	_ =	swait.ge @!p0 [sflag:s16], $0x4000  }
0x16: {  	s13 =	smov.u32 s10;
	[sflag:s16] =	ssyncset.done @!p0 $0x0;
	s10 =	smov.u32 s15  }
0x17: {  	s12 =	sadd.s32 $0x1, s12;
	[sflag:s16] =	ssyncadd.s32 @!p0 $0xFFFFC000;
	s11 =	smov.u32 s17  }
.LBB1_1:
0x18: {  	p0 =	sge.u32 s12, s5  }
0x19: {  	s15 =	sand.u32 @!p0 $0x1FFFFFF, s10  }
0x1a: {  	s16 =	smulhi.u32 @!p0 $0x4924925, s15;
	_ =	sdelay $0x1  }
0x1b: {  	s16 =	smul.u32 @!p0 $0x38, s16  }
0x1c: {  	s17 =	sxor.u32 @!p0 $0xFFFFFFFF, s12;
	s18 =	smul.u32 @!p0 $0x380, s11  }
0x1d: {  	s31 =	sadd.s32 $0xFFFFFFFF, s12;
	s17 =	sshll.u32 @!p0 s17, $0xE;
	s15 =	ssub.s32 @!p0 s15, s16  }
0x1e: {  	s16 =	sand.u32 @!p0 $0x4000, s17;
	s17 =	sadd.s32 @!p0 s6, s18;
	s15 =	sshll.u32 @!p0 s15, $0x4  }
0x1f: {  	s18 =	simm.s32 @!p0 $0x1C00;
	s15 =	sadd.s32 @!p0 s15, s17;
	s17 =	simm.s32 @!p0 $0x100  }
0x20: {  	[tilespmem:s16], [sflag:$0x1] =	stream.strided.gather @!p0 [hbm4b:s15+s17], $0x4000, s18, s17, $0x38;
	[tilespmem:$0x10000] =	vst v63  }
0x21: {  	p0 =	sge.u32 s31, s5  }
.Ltmp2:
0x22: {  	_ = 	snop;
	(pc) =	sbr.rel @p0 .LBB1_7-.Ltmp2, $1  }
0x23: {  	_ =	sdelay $0x3  }
0x24: {  	_ =	swait.ge [sflag:s4], $0x4000;
	s15 =	sshll.u32 s12, $0xE  }
0x25: {  	[sflag:s4] =	ssyncset.done $0x0;
	s16 =	sand.u32 $0x4000, s15  }
0x26: {  	s17 =	simm.s32 $0x0;
	[sflag:s4] =	ssyncadd.s32 $0xFFFFC000;
	s15 =	sor.u32 $0x8000, s16  }
.LBB1_3:
0x27: {  	s18 =	sshll.u32 s17, $0x8  }
0x28: {  	s18 =	sand.u32 $0x3FFFFF00, s18  }
0x29: {  	s19 =	sshll.u32 s17, $0x7;
	s18 =	sadd.s32 s18, s16  }
0x2a: {  	s19 =	sand.u32 $0x3FFFFF80, s19;
	v0 =	vmov s18  }
0x2b: {  	s19 =	sadd.s32 s19, s15  }
0x2c: {  	p0 =	por $0x1, $0x1;
	v1 =	vmov s19;
	s18 =	simm.s32 $0x0  }
.LBB1_4:
0x2d: {  	s19 =	sshll.u32 s18, $0x7  }
0x2e: {  	s19 =	sand.u32 $0x3FFFFF80, s19  }
0x2f: {  	v2 =	vld.idx.msk [tilespmem:v0+s19+$0x0 ss:$0x1], $0xffff  }
0x30: {  	v3 =	vld.idx.msk [tilespmem:v0+s19+$0x10 ss:$0x1], $0xffff  }
0x31: {  	v4 =	vld.idx.msk [tilespmem:v0+s19+$0x20 ss:$0x1], $0xffff  }
0x32: {  	s31 =	sshll.u32 s18, $0xD;
	v5 =	vld.idx.msk [tilespmem:v0+s19+$0x30 ss:$0x1], $0xffff  }
0x33: {  	s18 =	sand.u32 $0x3FFFE000, s31;
	v6 =	vld.idx.msk [tilespmem:v0+s19+$0x40 ss:$0x1], $0xffff  }
0x34: {  	v63 =	vld.idx.msk [tilespmem:v0+s19+$0x70 ss:$0x1], $0xffff;
	[tilespmem:v1+s18+$0x0 ss:$0x1] =	vst.idx.msk $0xffff, v2  }
0x35: {  	v2 =	vld.idx.msk [tilespmem:v0+s19+$0x50 ss:$0x1], $0xffff;
	[tilespmem:v1+s18+$0x10 ss:$0x1] =	vst.idx.msk $0xffff, v3  }
0x36: {  	p1 =	por p0, p0;
	v3 =	vld.idx.msk [tilespmem:v0+s19+$0x60 ss:$0x1], $0xffff;
	[tilespmem:v1+s18+$0x20 ss:$0x1] =	vst.idx.msk $0xffff, v4  }
.Ltmp3:
0x37: {  	[tilespmem:v1+s18+$0x30 ss:$0x1] =	vst.idx.msk $0xffff, v5;
	(pc) =	sbr.rel @p1 .LBB1_4-.Ltmp3, $4  }
0x38: {  	[tilespmem:v1+s18+$0x40 ss:$0x1] =	vst.idx.msk $0xffff, v6  }
0x39: {  	[tilespmem:v1+s18+$0x70 ss:$0x1] =	vst.idx.msk $0xffff, v63  }
0x3a: {  	[tilespmem:v1+s18+$0x50 ss:$0x1] =	vst.idx.msk $0xffff, v2  }
0x3b: {  	p0 =	por $0x0, $0x0;
	[tilespmem:v1+s18+$0x60 ss:$0x1] =	vst.idx.msk $0xffff, v3;
	s18 =	simm.s32 $0x1  }
0x3c: {  	s17 =	sadd.s32 $0x1, s17  }
0x3d: {  	p0 =	sne.s32 s17, $0x40  }
.Ltmp4:
0x3e: {  	_ = 	snop;
	(pc) =	sbr.rel @p0 .LBB1_3-.Ltmp4, $1  }
0x3f: {  	_ =	sdelay $0x3  }
.Ltmp5:
0x40: {  	s14 =	sshll.u32 s14, $0x4;
	(pc) =	sbr.rel .LBB1_7-.Ltmp5, $4  }
0x41: {  	s14 =	sand.u32 $0xFFF0, s14  }
0x42: {  	s13 =	sshll.u32 s13, $0x10;
	s14 =	sadd.s32 s3, s14  }
0x43: {  	s13 =	sadd.s32 s13, s14  }
0x44: {  	[hbm4b:s13+s8] =	stream.strided.scatter [tilespmem:s15], [sflag:$0x2], $0x4000, s9, s8, $0x38;
	[tilespmem:$0x10000] =	vst v63  }
.LBB1_8:
0x45: {  	_ =	sfence.sel $0x180000  }
0x46: {  	s2 =	simm.s32 $0x1;
	[bflag:$0x0] =	sbarrier.arrive $0xFFFF  }
0x47: {  	s31 =	simm.s32 $0x2;
	[sflag:s2] =	ssyncpa.u1 $0x1  }
0x48: {  	[sflag:s31] =	ssyncpa.u1 $0x1  }
0x49: {  	p0 =	sne.s32 s0, $0x0;
	_ =	strace $0x9000004A  }
0x4a: {  	s0 =	sadd.s32 @!p0 $0x100000, s1;
	[bflag:$0x2] =	sbarrier.arrive $0xFFFF  }
0x4b: {  	[sflag:s0] =	ssyncadd.tile.s32 @!p0 $0x1;
	_ =	shalt  }
.Lfunc_end1:
_tile_overlayer_lowered:
.L_overlay_start_2:
0x4c: {  	(tag) =	ssettag $0x2  }
0x4d: {  	s0 =	rddreg [dreg:$0x0];
	s2 =	stileid.u32  }
0x4e: {  	s1 =	rddreg [dreg:$0x1];
	p0 =	sne.s32 s2, $0x0  }
0x4f: {  	s3 =	rddreg [dreg:$0x2];
	[bflag:$0x3] =	sbarrier.arrive $0xFFFF;
	s2 =	simm.s32 @!p0 $0x1C01  }
0x50: {  	[timem:s3], [sflag:s2] =	dma.local @!p0 [hbm:s0], s1  }
0x51: {  	s0 =	simm.s32 @!p0 $0x1  }
0x52: {  	_ =	swait.ge @!p0 [sflag:s0], s1  }
0x53: {  	s1 =	ssub.s32 @!p0 $0x0, s1;
	[sflag:s0] =	ssyncset.done @!p0 $0x0  }
0x54: {  	[sflag:s0] =	ssyncadd.s32 @!p0 s1  }
0x55: {  	[bflag:$0x3] =	sbarrier.arrive $0xFFFF  }
0x56: {  	_ =	shalt  }

</sc_bundles>
